<compile_context>
chip_gen: v7x
topology: tpu7x:2x2x1
jax: 0.10.2.dev20260603
libtpu: 0.0.44.dev20260713+nightly
codegen_flags: <defaults>
</compile_context>

<pallas_src>
import functools

import numpy as np
import jax
import jax.numpy as jnp
from jax import lax
from jax.experimental import pallas as pl
from jax.experimental.pallas import tpu as pltpu
from jax.experimental.pallas import tpu_sc as plsc

_M = 2048
_K = 16
_B = 8
_N = 2048
_TQ = 256
_TD = 512


def _make_sphere():
    phi = np.pi * (3.0 - np.sqrt(5.0))
    i = np.arange(_M, dtype=np.float64)
    y = 1.0 - i / float(_M - 1) * 2.0
    radius = np.sqrt(np.clip(1.0 - y * y, 0.0, None))
    theta = phi * i
    x = np.cos(theta) * radius
    z = np.sin(theta) * radius
    return np.stack([x, y, z], axis=1)


_SPHERE = (_make_sphere() * 100.0).astype(np.float32)


def _dot_t(a, b):
    return lax.dot_general(a, b, (((1,), (1,)), ((), ())),
                           preferred_element_type=jnp.float32)


def _knn_body(xq_ref, xa_ref, w0_ref, b0_ref, w1_ref, b1_ref, w2_ref, b2_ref,
              idx_ref, feat_ref):
    b = pl.program_id(0)
    xq = xq_ref[0]
    xa = xa_ref[0]
    inner = -2.0 * _dot_t(xq, xa)
    xxq = jnp.sum(xq * xq, axis=1)
    xxa = jnp.sum(xa * xa, axis=1)
    pd = -xxq[:, None] - inner - xxa[None, :]
    jidx = lax.broadcasted_iota(jnp.int32, pd.shape, 1)
    cols = []
    g01 = []
    for k in range(_K):
        a = jnp.argmax(pd, axis=1).astype(jnp.int32)
        cols.append(a)
        hit = jidx == a[:, None]
        if k < 2:
            g01.append(lax.dot_general(hit.astype(jnp.float32), xa,
                                       (((1,), (0,)), ((), ())),
                                       preferred_element_type=jnp.float32))
        if k < _K - 1:
            pd = jnp.where(hit, -jnp.inf, pd)
    idx_ref[0] = (jnp.concatenate([c[:, None] for c in cols], axis=1)
                  + b * _N)
    g0, g1 = g01
    cov = jnp.concatenate([xq] + [g0[:, a:a + 1] * g1 for a in range(3)],
                          axis=1)
    h = jnp.maximum(_dot_t(cov, w0_ref[...]) + b0_ref[...], 0.0)
    h = jnp.maximum(_dot_t(h, w1_ref[...]) + b1_ref[...], 0.0)
    h = jnp.maximum(_dot_t(h, w2_ref[...]) + b2_ref[...], 0.0)
    feat_ref[0] = h


def _knn_mlp1(inp, w0, b0, w1, b1, w2, b2):
    grid = (_B, _N // _TQ)
    full = lambda shape: pl.BlockSpec(shape, lambda b, t: (0, 0))
    idx, feat = pl.pallas_call(
        _knn_body,
        grid=grid,
        in_specs=[
            pl.BlockSpec((1, _TQ, 3), lambda b, t: (b, t, 0)),
            pl.BlockSpec((1, _N, 3), lambda b, t: (b, 0, 0)),
            full((64, 12)), full((1, 64)),
            full((64, 64)), full((1, 64)),
            full((64, 64)), full((1, 64)),
        ],
        out_specs=[
            pl.BlockSpec((1, _TQ, _K), lambda b, t: (b, t, 0)),
            pl.BlockSpec((1, _TQ, 64), lambda b, t: (b, t, 0)),
        ],
        out_shape=[
            jax.ShapeDtypeStruct((_B, _N, _K), jnp.int32),
            jax.ShapeDtypeStruct((_B, _N, 64), jnp.float32),
        ],
    )(inp, inp, w0, b0.reshape(1, -1), w1, b1.reshape(1, -1),
      w2, b2.reshape(1, -1))
    return idx, feat


_NW = 32
_PW = _B * _N // _NW
_CH = 8


@functools.partial(jax.jit, static_argnames=("d",))
def _gather_max(x_flat, gidx, d):
    mesh = plsc.VectorSubcoreMesh(core_axis_name="c", subcore_axis_name="s")

    nchunks = _PW // _CH

    @functools.partial(
        pl.kernel, mesh=mesh,
        compiler_params=pltpu.CompilerParams(use_tc_tiling_on_sc=False),
        out_type=jax.ShapeDtypeStruct((_B * _N, d), jnp.float32),
        scratch_types=[
            pltpu.VMEM((_PW * _K,), jnp.int32),
            pltpu.VMEM((_CH * _K, d), jnp.float32),
            pltpu.VMEM((_CH * _K, d), jnp.float32),
            pltpu.VMEM((_PW, d), jnp.float32),
            pltpu.SemaphoreType.DMA,
            pltpu.SemaphoreType.DMA,
        ],
    )
    def k(x_hbm, idx_hbm, out_hbm, idx_v, rows0, rows1, out_v, sem0, sem1):
        wid = lax.axis_index("s") * 2 + lax.axis_index("c")
        base = wid * _PW
        pltpu.sync_copy(idx_hbm.at[pl.ds(base * _K, _PW * _K)], idx_v)

        def fire(ci, buf, sem):
            return pltpu.async_copy(
                x_hbm.at[idx_v.at[pl.ds(ci * (_CH * _K), _CH * _K)]],
                buf, sem)

        fire(0, rows0, sem0)

        def reduce_chunk(ci, rows_v):
            @plsc.parallel_loop(0, _CH, 1, unroll=4)
            def _(p):
                for g in range(d // 16):
                    sl = pl.ds(g * 16, 16)
                    v = [rows_v[p * _K + j, sl] for j in range(_K)]
                    while len(v) > 1:
                        v = [jnp.maximum(v[i], v[i + 1])
                             for i in range(0, len(v) - 1, 2)] + (
                                 [v[-1]] if len(v) % 2 else [])
                    out_v[ci * _CH + p, sl] = v[0]

        def chunk2(i, carry):
            ci = i * 2
            fire(ci + 1, rows1, sem1)
            pltpu.make_async_copy(x_hbm.at[idx_v.at[pl.ds(0, _CH * _K)]],
                                  rows0, sem0).wait()
            reduce_chunk(ci, rows0)
            fire(ci + 2, rows0, sem0)
            pltpu.make_async_copy(x_hbm.at[idx_v.at[pl.ds(0, _CH * _K)]],
                                  rows1, sem1).wait()
            reduce_chunk(ci + 1, rows1)
            return carry

        lax.fori_loop(0, (nchunks - 2) // 2, chunk2, 0)
        fire(nchunks - 1, rows1, sem1)
        pltpu.make_async_copy(x_hbm.at[idx_v.at[pl.ds(0, _CH * _K)]],
                              rows0, sem0).wait()
        reduce_chunk(nchunks - 2, rows0)
        pltpu.make_async_copy(x_hbm.at[idx_v.at[pl.ds(0, _CH * _K)]],
                              rows1, sem1).wait()
        reduce_chunk(nchunks - 1, rows1)
        pltpu.sync_copy(out_v, out_hbm.at[pl.ds(base, _PW)])

    return k(x_flat, gidx.reshape(-1))


def _g1_body(x_ref, lw_ref, lb_ref, cw_ref, cb_ref, o_ref):
    y = _dot_t(x_ref[...], lw_ref[...]) + lb_ref[...]
    o_ref[...] = jnp.maximum(_dot_t(y, cw_ref[...]) + cb_ref[...], 0.0)


def _graph1(x, lw, lb, cw, cb):
    full = lambda shape: pl.BlockSpec(shape, lambda i: (0, 0))
    return pl.pallas_call(
        _g1_body,
        grid=(_B * _N // _TD,),
        in_specs=[pl.BlockSpec((_TD, 64), lambda i: (i, 0)),
                  full((64, 64)), full((1, 64)),
                  full((128, 64)), full((1, 128))],
        out_specs=pl.BlockSpec((_TD, 128), lambda i: (i, 0)),
        out_shape=jax.ShapeDtypeStruct((_B * _N, 128), jnp.float32),
    )(x, lw, lb.reshape(1, -1), cw, cb.reshape(1, -1))


def _g2_body(x_ref, lw_ref, lb_ref, cw_ref, cb_ref, hw0_ref, hb0_ref,
             hw1_ref, hb1_ref, o_ref, acc_ref):
    t = pl.program_id(1)
    y = _dot_t(x_ref[0], lw_ref[...]) + lb_ref[...]
    z = _dot_t(y, cw_ref[...]) + cb_ref[...]
    m = jnp.max(z, axis=0)[None, :]

    @pl.when(t == 0)
    def _():
        acc_ref[...] = m

    @pl.when(t > 0)
    def _():
        acc_ref[...] = jnp.maximum(acc_ref[...], m)

    @pl.when(t == _N // _TD - 1)
    def _():
        h = jnp.maximum(_dot_t(acc_ref[...], hw0_ref[...]) + hb0_ref[...],
                        0.0)
        o_ref[0] = _dot_t(h, hw1_ref[...]) + hb1_ref[...]


def _graph2(x, lw, lb, cw, cb, hw0, hb0, hw1, hb1):
    full = lambda shape: pl.BlockSpec(shape, lambda b, t: (0, 0))
    return pl.pallas_call(
        _g2_body,
        grid=(_B, _N // _TD),
        in_specs=[pl.BlockSpec((1, _TD, 128), lambda b, t: (b, t, 0)),
                  full((128, 128)), full((1, 128)),
                  full((1024, 128)), full((1, 1024)),
                  full((512, 1024)), full((1, 512)),
                  full((512, 512)), full((1, 512))],
        out_specs=pl.BlockSpec((1, 1, 512), lambda b, t: (b, 0, 0)),
        out_shape=jax.ShapeDtypeStruct((_B, 1, 512), jnp.float32),
        scratch_shapes=[pltpu.VMEM((1, 1024), jnp.float32)],
    )(x.reshape(_B, _N, 128), lw, lb.reshape(1, -1), cw, cb.reshape(1, -1),
      hw0, hb0.reshape(1, -1), hw1, hb1.reshape(1, -1))


def _dec_body(f_ref, sp_ref, w0a_ref, w0b_ref, b0_ref, w1_ref, b1_ref,
              w2_ref, b2_ref, v0a_ref, v0b_ref, c0_ref, v1_ref, c1_ref,
              v2_ref, c2_ref, o_ref):
    f = f_ref[0]
    sp = sp_ref[...]
    c1 = _dot_t(f, w0a_ref[...]) + b0_ref[...]
    h = jnp.maximum(c1 + _dot_t(sp, w0b_ref[...]), 0.0)
    h = jnp.maximum(_dot_t(h, w1_ref[...]) + b1_ref[...], 0.0)
    f1 = _dot_t(h, w2_ref[...]) + b2_ref[...]
    c2 = _dot_t(f, v0a_ref[...]) + c0_ref[...]
    h2 = jnp.maximum(c2 + _dot_t(f1, v0b_ref[...]), 0.0)
    h2 = jnp.maximum(_dot_t(h2, v1_ref[...]) + c1_ref[...], 0.0)
    o_ref[0] = _dot_t(h2, v2_ref[...]) + c2_ref[...]


def _decoder(feat, f1_w0, f1_b0, f1_w1, f1_b1, f1_w2, f1_b2,
             f2_w0, f2_b0, f2_w1, f2_b1, f2_w2, f2_b2):
    full = lambda shape: pl.BlockSpec(shape, lambda b, t: (0, 0))
    return pl.pallas_call(
        _dec_body,
        grid=(_B, _M // _TD),
        in_specs=[pl.BlockSpec((1, 1, 512), lambda b, t: (b, 0, 0)),
                  pl.BlockSpec((_TD, 3), lambda b, t: (t, 0)),
                  full((512, 512)), full((512, 3)), full((1, 512)),
                  full((512, 512)), full((1, 512)),
                  full((3, 512)), full((1, 3)),
                  full((512, 512)), full((512, 3)), full((1, 512)),
                  full((512, 512)), full((1, 512)),
                  full((3, 512)), full((1, 3))],
        out_specs=pl.BlockSpec((1, _TD, 3), lambda b, t: (b, t, 0)),
        out_shape=jax.ShapeDtypeStruct((_B, _M, 3), jnp.float32),
    )(feat.reshape(_B, 1, 512), _SPHERE,
      f1_w0[:, :512], f1_w0[:, 512:], f1_b0.reshape(1, -1),
      f1_w1, f1_b1.reshape(1, -1), f1_w2, f1_b2.reshape(1, -1),
      f2_w0[:, :512], f2_w0[:, 512:], f2_b0.reshape(1, -1),
      f2_w1, f2_b1.reshape(1, -1), f2_w2, f2_b2.reshape(1, -1))


def kernel(input, mlp1_w0, mlp1_b0, mlp1_w1, mlp1_b1, mlp1_w2, mlp1_b2,
           lin1_w, lin1_b, conv1_w, conv1_b, lin2_w, lin2_b, conv2_w,
           conv2_b, mlp2_w0, mlp2_b0, mlp2_w1, mlp2_b1, f1_w0, f1_b0,
           f1_w1, f1_b1, f1_w2, f1_b2, f2_w0, f2_b0, f2_w1, f2_b1,
           f2_w2, f2_b2):
    idx, feat1 = _knn_mlp1(input, mlp1_w0, mlp1_b0, mlp1_w1, mlp1_b1,
                           mlp1_w2, mlp1_b2)
    pooled1 = _gather_max(feat1.reshape(_B * _N, 64), idx, d=64)
    feat2 = _graph1(pooled1, lin1_w, lin1_b, conv1_w, conv1_b)
    pooled2 = _gather_max(feat2, idx, d=128)
    featv = _graph2(pooled2, lin2_w, lin2_b, conv2_w, conv2_b,
                    mlp2_w0, mlp2_b0, mlp2_w1, mlp2_b1)
    return _decoder(featv.reshape(_B, 512), f1_w0, f1_b0, f1_w1, f1_b1,
                    f1_w2, f1_b2, f2_w0, f2_b0, f2_w1, f2_b1, f2_w2, f2_b2)

# --- scband reference (transcript-rebuilt; emitter-appended) ---
"""Pipeline reference for scband-generator-28200755266077 (READ-ONLY COPY).

The authoritative reference and input builder live on the scoring server;
editing this copy changes nothing except your own understanding.
"""

import jax, jax.numpy as jnp
import numpy as np

_M = 2048
_K = 16
_B = 8
_N = 2048

def _create_sphere(n):
    phi = np.pi * (3.0 - np.sqrt(5.0))
    i = np.arange(n, dtype=np.float64)
    y = 1.0 - i / float(n - 1) * 2.0
    radius = np.sqrt(np.clip(1.0 - y * y, 0.0, None))
    theta = phi * i
    x = np.cos(theta) * radius
    z = np.sin(theta) * radius
    return np.stack([x, y, z], axis=1)

_SPHERE = jnp.asarray(_create_sphere(_M) * 100.0, dtype=jnp.float32)

def _conv(x, W, b):
    # 1x1 Conv1d: x [B, Cin, N], W [Cout, Cin], b [Cout]
    return jnp.einsum('oi,bin->bon', W, x) + b[:, None]

def _knn(x, k):
    # x: [B, 3, N]
    inner = -2.0 * jnp.matmul(jnp.transpose(x, (0, 2, 1)), x)
    xx = jnp.sum(x * x, axis=1, keepdims=True)
    pd = -xx - inner - jnp.transpose(xx, (0, 2, 1))
    _, idx = jax.lax.top_k(pd, k)  # [B, N, k]
    B = x.shape[0]
    N = x.shape[2]
    idx = idx + (jnp.arange(B) * N).reshape(-1, 1, 1)
    return idx.reshape(-1)

def _gather(x, idx, k):
    # x: [B, d, N] -> gathered [B, N, k, d]
    B, d, N = x.shape
    xt = jnp.transpose(x, (0, 2, 1)).reshape(B * N, d)
    return xt[idx].reshape(B, N, k, d)

def _local_maxpool(x, idx, k):
    return jnp.max(_gather(x, idx, k), axis=2)

def _local_cov(pts, idx, k):
    B, d, N = pts.shape
    g = _gather(pts, idx, k)  # [B, N, k, 3]
    outer = jnp.matmul(g[:, :, 0][..., :, None], g[:, :, 1][..., None, :])  # [B, N, 3, 3]
    outer = jnp.transpose(outer.reshape(B, N, 9), (0, 2, 1))  # [B, 9, N]
    return jnp.concatenate([pts, outer], axis=1)  # [B, 12, N]

def _forward(input, mlp1_w0, mlp1_b0, mlp1_w1, mlp1_b1, mlp1_w2, mlp1_b2, lin1_w, lin1_b, conv1_w, conv1_b, lin2_w, lin2_b, conv2_w, conv2_b, mlp2_w0, mlp2_b0, mlp2_w1, mlp2_b1, f1_w0, f1_b0, f1_w1, f1_b1, f1_w2, f1_b2, f2_w0, f2_b0, f2_w1, f2_b1, f2_w2, f2_b2):
    B = input.shape[0]
    # ----- encoder -----
    pts = jnp.transpose(input, (0, 2, 1))  # [B, 3, N]
    idx = _knn(pts, _K)
    x = _local_cov(pts, idx, _K)  # [B, 12, N]
    x = jax.nn.relu(_conv(x, mlp1_w0, mlp1_b0))
    x = jax.nn.relu(_conv(x, mlp1_w1, mlp1_b1))
    x = jax.nn.relu(_conv(x, mlp1_w2, mlp1_b2))
    # graph_layer
    x = _local_maxpool(x, idx, _K)  # [B, N, 64]
    x = x @ lin1_w.T + lin1_b
    x = jnp.transpose(x, (0, 2, 1))
    x = jax.nn.relu(_conv(x, conv1_w, conv1_b))  # [B, 128, N]
    x = _local_maxpool(x, idx, _K)  # [B, N, 128]
    x = x @ lin2_w.T + lin2_b
    x = jnp.transpose(x, (0, 2, 1))
    x = _conv(x, conv2_w, conv2_b)  # [B, 1024, N]
    x = jnp.max(x, axis=2, keepdims=True)  # [B, 1024, 1]
    x = jax.nn.relu(_conv(x, mlp2_w0, mlp2_b0))
    x = _conv(x, mlp2_w1, mlp2_b1)  # [B, 512, 1]
    feat = jnp.transpose(x, (0, 2, 1))  # [B, 1, 512]
    # ----- decoder -----
    x_new = jnp.repeat(jnp.transpose(feat, (0, 2, 1)), _M, axis=2)  # [B, 512, M]
    points = jnp.broadcast_to(jnp.transpose(_SPHERE, (1, 0))[None, :, :], (B, 3, _M))
    cat1 = jnp.concatenate([x_new, points], axis=1)  # [B, 515, M]
    f1 = jax.nn.relu(_conv(cat1, f1_w0, f1_b0))
    f1 = jax.nn.relu(_conv(f1, f1_w1, f1_b1))
    f1 = _conv(f1, f1_w2, f1_b2)  # [B, 3, M]
    cat2 = jnp.concatenate([x_new, f1], axis=1)  # [B, 515, M]
    f2 = jax.nn.relu(_conv(cat2, f2_w0, f2_b0))
    f2 = jax.nn.relu(_conv(f2, f2_w1, f2_b1))
    f2 = _conv(f2, f2_w2, f2_b2)  # [B, 3, M]
    return jnp.transpose(f2, (0, 2, 1))  # [B, M, 3]

_SPECS = [("mlp1_w0", "mlp1_b0", 64, 12), ("mlp1_w1", "mlp1_b1", 64, 64), ("mlp1_w2", "mlp1_b2", 64, 64), ("lin1_w", "lin1_b", 64, 64), ("conv1_w", "conv1_b", 128, 64), ("lin2_w", "lin2_b", 128, 128), ("conv2_w", "conv2_b", 1024, 128), ("mlp2_w0", "mlp2_b0", 512, 1024), ("mlp2_w1", "mlp2_b1", 512, 512), ("f1_w0", "f1_b0", 512, 515), ("f1_w1", "f1_b1", 512, 512), ("f1_w2", "f1_b2", 3, 512), ("f2_w0", "f2_b0", 512, 515), ("f2_w1", "f2_b1", 512, 512), ("f2_w2", "f2_b2", 3, 512)]

def setup_inputs(seed: int = 0) -> dict:
    key = jax.random.key(seed)
    keys = jax.random.split(key, 64)
    ki = 0
    d = {}
    d["input"] = jax.random.normal(keys[ki], (_B, _N, 3), dtype=jnp.float32)
    ki += 1
    for wn, bn, o, i in _SPECS:
        s = 1.0 / np.sqrt(i)
        d[wn] = jax.random.uniform(keys[ki], (o, i), minval=-s, maxval=s, dtype=jnp.float32)
        ki += 1
        d[bn] = jax.random.uniform(keys[ki], (o,), minval=-s, maxval=s, dtype=jnp.float32)
        ki += 1
    return d

def reference(input, mlp1_w0, mlp1_b0, mlp1_w1, mlp1_b1, mlp1_w2, mlp1_b2, lin1_w, lin1_b, conv1_w, conv1_b, lin2_w, lin2_b, conv2_w, conv2_b, mlp2_w0, mlp2_b0, mlp2_w1, mlp2_b1, f1_w0, f1_b0, f1_w1, f1_b1, f1_w2, f1_b2, f2_w0, f2_b0, f2_w1, f2_b1, f2_w2, f2_b2):
    return _forward(input, mlp1_w0, mlp1_b0, mlp1_w1, mlp1_b1, mlp1_w2, mlp1_b2, lin1_w, lin1_b, conv1_w, conv1_b, lin2_w, lin2_b, conv2_w, conv2_b, mlp2_w0, mlp2_b0, mlp2_w1, mlp2_b1, f1_w0, f1_b0, f1_w1, f1_b1, f1_w2, f1_b2, f2_w0, f2_b0, f2_w1, f2_b1, f2_w2, f2_b2)

if __name__ == "__main__":
    import jax
    _d = setup_inputs()
    print(jax.jit(kernel)(*tuple(_d.values())))

</pallas_src>

<mosaic_0001>
#map = affine_map<(d0, d1) -> (0, 0)>
#map1 = affine_map<(d0, d1) -> (0)>
module attributes {stable_mosaic.version = 14 : i64} {
  func.func @k(%arg0: i32, %arg1: i32, %arg2: memref<16384x64xf32, #tpu.memory_space<hbm>>, %arg3: memref<262144xi32, #tpu.memory_space<hbm>>, %arg4: memref<16384x64xf32, #tpu.memory_space<hbm>>, %arg5: memref<8192xi32, #tpu.memory_space<vmem>>, %arg6: memref<128x64xf32, #tpu.memory_space<vmem>>, %arg7: memref<128x64xf32, #tpu.memory_space<vmem>>, %arg8: memref<512x64xf32, #tpu.memory_space<vmem>>, %arg9: memref<!tpu.dma_semaphore, #tpu.memory_space<semaphore_mem>>, %arg10: memref<!tpu.dma_semaphore, #tpu.memory_space<semaphore_mem>>) attributes {dimension_semantics = [#tpu.dimension_semantics<core_parallel>, #tpu.dimension_semantics<subcore_parallel>], iteration_bounds = array<i64: 2, 16>, scalar_prefetch = 0 : i64, scratch_operands = 6 : i64, tpu.core_type = #tpu.core_type<sc_vector_subcore>, window_params = [{transform_indices = #map}, {transform_indices = #map1}, {transform_indices = #map}]} {
    %mul3A = arith.constant 2 : i32
    %mul3A_0 = arith.muli %arg1, %mul3A : i32
    %add3A = arith.addi %mul3A_0, %arg0 : i32
    %mul3A_1 = arith.constant 512 : i32
    %mul3A_2 = arith.muli %add3A, %mul3A_1 : i32
    %mul3A_3 = arith.constant 16 : i32
    %mul3A_4 = arith.muli %mul3A_2, %mul3A_3 : i32
    "tpu.region"() ({
      %run_scoped3A = tpu.sem_alloc : memref<!tpu.dma_semaphore, #tpu.memory_space<semaphore_mem>>
      %dma_start3A_33 = tpu.memref_slice %arg3[%mul3A_4] : memref<262144xi32, #tpu.memory_space<hbm>> -> memref<8192xi32, #tpu.memory_space<hbm>>
      %dma_start3A_34 = tpu.memref_slice %arg3[%mul3A_4] : memref<262144xi32, #tpu.memory_space<hbm>> -> memref<8192xi32, #tpu.memory_space<hbm>>
      tpu.enqueue_dma source(%dma_start3A_34 : memref<8192xi32, #tpu.memory_space<hbm>>) target(%arg5 : memref<8192xi32, #tpu.memory_space<vmem>>) target_semaphore(%run_scoped3A : memref<!tpu.dma_semaphore, #tpu.memory_space<semaphore_mem>>)
      %dma_wait3A_35 = tpu.memref_slice %arg3[%mul3A_4] : memref<262144xi32, #tpu.memory_space<hbm>> -> memref<8192xi32, #tpu.memory_space<hbm>>
      %dma_wait3A_36 = tpu.memref_slice %arg3[%mul3A_4] : memref<262144xi32, #tpu.memory_space<hbm>> -> memref<8192xi32, #tpu.memory_space<hbm>>
      tpu.wait_dma2 semaphore(%run_scoped3A : memref<!tpu.dma_semaphore, #tpu.memory_space<semaphore_mem>>) src(%dma_wait3A_36 : memref<8192xi32, #tpu.memory_space<hbm>>) dst(%arg5 : memref<8192xi32, #tpu.memory_space<vmem>>)
      tpu.yield
    }) : () -> ()
    %dma_start3A = arith.constant 0 : i32
    %dma_start3A_5 = tpu.memref_slice %arg5[%dma_start3A] : memref<8192xi32, #tpu.memory_space<vmem>> -> memref<128xi32, #tpu.memory_space<vmem>>
    %dma_start3A_6 = arith.constant 0 : i32
    %dma_start3A_7 = arith.constant 0 : i32
    %dma_start3A_8 = tpu.memref_slice %arg2[%dma_start3A_6, %dma_start3A_7] : memref<16384x64xf32, #tpu.memory_space<hbm>> -> memref<16384x64xf32, #tpu.memory_space<hbm>>
    tpu.enqueue_indirect_dma source(%dma_start3A_8 : memref<16384x64xf32, #tpu.memory_space<hbm>>) target(%arg6 : memref<128x64xf32, #tpu.memory_space<vmem>>) offsets(%dma_start3A_5 : memref<128xi32, #tpu.memory_space<vmem>>) semaphore(%arg9 : memref<!tpu.dma_semaphore, #tpu.memory_space<semaphore_mem>>)
    %scan3A = arith.constant 0 : i32
    %scan3A_9 = arith.constant 0 : i32
    %scan3A_10 = arith.constant 31 : i32
    %scan3A_11 = arith.addi %scan3A_9, %scan3A_10 : i32
    %scan3A_12 = arith.constant 1 : i32
    scf.for %scan3A_33 = %scan3A_9 to %scan3A_11 step %scan3A_12  : i32 {
      %mul3A_34 = arith.constant 2 : i32
      %mul3A_35 = arith.muli %scan3A_33, %mul3A_34 : i32
      %add3A_36 = arith.constant 1 : i32
      %add3A_37 = arith.addi %mul3A_35, %add3A_36 : i32
      %mul3A_38 = arith.constant 128 : i32
      %mul3A_39 = arith.muli %add3A_37, %mul3A_38 : i32
      %dma_start3A_40 = tpu.memref_slice %arg5[%mul3A_39] : memref<8192xi32, #tpu.memory_space<vmem>> -> memref<128xi32, #tpu.memory_space<vmem>>
      %dma_start3A_41 = arith.constant 0 : i32
      %dma_start3A_42 = arith.constant 0 : i32
      %dma_start3A_43 = tpu.memref_slice %arg2[%dma_start3A_41, %dma_start3A_42] : memref<16384x64xf32, #tpu.memory_space<hbm>> -> memref<16384x64xf32, #tpu.memory_space<hbm>>
      tpu.enqueue_indirect_dma source(%dma_start3A_43 : memref<16384x64xf32, #tpu.memory_space<hbm>>) target(%arg7 : memref<128x64xf32, #tpu.memory_space<vmem>>) offsets(%dma_start3A_40 : memref<128xi32, #tpu.memory_space<vmem>>) semaphore(%arg10 : memref<!tpu.dma_semaphore, #tpu.memory_space<semaphore_mem>>)
      %dma_wait3A_44 = arith.constant 0 : i32
      %dma_wait3A_45 = tpu.memref_slice %arg5[%dma_wait3A_44] : memref<8192xi32, #tpu.memory_space<vmem>> -> memref<128xi32, #tpu.memory_space<vmem>>
      %dma_wait3A_46 = arith.constant 0 : i32
      %dma_wait3A_47 = arith.constant 0 : i32
      %dma_wait3A_48 = tpu.memref_slice %arg2[%dma_wait3A_46, %dma_wait3A_47] : memref<16384x64xf32, #tpu.memory_space<hbm>> -> memref<16384x64xf32, #tpu.memory_space<hbm>>
      tpu.wait_indirect_dma semaphore(%arg9 : memref<!tpu.dma_semaphore, #tpu.memory_space<semaphore_mem>>) src(%dma_wait3A_48 : memref<16384x64xf32, #tpu.memory_space<hbm>>) dst(%arg6 : memref<128x64xf32, #tpu.memory_space<vmem>>)
      %parallel_loop3A_49 = arith.constant 0 : i32
      %parallel_loop3A_50 = arith.constant 8 : i32
      %parallel_loop3A_51 = arith.constant 1 : i32
      scf.for %parallel_loop3A_70 = %parallel_loop3A_49 to %parallel_loop3A_50 step %parallel_loop3A_51  : i32 {
        %parallel_loop3A_71 = arith.constant 16 : i32
        %parallel_loop3A_72 = arith.muli %parallel_loop3A_70, %parallel_loop3A_71 : i32
        %parallel_loop3A_73 = arith.constant 0 : i32
        %parallel_loop3A_74 = arith.addi %parallel_loop3A_72, %parallel_loop3A_73 : i32
        %parallel_loop3A_75 = arith.index_cast %parallel_loop3A_74 : i32 to index
        %parallel_loop3A_76 = arith.constant 0 : index
        %parallel_loop3A_77 = tpu.vector_load %arg6[%parallel_loop3A_75, %parallel_loop3A_76] {strides = array<i32>} : memref<128x64xf32, #tpu.memory_space<vmem>>, vector<1x16xf32>,
        %parallel_loop3A_78 = vector.shape_cast %parallel_loop3A_77 : vector<1x16xf32> to vector<16xf32>
        %parallel_loop3A_79 = arith.constant 16 : i32
        %parallel_loop3A_80 = arith.muli %parallel_loop3A_70, %parallel_loop3A_79 : i32
        %parallel_loop3A_81 = arith.constant 1 : i32
        %parallel_loop3A_82 = arith.addi %parallel_loop3A_80, %parallel_loop3A_81 : i32
        %parallel_loop3A_83 = arith.index_cast %parallel_loop3A_82 : i32 to index
        %parallel_loop3A_84 = arith.constant 0 : index
        %parallel_loop3A_85 = tpu.vector_load %arg6[%parallel_loop3A_83, %parallel_loop3A_84] {strides = array<i32>} : memref<128x64xf32, #tpu.memory_space<vmem>>, vector<1x16xf32>,
        %parallel_loop3A_86 = vector.shape_cast %parallel_loop3A_85 : vector<1x16xf32> to vector<16xf32>
        %parallel_loop3A_87 = arith.constant 16 : i32
        %parallel_loop3A_88 = arith.muli %parallel_loop3A_70, %parallel_loop3A_87 : i32
        %parallel_loop3A_89 = arith.constant 2 : i32
        %parallel_loop3A_90 = arith.addi %parallel_loop3A_88, %parallel_loop3A_89 : i32
        %parallel_loop3A_91 = arith.index_cast %parallel_loop3A_90 : i32 to index
        %parallel_loop3A_92 = arith.constant 0 : index
        %parallel_loop3A_93 = tpu.vector_load %arg6[%parallel_loop3A_91, %parallel_loop3A_92] {strides = array<i32>} : memref<128x64xf32, #tpu.memory_space<vmem>>, vector<1x16xf32>,
        %parallel_loop3A_94 = vector.shape_cast %parallel_loop3A_93 : vector<1x16xf32> to vector<16xf32>
        %parallel_loop3A_95 = arith.constant 16 : i32
        %parallel_loop3A_96 = arith.muli %parallel_loop3A_70, %parallel_loop3A_95 : i32
        %parallel_loop3A_97 = arith.constant 3 : i32
        %parallel_loop3A_98 = arith.addi %parallel_loop3A_96, %parallel_loop3A_97 : i32
        %parallel_loop3A_99 = arith.index_cast %parallel_loop3A_98 : i32 to index
        %parallel_loop3A_100 = arith.constant 0 : index
        %parallel_loop3A_101 = tpu.vector_load %arg6[%parallel_loop3A_99, %parallel_loop3A_100] {strides = array<i32>} : memref<128x64xf32, #tpu.memory_space<vmem>>, vector<1x16xf32>,
        %parallel_loop3A_102 = vector.shape_cast %parallel_loop3A_101 : vector<1x16xf32> to vector<16xf32>
        %parallel_loop3A_103 = arith.constant 16 : i32
        %parallel_loop3A_104 = arith.muli %parallel_loop3A_70, %parallel_loop3A_103 : i32
        %parallel_loop3A_105 = arith.constant 4 : i32
        %parallel_loop3A_106 = arith.addi %parallel_loop3A_104, %parallel_loop3A_105 : i32
        %parallel_loop3A_107 = arith.index_cast %parallel_loop3A_106 : i32 to index
        %parallel_loop3A_108 = arith.constant 0 : index
        %parallel_loop3A_109 = tpu.vector_load %arg6[%parallel_loop3A_107, %parallel_loop3A_108] {strides = array<i32>} : memref<128x64xf32, #tpu.memory_space<vmem>>, vector<1x16xf32>,
        %parallel_loop3A_110 = vector.shape_cast %parallel_loop3A_109 : vector<1x16xf32> to vector<16xf32>
        %parallel_loop3A_111 = arith.constant 16 : i32
        %parallel_loop3A_112 = arith.muli %parallel_loop3A_70, %parallel_loop3A_111 : i32
        %parallel_loop3A_113 = arith.constant 5 : i32
        %parallel_loop3A_114 = arith.addi %parallel_loop3A_112, %parallel_loop3A_113 : i32
        %parallel_loop3A_115 = arith.index_cast %parallel_loop3A_114 : i32 to index
        %parallel_loop3A_116 = arith.constant 0 : index
        %parallel_loop3A_117 = tpu.vector_load %arg6[%parallel_loop3A_115, %parallel_loop3A_116] {strides = array<i32>} : memref<128x64xf32, #tpu.memory_space<vmem>>, vector<1x16xf32>,
        %parallel_loop3A_118 = vector.shape_cast %parallel_loop3A_117 : vector<1x16xf32> to vector<16xf32>
        %parallel_loop3A_119 = arith.constant 16 : i32
        %parallel_loop3A_120 = arith.muli %parallel_loop3A_70, %parallel_loop3A_119 : i32
        %parallel_loop3A_121 = arith.constant 6 : i32
        %parallel_loop3A_122 = arith.addi %parallel_loop3A_120, %parallel_loop3A_121 : i32
        %parallel_loop3A_123 = arith.index_cast %parallel_loop3A_122 : i32 to index
        %parallel_loop3A_124 = arith.constant 0 : index
        %parallel_loop3A_125 = tpu.vector_load %arg6[%parallel_loop3A_123, %parallel_loop3A_124] {strides = array<i32>} : memref<128x64xf32, #tpu.memory_space<vmem>>, vector<1x16xf32>,
        %parallel_loop3A_126 = vector.shape_cast %parallel_loop3A_125 : vector<1x16xf32> to vector<16xf32>
        %parallel_loop3A_127 = arith.constant 16 : i32
        %parallel_loop3A_128 = arith.muli %parallel_loop3A_70, %parallel_loop3A_127 : i32
        %parallel_loop3A_129 = arith.constant 7 : i32
        %parallel_loop3A_130 = arith.addi %parallel_loop3A_128, %parallel_loop3A_129 : i32
        %parallel_loop3A_131 = arith.index_cast %parallel_loop3A_130 : i32 to index
        %parallel_loop3A_132 = arith.constant 0 : index
        %parallel_loop3A_133 = tpu.vector_load %arg6[%parallel_loop3A_131, %parallel_loop3A_132] {strides = array<i32>} : memref<128x64xf32, #tpu.memory_space<vmem>>, vector<1x16xf32>,
        %parallel_loop3A_134 = vector.shape_cast %parallel_loop3A_133 : vector<1x16xf32> to vector<16xf32>
        %parallel_loop3A_135 = arith.constant 16 : i32
        %parallel_loop3A_136 = arith.muli %parallel_loop3A_70, %parallel_loop3A_135 : i32
        %parallel_loop3A_137 = arith.constant 8 : i32
        %parallel_loop3A_138 = arith.addi %parallel_loop3A_136, %parallel_loop3A_137 : i32
        %parallel_loop3A_139 = arith.index_cast %parallel_loop3A_138 : i32 to index
        %parallel_loop3A_140 = arith.constant 0 : index
        %parallel_loop3A_141 = tpu.vector_load %arg6[%parallel_loop3A_139, %parallel_loop3A_140] {strides = array<i32>} : memref<128x64xf32, #tpu.memory_space<vmem>>, vector<1x16xf32>,
        %parallel_loop3A_142 = vector.shape_cast %parallel_loop3A_141 : vector<1x16xf32> to vector<16xf32>
        %parallel_loop3A_143 = arith.constant 16 : i32
        %parallel_loop3A_144 = arith.muli %parallel_loop3A_70, %parallel_loop3A_143 : i32
        %parallel_loop3A_145 = arith.constant 9 : i32
        %parallel_loop3A_146 = arith.addi %parallel_loop3A_144, %parallel_loop3A_145 : i32
        %parallel_loop3A_147 = arith.index_cast %parallel_loop3A_146 : i32 to index
        %parallel_loop3A_148 = arith.constant 0 : index
        %parallel_loop3A_149 = tpu.vector_load %arg6[%parallel_loop3A_147, %parallel_loop3A_148] {strides = array<i32>} : memref<128x64xf32, #tpu.memory_space<vmem>>, vector<1x16xf32>,
        %parallel_loop3A_150 = vector.shape_cast %parallel_loop3A_149 : vector<1x16xf32> to vector<16xf32>
        %parallel_loop3A_151 = arith.constant 16 : i32
        %parallel_loop3A_152 = arith.muli %parallel_loop3A_70, %parallel_loop3A_151 : i32
        %parallel_loop3A_153 = arith.constant 10 : i32
        %parallel_loop3A_154 = arith.addi %parallel_loop3A_152, %parallel_loop3A_153 : i32
        %parallel_loop3A_155 = arith.index_cast %parallel_loop3A_154 : i32 to index
        %parallel_loop3A_156 = arith.constant 0 : index
        %parallel_loop3A_157 = tpu.vector_load %arg6[%parallel_loop3A_155, %parallel_loop3A_156] {strides = array<i32>} : memref<128x64xf32, #tpu.memory_space<vmem>>, vector<1x16xf32>,
        %parallel_loop3A_158 = vector.shape_cast %parallel_loop3A_157 : vector<1x16xf32> to vector<16xf32>
        %parallel_loop3A_159 = arith.constant 16 : i32
        %parallel_loop3A_160 = arith.muli %parallel_loop3A_70, %parallel_loop3A_159 : i32
        %parallel_loop3A_161 = arith.constant 11 : i32
        %parallel_loop3A_162 = arith.addi %parallel_loop3A_160, %parallel_loop3A_161 : i32
        %parallel_loop3A_163 = arith.index_cast %parallel_loop3A_162 : i32 to index
        %parallel_loop3A_164 = arith.constant 0 : index
        %parallel_loop3A_165 = tpu.vector_load %arg6[%parallel_loop3A_163, %parallel_loop3A_164] {strides = array<i32>} : memref<128x64xf32, #tpu.memory_space<vmem>>, vector<1x16xf32>,
        %parallel_loop3A_166 = vector.shape_cast %parallel_loop3A_165 : vector<1x16xf32> to vector<16xf32>
        %parallel_loop3A_167 = arith.constant 16 : i32
        %parallel_loop3A_168 = arith.muli %parallel_loop3A_70, %parallel_loop3A_167 : i32
        %parallel_loop3A_169 = arith.constant 12 : i32
        %parallel_loop3A_170 = arith.addi %parallel_loop3A_168, %parallel_loop3A_169 : i32
        %parallel_loop3A_171 = arith.index_cast %parallel_loop3A_170 : i32 to index
        %parallel_loop3A_172 = arith.constant 0 : index
        %parallel_loop3A_173 = tpu.vector_load %arg6[%parallel_loop3A_171, %parallel_loop3A_172] {strides = array<i32>} : memref<128x64xf32, #tpu.memory_space<vmem>>, vector<1x16xf32>,
        %parallel_loop3A_174 = vector.shape_cast %parallel_loop3A_173 : vector<1x16xf32> to vector<16xf32>
        %parallel_loop3A_175 = arith.constant 16 : i32
        %parallel_loop3A_176 = arith.muli %parallel_loop3A_70, %parallel_loop3A_175 : i32
        %parallel_loop3A_177 = arith.constant 13 : i32
        %parallel_loop3A_178 = arith.addi %parallel_loop3A_176, %parallel_loop3A_177 : i32
        %parallel_loop3A_179 = arith.index_cast %parallel_loop3A_178 : i32 to index
        %parallel_loop3A_180 = arith.constant 0 : index
        %parallel_loop3A_181 = tpu.vector_load %arg6[%parallel_loop3A_179, %parallel_loop3A_180] {strides = array<i32>} : memref<128x64xf32, #tpu.memory_space<vmem>>, vector<1x16xf32>,
        %parallel_loop3A_182 = vector.shape_cast %parallel_loop3A_181 : vector<1x16xf32> to vector<16xf32>
        %parallel_loop3A_183 = arith.constant 16 : i32
        %parallel_loop3A_184 = arith.muli %parallel_loop3A_70, %parallel_loop3A_183 : i32
        %parallel_loop3A_185 = arith.constant 14 : i32
        %parallel_loop3A_186 = arith.addi %parallel_loop3A_184, %parallel_loop3A_185 : i32
        %parallel_loop3A_187 = arith.index_cast %parallel_loop3A_186 : i32 to index
        %parallel_loop3A_188 = arith.constant 0 : index
        %parallel_loop3A_189 = tpu.vector_load %arg6[%parallel_loop3A_187, %parallel_loop3A_188] {strides = array<i32>} : memref<128x64xf32, #tpu.memory_space<vmem>>, vector<1x16xf32>,
        %parallel_loop3A_190 = vector.shape_cast %parallel_loop3A_189 : vector<1x16xf32> to vector<16xf32>
        %parallel_loop3A_191 = arith.constant 16 : i32
        %parallel_loop3A_192 = arith.muli %parallel_loop3A_70, %parallel_loop3A_191 : i32
        %parallel_loop3A_193 = arith.constant 15 : i32
        %parallel_loop3A_194 = arith.addi %parallel_loop3A_192, %parallel_loop3A_193 : i32
        %parallel_loop3A_195 = arith.index_cast %parallel_loop3A_194 : i32 to index
        %parallel_loop3A_196 = arith.constant 0 : index
        %parallel_loop3A_197 = tpu.vector_load %arg6[%parallel_loop3A_195, %parallel_loop3A_196] {strides = array<i32>} : memref<128x64xf32, #tpu.memory_space<vmem>>, vector<1x16xf32>,
        %parallel_loop3A_198 = vector.shape_cast %parallel_loop3A_197 : vector<1x16xf32> to vector<16xf32>
        %parallel_loop3A_199 = arith.maximumf %parallel_loop3A_78, %parallel_loop3A_86 : vector<16xf32>
        %parallel_loop3A_200 = arith.maximumf %parallel_loop3A_94, %parallel_loop3A_102 : vector<16xf32>
        %parallel_loop3A_201 = arith.maximumf %parallel_loop3A_110, %parallel_loop3A_118 : vector<16xf32>
        %parallel_loop3A_202 = arith.maximumf %parallel_loop3A_126, %parallel_loop3A_134 : vector<16xf32>
        %parallel_loop3A_203 = arith.maximumf %parallel_loop3A_142, %parallel_loop3A_150 : vector<16xf32>
        %parallel_loop3A_204 = arith.maximumf %parallel_loop3A_158, %parallel_loop3A_166 : vector<16xf32>
        %parallel_loop3A_205 = arith.maximumf %parallel_loop3A_174, %parallel_loop3A_182 : vector<16xf32>
        %parallel_loop3A_206 = arith.maximumf %parallel_loop3A_190, %parallel_loop3A_198 : vector<16xf32>
        %parallel_loop3A_207 = arith.maximumf %parallel_loop3A_199, %parallel_loop3A_200 : vector<16xf32>
        %parallel_loop3A_208 = arith.maximumf %parallel_loop3A_201, %parallel_loop3A_202 : vector<16xf32>
        %parallel_loop3A_209 = arith.maximumf %parallel_loop3A_203, %parallel_loop3A_204 : vector<16xf32>
        %parallel_loop3A_210 = arith.maximumf %parallel_loop3A_205, %parallel_loop3A_206 : vector<16xf32>
        %parallel_loop3A_211 = arith.maximumf %parallel_loop3A_207, %parallel_loop3A_208 : vector<16xf32>
        %parallel_loop3A_212 = arith.maximumf %parallel_loop3A_209, %parallel_loop3A_210 : vector<16xf32>
        %parallel_loop3A_213 = arith.maximumf %parallel_loop3A_211, %parallel_loop3A_212 : vector<16xf32>
        %parallel_loop3A_214 = arith.constant 8 : i32
        %parallel_loop3A_215 = arith.muli %mul3A_35, %parallel_loop3A_214 : i32
        %parallel_loop3A_216 = arith.addi %parallel_loop3A_215, %parallel_loop3A_70 : i32
        %parallel_loop3A_217 = arith.index_cast %parallel_loop3A_216 : i32 to index
        %parallel_loop3A_218 = arith.constant 0 : index
        %parallel_loop3A_219 = tpu.vector_load %arg8[%parallel_loop3A_217, %parallel_loop3A_218] {strides = array<i32>} : memref<512x64xf32, #tpu.memory_space<vmem>>, vector<1x16xf32>,
        %parallel_loop3A_220 = vector.shape_cast %parallel_loop3A_219 : vector<1x16xf32> to vector<16xf32>
        %parallel_loop3A_221 = vector.shape_cast %parallel_loop3A_213 : vector<16xf32> to vector<1x16xf32>
        tpu.vector_store %arg8[%parallel_loop3A_217, %parallel_loop3A_218], %parallel_loop3A_221 {strides = array<i32>} : memref<512x64xf32, #tpu.memory_space<vmem>>, vector<1x16xf32>,
        %parallel_loop3A_222 = arith.constant 16 : i32
        %parallel_loop3A_223 = arith.muli %parallel_loop3A_70, %parallel_loop3A_222 : i32
        %parallel_loop3A_224 = arith.constant 0 : i32
        %parallel_loop3A_225 = arith.addi %parallel_loop3A_223, %parallel_loop3A_224 : i32
        %parallel_loop3A_226 = arith.index_cast %parallel_loop3A_225 : i32 to index
        %parallel_loop3A_227 = arith.constant 16 : index
        %parallel_loop3A_228 = tpu.vector_load %arg6[%parallel_loop3A_226, %parallel_loop3A_227] {strides = array<i32>} : memref<128x64xf32, #tpu.memory_space<vmem>>, vector<1x16xf32>,
        %parallel_loop3A_229 = vector.shape_cast %parallel_loop3A_228 : vector<1x16xf32> to vector<16xf32>
        %parallel_loop3A_230 = arith.constant 16 : i32
        %parallel_loop3A_231 = arith.muli %parallel_loop3A_70, %parallel_loop3A_230 : i32
        %parallel_loop3A_232 = arith.constant 1 : i32
        %parallel_loop3A_233 = arith.addi %parallel_loop3A_231, %parallel_loop3A_232 : i32
        %parallel_loop3A_234 = arith.index_cast %parallel_loop3A_233 : i32 to index
        %parallel_loop3A_235 = arith.constant 16 : index
        %parallel_loop3A_236 = tpu.vector_load %arg6[%parallel_loop3A_234, %parallel_loop3A_235] {strides = array<i32>} : memref<128x64xf32, #tpu.memory_space<vmem>>, vector<1x16xf32>,
        %parallel_loop3A_237 = vector.shape_cast %parallel_loop3A_236 : vector<1x16xf32> to vector<16xf32>
        %parallel_loop3A_238 = arith.constant 16 : i32
        %parallel_loop3A_239 = arith.muli %parallel_loop3A_70, %parallel_loop3A_238 : i32
        %parallel_loop3A_240 = arith.constant 2 : i32
        %parallel_loop3A_241 = arith.addi %parallel_loop3A_239, %parallel_loop3A_240 : i32
        %parallel_loop3A_242 = arith.index_cast %parallel_loop3A_241 : i32 to index
        %parallel_loop3A_243 = arith.constant 16 : index
        %parallel_loop3A_244 = tpu.vector_load %arg6[%parallel_loop3A_242, %parallel_loop3A_243] {strides = array<i32>} : memref<128x64xf32, #tpu.memory_space<vmem>>, vector<1x16xf32>,
        %parallel_loop3A_245 = vector.shape_cast %parallel_loop3A_244 : vector<1x16xf32> to vector<16xf32>
        %parallel_loop3A_246 = arith.constant 16 : i32
        %parallel_loop3A_247 = arith.muli %parallel_loop3A_70, %parallel_loop3A_246 : i32
        %parallel_loop3A_248 = arith.constant 3 : i32
        %parallel_loop3A_249 = arith.addi %parallel_loop3A_247, %parallel_loop3A_248 : i32
        %parallel_loop3A_250 = arith.index_cast %parallel_loop3A_249 : i32 to index
        %parallel_loop3A_251 = arith.constant 16 : index
        %parallel_loop3A_252 = tpu.vector_load %arg6[%parallel_loop3A_250, %parallel_loop3A_251] {strides = array<i32>} : memref<128x64xf32, #tpu.memory_space<vmem>>, vector<1x16xf32>,
        %parallel_loop3A_253 = vector.shape_cast %parallel_loop3A_252 : vector<1x16xf32> to vector<16xf32>
        %parallel_loop3A_254 = arith.constant 16 : i32
        %parallel_loop3A_255 = arith.muli %parallel_loop3A_70, %parallel_loop3A_254 : i32
        %parallel_loop3A_256 = arith.constant 4 : i32
        %parallel_loop3A_257 = arith.addi %parallel_loop3A_255, %parallel_loop3A_256 : i32
        %parallel_loop3A_258 = arith.index_cast %parallel_loop3A_257 : i32 to index
        %parallel_loop3A_259 = arith.constant 16 : index
        %parallel_loop3A_260 = tpu.vector_load %arg6[%parallel_loop3A_258, %parallel_loop3A_259] {strides = array<i32>} : memref<128x64xf32, #tpu.memory_space<vmem>>, vector<1x16xf32>,
        %parallel_loop3A_261 = vector.shape_cast %parallel_loop3A_260 : vector<1x16xf32> to vector<16xf32>
        %parallel_loop3A_262 = arith.constant 16 : i32
        %parallel_loop3A_263 = arith.muli %parallel_loop3A_70, %parallel_loop3A_262 : i32
        %parallel_loop3A_264 = arith.constant 5 : i32
        %parallel_loop3A_265 = arith.addi %parallel_loop3A_263, %parallel_loop3A_264 : i32
        %parallel_loop3A_266 = arith.index_cast %parallel_loop3A_265 : i32 to index
        %parallel_loop3A_267 = arith.constant 16 : index
        %parallel_loop3A_268 = tpu.vector_load %arg6[%parallel_loop3A_266, %parallel_loop3A_267] {strides = array<i32>} : memref<128x64xf32, #tpu.memory_space<vmem>>, vector<1x16xf32>,
        %parallel_loop3A_269 = vector.shape_cast %parallel_loop3A_268 : vector<1x16xf32> to vector<16xf32>
        %parallel_loop3A_270 = arith.constant 16 : i32
        %parallel_loop3A_271 = arith.muli %parallel_loop3A_70, %parallel_loop3A_270 : i32
        %parallel_loop3A_272 = arith.constant 6 : i32
        %parallel_loop3A_273 = arith.addi %parallel_loop3A_271, %parallel_loop3A_272 : i32
        %parallel_loop3A_274 = arith.index_cast %parallel_loop3A_273 : i32 to index
        %parallel_loop3A_275 = arith.constant 16 : index
        %parallel_loop3A_276 = tpu.vector_load %arg6[%parallel_loop3A_274, %parallel_loop3A_275] {strides = array<i32>} : memref<128x64xf32, #tpu.memory_space<vmem>>, vector<1x16xf32>,
        %parallel_loop3A_277 = vector.shape_cast %parallel_loop3A_276 : vector<1x16xf32> to vector<16xf32>
        %parallel_loop3A_278 = arith.constant 16 : i32
        %parallel_loop3A_279 = arith.muli %parallel_loop3A_70, %parallel_loop3A_278 : i32
        %parallel_loop3A_280 = arith.constant 7 : i32
        %parallel_loop3A_281 = arith.addi %parallel_loop3A_279, %parallel_loop3A_280 : i32
        %parallel_loop3A_282 = arith.index_cast %parallel_loop3A_281 : i32 to index
        %parallel_loop3A_283 = arith.constant 16 : index
        %parallel_loop3A_284 = tpu.vector_load %arg6[%parallel_loop3A_282, %parallel_loop3A_283] {strides = array<i32>} : memref<128x64xf32, #tpu.memory_space<vmem>>, vector<1x16xf32>,
        %parallel_loop3A_285 = vector.shape_cast %parallel_loop3A_284 : vector<1x16xf32> to vector<16xf32>
        %parallel_loop3A_286 = arith.constant 16 : i32
        %parallel_loop3A_287 = arith.muli %parallel_loop3A_70, %parallel_loop3A_286 : i32
        %parallel_loop3A_288 = arith.constant 8 : i32
        %parallel_loop3A_289 = arith.addi %parallel_loop3A_287, %parallel_loop3A_288 : i32
        %parallel_loop3A_290 = arith.index_cast %parallel_loop3A_289 : i32 to index
        %parallel_loop3A_291 = arith.constant 16 : index
        %parallel_loop3A_292 = tpu.vector_load %arg6[%parallel_loop3A_290, %parallel_loop3A_291] {strides = array<i32>} : memref<128x64xf32, #tpu.memory_space<vmem>>, vector<1x16xf32>,
        %parallel_loop3A_293 = vector.shape_cast %parallel_loop3A_292 : vector<1x16xf32> to vector<16xf32>
        %parallel_loop3A_294 = arith.constant 16 : i32
        %parallel_loop3A_295 = arith.muli %parallel_loop3A_70, %parallel_loop3A_294 : i32
        %parallel_loop3A_296 = arith.constant 9 : i32
        %parallel_loop3A_297 = arith.addi %parallel_loop3A_295, %parallel_loop3A_296 : i32
        %parallel_loop3A_298 = arith.index_cast %parallel_loop3A_297 : i32 to index
        %parallel_loop3A_299 = arith.constant 16 : index
        %parallel_loop3A_300 = tpu.vector_load %arg6[%parallel_loop3A_298, %parallel_loop3A_299] {strides = array<i32>} : memref<128x64xf32, #tpu.memory_space<vmem>>, vector<1x16xf32>,
        %parallel_loop3A_301 = vector.shape_cast %parallel_loop3A_300 : vector<1x16xf32> to vector<16xf32>
        %parallel_loop3A_302 = arith.constant 16 : i32
        %parallel_loop3A_303 = arith.muli %parallel_loop3A_70, %parallel_loop3A_302 : i32
        %parallel_loop3A_304 = arith.constant 10 : i32
        %parallel_loop3A_305 = arith.addi %parallel_loop3A_303, %parallel_loop3A_304 : i32
        %parallel_loop3A_306 = arith.index_cast %parallel_loop3A_305 : i32 to index
        %parallel_loop3A_307 = arith.constant 16 : index
        %parallel_loop3A_308 = tpu.vector_load %arg6[%parallel_loop3A_306, %parallel_loop3A_307] {strides = array<i32>} : memref<128x64xf32, #tpu.memory_space<vmem>>, vector<1x16xf32>,
        %parallel_loop3A_309 = vector.shape_cast %parallel_loop3A_308 : vector<1x16xf32> to vector<16xf32>
        %parallel_loop3A_310 = arith.constant 16 : i32
        %parallel_loop3A_311 = arith.muli %parallel_loop3A_70, %parallel_loop3A_310 : i32
        %parallel_loop3A_312 = arith.constant 11 : i32
        %parallel_loop3A_313 = arith.addi %parallel_loop3A_311, %parallel_loop3A_312 : i32
        %parallel_loop3A_314 = arith.index_cast %parallel_loop3A_313 : i32 to index
        %parallel_loop3A_315 = arith.constant 16 : index
        %parallel_loop3A_316 = tpu.vector_load %arg6[%parallel_loop3A_314, %parallel_loop3A_315] {strides = array<i32>} : memref<128x64xf32, #tpu.memory_space<vmem>>, vector<1x16xf32>,
        %parallel_loop3A_317 = vector.shape_cast %parallel_loop3A_316 : vector<1x16xf32> to vector<16xf32>
        %parallel_loop3A_318 = arith.constant 16 : i32
        %parallel_loop3A_319 = arith.muli %parallel_loop3A_70, %parallel_loop3A_318 : i32
        %parallel_loop3A_320 = arith.constant 12 : i32
        %parallel_loop3A_321 = arith.addi %parallel_loop3A_319, %parallel_loop3A_320 : i32
        %parallel_loop3A_322 = arith.index_cast %parallel_loop3A_321 : i32 to index
        %parallel_loop3A_323 = arith.constant 16 : index
        %parallel_loop3A_324 = tpu.vector_load %arg6[%parallel_loop3A_322, %parallel_loop3A_323] {strides = array<i32>} : memref<128x64xf32, #tpu.memory_space<vmem>>, vector<1x16xf32>,
        %parallel_loop3A_325 = vector.shape_cast %parallel_loop3A_324 : vector<1x16xf32> to vector<16xf32>
        %parallel_loop3A_326 = arith.constant 16 : i32
        %parallel_loop3A_327 = arith.muli %parallel_loop3A_70, %parallel_loop3A_326 : i32
        %parallel_loop3A_328 = arith.constant 13 : i32
        %parallel_loop3A_329 = arith.addi %parallel_loop3A_327, %parallel_loop3A_328 : i32
        %parallel_loop3A_330 = arith.index_cast %parallel_loop3A_329 : i32 to index
        %parallel_loop3A_331 = arith.constant 16 : index
        %parallel_loop3A_332 = tpu.vector_load %arg6[%parallel_loop3A_330, %parallel_loop3A_331] {strides = array<i32>} : memref<128x64xf32, #tpu.memory_space<vmem>>, vector<1x16xf32>,
        %parallel_loop3A_333 = vector.shape_cast %parallel_loop3A_332 : vector<1x16xf32> to vector<16xf32>
        %parallel_loop3A_334 = arith.constant 16 : i32
        %parallel_loop3A_335 = arith.muli %parallel_loop3A_70, %parallel_loop3A_334 : i32
        %parallel_loop3A_336 = arith.constant 14 : i32
        %parallel_loop3A_337 = arith.addi %parallel_loop3A_335, %parallel_loop3A_336 : i32
        %parallel_loop3A_338 = arith.index_cast %parallel_loop3A_337 : i32 to index
        %parallel_loop3A_339 = arith.constant 16 : index
        %parallel_loop3A_340 = tpu.vector_load %arg6[%parallel_loop3A_338, %parallel_loop3A_339] {strides = array<i32>} : memref<128x64xf32, #tpu.memory_space<vmem>>, vector<1x16xf32>,
        %parallel_loop3A_341 = vector.shape_cast %parallel_loop3A_340 : vector<1x16xf32> to vector<16xf32>
        %parallel_loop3A_342 = arith.constant 16 : i32
        %parallel_loop3A_343 = arith.muli %parallel_loop3A_70, %parallel_loop3A_342 : i32
        %parallel_loop3A_344 = arith.constant 15 : i32
        %parallel_loop3A_345 = arith.addi %parallel_loop3A_343, %parallel_loop3A_344 : i32
        %parallel_loop3A_346 = arith.index_cast %parallel_loop3A_345 : i32 to index
        %parallel_loop3A_347 = arith.constant 16 : index
        %parallel_loop3A_348 = tpu.vector_load %arg6[%parallel_loop3A_346, %parallel_loop3A_347] {strides = array<i32>} : memref<128x64xf32, #tpu.memory_space<vmem>>, vector<1x16xf32>,
        %parallel_loop3A_349 = vector.shape_cast %parallel_loop3A_348 : vector<1x16xf32> to vector<16xf32>
        %parallel_loop3A_350 = arith.maximumf %parallel_loop3A_229, %parallel_loop3A_237 : vector<16xf32>
        %parallel_loop3A_351 = arith.maximumf %parallel_loop3A_245, %parallel_loop3A_253 : vector<16xf32>
        %parallel_loop3A_352 = arith.maximumf %parallel_loop3A_261, %parallel_loop3A_269 : vector<16xf32>
        %parallel_loop3A_353 = arith.maximumf %parallel_loop3A_277, %parallel_loop3A_285 : vector<16xf32>
        %parallel_loop3A_354 = arith.maximumf %parallel_loop3A_293, %parallel_loop3A_301 : vector<16xf32>
        %parallel_loop3A_355 = arith.maximumf %parallel_loop3A_309, %parallel_loop3A_317 : vector<16xf32>
        %parallel_loop3A_356 = arith.maximumf %parallel_loop3A_325, %parallel_loop3A_333 : vector<16xf32>
        %parallel_loop3A_357 = arith.maximumf %parallel_loop3A_341, %parallel_loop3A_349 : vector<16xf32>
        %parallel_loop3A_358 = arith.maximumf %parallel_loop3A_350, %parallel_loop3A_351 : vector<16xf32>
        %parallel_loop3A_359 = arith.maximumf %parallel_loop3A_352, %parallel_loop3A_353 : vector<16xf32>
        %parallel_loop3A_360 = arith.maximumf %parallel_loop3A_354, %parallel_loop3A_355 : vector<16xf32>
        %parallel_loop3A_361 = arith.maximumf %parallel_loop3A_356, %parallel_loop3A_357 : vector<16xf32>
        %parallel_loop3A_362 = arith.maximumf %parallel_loop3A_358, %parallel_loop3A_359 : vector<16xf32>
        %parallel_loop3A_363 = arith.maximumf %parallel_loop3A_360, %parallel_loop3A_361 : vector<16xf32>
        %parallel_loop3A_364 = arith.maximumf %parallel_loop3A_362, %parallel_loop3A_363 : vector<16xf32>
        %parallel_loop3A_365 = arith.constant 8 : i32
        %parallel_loop3A_366 = arith.muli %mul3A_35, %parallel_loop3A_365 : i32
        %parallel_loop3A_367 = arith.addi %parallel_loop3A_366, %parallel_loop3A_70 : i32
        %parallel_loop3A_368 = arith.index_cast %parallel_loop3A_367 : i32 to index
        %parallel_loop3A_369 = arith.constant 16 : index
        %parallel_loop3A_370 = tpu.vector_load %arg8[%parallel_loop3A_368, %parallel_loop3A_369] {strides = array<i32>} : memref<512x64xf32, #tpu.memory_space<vmem>>, vector<1x16xf32>,
        %parallel_loop3A_371 = vector.shape_cast %parallel_loop3A_370 : vector<1x16xf32> to vector<16xf32>
        %parallel_loop3A_372 = vector.shape_cast %parallel_loop3A_364 : vector<16xf32> to vector<1x16xf32>
        tpu.vector_store %arg8[%parallel_loop3A_368, %parallel_loop3A_369], %parallel_loop3A_372 {strides = array<i32>} : memref<512x64xf32, #tpu.memory_space<vmem>>, vector<1x16xf32>,
        %parallel_loop3A_373 = arith.constant 16 : i32
        %parallel_loop3A_374 = arith.muli %parallel_loop3A_70, %parallel_loop3A_373 : i32
        %parallel_loop3A_375 = arith.constant 0 : i32
        %parallel_loop3A_376 = arith.addi %parallel_loop3A_374, %parallel_loop3A_375 : i32
        %parallel_loop3A_377 = arith.index_cast %parallel_loop3A_376 : i32 to index
        %parallel_loop3A_378 = arith.constant 32 : index
        %parallel_loop3A_379 = tpu.vector_load %arg6[%parallel_loop3A_377, %parallel_loop3A_378] {strides = array<i32>} : memref<128x64xf32, #tpu.memory_space<vmem>>, vector<1x16xf32>,
        %parallel_loop3A_380 = vector.shape_cast %parallel_loop3A_379 : vector<1x16xf32> to vector<16xf32>
        %parallel_loop3A_381 = arith.constant 16 : i32
        %parallel_loop3A_382 = arith.muli %parallel_loop3A_70, %parallel_loop3A_381 : i32
        %parallel_loop3A_383 = arith.constant 1 : i32
        %parallel_loop3A_384 = arith.addi %parallel_loop3A_382, %parallel_loop3A_383 : i32
        %parallel_loop3A_385 = arith.index_cast %parallel_loop3A_384 : i32 to index
        %parallel_loop3A_386 = arith.constant 32 : index
        %parallel_loop3A_387 = tpu.vector_load %arg6[%parallel_loop3A_385, %parallel_loop3A_386] {strides = array<i32>} : memref<128x64xf32, #tpu.memory_space<vmem>>, vector<1x16xf32>,
        %parallel_loop3A_388 = vector.shape_cast %parallel_loop3A_387 : vector<1x16xf32> to vector<16xf32>
        %parallel_loop3A_389 = arith.constant 16 : i32
        %parallel_loop3A_390 = arith.muli %parallel_loop3A_70, %parallel_loop3A_389 : i32
        %parallel_loop3A_391 = arith.constant 2 : i32
        %parallel_loop3A_392 = arith.addi %parallel_loop3A_390, %parallel_loop3A_391 : i32
        %parallel_loop3A_393 = arith.index_cast %parallel_loop3A_392 : i32 to index
        %parallel_loop3A_394 = arith.constant 32 : index
        %parallel_loop3A_395 = tpu.vector_load %arg6[%parallel_loop3A_393, %parallel_loop3A_394] {strides = array<i32>} : memref<128x64xf32, #tpu.memory_space<vmem>>, vector<1x16xf32>,
        %parallel_loop3A_396 = vector.shape_cast %parallel_loop3A_395 : vector<1x16xf32> to vector<16xf32>
        %parallel_loop3A_397 = arith.constant 16 : i32
        %parallel_loop3A_398 = arith.muli %parallel_loop3A_70, %parallel_loop3A_397 : i32
        %parallel_loop3A_399 = arith.constant 3 : i32
        %parallel_loop3A_400 = arith.addi %parallel_loop3A_398, %parallel_loop3A_399 : i32
        %parallel_loop3A_401 = arith.index_cast %parallel_loop3A_400 : i32 to index
        %parallel_loop3A_402 = arith.constant 32 : index
        %parallel_loop3A_403 = tpu.vector_load %arg6[%parallel_loop3A_401, %parallel_loop3A_402] {strides = array<i32>} : memref<128x64xf32, #tpu.memory_space<vmem>>, vector<1x16xf32>,
        %parallel_loop3A_404 = vector.shape_cast %parallel_loop3A_403 : vector<1x16xf32> to vector<16xf32>
        %parallel_loop3A_405 = arith.constant 16 : i32
        %parallel_loop3A_406 = arith.muli %parallel_loop3A_70, %parallel_loop3A_405 : i32
        %parallel_loop3A_407 = arith.constant 4 : i32
        %parallel_loop3A_408 = arith.addi %parallel_loop3A_406, %parallel_loop3A_407 : i32
        %parallel_loop3A_409 = arith.index_cast %parallel_loop3A_408 : i32 to index
        %parallel_loop3A_410 = arith.constant 32 : index
        %parallel_loop3A_411 = tpu.vector_load %arg6[%parallel_loop3A_409, %parallel_loop3A_410] {strides = array<i32>} : memref<128x64xf32, #tpu.memory_space<vmem>>, vector<1x16xf32>,
        %parallel_loop3A_412 = vector.shape_cast %parallel_loop3A_411 : vector<1x16xf32> to vector<16xf32>
        %parallel_loop3A_413 = arith.constant 16 : i32
        %parallel_loop3A_414 = arith.muli %parallel_loop3A_70, %parallel_loop3A_413 : i32
        %parallel_loop3A_415 = arith.constant 5 : i32
        %parallel_loop3A_416 = arith.addi %parallel_loop3A_414, %parallel_loop3A_415 : i32
        %parallel_loop3A_417 = arith.index_cast %parallel_loop3A_416 : i32 to index
        %parallel_loop3A_418 = arith.constant 32 : index
        %parallel_loop3A_419 = tpu.vector_load %arg6[%parallel_loop3A_417, %parallel_loop3A_418] {strides = array<i32>} : memref<128x64xf32, #tpu.memory_space<vmem>>, vector<1x16xf32>,
        %parallel_loop3A_420 = vector.shape_cast %parallel_loop3A_419 : vector<1x16xf32> to vector<16xf32>
        %parallel_loop3A_421 = arith.constant 16 : i32
        %parallel_loop3A_422 = arith.muli %parallel_loop3A_70, %parallel_loop3A_421 : i32
        %parallel_loop3A_423 = arith.constant 6 : i32
        %parallel_loop3A_424 = arith.addi %parallel_loop3A_422, %parallel_loop3A_423 : i32
        %parallel_loop3A_425 = arith.index_cast %parallel_loop3A_424 : i32 to index
        %parallel_loop3A_426 = arith.constant 32 : index
        %parallel_loop3A_427 = tpu.vector_load %arg6[%parallel_loop3A_425, %parallel_loop3A_426] {strides = array<i32>} : memref<128x64xf32, #tpu.memory_space<vmem>>, vector<1x16xf32>,
        %parallel_loop3A_428 = vector.shape_cast %parallel_loop3A_427 : vector<1x16xf32> to vector<16xf32>
        %parallel_loop3A_429 = arith.constant 16 : i32
        %parallel_loop3A_430 = arith.muli %parallel_loop3A_70, %parallel_loop3A_429 : i32
        %parallel_loop3A_431 = arith.constant 7 : i32
        %parallel_loop3A_432 = arith.addi %parallel_loop3A_430, %parallel_loop3A_431 : i32
        %parallel_loop3A_433 = arith.index_cast %parallel_loop3A_432 : i32 to index
        %parallel_loop3A_434 = arith.constant 32 : index
        %parallel_loop3A_435 = tpu.vector_load %arg6[%parallel_loop3A_433, %parallel_loop3A_434] {strides = array<i32>} : memref<128x64xf32, #tpu.memory_space<vmem>>, vector<1x16xf32>,
        %parallel_loop3A_436 = vector.shape_cast %parallel_loop3A_435 : vector<1x16xf32> to vector<16xf32>
        %parallel_loop3A_437 = arith.constant 16 : i32
        %parallel_loop3A_438 = arith.muli %parallel_loop3A_70, %parallel_loop3A_437 : i32
        %parallel_loop3A_439 = arith.constant 8 : i32
        %parallel_loop3A_440 = arith.addi %parallel_loop3A_438, %parallel_loop3A_439 : i32
        %parallel_loop3A_441 = arith.index_cast %parallel_loop3A_440 : i32 to index
        %parallel_loop3A_442 = arith.constant 32 : index
        %parallel_loop3A_443 = tpu.vector_load %arg6[%parallel_loop3A_441, %parallel_loop3A_442] {strides = array<i32>} : memref<128x64xf32, #tpu.memory_space<vmem>>, vector<1x16xf32>,
        %parallel_loop3A_444 = vector.shape_cast %parallel_loop3A_443 : vector<1x16xf32> to vector<16xf32>
        %parallel_loop3A_445 = arith.constant 16 : i32
        %parallel_loop3A_446 = arith.muli %parallel_loop3A_70, %parallel_loop3A_445 : i32
        %parallel_loop3A_447 = arith.constant 9 : i32
        %parallel_loop3A_448 = arith.addi %parallel_loop3A_446, %parallel_loop3A_447 : i32
        %parallel_loop3A_449 = arith.index_cast %parallel_loop3A_448 : i32 to index
        %parallel_loop3A_450 = arith.constant 32 : index
        %parallel_loop3A_451 = tpu.vector_load %arg6[%parallel_loop3A_449, %parallel_loop3A_450] {strides = array<i32>} : memref<128x64xf32, #tpu.memory_space<vmem>>, vector<1x16xf32>,
        %parallel_loop3A_452 = vector.shape_cast %parallel_loop3A_451 : vector<1x16xf32> to vector<16xf32>
        %parallel_loop3A_453 = arith.constant 16 : i32
        %parallel_loop3A_454 = arith.muli %parallel_loop3A_70, %parallel_loop3A_453 : i32
        %parallel_loop3A_455 = arith.constant 10 : i32
        %parallel_loop3A_456 = arith.addi %parallel_loop3A_454, %parallel_loop3A_455 : i32
        %parallel_loop3A_457 = arith.index_cast %parallel_loop3A_456 : i32 to index
        %parallel_loop3A_458 = arith.constant 32 : index
        %parallel_loop3A_459 = tpu.vector_load %arg6[%parallel_loop3A_457, %parallel_loop3A_458] {strides = array<i32>} : memref<128x64xf32, #tpu.memory_space<vmem>>, vector<1x16xf32>,
        %parallel_loop3A_460 = vector.shape_cast %parallel_loop3A_459 : vector<1x16xf32> to vector<16xf32>
        %parallel_loop3A_461 = arith.constant 16 : i32
        %parallel_loop3A_462 = arith.muli %parallel_loop3A_70, %parallel_loop3A_461 : i32
        %parallel_loop3A_463 = arith.constant 11 : i32
        %parallel_loop3A_464 = arith.addi %parallel_loop3A_462, %parallel_loop3A_463 : i32
        %parallel_loop3A_465 = arith.index_cast %parallel_loop3A_464 : i32 to index
        %parallel_loop3A_466 = arith.constant 32 : index
        %parallel_loop3A_467 = tpu.vector_load %arg6[%parallel_loop3A_465, %parallel_loop3A_466] {strides = array<i32>} : memref<128x64xf32, #tpu.memory_space<vmem>>, vector<1x16xf32>,
        %parallel_loop3A_468 = vector.shape_cast %parallel_loop3A_467 : vector<1x16xf32> to vector<16xf32>
        %parallel_loop3A_469 = arith.constant 16 : i32
        %parallel_loop3A_470 = arith.muli %parallel_loop3A_70, %parallel_loop3A_469 : i32
        %parallel_loop3A_471 = arith.constant 12 : i32
        %parallel_loop3A_472 = arith.addi %parallel_loop3A_470, %parallel_loop3A_471 : i32
        %parallel_loop3A_473 = arith.index_cast %parallel_loop3A_472 : i32 to index
        %parallel_loop3A_474 = arith.constant 32 : index
        %parallel_loop3A_475 = tpu.vector_load %arg6[%parallel_loop3A_473, %parallel_loop3A_474] {strides = array<i32>} : memref<128x64xf32, #tpu.memory_space<vmem>>, vector<1x16xf32>,
        %parallel_loop3A_476 = vector.shape_cast %parallel_loop3A_475 : vector<1x16xf32> to vector<16xf32>
        %parallel_loop3A_477 = arith.constant 16 : i32
        %parallel_loop3A_478 = arith.muli %parallel_loop3A_70, %parallel_loop3A_477 : i32
        %parallel_loop3A_479 = arith.constant 13 : i32
        %parallel_loop3A_480 = arith.addi %parallel_loop3A_478, %parallel_loop3A_479 : i32
        %parallel_loop3A_481 = arith.index_cast %parallel_loop3A_480 : i32 to index
        %parallel_loop3A_482 = arith.constant 32 : index
        %parallel_loop3A_483 = tpu.vector_load %arg6[%parallel_loop3A_481, %parallel_loop3A_482] {strides = array<i32>} : memref<128x64xf32, #tpu.memory_space<vmem>>, vector<1x16xf32>,
        %parallel_loop3A_484 = vector.shape_cast %parallel_loop3A_483 : vector<1x16xf32> to vector<16xf32>
        %parallel_loop3A_485 = arith.constant 16 : i32
        %parallel_loop3A_486 = arith.muli %parallel_loop3A_70, %parallel_loop3A_485 : i32
        %parallel_loop3A_487 = arith.constant 14 : i32
        %parallel_loop3A_488 = arith.addi %parallel_loop3A_486, %parallel_loop3A_487 : i32
        %parallel_loop3A_489 = arith.index_cast %parallel_loop3A_488 : i32 to index
        %parallel_loop3A_490 = arith.constant 32 : index
        %parallel_loop3A_491 = tpu.vector_load %arg6[%parallel_loop3A_489, %parallel_loop3A_490] {strides = array<i32>} : memref<128x64xf32, #tpu.memory_space<vmem>>, vector<1x16xf32>,
        %parallel_loop3A_492 = vector.shape_cast %parallel_loop3A_491 : vector<1x16xf32> to vector<16xf32>
        %parallel_loop3A_493 = arith.constant 16 : i32
        %parallel_loop3A_494 = arith.muli %parallel_loop3A_70, %parallel_loop3A_493 : i32
        %parallel_loop3A_495 = arith.constant 15 : i32
        %parallel_loop3A_496 = arith.addi %parallel_loop3A_494, %parallel_loop3A_495 : i32
        %parallel_loop3A_497 = arith.index_cast %parallel_loop3A_496 : i32 to index
        %parallel_loop3A_498 = arith.constant 32 : index
        %parallel_loop3A_499 = tpu.vector_load %arg6[%parallel_loop3A_497, %parallel_loop3A_498] {strides = array<i32>} : memref<128x64xf32, #tpu.memory_space<vmem>>, vector<1x16xf32>,
        %parallel_loop3A_500 = vector.shape_cast %parallel_loop3A_499 : vector<1x16xf32> to vector<16xf32>
        %parallel_loop3A_501 = arith.maximumf %parallel_loop3A_380, %parallel_loop3A_388 : vector<16xf32>
        %parallel_loop3A_502 = arith.maximumf %parallel_loop3A_396, %parallel_loop3A_404 : vector<16xf32>
        %parallel_loop3A_503 = arith.maximumf %parallel_loop3A_412, %parallel_loop3A_420 : vector<16xf32>
        %parallel_loop3A_504 = arith.maximumf %parallel_loop3A_428, %parallel_loop3A_436 : vector<16xf32>
        %parallel_loop3A_505 = arith.maximumf %parallel_loop3A_444, %parallel_loop3A_452 : vector<16xf32>
        %parallel_loop3A_506 = arith.maximumf %parallel_loop3A_460, %parallel_loop3A_468 : vector<16xf32>
        %parallel_loop3A_507 = arith.maximumf %parallel_loop3A_476, %parallel_loop3A_484 : vector<16xf32>
        %parallel_loop3A_508 = arith.maximumf %parallel_loop3A_492, %parallel_loop3A_500 : vector<16xf32>
        %parallel_loop3A_509 = arith.maximumf %parallel_loop3A_501, %parallel_loop3A_502 : vector<16xf32>
        %parallel_loop3A_510 = arith.maximumf %parallel_loop3A_503, %parallel_loop3A_504 : vector<16xf32>
        %parallel_loop3A_511 = arith.maximumf %parallel_loop3A_505, %parallel_loop3A_506 : vector<16xf32>
        %parallel_loop3A_512 = arith.maximumf %parallel_loop3A_507, %parallel_loop3A_508 : vector<16xf32>
        %parallel_loop3A_513 = arith.maximumf %parallel_loop3A_509, %parallel_loop3A_510 : vector<16xf32>
        %parallel_loop3A_514 = arith.maximumf %parallel_loop3A_511, %parallel_loop3A_512 : vector<16xf32>
        %parallel_loop3A_515 = arith.maximumf %parallel_loop3A_513, %parallel_loop3A_514 : vector<16xf32>
        %parallel_loop3A_516 = arith.constant 8 : i32
        %parallel_loop3A_517 = arith.muli %mul3A_35, %parallel_loop3A_516 : i32
        %parallel_loop3A_518 = arith.addi %parallel_loop3A_517, %parallel_loop3A_70 : i32
        %parallel_loop3A_519 = arith.index_cast %parallel_loop3A_518 : i32 to index
        %parallel_loop3A_520 = arith.constant 32 : index
        %parallel_loop3A_521 = tpu.vector_load %arg8[%parallel_loop3A_519, %parallel_loop3A_520] {strides = array<i32>} : memref<512x64xf32, #tpu.memory_space<vmem>>, vector<1x16xf32>,
        %parallel_loop3A_522 = vector.shape_cast %parallel_loop3A_521 : vector<1x16xf32> to vector<16xf32>
        %parallel_loop3A_523 = vector.shape_cast %parallel_loop3A_515 : vector<16xf32> to vector<1x16xf32>
        tpu.vector_store %arg8[%parallel_loop3A_519, %parallel_loop3A_520], %parallel_loop3A_523 {strides = array<i32>} : memref<512x64xf32, #tpu.memory_space<vmem>>, vector<1x16xf32>,
        %parallel_loop3A_524 = arith.constant 16 : i32
        %parallel_loop3A_525 = arith.muli %parallel_loop3A_70, %parallel_loop3A_524 : i32
        %parallel_loop3A_526 = arith.constant 0 : i32
        %parallel_loop3A_527 = arith.addi %parallel_loop3A_525, %parallel_loop3A_526 : i32
        %parallel_loop3A_528 = arith.index_cast %parallel_loop3A_527 : i32 to index
        %parallel_loop3A_529 = arith.constant 48 : index
        %parallel_loop3A_530 = tpu.vector_load %arg6[%parallel_loop3A_528, %parallel_loop3A_529] {strides = array<i32>} : memref<128x64xf32, #tpu.memory_space<vmem>>, vector<1x16xf32>,
        %parallel_loop3A_531 = vector.shape_cast %parallel_loop3A_530 : vector<1x16xf32> to vector<16xf32>
        %parallel_loop3A_532 = arith.constant 16 : i32
        %parallel_loop3A_533 = arith.muli %parallel_loop3A_70, %parallel_loop3A_532 : i32
        %parallel_loop3A_534 = arith.constant 1 : i32
        %parallel_loop3A_535 = arith.addi %parallel_loop3A_533, %parallel_loop3A_534 : i32
        %parallel_loop3A_536 = arith.index_cast %parallel_loop3A_535 : i32 to index
        %parallel_loop3A_537 = arith.constant 48 : index
        %parallel_loop3A_538 = tpu.vector_load %arg6[%parallel_loop3A_536, %parallel_loop3A_537] {strides = array<i32>} : memref<128x64xf32, #tpu.memory_space<vmem>>, vector<1x16xf32>,
        %parallel_loop3A_539 = vector.shape_cast %parallel_loop3A_538 : vector<1x16xf32> to vector<16xf32>
        %parallel_loop3A_540 = arith.constant 16 : i32
        %parallel_loop3A_541 = arith.muli %parallel_loop3A_70, %parallel_loop3A_540 : i32
        %parallel_loop3A_542 = arith.constant 2 : i32
        %parallel_loop3A_543 = arith.addi %parallel_loop3A_541, %parallel_loop3A_542 : i32
        %parallel_loop3A_544 = arith.index_cast %parallel_loop3A_543 : i32 to index
        %parallel_loop3A_545 = arith.constant 48 : index
        %parallel_loop3A_546 = tpu.vector_load %arg6[%parallel_loop3A_544, %parallel_loop3A_545] {strides = array<i32>} : memref<128x64xf32, #tpu.memory_space<vmem>>, vector<1x16xf32>,
        %parallel_loop3A_547 = vector.shape_cast %parallel_loop3A_546 : vector<1x16xf32> to vector<16xf32>
        %parallel_loop3A_548 = arith.constant 16 : i32
        %parallel_loop3A_549 = arith.muli %parallel_loop3A_70, %parallel_loop3A_548 : i32
        %parallel_loop3A_550 = arith.constant 3 : i32
        %parallel_loop3A_551 = arith.addi %parallel_loop3A_549, %parallel_loop3A_550 : i32
        %parallel_loop3A_552 = arith.index_cast %parallel_loop3A_551 : i32 to index
        %parallel_loop3A_553 = arith.constant 48 : index
        %parallel_loop3A_554 = tpu.vector_load %arg6[%parallel_loop3A_552, %parallel_loop3A_553] {strides = array<i32>} : memref<128x64xf32, #tpu.memory_space<vmem>>, vector<1x16xf32>,
        %parallel_loop3A_555 = vector.shape_cast %parallel_loop3A_554 : vector<1x16xf32> to vector<16xf32>
        %parallel_loop3A_556 = arith.constant 16 : i32
        %parallel_loop3A_557 = arith.muli %parallel_loop3A_70, %parallel_loop3A_556 : i32
        %parallel_loop3A_558 = arith.constant 4 : i32
        %parallel_loop3A_559 = arith.addi %parallel_loop3A_557, %parallel_loop3A_558 : i32
        %parallel_loop3A_560 = arith.index_cast %parallel_loop3A_559 : i32 to index
        %parallel_loop3A_561 = arith.constant 48 : index
        %parallel_loop3A_562 = tpu.vector_load %arg6[%parallel_loop3A_560, %parallel_loop3A_561] {strides = array<i32>} : memref<128x64xf32, #tpu.memory_space<vmem>>, vector<1x16xf32>,
        %parallel_loop3A_563 = vector.shape_cast %parallel_loop3A_562 : vector<1x16xf32> to vector<16xf32>
        %parallel_loop3A_564 = arith.constant 16 : i32
        %parallel_loop3A_565 = arith.muli %parallel_loop3A_70, %parallel_loop3A_564 : i32
        %parallel_loop3A_566 = arith.constant 5 : i32
        %parallel_loop3A_567 = arith.addi %parallel_loop3A_565, %parallel_loop3A_566 : i32
        %parallel_loop3A_568 = arith.index_cast %parallel_loop3A_567 : i32 to index
        %parallel_loop3A_569 = arith.constant 48 : index
        %parallel_loop3A_570 = tpu.vector_load %arg6[%parallel_loop3A_568, %parallel_loop3A_569] {strides = array<i32>} : memref<128x64xf32, #tpu.memory_space<vmem>>, vector<1x16xf32>,
        %parallel_loop3A_571 = vector.shape_cast %parallel_loop3A_570 : vector<1x16xf32> to vector<16xf32>
        %parallel_loop3A_572 = arith.constant 16 : i32
        %parallel_loop3A_573 = arith.muli %parallel_loop3A_70, %parallel_loop3A_572 : i32
        %parallel_loop3A_574 = arith.constant 6 : i32
        %parallel_loop3A_575 = arith.addi %parallel_loop3A_573, %parallel_loop3A_574 : i32
        %parallel_loop3A_576 = arith.index_cast %parallel_loop3A_575 : i32 to index
        %parallel_loop3A_577 = arith.constant 48 : index
        %parallel_loop3A_578 = tpu.vector_load %arg6[%parallel_loop3A_576, %parallel_loop3A_577] {strides = array<i32>} : memref<128x64xf32, #tpu.memory_space<vmem>>, vector<1x16xf32>,
        %parallel_loop3A_579 = vector.shape_cast %parallel_loop3A_578 : vector<1x16xf32> to vector<16xf32>
        %parallel_loop3A_580 = arith.constant 16 : i32
        %parallel_loop3A_581 = arith.muli %parallel_loop3A_70, %parallel_loop3A_580 : i32
        %parallel_loop3A_582 = arith.constant 7 : i32
        %parallel_loop3A_583 = arith.addi %parallel_loop3A_581, %parallel_loop3A_582 : i32
        %parallel_loop3A_584 = arith.index_cast %parallel_loop3A_583 : i32 to index
        %parallel_loop3A_585 = arith.constant 48 : index
        %parallel_loop3A_586 = tpu.vector_load %arg6[%parallel_loop3A_584, %parallel_loop3A_585] {strides = array<i32>} : memref<128x64xf32, #tpu.memory_space<vmem>>, vector<1x16xf32>,
        %parallel_loop3A_587 = vector.shape_cast %parallel_loop3A_586 : vector<1x16xf32> to vector<16xf32>
        %parallel_loop3A_588 = arith.constant 16 : i32
        %parallel_loop3A_589 = arith.muli %parallel_loop3A_70, %parallel_loop3A_588 : i32
        %parallel_loop3A_590 = arith.constant 8 : i32
        %parallel_loop3A_591 = arith.addi %parallel_loop3A_589, %parallel_loop3A_590 : i32
        %parallel_loop3A_592 = arith.index_cast %parallel_loop3A_591 : i32 to index
        %parallel_loop3A_593 = arith.constant 48 : index
        %parallel_loop3A_594 = tpu.vector_load %arg6[%parallel_loop3A_592, %parallel_loop3A_593] {strides = array<i32>} : memref<128x64xf32, #tpu.memory_space<vmem>>, vector<1x16xf32>,
        %parallel_loop3A_595 = vector.shape_cast %parallel_loop3A_594 : vector<1x16xf32> to vector<16xf32>
        %parallel_loop3A_596 = arith.constant 16 : i32
        %parallel_loop3A_597 = arith.muli %parallel_loop3A_70, %parallel_loop3A_596 : i32
        %parallel_loop3A_598 = arith.constant 9 : i32
        %parallel_loop3A_599 = arith.addi %parallel_loop3A_597, %parallel_loop3A_598 : i32
        %parallel_loop3A_600 = arith.index_cast %parallel_loop3A_599 : i32 to index
        %parallel_loop3A_601 = arith.constant 48 : index
        %parallel_loop3A_602 = tpu.vector_load %arg6[%parallel_loop3A_600, %parallel_loop3A_601] {strides = array<i32>} : memref<128x64xf32, #tpu.memory_space<vmem>>, vector<1x16xf32>,
        %parallel_loop3A_603 = vector.shape_cast %parallel_loop3A_602 : vector<1x16xf32> to vector<16xf32>
        %parallel_loop3A_604 = arith.constant 16 : i32
        %parallel_loop3A_605 = arith.muli %parallel_loop3A_70, %parallel_loop3A_604 : i32
        %parallel_loop3A_606 = arith.constant 10 : i32
        %parallel_loop3A_607 = arith.addi %parallel_loop3A_605, %parallel_loop3A_606 : i32
        %parallel_loop3A_608 = arith.index_cast %parallel_loop3A_607 : i32 to index
        %parallel_loop3A_609 = arith.constant 48 : index
        %parallel_loop3A_610 = tpu.vector_load %arg6[%parallel_loop3A_608, %parallel_loop3A_609] {strides = array<i32>} : memref<128x64xf32, #tpu.memory_space<vmem>>, vector<1x16xf32>,
        %parallel_loop3A_611 = vector.shape_cast %parallel_loop3A_610 : vector<1x16xf32> to vector<16xf32>
        %parallel_loop3A_612 = arith.constant 16 : i32
        %parallel_loop3A_613 = arith.muli %parallel_loop3A_70, %parallel_loop3A_612 : i32
        %parallel_loop3A_614 = arith.constant 11 : i32
        %parallel_loop3A_615 = arith.addi %parallel_loop3A_613, %parallel_loop3A_614 : i32
        %parallel_loop3A_616 = arith.index_cast %parallel_loop3A_615 : i32 to index
        %parallel_loop3A_617 = arith.constant 48 : index
        %parallel_loop3A_618 = tpu.vector_load %arg6[%parallel_loop3A_616, %parallel_loop3A_617] {strides = array<i32>} : memref<128x64xf32, #tpu.memory_space<vmem>>, vector<1x16xf32>,
        %parallel_loop3A_619 = vector.shape_cast %parallel_loop3A_618 : vector<1x16xf32> to vector<16xf32>
        %parallel_loop3A_620 = arith.constant 16 : i32
        %parallel_loop3A_621 = arith.muli %parallel_loop3A_70, %parallel_loop3A_620 : i32
        %parallel_loop3A_622 = arith.constant 12 : i32
        %parallel_loop3A_623 = arith.addi %parallel_loop3A_621, %parallel_loop3A_622 : i32
        %parallel_loop3A_624 = arith.index_cast %parallel_loop3A_623 : i32 to index
        %parallel_loop3A_625 = arith.constant 48 : index
        %parallel_loop3A_626 = tpu.vector_load %arg6[%parallel_loop3A_624, %parallel_loop3A_625] {strides = array<i32>} : memref<128x64xf32, #tpu.memory_space<vmem>>, vector<1x16xf32>,
        %parallel_loop3A_627 = vector.shape_cast %parallel_loop3A_626 : vector<1x16xf32> to vector<16xf32>
        %parallel_loop3A_628 = arith.constant 16 : i32
        %parallel_loop3A_629 = arith.muli %parallel_loop3A_70, %parallel_loop3A_628 : i32
        %parallel_loop3A_630 = arith.constant 13 : i32
        %parallel_loop3A_631 = arith.addi %parallel_loop3A_629, %parallel_loop3A_630 : i32
        %parallel_loop3A_632 = arith.index_cast %parallel_loop3A_631 : i32 to index
        %parallel_loop3A_633 = arith.constant 48 : index
        %parallel_loop3A_634 = tpu.vector_load %arg6[%parallel_loop3A_632, %parallel_loop3A_633] {strides = array<i32>} : memref<128x64xf32, #tpu.memory_space<vmem>>, vector<1x16xf32>,
        %parallel_loop3A_635 = vector.shape_cast %parallel_loop3A_634 : vector<1x16xf32> to vector<16xf32>
        %parallel_loop3A_636 = arith.constant 16 : i32
        %parallel_loop3A_637 = arith.muli %parallel_loop3A_70, %parallel_loop3A_636 : i32
        %parallel_loop3A_638 = arith.constant 14 : i32
        %parallel_loop3A_639 = arith.addi %parallel_loop3A_637, %parallel_loop3A_638 : i32
        %parallel_loop3A_640 = arith.index_cast %parallel_loop3A_639 : i32 to index
        %parallel_loop3A_641 = arith.constant 48 : index
        %parallel_loop3A_642 = tpu.vector_load %arg6[%parallel_loop3A_640, %parallel_loop3A_641] {strides = array<i32>} : memref<128x64xf32, #tpu.memory_space<vmem>>, vector<1x16xf32>,
        %parallel_loop3A_643 = vector.shape_cast %parallel_loop3A_642 : vector<1x16xf32> to vector<16xf32>
        %parallel_loop3A_644 = arith.constant 16 : i32
        %parallel_loop3A_645 = arith.muli %parallel_loop3A_70, %parallel_loop3A_644 : i32
        %parallel_loop3A_646 = arith.constant 15 : i32
        %parallel_loop3A_647 = arith.addi %parallel_loop3A_645, %parallel_loop3A_646 : i32
        %parallel_loop3A_648 = arith.index_cast %parallel_loop3A_647 : i32 to index
        %parallel_loop3A_649 = arith.constant 48 : index
        %parallel_loop3A_650 = tpu.vector_load %arg6[%parallel_loop3A_648, %parallel_loop3A_649] {strides = array<i32>} : memref<128x64xf32, #tpu.memory_space<vmem>>, vector<1x16xf32>,
        %parallel_loop3A_651 = vector.shape_cast %parallel_loop3A_650 : vector<1x16xf32> to vector<16xf32>
        %parallel_loop3A_652 = arith.maximumf %parallel_loop3A_531, %parallel_loop3A_539 : vector<16xf32>
        %parallel_loop3A_653 = arith.maximumf %parallel_loop3A_547, %parallel_loop3A_555 : vector<16xf32>
        %parallel_loop3A_654 = arith.maximumf %parallel_loop3A_563, %parallel_loop3A_571 : vector<16xf32>
        %parallel_loop3A_655 = arith.maximumf %parallel_loop3A_579, %parallel_loop3A_587 : vector<16xf32>
        %parallel_loop3A_656 = arith.maximumf %parallel_loop3A_595, %parallel_loop3A_603 : vector<16xf32>
        %parallel_loop3A_657 = arith.maximumf %parallel_loop3A_611, %parallel_loop3A_619 : vector<16xf32>
        %parallel_loop3A_658 = arith.maximumf %parallel_loop3A_627, %parallel_loop3A_635 : vector<16xf32>
        %parallel_loop3A_659 = arith.maximumf %parallel_loop3A_643, %parallel_loop3A_651 : vector<16xf32>
        %parallel_loop3A_660 = arith.maximumf %parallel_loop3A_652, %parallel_loop3A_653 : vector<16xf32>
        %parallel_loop3A_661 = arith.maximumf %parallel_loop3A_654, %parallel_loop3A_655 : vector<16xf32>
        %parallel_loop3A_662 = arith.maximumf %parallel_loop3A_656, %parallel_loop3A_657 : vector<16xf32>
        %parallel_loop3A_663 = arith.maximumf %parallel_loop3A_658, %parallel_loop3A_659 : vector<16xf32>
        %parallel_loop3A_664 = arith.maximumf %parallel_loop3A_660, %parallel_loop3A_661 : vector<16xf32>
        %parallel_loop3A_665 = arith.maximumf %parallel_loop3A_662, %parallel_loop3A_663 : vector<16xf32>
        %parallel_loop3A_666 = arith.maximumf %parallel_loop3A_664, %parallel_loop3A_665 : vector<16xf32>
        %parallel_loop3A_667 = arith.constant 8 : i32
        %parallel_loop3A_668 = arith.muli %mul3A_35, %parallel_loop3A_667 : i32
        %parallel_loop3A_669 = arith.addi %parallel_loop3A_668, %parallel_loop3A_70 : i32
        %parallel_loop3A_670 = arith.index_cast %parallel_loop3A_669 : i32 to index
        %parallel_loop3A_671 = arith.constant 48 : index
        %parallel_loop3A_672 = tpu.vector_load %arg8[%parallel_loop3A_670, %parallel_loop3A_671] {strides = array<i32>} : memref<512x64xf32, #tpu.memory_space<vmem>>, vector<1x16xf32>,
        %parallel_loop3A_673 = vector.shape_cast %parallel_loop3A_672 : vector<1x16xf32> to vector<16xf32>
        %parallel_loop3A_674 = vector.shape_cast %parallel_loop3A_666 : vector<16xf32> to vector<1x16xf32>
        tpu.vector_store %arg8[%parallel_loop3A_670, %parallel_loop3A_671], %parallel_loop3A_674 {strides = array<i32>} : memref<512x64xf32, #tpu.memory_space<vmem>>, vector<1x16xf32>,
      } {sc.loop_unroll_factor = 4 : i64, sc.parallel_access}
      %add3A_52 = arith.constant 2 : i32
      %add3A_53 = arith.addi %mul3A_35, %add3A_52 : i32
      %mul3A_54 = arith.constant 128 : i32
      %mul3A_55 = arith.muli %add3A_53, %mul3A_54 : i32
      %dma_start3A_56 = tpu.memref_slice %arg5[%mul3A_55] : memref<8192xi32, #tpu.memory_space<vmem>> -> memref<128xi32, #tpu.memory_space<vmem>>
      %dma_start3A_57 = arith.constant 0 : i32
      %dma_start3A_58 = arith.constant 0 : i32
      %dma_start3A_59 = tpu.memref_slice %arg2[%dma_start3A_57, %dma_start3A_58] : memref<16384x64xf32, #tpu.memory_space<hbm>> -> memref<16384x64xf32, #tpu.memory_space<hbm>>
      tpu.enqueue_indirect_dma source(%dma_start3A_59 : memref<16384x64xf32, #tpu.memory_space<hbm>>) target(%arg6 : memref<128x64xf32, #tpu.memory_space<vmem>>) offsets(%dma_start3A_56 : memref<128xi32, #tpu.memory_space<vmem>>) semaphore(%arg9 : memref<!tpu.dma_semaphore, #tpu.memory_space<semaphore_mem>>)
      %dma_wait3A_60 = arith.constant 0 : i32
      %dma_wait3A_61 = tpu.memref_slice %arg5[%dma_wait3A_60] : memref<8192xi32, #tpu.memory_space<vmem>> -> memref<128xi32, #tpu.memory_space<vmem>>
      %dma_wait3A_62 = arith.constant 0 : i32
      %dma_wait3A_63 = arith.constant 0 : i32
      %dma_wait3A_64 = tpu.memref_slice %arg2[%dma_wait3A_62, %dma_wait3A_63] : memref<16384x64xf32, #tpu.memory_space<hbm>> -> memref<16384x64xf32, #tpu.memory_space<hbm>>
      tpu.wait_indirect_dma semaphore(%arg10 : memref<!tpu.dma_semaphore, #tpu.memory_space<semaphore_mem>>) src(%dma_wait3A_64 : memref<16384x64xf32, #tpu.memory_space<hbm>>) dst(%arg7 : memref<128x64xf32, #tpu.memory_space<vmem>>)
      %add3A_65 = arith.constant 1 : i32
      %add3A_66 = arith.addi %mul3A_35, %add3A_65 : i32
      %parallel_loop3A_67 = arith.constant 0 : i32
      %parallel_loop3A_68 = arith.constant 8 : i32
      %parallel_loop3A_69 = arith.constant 1 : i32
      scf.for %parallel_loop3A_70 = %parallel_loop3A_67 to %parallel_loop3A_68 step %parallel_loop3A_69  : i32 {
        %parallel_loop3A_71 = arith.constant 16 : i32
        %parallel_loop3A_72 = arith.muli %parallel_loop3A_70, %parallel_loop3A_71 : i32
        %parallel_loop3A_73 = arith.constant 0 : i32
        %parallel_loop3A_74 = arith.addi %parallel_loop3A_72, %parallel_loop3A_73 : i32
        %parallel_loop3A_75 = arith.index_cast %parallel_loop3A_74 : i32 to index
        %parallel_loop3A_76 = arith.constant 0 : index
        %parallel_loop3A_77 = tpu.vector_load %arg7[%parallel_loop3A_75, %parallel_loop3A_76] {strides = array<i32>} : memref<128x64xf32, #tpu.memory_space<vmem>>, vector<1x16xf32>,
        %parallel_loop3A_78 = vector.shape_cast %parallel_loop3A_77 : vector<1x16xf32> to vector<16xf32>
        %parallel_loop3A_79 = arith.constant 16 : i32
        %parallel_loop3A_80 = arith.muli %parallel_loop3A_70, %parallel_loop3A_79 : i32
        %parallel_loop3A_81 = arith.constant 1 : i32
        %parallel_loop3A_82 = arith.addi %parallel_loop3A_80, %parallel_loop3A_81 : i32
        %parallel_loop3A_83 = arith.index_cast %parallel_loop3A_82 : i32 to index
        %parallel_loop3A_84 = arith.constant 0 : index
        %parallel_loop3A_85 = tpu.vector_load %arg7[%parallel_loop3A_83, %parallel_loop3A_84] {strides = array<i32>} : memref<128x64xf32, #tpu.memory_space<vmem>>, vector<1x16xf32>,
        %parallel_loop3A_86 = vector.shape_cast %parallel_loop3A_85 : vector<1x16xf32> to vector<16xf32>
        %parallel_loop3A_87 = arith.constant 16 : i32
        %parallel_loop3A_88 = arith.muli %parallel_loop3A_70, %parallel_loop3A_87 : i32
        %parallel_loop3A_89 = arith.constant 2 : i32
        %parallel_loop3A_90 = arith.addi %parallel_loop3A_88, %parallel_loop3A_89 : i32
        %parallel_loop3A_91 = arith.index_cast %parallel_loop3A_90 : i32 to index
        %parallel_loop3A_92 = arith.constant 0 : index
        %parallel_loop3A_93 = tpu.vector_load %arg7[%parallel_loop3A_91, %parallel_loop3A_92] {strides = array<i32>} : memref<128x64xf32, #tpu.memory_space<vmem>>, vector<1x16xf32>,
        %parallel_loop3A_94 = vector.shape_cast %parallel_loop3A_93 : vector<1x16xf32> to vector<16xf32>
        %parallel_loop3A_95 = arith.constant 16 : i32
        %parallel_loop3A_96 = arith.muli %parallel_loop3A_70, %parallel_loop3A_95 : i32
        %parallel_loop3A_97 = arith.constant 3 : i32
        %parallel_loop3A_98 = arith.addi %parallel_loop3A_96, %parallel_loop3A_97 : i32
        %parallel_loop3A_99 = arith.index_cast %parallel_loop3A_98 : i32 to index
        %parallel_loop3A_100 = arith.constant 0 : index
        %parallel_loop3A_101 = tpu.vector_load %arg7[%parallel_loop3A_99, %parallel_loop3A_100] {strides = array<i32>} : memref<128x64xf32, #tpu.memory_space<vmem>>, vector<1x16xf32>,
        %parallel_loop3A_102 = vector.shape_cast %parallel_loop3A_101 : vector<1x16xf32> to vector<16xf32>
        %parallel_loop3A_103 = arith.constant 16 : i32
        %parallel_loop3A_104 = arith.muli %parallel_loop3A_70, %parallel_loop3A_103 : i32
        %parallel_loop3A_105 = arith.constant 4 : i32
        %parallel_loop3A_106 = arith.addi %parallel_loop3A_104, %parallel_loop3A_105 : i32
        %parallel_loop3A_107 = arith.index_cast %parallel_loop3A_106 : i32 to index
        %parallel_loop3A_108 = arith.constant 0 : index
        %parallel_loop3A_109 = tpu.vector_load %arg7[%parallel_loop3A_107, %parallel_loop3A_108] {strides = array<i32>} : memref<128x64xf32, #tpu.memory_space<vmem>>, vector<1x16xf32>,
        %parallel_loop3A_110 = vector.shape_cast %parallel_loop3A_109 : vector<1x16xf32> to vector<16xf32>
        %parallel_loop3A_111 = arith.constant 16 : i32
        %parallel_loop3A_112 = arith.muli %parallel_loop3A_70, %parallel_loop3A_111 : i32
        %parallel_loop3A_113 = arith.constant 5 : i32
        %parallel_loop3A_114 = arith.addi %parallel_loop3A_112, %parallel_loop3A_113 : i32
        %parallel_loop3A_115 = arith.index_cast %parallel_loop3A_114 : i32 to index
        %parallel_loop3A_116 = arith.constant 0 : index
        %parallel_loop3A_117 = tpu.vector_load %arg7[%parallel_loop3A_115, %parallel_loop3A_116] {strides = array<i32>} : memref<128x64xf32, #tpu.memory_space<vmem>>, vector<1x16xf32>,
        %parallel_loop3A_118 = vector.shape_cast %parallel_loop3A_117 : vector<1x16xf32> to vector<16xf32>
        %parallel_loop3A_119 = arith.constant 16 : i32
        %parallel_loop3A_120 = arith.muli %parallel_loop3A_70, %parallel_loop3A_119 : i32
        %parallel_loop3A_121 = arith.constant 6 : i32
        %parallel_loop3A_122 = arith.addi %parallel_loop3A_120, %parallel_loop3A_121 : i32
        %parallel_loop3A_123 = arith.index_cast %parallel_loop3A_122 : i32 to index
        %parallel_loop3A_124 = arith.constant 0 : index
        %parallel_loop3A_125 = tpu.vector_load %arg7[%parallel_loop3A_123, %parallel_loop3A_124] {strides = array<i32>} : memref<128x64xf32, #tpu.memory_space<vmem>>, vector<1x16xf32>,
        %parallel_loop3A_126 = vector.shape_cast %parallel_loop3A_125 : vector<1x16xf32> to vector<16xf32>
        %parallel_loop3A_127 = arith.constant 16 : i32
        %parallel_loop3A_128 = arith.muli %parallel_loop3A_70, %parallel_loop3A_127 : i32
        %parallel_loop3A_129 = arith.constant 7 : i32
        %parallel_loop3A_130 = arith.addi %parallel_loop3A_128, %parallel_loop3A_129 : i32
        %parallel_loop3A_131 = arith.index_cast %parallel_loop3A_130 : i32 to index
        %parallel_loop3A_132 = arith.constant 0 : index
        %parallel_loop3A_133 = tpu.vector_load %arg7[%parallel_loop3A_131, %parallel_loop3A_132] {strides = array<i32>} : memref<128x64xf32, #tpu.memory_space<vmem>>, vector<1x16xf32>,
        %parallel_loop3A_134 = vector.shape_cast %parallel_loop3A_133 : vector<1x16xf32> to vector<16xf32>
        %parallel_loop3A_135 = arith.constant 16 : i32
        %parallel_loop3A_136 = arith.muli %parallel_loop3A_70, %parallel_loop3A_135 : i32
        %parallel_loop3A_137 = arith.constant 8 : i32
        %parallel_loop3A_138 = arith.addi %parallel_loop3A_136, %parallel_loop3A_137 : i32
        %parallel_loop3A_139 = arith.index_cast %parallel_loop3A_138 : i32 to index
        %parallel_loop3A_140 = arith.constant 0 : index
        %parallel_loop3A_141 = tpu.vector_load %arg7[%parallel_loop3A_139, %parallel_loop3A_140] {strides = array<i32>} : memref<128x64xf32, #tpu.memory_space<vmem>>, vector<1x16xf32>,
        %parallel_loop3A_142 = vector.shape_cast %parallel_loop3A_141 : vector<1x16xf32> to vector<16xf32>
        %parallel_loop3A_143 = arith.constant 16 : i32
        %parallel_loop3A_144 = arith.muli %parallel_loop3A_70, %parallel_loop3A_143 : i32
        %parallel_loop3A_145 = arith.constant 9 : i32
        %parallel_loop3A_146 = arith.addi %parallel_loop3A_144, %parallel_loop3A_145 : i32
        %parallel_loop3A_147 = arith.index_cast %parallel_loop3A_146 : i32 to index
        %parallel_loop3A_148 = arith.constant 0 : index
        %parallel_loop3A_149 = tpu.vector_load %arg7[%parallel_loop3A_147, %parallel_loop3A_148] {strides = array<i32>} : memref<128x64xf32, #tpu.memory_space<vmem>>, vector<1x16xf32>,
        %parallel_loop3A_150 = vector.shape_cast %parallel_loop3A_149 : vector<1x16xf32> to vector<16xf32>
        %parallel_loop3A_151 = arith.constant 16 : i32
        %parallel_loop3A_152 = arith.muli %parallel_loop3A_70, %parallel_loop3A_151 : i32
        %parallel_loop3A_153 = arith.constant 10 : i32
        %parallel_loop3A_154 = arith.addi %parallel_loop3A_152, %parallel_loop3A_153 : i32
        %parallel_loop3A_155 = arith.index_cast %parallel_loop3A_154 : i32 to index
        %parallel_loop3A_156 = arith.constant 0 : index
        %parallel_loop3A_157 = tpu.vector_load %arg7[%parallel_loop3A_155, %parallel_loop3A_156] {strides = array<i32>} : memref<128x64xf32, #tpu.memory_space<vmem>>, vector<1x16xf32>,
        %parallel_loop3A_158 = vector.shape_cast %parallel_loop3A_157 : vector<1x16xf32> to vector<16xf32>
        %parallel_loop3A_159 = arith.constant 16 : i32
        %parallel_loop3A_160 = arith.muli %parallel_loop3A_70, %parallel_loop3A_159 : i32
        %parallel_loop3A_161 = arith.constant 11 : i32
        %parallel_loop3A_162 = arith.addi %parallel_loop3A_160, %parallel_loop3A_161 : i32
        %parallel_loop3A_163 = arith.index_cast %parallel_loop3A_162 : i32 to index
        %parallel_loop3A_164 = arith.constant 0 : index
        %parallel_loop3A_165 = tpu.vector_load %arg7[%parallel_loop3A_163, %parallel_loop3A_164] {strides = array<i32>} : memref<128x64xf32, #tpu.memory_space<vmem>>, vector<1x16xf32>,
        %parallel_loop3A_166 = vector.shape_cast %parallel_loop3A_165 : vector<1x16xf32> to vector<16xf32>
        %parallel_loop3A_167 = arith.constant 16 : i32
        %parallel_loop3A_168 = arith.muli %parallel_loop3A_70, %parallel_loop3A_167 : i32
        %parallel_loop3A_169 = arith.constant 12 : i32
        %parallel_loop3A_170 = arith.addi %parallel_loop3A_168, %parallel_loop3A_169 : i32
        %parallel_loop3A_171 = arith.index_cast %parallel_loop3A_170 : i32 to index
        %parallel_loop3A_172 = arith.constant 0 : index
        %parallel_loop3A_173 = tpu.vector_load %arg7[%parallel_loop3A_171, %parallel_loop3A_172] {strides = array<i32>} : memref<128x64xf32, #tpu.memory_space<vmem>>, vector<1x16xf32>,
        %parallel_loop3A_174 = vector.shape_cast %parallel_loop3A_173 : vector<1x16xf32> to vector<16xf32>
        %parallel_loop3A_175 = arith.constant 16 : i32
        %parallel_loop3A_176 = arith.muli %parallel_loop3A_70, %parallel_loop3A_175 : i32
        %parallel_loop3A_177 = arith.constant 13 : i32
        %parallel_loop3A_178 = arith.addi %parallel_loop3A_176, %parallel_loop3A_177 : i32
        %parallel_loop3A_179 = arith.index_cast %parallel_loop3A_178 : i32 to index
        %parallel_loop3A_180 = arith.constant 0 : index
        %parallel_loop3A_181 = tpu.vector_load %arg7[%parallel_loop3A_179, %parallel_loop3A_180] {strides = array<i32>} : memref<128x64xf32, #tpu.memory_space<vmem>>, vector<1x16xf32>,
        %parallel_loop3A_182 = vector.shape_cast %parallel_loop3A_181 : vector<1x16xf32> to vector<16xf32>
        %parallel_loop3A_183 = arith.constant 16 : i32
        %parallel_loop3A_184 = arith.muli %parallel_loop3A_70, %parallel_loop3A_183 : i32
        %parallel_loop3A_185 = arith.constant 14 : i32
        %parallel_loop3A_186 = arith.addi %parallel_loop3A_184, %parallel_loop3A_185 : i32
        %parallel_loop3A_187 = arith.index_cast %parallel_loop3A_186 : i32 to index
        %parallel_loop3A_188 = arith.constant 0 : index
        %parallel_loop3A_189 = tpu.vector_load %arg7[%parallel_loop3A_187, %parallel_loop3A_188] {strides = array<i32>} : memref<128x64xf32, #tpu.memory_space<vmem>>, vector<1x16xf32>,
        %parallel_loop3A_190 = vector.shape_cast %parallel_loop3A_189 : vector<1x16xf32> to vector<16xf32>
        %parallel_loop3A_191 = arith.constant 16 : i32
        %parallel_loop3A_192 = arith.muli %parallel_loop3A_70, %parallel_loop3A_191 : i32
        %parallel_loop3A_193 = arith.constant 15 : i32
        %parallel_loop3A_194 = arith.addi %parallel_loop3A_192, %parallel_loop3A_193 : i32
        %parallel_loop3A_195 = arith.index_cast %parallel_loop3A_194 : i32 to index
        %parallel_loop3A_196 = arith.constant 0 : index
        %parallel_loop3A_197 = tpu.vector_load %arg7[%parallel_loop3A_195, %parallel_loop3A_196] {strides = array<i32>} : memref<128x64xf32, #tpu.memory_space<vmem>>, vector<1x16xf32>,
        %parallel_loop3A_198 = vector.shape_cast %parallel_loop3A_197 : vector<1x16xf32> to vector<16xf32>
        %parallel_loop3A_199 = arith.maximumf %parallel_loop3A_78, %parallel_loop3A_86 : vector<16xf32>
        %parallel_loop3A_200 = arith.maximumf %parallel_loop3A_94, %parallel_loop3A_102 : vector<16xf32>
        %parallel_loop3A_201 = arith.maximumf %parallel_loop3A_110, %parallel_loop3A_118 : vector<16xf32>
        %parallel_loop3A_202 = arith.maximumf %parallel_loop3A_126, %parallel_loop3A_134 : vector<16xf32>
        %parallel_loop3A_203 = arith.maximumf %parallel_loop3A_142, %parallel_loop3A_150 : vector<16xf32>
        %parallel_loop3A_204 = arith.maximumf %parallel_loop3A_158, %parallel_loop3A_166 : vector<16xf32>
        %parallel_loop3A_205 = arith.maximumf %parallel_loop3A_174, %parallel_loop3A_182 : vector<16xf32>
        %parallel_loop3A_206 = arith.maximumf %parallel_loop3A_190, %parallel_loop3A_198 : vector<16xf32>
        %parallel_loop3A_207 = arith.maximumf %parallel_loop3A_199, %parallel_loop3A_200 : vector<16xf32>
        %parallel_loop3A_208 = arith.maximumf %parallel_loop3A_201, %parallel_loop3A_202 : vector<16xf32>
        %parallel_loop3A_209 = arith.maximumf %parallel_loop3A_203, %parallel_loop3A_204 : vector<16xf32>
        %parallel_loop3A_210 = arith.maximumf %parallel_loop3A_205, %parallel_loop3A_206 : vector<16xf32>
        %parallel_loop3A_211 = arith.maximumf %parallel_loop3A_207, %parallel_loop3A_208 : vector<16xf32>
        %parallel_loop3A_212 = arith.maximumf %parallel_loop3A_209, %parallel_loop3A_210 : vector<16xf32>
        %parallel_loop3A_213 = arith.maximumf %parallel_loop3A_211, %parallel_loop3A_212 : vector<16xf32>
        %parallel_loop3A_214 = arith.constant 8 : i32
        %parallel_loop3A_215 = arith.muli %add3A_66, %parallel_loop3A_214 : i32
        %parallel_loop3A_216 = arith.addi %parallel_loop3A_215, %parallel_loop3A_70 : i32
        %parallel_loop3A_217 = arith.index_cast %parallel_loop3A_216 : i32 to index
        %parallel_loop3A_218 = arith.constant 0 : index
        %parallel_loop3A_219 = tpu.vector_load %arg8[%parallel_loop3A_217, %parallel_loop3A_218] {strides = array<i32>} : memref<512x64xf32, #tpu.memory_space<vmem>>, vector<1x16xf32>,
        %parallel_loop3A_220 = vector.shape_cast %parallel_loop3A_219 : vector<1x16xf32> to vector<16xf32>
        %parallel_loop3A_221 = vector.shape_cast %parallel_loop3A_213 : vector<16xf32> to vector<1x16xf32>
        tpu.vector_store %arg8[%parallel_loop3A_217, %parallel_loop3A_218], %parallel_loop3A_221 {strides = array<i32>} : memref<512x64xf32, #tpu.memory_space<vmem>>, vector<1x16xf32>,
        %parallel_loop3A_222 = arith.constant 16 : i32
        %parallel_loop3A_223 = arith.muli %parallel_loop3A_70, %parallel_loop3A_222 : i32
        %parallel_loop3A_224 = arith.constant 0 : i32
        %parallel_loop3A_225 = arith.addi %parallel_loop3A_223, %parallel_loop3A_224 : i32
        %parallel_loop3A_226 = arith.index_cast %parallel_loop3A_225 : i32 to index
        %parallel_loop3A_227 = arith.constant 16 : index
        %parallel_loop3A_228 = tpu.vector_load %arg7[%parallel_loop3A_226, %parallel_loop3A_227] {strides = array<i32>} : memref<128x64xf32, #tpu.memory_space<vmem>>, vector<1x16xf32>,
        %parallel_loop3A_229 = vector.shape_cast %parallel_loop3A_228 : vector<1x16xf32> to vector<16xf32>
        %parallel_loop3A_230 = arith.constant 16 : i32
        %parallel_loop3A_231 = arith.muli %parallel_loop3A_70, %parallel_loop3A_230 : i32
        %parallel_loop3A_232 = arith.constant 1 : i32
        %parallel_loop3A_233 = arith.addi %parallel_loop3A_231, %parallel_loop3A_232 : i32
        %parallel_loop3A_234 = arith.index_cast %parallel_loop3A_233 : i32 to index
        %parallel_loop3A_235 = arith.constant 16 : index
        %parallel_loop3A_236 = tpu.vector_load %arg7[%parallel_loop3A_234, %parallel_loop3A_235] {strides = array<i32>} : memref<128x64xf32, #tpu.memory_space<vmem>>, vector<1x16xf32>,
        %parallel_loop3A_237 = vector.shape_cast %parallel_loop3A_236 : vector<1x16xf32> to vector<16xf32>
        %parallel_loop3A_238 = arith.constant 16 : i32
        %parallel_loop3A_239 = arith.muli %parallel_loop3A_70, %parallel_loop3A_238 : i32
        %parallel_loop3A_240 = arith.constant 2 : i32
        %parallel_loop3A_241 = arith.addi %parallel_loop3A_239, %parallel_loop3A_240 : i32
        %parallel_loop3A_242 = arith.index_cast %parallel_loop3A_241 : i32 to index
        %parallel_loop3A_243 = arith.constant 16 : index
        %parallel_loop3A_244 = tpu.vector_load %arg7[%parallel_loop3A_242, %parallel_loop3A_243] {strides = array<i32>} : memref<128x64xf32, #tpu.memory_space<vmem>>, vector<1x16xf32>,
        %parallel_loop3A_245 = vector.shape_cast %parallel_loop3A_244 : vector<1x16xf32> to vector<16xf32>
        %parallel_loop3A_246 = arith.constant 16 : i32
        %parallel_loop3A_247 = arith.muli %parallel_loop3A_70, %parallel_loop3A_246 : i32
        %parallel_loop3A_248 = arith.constant 3 : i32
        %parallel_loop3A_249 = arith.addi %parallel_loop3A_247, %parallel_loop3A_248 : i32
        %parallel_loop3A_250 = arith.index_cast %parallel_loop3A_249 : i32 to index
        %parallel_loop3A_251 = arith.constant 16 : index
        %parallel_loop3A_252 = tpu.vector_load %arg7[%parallel_loop3A_250, %parallel_loop3A_251] {strides = array<i32>} : memref<128x64xf32, #tpu.memory_space<vmem>>, vector<1x16xf32>,
        %parallel_loop3A_253 = vector.shape_cast %parallel_loop3A_252 : vector<1x16xf32> to vector<16xf32>
        %parallel_loop3A_254 = arith.constant 16 : i32
        %parallel_loop3A_255 = arith.muli %parallel_loop3A_70, %parallel_loop3A_254 : i32
        %parallel_loop3A_256 = arith.constant 4 : i32
        %parallel_loop3A_257 = arith.addi %parallel_loop3A_255, %parallel_loop3A_256 : i32
        %parallel_loop3A_258 = arith.index_cast %parallel_loop3A_257 : i32 to index
        %parallel_loop3A_259 = arith.constant 16 : index
        %parallel_loop3A_260 = tpu.vector_load %arg7[%parallel_loop3A_258, %parallel_loop3A_259] {strides = array<i32>} : memref<128x64xf32, #tpu.memory_space<vmem>>, vector<1x16xf32>,
        %parallel_loop3A_261 = vector.shape_cast %parallel_loop3A_260 : vector<1x16xf32> to vector<16xf32>
        %parallel_loop3A_262 = arith.constant 16 : i32
        %parallel_loop3A_263 = arith.muli %parallel_loop3A_70, %parallel_loop3A_262 : i32
        %parallel_loop3A_264 = arith.constant 5 : i32
        %parallel_loop3A_265 = arith.addi %parallel_loop3A_263, %parallel_loop3A_264 : i32
        %parallel_loop3A_266 = arith.index_cast %parallel_loop3A_265 : i32 to index
        %parallel_loop3A_267 = arith.constant 16 : index
        %parallel_loop3A_268 = tpu.vector_load %arg7[%parallel_loop3A_266, %parallel_loop3A_267] {strides = array<i32>} : memref<128x64xf32, #tpu.memory_space<vmem>>, vector<1x16xf32>,
        %parallel_loop3A_269 = vector.shape_cast %parallel_loop3A_268 : vector<1x16xf32> to vector<16xf32>
        %parallel_loop3A_270 = arith.constant 16 : i32
        %parallel_loop3A_271 = arith.muli %parallel_loop3A_70, %parallel_loop3A_270 : i32
        %parallel_loop3A_272 = arith.constant 6 : i32
        %parallel_loop3A_273 = arith.addi %parallel_loop3A_271, %parallel_loop3A_272 : i32
        %parallel_loop3A_274 = arith.index_cast %parallel_loop3A_273 : i32 to index
        %parallel_loop3A_275 = arith.constant 16 : index
        %parallel_loop3A_276 = tpu.vector_load %arg7[%parallel_loop3A_274, %parallel_loop3A_275] {strides = array<i32>} : memref<128x64xf32, #tpu.memory_space<vmem>>, vector<1x16xf32>,
        %parallel_loop3A_277 = vector.shape_cast %parallel_loop3A_276 : vector<1x16xf32> to vector<16xf32>
        %parallel_loop3A_278 = arith.constant 16 : i32
        %parallel_loop3A_279 = arith.muli %parallel_loop3A_70, %parallel_loop3A_278 : i32
        %parallel_loop3A_280 = arith.constant 7 : i32
        %parallel_loop3A_281 = arith.addi %parallel_loop3A_279, %parallel_loop3A_280 : i32
        %parallel_loop3A_282 = arith.index_cast %parallel_loop3A_281 : i32 to index
        %parallel_loop3A_283 = arith.constant 16 : index
        %parallel_loop3A_284 = tpu.vector_load %arg7[%parallel_loop3A_282, %parallel_loop3A_283] {strides = array<i32>} : memref<128x64xf32, #tpu.memory_space<vmem>>, vector<1x16xf32>,
        %parallel_loop3A_285 = vector.shape_cast %parallel_loop3A_284 : vector<1x16xf32> to vector<16xf32>
        %parallel_loop3A_286 = arith.constant 16 : i32
        %parallel_loop3A_287 = arith.muli %parallel_loop3A_70, %parallel_loop3A_286 : i32
        %parallel_loop3A_288 = arith.constant 8 : i32
        %parallel_loop3A_289 = arith.addi %parallel_loop3A_287, %parallel_loop3A_288 : i32
        %parallel_loop3A_290 = arith.index_cast %parallel_loop3A_289 : i32 to index
        %parallel_loop3A_291 = arith.constant 16 : index
        %parallel_loop3A_292 = tpu.vector_load %arg7[%parallel_loop3A_290, %parallel_loop3A_291] {strides = array<i32>} : memref<128x64xf32, #tpu.memory_space<vmem>>, vector<1x16xf32>,
        %parallel_loop3A_293 = vector.shape_cast %parallel_loop3A_292 : vector<1x16xf32> to vector<16xf32>
        %parallel_loop3A_294 = arith.constant 16 : i32
        %parallel_loop3A_295 = arith.muli %parallel_loop3A_70, %parallel_loop3A_294 : i32
        %parallel_loop3A_296 = arith.constant 9 : i32
        %parallel_loop3A_297 = arith.addi %parallel_loop3A_295, %parallel_loop3A_296 : i32
        %parallel_loop3A_298 = arith.index_cast %parallel_loop3A_297 : i32 to index
        %parallel_loop3A_299 = arith.constant 16 : index
        %parallel_loop3A_300 = tpu.vector_load %arg7[%parallel_loop3A_298, %parallel_loop3A_299] {strides = array<i32>} : memref<128x64xf32, #tpu.memory_space<vmem>>, vector<1x16xf32>,
        %parallel_loop3A_301 = vector.shape_cast %parallel_loop3A_300 : vector<1x16xf32> to vector<16xf32>
        %parallel_loop3A_302 = arith.constant 16 : i32
        %parallel_loop3A_303 = arith.muli %parallel_loop3A_70, %parallel_loop3A_302 : i32
        %parallel_loop3A_304 = arith.constant 10 : i32
        %parallel_loop3A_305 = arith.addi %parallel_loop3A_303, %parallel_loop3A_304 : i32
        %parallel_loop3A_306 = arith.index_cast %parallel_loop3A_305 : i32 to index
        %parallel_loop3A_307 = arith.constant 16 : index
        %parallel_loop3A_308 = tpu.vector_load %arg7[%parallel_loop3A_306, %parallel_loop3A_307] {strides = array<i32>} : memref<128x64xf32, #tpu.memory_space<vmem>>, vector<1x16xf32>,
        %parallel_loop3A_309 = vector.shape_cast %parallel_loop3A_308 : vector<1x16xf32> to vector<16xf32>
        %parallel_loop3A_310 = arith.constant 16 : i32
        %parallel_loop3A_311 = arith.muli %parallel_loop3A_70, %parallel_loop3A_310 : i32
        %parallel_loop3A_312 = arith.constant 11 : i32
        %parallel_loop3A_313 = arith.addi %parallel_loop3A_311, %parallel_loop3A_312 : i32
        %parallel_loop3A_314 = arith.index_cast %parallel_loop3A_313 : i32 to index
        %parallel_loop3A_315 = arith.constant 16 : index
        %parallel_loop3A_316 = tpu.vector_load %arg7[%parallel_loop3A_314, %parallel_loop3A_315] {strides = array<i32>} : memref<128x64xf32, #tpu.memory_space<vmem>>, vector<1x16xf32>,
        %parallel_loop3A_317 = vector.shape_cast %parallel_loop3A_316 : vector<1x16xf32> to vector<16xf32>
        %parallel_loop3A_318 = arith.constant 16 : i32
        %parallel_loop3A_319 = arith.muli %parallel_loop3A_70, %parallel_loop3A_318 : i32
        %parallel_loop3A_320 = arith.constant 12 : i32
        %parallel_loop3A_321 = arith.addi %parallel_loop3A_319, %parallel_loop3A_320 : i32
        %parallel_loop3A_322 = arith.index_cast %parallel_loop3A_321 : i32 to index
        %parallel_loop3A_323 = arith.constant 16 : index
        %parallel_loop3A_324 = tpu.vector_load %arg7[%parallel_loop3A_322, %parallel_loop3A_323] {strides = array<i32>} : memref<128x64xf32, #tpu.memory_space<vmem>>, vector<1x16xf32>,
        %parallel_loop3A_325 = vector.shape_cast %parallel_loop3A_324 : vector<1x16xf32> to vector<16xf32>
        %parallel_loop3A_326 = arith.constant 16 : i32
        %parallel_loop3A_327 = arith.muli %parallel_loop3A_70, %parallel_loop3A_326 : i32
        %parallel_loop3A_328 = arith.constant 13 : i32
        %parallel_loop3A_329 = arith.addi %parallel_loop3A_327, %parallel_loop3A_328 : i32
        %parallel_loop3A_330 = arith.index_cast %parallel_loop3A_329 : i32 to index
        %parallel_loop3A_331 = arith.constant 16 : index
        %parallel_loop3A_332 = tpu.vector_load %arg7[%parallel_loop3A_330, %parallel_loop3A_331] {strides = array<i32>} : memref<128x64xf32, #tpu.memory_space<vmem>>, vector<1x16xf32>,
        %parallel_loop3A_333 = vector.shape_cast %parallel_loop3A_332 : vector<1x16xf32> to vector<16xf32>
        %parallel_loop3A_334 = arith.constant 16 : i32
        %parallel_loop3A_335 = arith.muli %parallel_loop3A_70, %parallel_loop3A_334 : i32
        %parallel_loop3A_336 = arith.constant 14 : i32
        %parallel_loop3A_337 = arith.addi %parallel_loop3A_335, %parallel_loop3A_336 : i32
        %parallel_loop3A_338 = arith.index_cast %parallel_loop3A_337 : i32 to index
        %parallel_loop3A_339 = arith.constant 16 : index
        %parallel_loop3A_340 = tpu.vector_load %arg7[%parallel_loop3A_338, %parallel_loop3A_339] {strides = array<i32>} : memref<128x64xf32, #tpu.memory_space<vmem>>, vector<1x16xf32>,
        %parallel_loop3A_341 = vector.shape_cast %parallel_loop3A_340 : vector<1x16xf32> to vector<16xf32>
        %parallel_loop3A_342 = arith.constant 16 : i32
        %parallel_loop3A_343 = arith.muli %parallel_loop3A_70, %parallel_loop3A_342 : i32
        %parallel_loop3A_344 = arith.constant 15 : i32
        %parallel_loop3A_345 = arith.addi %parallel_loop3A_343, %parallel_loop3A_344 : i32
        %parallel_loop3A_346 = arith.index_cast %parallel_loop3A_345 : i32 to index
        %parallel_loop3A_347 = arith.constant 16 : index
        %parallel_loop3A_348 = tpu.vector_load %arg7[%parallel_loop3A_346, %parallel_loop3A_347] {strides = array<i32>} : memref<128x64xf32, #tpu.memory_space<vmem>>, vector<1x16xf32>,
        %parallel_loop3A_349 = vector.shape_cast %parallel_loop3A_348 : vector<1x16xf32> to vector<16xf32>
        %parallel_loop3A_350 = arith.maximumf %parallel_loop3A_229, %parallel_loop3A_237 : vector<16xf32>
        %parallel_loop3A_351 = arith.maximumf %parallel_loop3A_245, %parallel_loop3A_253 : vector<16xf32>
        %parallel_loop3A_352 = arith.maximumf %parallel_loop3A_261, %parallel_loop3A_269 : vector<16xf32>
        %parallel_loop3A_353 = arith.maximumf %parallel_loop3A_277, %parallel_loop3A_285 : vector<16xf32>
        %parallel_loop3A_354 = arith.maximumf %parallel_loop3A_293, %parallel_loop3A_301 : vector<16xf32>
        %parallel_loop3A_355 = arith.maximumf %parallel_loop3A_309, %parallel_loop3A_317 : vector<16xf32>
        %parallel_loop3A_356 = arith.maximumf %parallel_loop3A_325, %parallel_loop3A_333 : vector<16xf32>
        %parallel_loop3A_357 = arith.maximumf %parallel_loop3A_341, %parallel_loop3A_349 : vector<16xf32>
        %parallel_loop3A_358 = arith.maximumf %parallel_loop3A_350, %parallel_loop3A_351 : vector<16xf32>
        %parallel_loop3A_359 = arith.maximumf %parallel_loop3A_352, %parallel_loop3A_353 : vector<16xf32>
        %parallel_loop3A_360 = arith.maximumf %parallel_loop3A_354, %parallel_loop3A_355 : vector<16xf32>
        %parallel_loop3A_361 = arith.maximumf %parallel_loop3A_356, %parallel_loop3A_357 : vector<16xf32>
        %parallel_loop3A_362 = arith.maximumf %parallel_loop3A_358, %parallel_loop3A_359 : vector<16xf32>
        %parallel_loop3A_363 = arith.maximumf %parallel_loop3A_360, %parallel_loop3A_361 : vector<16xf32>
        %parallel_loop3A_364 = arith.maximumf %parallel_loop3A_362, %parallel_loop3A_363 : vector<16xf32>
        %parallel_loop3A_365 = arith.constant 8 : i32
        %parallel_loop3A_366 = arith.muli %add3A_66, %parallel_loop3A_365 : i32
        %parallel_loop3A_367 = arith.addi %parallel_loop3A_366, %parallel_loop3A_70 : i32
        %parallel_loop3A_368 = arith.index_cast %parallel_loop3A_367 : i32 to index
        %parallel_loop3A_369 = arith.constant 16 : index
        %parallel_loop3A_370 = tpu.vector_load %arg8[%parallel_loop3A_368, %parallel_loop3A_369] {strides = array<i32>} : memref<512x64xf32, #tpu.memory_space<vmem>>, vector<1x16xf32>,
        %parallel_loop3A_371 = vector.shape_cast %parallel_loop3A_370 : vector<1x16xf32> to vector<16xf32>
        %parallel_loop3A_372 = vector.shape_cast %parallel_loop3A_364 : vector<16xf32> to vector<1x16xf32>
        tpu.vector_store %arg8[%parallel_loop3A_368, %parallel_loop3A_369], %parallel_loop3A_372 {strides = array<i32>} : memref<512x64xf32, #tpu.memory_space<vmem>>, vector<1x16xf32>,
        %parallel_loop3A_373 = arith.constant 16 : i32
        %parallel_loop3A_374 = arith.muli %parallel_loop3A_70, %parallel_loop3A_373 : i32
        %parallel_loop3A_375 = arith.constant 0 : i32
        %parallel_loop3A_376 = arith.addi %parallel_loop3A_374, %parallel_loop3A_375 : i32
        %parallel_loop3A_377 = arith.index_cast %parallel_loop3A_376 : i32 to index
        %parallel_loop3A_378 = arith.constant 32 : index
        %parallel_loop3A_379 = tpu.vector_load %arg7[%parallel_loop3A_377, %parallel_loop3A_378] {strides = array<i32>} : memref<128x64xf32, #tpu.memory_space<vmem>>, vector<1x16xf32>,
        %parallel_loop3A_380 = vector.shape_cast %parallel_loop3A_379 : vector<1x16xf32> to vector<16xf32>
        %parallel_loop3A_381 = arith.constant 16 : i32
        %parallel_loop3A_382 = arith.muli %parallel_loop3A_70, %parallel_loop3A_381 : i32
        %parallel_loop3A_383 = arith.constant 1 : i32
        %parallel_loop3A_384 = arith.addi %parallel_loop3A_382, %parallel_loop3A_383 : i32
        %parallel_loop3A_385 = arith.index_cast %parallel_loop3A_384 : i32 to index
        %parallel_loop3A_386 = arith.constant 32 : index
        %parallel_loop3A_387 = tpu.vector_load %arg7[%parallel_loop3A_385, %parallel_loop3A_386] {strides = array<i32>} : memref<128x64xf32, #tpu.memory_space<vmem>>, vector<1x16xf32>,
        %parallel_loop3A_388 = vector.shape_cast %parallel_loop3A_387 : vector<1x16xf32> to vector<16xf32>
        %parallel_loop3A_389 = arith.constant 16 : i32
        %parallel_loop3A_390 = arith.muli %parallel_loop3A_70, %parallel_loop3A_389 : i32
        %parallel_loop3A_391 = arith.constant 2 : i32
        %parallel_loop3A_392 = arith.addi %parallel_loop3A_390, %parallel_loop3A_391 : i32
        %parallel_loop3A_393 = arith.index_cast %parallel_loop3A_392 : i32 to index
        %parallel_loop3A_394 = arith.constant 32 : index
        %parallel_loop3A_395 = tpu.vector_load %arg7[%parallel_loop3A_393, %parallel_loop3A_394] {strides = array<i32>} : memref<128x64xf32, #tpu.memory_space<vmem>>, vector<1x16xf32>,
        %parallel_loop3A_396 = vector.shape_cast %parallel_loop3A_395 : vector<1x16xf32> to vector<16xf32>
        %parallel_loop3A_397 = arith.constant 16 : i32
        %parallel_loop3A_398 = arith.muli %parallel_loop3A_70, %parallel_loop3A_397 : i32
        %parallel_loop3A_399 = arith.constant 3 : i32
        %parallel_loop3A_400 = arith.addi %parallel_loop3A_398, %parallel_loop3A_399 : i32
        %parallel_loop3A_401 = arith.index_cast %parallel_loop3A_400 : i32 to index
        %parallel_loop3A_402 = arith.constant 32 : index
        %parallel_loop3A_403 = tpu.vector_load %arg7[%parallel_loop3A_401, %parallel_loop3A_402] {strides = array<i32>} : memref<128x64xf32, #tpu.memory_space<vmem>>, vector<1x16xf32>,
        %parallel_loop3A_404 = vector.shape_cast %parallel_loop3A_403 : vector<1x16xf32> to vector<16xf32>
        %parallel_loop3A_405 = arith.constant 16 : i32
        %parallel_loop3A_406 = arith.muli %parallel_loop3A_70, %parallel_loop3A_405 : i32
        %parallel_loop3A_407 = arith.constant 4 : i32
        %parallel_loop3A_408 = arith.addi %parallel_loop3A_406, %parallel_loop3A_407 : i32
        %parallel_loop3A_409 = arith.index_cast %parallel_loop3A_408 : i32 to index
        %parallel_loop3A_410 = arith.constant 32 : index
        %parallel_loop3A_411 = tpu.vector_load %arg7[%parallel_loop3A_409, %parallel_loop3A_410] {strides = array<i32>} : memref<128x64xf32, #tpu.memory_space<vmem>>, vector<1x16xf32>,
        %parallel_loop3A_412 = vector.shape_cast %parallel_loop3A_411 : vector<1x16xf32> to vector<16xf32>
        %parallel_loop3A_413 = arith.constant 16 : i32
        %parallel_loop3A_414 = arith.muli %parallel_loop3A_70, %parallel_loop3A_413 : i32
        %parallel_loop3A_415 = arith.constant 5 : i32
        %parallel_loop3A_416 = arith.addi %parallel_loop3A_414, %parallel_loop3A_415 : i32
        %parallel_loop3A_417 = arith.index_cast %parallel_loop3A_416 : i32 to index
        %parallel_loop3A_418 = arith.constant 32 : index
        %parallel_loop3A_419 = tpu.vector_load %arg7[%parallel_loop3A_417, %parallel_loop3A_418] {strides = array<i32>} : memref<128x64xf32, #tpu.memory_space<vmem>>, vector<1x16xf32>,
        %parallel_loop3A_420 = vector.shape_cast %parallel_loop3A_419 : vector<1x16xf32> to vector<16xf32>
        %parallel_loop3A_421 = arith.constant 16 : i32
        %parallel_loop3A_422 = arith.muli %parallel_loop3A_70, %parallel_loop3A_421 : i32
        %parallel_loop3A_423 = arith.constant 6 : i32
        %parallel_loop3A_424 = arith.addi %parallel_loop3A_422, %parallel_loop3A_423 : i32
        %parallel_loop3A_425 = arith.index_cast %parallel_loop3A_424 : i32 to index
        %parallel_loop3A_426 = arith.constant 32 : index
        %parallel_loop3A_427 = tpu.vector_load %arg7[%parallel_loop3A_425, %parallel_loop3A_426] {strides = array<i32>} : memref<128x64xf32, #tpu.memory_space<vmem>>, vector<1x16xf32>,
        %parallel_loop3A_428 = vector.shape_cast %parallel_loop3A_427 : vector<1x16xf32> to vector<16xf32>
        %parallel_loop3A_429 = arith.constant 16 : i32
        %parallel_loop3A_430 = arith.muli %parallel_loop3A_70, %parallel_loop3A_429 : i32
        %parallel_loop3A_431 = arith.constant 7 : i32
        %parallel_loop3A_432 = arith.addi %parallel_loop3A_430, %parallel_loop3A_431 : i32
        %parallel_loop3A_433 = arith.index_cast %parallel_loop3A_432 : i32 to index
        %parallel_loop3A_434 = arith.constant 32 : index
        %parallel_loop3A_435 = tpu.vector_load %arg7[%parallel_loop3A_433, %parallel_loop3A_434] {strides = array<i32>} : memref<128x64xf32, #tpu.memory_space<vmem>>, vector<1x16xf32>,
        %parallel_loop3A_436 = vector.shape_cast %parallel_loop3A_435 : vector<1x16xf32> to vector<16xf32>
        %parallel_loop3A_437 = arith.constant 16 : i32
        %parallel_loop3A_438 = arith.muli %parallel_loop3A_70, %parallel_loop3A_437 : i32
        %parallel_loop3A_439 = arith.constant 8 : i32
        %parallel_loop3A_440 = arith.addi %parallel_loop3A_438, %parallel_loop3A_439 : i32
        %parallel_loop3A_441 = arith.index_cast %parallel_loop3A_440 : i32 to index
        %parallel_loop3A_442 = arith.constant 32 : index
        %parallel_loop3A_443 = tpu.vector_load %arg7[%parallel_loop3A_441, %parallel_loop3A_442] {strides = array<i32>} : memref<128x64xf32, #tpu.memory_space<vmem>>, vector<1x16xf32>,
        %parallel_loop3A_444 = vector.shape_cast %parallel_loop3A_443 : vector<1x16xf32> to vector<16xf32>
        %parallel_loop3A_445 = arith.constant 16 : i32
        %parallel_loop3A_446 = arith.muli %parallel_loop3A_70, %parallel_loop3A_445 : i32
        %parallel_loop3A_447 = arith.constant 9 : i32
        %parallel_loop3A_448 = arith.addi %parallel_loop3A_446, %parallel_loop3A_447 : i32
        %parallel_loop3A_449 = arith.index_cast %parallel_loop3A_448 : i32 to index
        %parallel_loop3A_450 = arith.constant 32 : index
        %parallel_loop3A_451 = tpu.vector_load %arg7[%parallel_loop3A_449, %parallel_loop3A_450] {strides = array<i32>} : memref<128x64xf32, #tpu.memory_space<vmem>>, vector<1x16xf32>,
        %parallel_loop3A_452 = vector.shape_cast %parallel_loop3A_451 : vector<1x16xf32> to vector<16xf32>
        %parallel_loop3A_453 = arith.constant 16 : i32
        %parallel_loop3A_454 = arith.muli %parallel_loop3A_70, %parallel_loop3A_453 : i32
        %parallel_loop3A_455 = arith.constant 10 : i32
        %parallel_loop3A_456 = arith.addi %parallel_loop3A_454, %parallel_loop3A_455 : i32
        %parallel_loop3A_457 = arith.index_cast %parallel_loop3A_456 : i32 to index
        %parallel_loop3A_458 = arith.constant 32 : index
        %parallel_loop3A_459 = tpu.vector_load %arg7[%parallel_loop3A_457, %parallel_loop3A_458] {strides = array<i32>} : memref<128x64xf32, #tpu.memory_space<vmem>>, vector<1x16xf32>,
        %parallel_loop3A_460 = vector.shape_cast %parallel_loop3A_459 : vector<1x16xf32> to vector<16xf32>
        %parallel_loop3A_461 = arith.constant 16 : i32
        %parallel_loop3A_462 = arith.muli %parallel_loop3A_70, %parallel_loop3A_461 : i32
        %parallel_loop3A_463 = arith.constant 11 : i32
        %parallel_loop3A_464 = arith.addi %parallel_loop3A_462, %parallel_loop3A_463 : i32
        %parallel_loop3A_465 = arith.index_cast %parallel_loop3A_464 : i32 to index
        %parallel_loop3A_466 = arith.constant 32 : index
        %parallel_loop3A_467 = tpu.vector_load %arg7[%parallel_loop3A_465, %parallel_loop3A_466] {strides = array<i32>} : memref<128x64xf32, #tpu.memory_space<vmem>>, vector<1x16xf32>,
        %parallel_loop3A_468 = vector.shape_cast %parallel_loop3A_467 : vector<1x16xf32> to vector<16xf32>
        %parallel_loop3A_469 = arith.constant 16 : i32
        %parallel_loop3A_470 = arith.muli %parallel_loop3A_70, %parallel_loop3A_469 : i32
        %parallel_loop3A_471 = arith.constant 12 : i32
        %parallel_loop3A_472 = arith.addi %parallel_loop3A_470, %parallel_loop3A_471 : i32
        %parallel_loop3A_473 = arith.index_cast %parallel_loop3A_472 : i32 to index
        %parallel_loop3A_474 = arith.constant 32 : index
        %parallel_loop3A_475 = tpu.vector_load %arg7[%parallel_loop3A_473, %parallel_loop3A_474] {strides = array<i32>} : memref<128x64xf32, #tpu.memory_space<vmem>>, vector<1x16xf32>,
        %parallel_loop3A_476 = vector.shape_cast %parallel_loop3A_475 : vector<1x16xf32> to vector<16xf32>
        %parallel_loop3A_477 = arith.constant 16 : i32
        %parallel_loop3A_478 = arith.muli %parallel_loop3A_70, %parallel_loop3A_477 : i32
        %parallel_loop3A_479 = arith.constant 13 : i32
        %parallel_loop3A_480 = arith.addi %parallel_loop3A_478, %parallel_loop3A_479 : i32
        %parallel_loop3A_481 = arith.index_cast %parallel_loop3A_480 : i32 to index
        %parallel_loop3A_482 = arith.constant 32 : index
        %parallel_loop3A_483 = tpu.vector_load %arg7[%parallel_loop3A_481, %parallel_loop3A_482] {strides = array<i32>} : memref<128x64xf32, #tpu.memory_space<vmem>>, vector<1x16xf32>,
        %parallel_loop3A_484 = vector.shape_cast %parallel_loop3A_483 : vector<1x16xf32> to vector<16xf32>
        %parallel_loop3A_485 = arith.constant 16 : i32
        %parallel_loop3A_486 = arith.muli %parallel_loop3A_70, %parallel_loop3A_485 : i32
        %parallel_loop3A_487 = arith.constant 14 : i32
        %parallel_loop3A_488 = arith.addi %parallel_loop3A_486, %parallel_loop3A_487 : i32
        %parallel_loop3A_489 = arith.index_cast %parallel_loop3A_488 : i32 to index
        %parallel_loop3A_490 = arith.constant 32 : index
        %parallel_loop3A_491 = tpu.vector_load %arg7[%parallel_loop3A_489, %parallel_loop3A_490] {strides = array<i32>} : memref<128x64xf32, #tpu.memory_space<vmem>>, vector<1x16xf32>,
        %parallel_loop3A_492 = vector.shape_cast %parallel_loop3A_491 : vector<1x16xf32> to vector<16xf32>
        %parallel_loop3A_493 = arith.constant 16 : i32
        %parallel_loop3A_494 = arith.muli %parallel_loop3A_70, %parallel_loop3A_493 : i32
        %parallel_loop3A_495 = arith.constant 15 : i32
        %parallel_loop3A_496 = arith.addi %parallel_loop3A_494, %parallel_loop3A_495 : i32
        %parallel_loop3A_497 = arith.index_cast %parallel_loop3A_496 : i32 to index
        %parallel_loop3A_498 = arith.constant 32 : index
        %parallel_loop3A_499 = tpu.vector_load %arg7[%parallel_loop3A_497, %parallel_loop3A_498] {strides = array<i32>} : memref<128x64xf32, #tpu.memory_space<vmem>>, vector<1x16xf32>,
        %parallel_loop3A_500 = vector.shape_cast %parallel_loop3A_499 : vector<1x16xf32> to vector<16xf32>
        %parallel_loop3A_501 = arith.maximumf %parallel_loop3A_380, %parallel_loop3A_388 : vector<16xf32>
        %parallel_loop3A_502 = arith.maximumf %parallel_loop3A_396, %parallel_loop3A_404 : vector<16xf32>
        %parallel_loop3A_503 = arith.maximumf %parallel_loop3A_412, %parallel_loop3A_420 : vector<16xf32>
        %parallel_loop3A_504 = arith.maximumf %parallel_loop3A_428, %parallel_loop3A_436 : vector<16xf32>
        %parallel_loop3A_505 = arith.maximumf %parallel_loop3A_444, %parallel_loop3A_452 : vector<16xf32>
        %parallel_loop3A_506 = arith.maximumf %parallel_loop3A_460, %parallel_loop3A_468 : vector<16xf32>
        %parallel_loop3A_507 = arith.maximumf %parallel_loop3A_476, %parallel_loop3A_484 : vector<16xf32>
        %parallel_loop3A_508 = arith.maximumf %parallel_loop3A_492, %parallel_loop3A_500 : vector<16xf32>
        %parallel_loop3A_509 = arith.maximumf %parallel_loop3A_501, %parallel_loop3A_502 : vector<16xf32>
        %parallel_loop3A_510 = arith.maximumf %parallel_loop3A_503, %parallel_loop3A_504 : vector<16xf32>
        %parallel_loop3A_511 = arith.maximumf %parallel_loop3A_505, %parallel_loop3A_506 : vector<16xf32>
        %parallel_loop3A_512 = arith.maximumf %parallel_loop3A_507, %parallel_loop3A_508 : vector<16xf32>
        %parallel_loop3A_513 = arith.maximumf %parallel_loop3A_509, %parallel_loop3A_510 : vector<16xf32>
        %parallel_loop3A_514 = arith.maximumf %parallel_loop3A_511, %parallel_loop3A_512 : vector<16xf32>
        %parallel_loop3A_515 = arith.maximumf %parallel_loop3A_513, %parallel_loop3A_514 : vector<16xf32>
        %parallel_loop3A_516 = arith.constant 8 : i32
        %parallel_loop3A_517 = arith.muli %add3A_66, %parallel_loop3A_516 : i32
        %parallel_loop3A_518 = arith.addi %parallel_loop3A_517, %parallel_loop3A_70 : i32
        %parallel_loop3A_519 = arith.index_cast %parallel_loop3A_518 : i32 to index
        %parallel_loop3A_520 = arith.constant 32 : index
        %parallel_loop3A_521 = tpu.vector_load %arg8[%parallel_loop3A_519, %parallel_loop3A_520] {strides = array<i32>} : memref<512x64xf32, #tpu.memory_space<vmem>>, vector<1x16xf32>,
        %parallel_loop3A_522 = vector.shape_cast %parallel_loop3A_521 : vector<1x16xf32> to vector<16xf32>
        %parallel_loop3A_523 = vector.shape_cast %parallel_loop3A_515 : vector<16xf32> to vector<1x16xf32>
        tpu.vector_store %arg8[%parallel_loop3A_519, %parallel_loop3A_520], %parallel_loop3A_523 {strides = array<i32>} : memref<512x64xf32, #tpu.memory_space<vmem>>, vector<1x16xf32>,
        %parallel_loop3A_524 = arith.constant 16 : i32
        %parallel_loop3A_525 = arith.muli %parallel_loop3A_70, %parallel_loop3A_524 : i32
        %parallel_loop3A_526 = arith.constant 0 : i32
        %parallel_loop3A_527 = arith.addi %parallel_loop3A_525, %parallel_loop3A_526 : i32
        %parallel_loop3A_528 = arith.index_cast %parallel_loop3A_527 : i32 to index
        %parallel_loop3A_529 = arith.constant 48 : index
        %parallel_loop3A_530 = tpu.vector_load %arg7[%parallel_loop3A_528, %parallel_loop3A_529] {strides = array<i32>} : memref<128x64xf32, #tpu.memory_space<vmem>>, vector<1x16xf32>,
        %parallel_loop3A_531 = vector.shape_cast %parallel_loop3A_530 : vector<1x16xf32> to vector<16xf32>
        %parallel_loop3A_532 = arith.constant 16 : i32
        %parallel_loop3A_533 = arith.muli %parallel_loop3A_70, %parallel_loop3A_532 : i32
        %parallel_loop3A_534 = arith.constant 1 : i32
        %parallel_loop3A_535 = arith.addi %parallel_loop3A_533, %parallel_loop3A_534 : i32
        %parallel_loop3A_536 = arith.index_cast %parallel_loop3A_535 : i32 to index
        %parallel_loop3A_537 = arith.constant 48 : index
        %parallel_loop3A_538 = tpu.vector_load %arg7[%parallel_loop3A_536, %parallel_loop3A_537] {strides = array<i32>} : memref<128x64xf32, #tpu.memory_space<vmem>>, vector<1x16xf32>,
        %parallel_loop3A_539 = vector.shape_cast %parallel_loop3A_538 : vector<1x16xf32> to vector<16xf32>
        %parallel_loop3A_540 = arith.constant 16 : i32
        %parallel_loop3A_541 = arith.muli %parallel_loop3A_70, %parallel_loop3A_540 : i32
        %parallel_loop3A_542 = arith.constant 2 : i32
        %parallel_loop3A_543 = arith.addi %parallel_loop3A_541, %parallel_loop3A_542 : i32
        %parallel_loop3A_544 = arith.index_cast %parallel_loop3A_543 : i32 to index
        %parallel_loop3A_545 = arith.constant 48 : index
        %parallel_loop3A_546 = tpu.vector_load %arg7[%parallel_loop3A_544, %parallel_loop3A_545] {strides = array<i32>} : memref<128x64xf32, #tpu.memory_space<vmem>>, vector<1x16xf32>,
        %parallel_loop3A_547 = vector.shape_cast %parallel_loop3A_546 : vector<1x16xf32> to vector<16xf32>
        %parallel_loop3A_548 = arith.constant 16 : i32
        %parallel_loop3A_549 = arith.muli %parallel_loop3A_70, %parallel_loop3A_548 : i32
        %parallel_loop3A_550 = arith.constant 3 : i32
        %parallel_loop3A_551 = arith.addi %parallel_loop3A_549, %parallel_loop3A_550 : i32
        %parallel_loop3A_552 = arith.index_cast %parallel_loop3A_551 : i32 to index
        %parallel_loop3A_553 = arith.constant 48 : index
        %parallel_loop3A_554 = tpu.vector_load %arg7[%parallel_loop3A_552, %parallel_loop3A_553] {strides = array<i32>} : memref<128x64xf32, #tpu.memory_space<vmem>>, vector<1x16xf32>,
        %parallel_loop3A_555 = vector.shape_cast %parallel_loop3A_554 : vector<1x16xf32> to vector<16xf32>
        %parallel_loop3A_556 = arith.constant 16 : i32
        %parallel_loop3A_557 = arith.muli %parallel_loop3A_70, %parallel_loop3A_556 : i32
        %parallel_loop3A_558 = arith.constant 4 : i32
        %parallel_loop3A_559 = arith.addi %parallel_loop3A_557, %parallel_loop3A_558 : i32
        %parallel_loop3A_560 = arith.index_cast %parallel_loop3A_559 : i32 to index
        %parallel_loop3A_561 = arith.constant 48 : index
        %parallel_loop3A_562 = tpu.vector_load %arg7[%parallel_loop3A_560, %parallel_loop3A_561] {strides = array<i32>} : memref<128x64xf32, #tpu.memory_space<vmem>>, vector<1x16xf32>,
        %parallel_loop3A_563 = vector.shape_cast %parallel_loop3A_562 : vector<1x16xf32> to vector<16xf32>
        %parallel_loop3A_564 = arith.constant 16 : i32
        %parallel_loop3A_565 = arith.muli %parallel_loop3A_70, %parallel_loop3A_564 : i32
        %parallel_loop3A_566 = arith.constant 5 : i32
        %parallel_loop3A_567 = arith.addi %parallel_loop3A_565, %parallel_loop3A_566 : i32
        %parallel_loop3A_568 = arith.index_cast %parallel_loop3A_567 : i32 to index
        %parallel_loop3A_569 = arith.constant 48 : index
        %parallel_loop3A_570 = tpu.vector_load %arg7[%parallel_loop3A_568, %parallel_loop3A_569] {strides = array<i32>} : memref<128x64xf32, #tpu.memory_space<vmem>>, vector<1x16xf32>,
        %parallel_loop3A_571 = vector.shape_cast %parallel_loop3A_570 : vector<1x16xf32> to vector<16xf32>
        %parallel_loop3A_572 = arith.constant 16 : i32
        %parallel_loop3A_573 = arith.muli %parallel_loop3A_70, %parallel_loop3A_572 : i32
        %parallel_loop3A_574 = arith.constant 6 : i32
        %parallel_loop3A_575 = arith.addi %parallel_loop3A_573, %parallel_loop3A_574 : i32
        %parallel_loop3A_576 = arith.index_cast %parallel_loop3A_575 : i32 to index
        %parallel_loop3A_577 = arith.constant 48 : index
        %parallel_loop3A_578 = tpu.vector_load %arg7[%parallel_loop3A_576, %parallel_loop3A_577] {strides = array<i32>} : memref<128x64xf32, #tpu.memory_space<vmem>>, vector<1x16xf32>,
        %parallel_loop3A_579 = vector.shape_cast %parallel_loop3A_578 : vector<1x16xf32> to vector<16xf32>
        %parallel_loop3A_580 = arith.constant 16 : i32
        %parallel_loop3A_581 = arith.muli %parallel_loop3A_70, %parallel_loop3A_580 : i32
        %parallel_loop3A_582 = arith.constant 7 : i32
        %parallel_loop3A_583 = arith.addi %parallel_loop3A_581, %parallel_loop3A_582 : i32
        %parallel_loop3A_584 = arith.index_cast %parallel_loop3A_583 : i32 to index
        %parallel_loop3A_585 = arith.constant 48 : index
        %parallel_loop3A_586 = tpu.vector_load %arg7[%parallel_loop3A_584, %parallel_loop3A_585] {strides = array<i32>} : memref<128x64xf32, #tpu.memory_space<vmem>>, vector<1x16xf32>,
        %parallel_loop3A_587 = vector.shape_cast %parallel_loop3A_586 : vector<1x16xf32> to vector<16xf32>
        %parallel_loop3A_588 = arith.constant 16 : i32
        %parallel_loop3A_589 = arith.muli %parallel_loop3A_70, %parallel_loop3A_588 : i32
        %parallel_loop3A_590 = arith.constant 8 : i32
        %parallel_loop3A_591 = arith.addi %parallel_loop3A_589, %parallel_loop3A_590 : i32
        %parallel_loop3A_592 = arith.index_cast %parallel_loop3A_591 : i32 to index
        %parallel_loop3A_593 = arith.constant 48 : index
        %parallel_loop3A_594 = tpu.vector_load %arg7[%parallel_loop3A_592, %parallel_loop3A_593] {strides = array<i32>} : memref<128x64xf32, #tpu.memory_space<vmem>>, vector<1x16xf32>,
        %parallel_loop3A_595 = vector.shape_cast %parallel_loop3A_594 : vector<1x16xf32> to vector<16xf32>
        %parallel_loop3A_596 = arith.constant 16 : i32
        %parallel_loop3A_597 = arith.muli %parallel_loop3A_70, %parallel_loop3A_596 : i32
        %parallel_loop3A_598 = arith.constant 9 : i32
        %parallel_loop3A_599 = arith.addi %parallel_loop3A_597, %parallel_loop3A_598 : i32
        %parallel_loop3A_600 = arith.index_cast %parallel_loop3A_599 : i32 to index
        %parallel_loop3A_601 = arith.constant 48 : index
        %parallel_loop3A_602 = tpu.vector_load %arg7[%parallel_loop3A_600, %parallel_loop3A_601] {strides = array<i32>} : memref<128x64xf32, #tpu.memory_space<vmem>>, vector<1x16xf32>,
        %parallel_loop3A_603 = vector.shape_cast %parallel_loop3A_602 : vector<1x16xf32> to vector<16xf32>
        %parallel_loop3A_604 = arith.constant 16 : i32
        %parallel_loop3A_605 = arith.muli %parallel_loop3A_70, %parallel_loop3A_604 : i32
        %parallel_loop3A_606 = arith.constant 10 : i32
        %parallel_loop3A_607 = arith.addi %parallel_loop3A_605, %parallel_loop3A_606 : i32
        %parallel_loop3A_608 = arith.index_cast %parallel_loop3A_607 : i32 to index
        %parallel_loop3A_609 = arith.constant 48 : index
        %parallel_loop3A_610 = tpu.vector_load %arg7[%parallel_loop3A_608, %parallel_loop3A_609] {strides = array<i32>} : memref<128x64xf32, #tpu.memory_space<vmem>>, vector<1x16xf32>,
        %parallel_loop3A_611 = vector.shape_cast %parallel_loop3A_610 : vector<1x16xf32> to vector<16xf32>
        %parallel_loop3A_612 = arith.constant 16 : i32
        %parallel_loop3A_613 = arith.muli %parallel_loop3A_70, %parallel_loop3A_612 : i32
        %parallel_loop3A_614 = arith.constant 11 : i32
        %parallel_loop3A_615 = arith.addi %parallel_loop3A_613, %parallel_loop3A_614 : i32
        %parallel_loop3A_616 = arith.index_cast %parallel_loop3A_615 : i32 to index
        %parallel_loop3A_617 = arith.constant 48 : index
        %parallel_loop3A_618 = tpu.vector_load %arg7[%parallel_loop3A_616, %parallel_loop3A_617] {strides = array<i32>} : memref<128x64xf32, #tpu.memory_space<vmem>>, vector<1x16xf32>,
        %parallel_loop3A_619 = vector.shape_cast %parallel_loop3A_618 : vector<1x16xf32> to vector<16xf32>
        %parallel_loop3A_620 = arith.constant 16 : i32
        %parallel_loop3A_621 = arith.muli %parallel_loop3A_70, %parallel_loop3A_620 : i32
        %parallel_loop3A_622 = arith.constant 12 : i32
        %parallel_loop3A_623 = arith.addi %parallel_loop3A_621, %parallel_loop3A_622 : i32
        %parallel_loop3A_624 = arith.index_cast %parallel_loop3A_623 : i32 to index
        %parallel_loop3A_625 = arith.constant 48 : index
        %parallel_loop3A_626 = tpu.vector_load %arg7[%parallel_loop3A_624, %parallel_loop3A_625] {strides = array<i32>} : memref<128x64xf32, #tpu.memory_space<vmem>>, vector<1x16xf32>,
        %parallel_loop3A_627 = vector.shape_cast %parallel_loop3A_626 : vector<1x16xf32> to vector<16xf32>
        %parallel_loop3A_628 = arith.constant 16 : i32
        %parallel_loop3A_629 = arith.muli %parallel_loop3A_70, %parallel_loop3A_628 : i32
        %parallel_loop3A_630 = arith.constant 13 : i32
        %parallel_loop3A_631 = arith.addi %parallel_loop3A_629, %parallel_loop3A_630 : i32
        %parallel_loop3A_632 = arith.index_cast %parallel_loop3A_631 : i32 to index
        %parallel_loop3A_633 = arith.constant 48 : index
        %parallel_loop3A_634 = tpu.vector_load %arg7[%parallel_loop3A_632, %parallel_loop3A_633] {strides = array<i32>} : memref<128x64xf32, #tpu.memory_space<vmem>>, vector<1x16xf32>,
        %parallel_loop3A_635 = vector.shape_cast %parallel_loop3A_634 : vector<1x16xf32> to vector<16xf32>
        %parallel_loop3A_636 = arith.constant 16 : i32
        %parallel_loop3A_637 = arith.muli %parallel_loop3A_70, %parallel_loop3A_636 : i32
        %parallel_loop3A_638 = arith.constant 14 : i32
        %parallel_loop3A_639 = arith.addi %parallel_loop3A_637, %parallel_loop3A_638 : i32
        %parallel_loop3A_640 = arith.index_cast %parallel_loop3A_639 : i32 to index
        %parallel_loop3A_641 = arith.constant 48 : index
        %parallel_loop3A_642 = tpu.vector_load %arg7[%parallel_loop3A_640, %parallel_loop3A_641] {strides = array<i32>} : memref<128x64xf32, #tpu.memory_space<vmem>>, vector<1x16xf32>,
        %parallel_loop3A_643 = vector.shape_cast %parallel_loop3A_642 : vector<1x16xf32> to vector<16xf32>
        %parallel_loop3A_644 = arith.constant 16 : i32
        %parallel_loop3A_645 = arith.muli %parallel_loop3A_70, %parallel_loop3A_644 : i32
        %parallel_loop3A_646 = arith.constant 15 : i32
        %parallel_loop3A_647 = arith.addi %parallel_loop3A_645, %parallel_loop3A_646 : i32
        %parallel_loop3A_648 = arith.index_cast %parallel_loop3A_647 : i32 to index
        %parallel_loop3A_649 = arith.constant 48 : index
        %parallel_loop3A_650 = tpu.vector_load %arg7[%parallel_loop3A_648, %parallel_loop3A_649] {strides = array<i32>} : memref<128x64xf32, #tpu.memory_space<vmem>>, vector<1x16xf32>,
        %parallel_loop3A_651 = vector.shape_cast %parallel_loop3A_650 : vector<1x16xf32> to vector<16xf32>
        %parallel_loop3A_652 = arith.maximumf %parallel_loop3A_531, %parallel_loop3A_539 : vector<16xf32>
        %parallel_loop3A_653 = arith.maximumf %parallel_loop3A_547, %parallel_loop3A_555 : vector<16xf32>
        %parallel_loop3A_654 = arith.maximumf %parallel_loop3A_563, %parallel_loop3A_571 : vector<16xf32>
        %parallel_loop3A_655 = arith.maximumf %parallel_loop3A_579, %parallel_loop3A_587 : vector<16xf32>
        %parallel_loop3A_656 = arith.maximumf %parallel_loop3A_595, %parallel_loop3A_603 : vector<16xf32>
        %parallel_loop3A_657 = arith.maximumf %parallel_loop3A_611, %parallel_loop3A_619 : vector<16xf32>
        %parallel_loop3A_658 = arith.maximumf %parallel_loop3A_627, %parallel_loop3A_635 : vector<16xf32>
        %parallel_loop3A_659 = arith.maximumf %parallel_loop3A_643, %parallel_loop3A_651 : vector<16xf32>
        %parallel_loop3A_660 = arith.maximumf %parallel_loop3A_652, %parallel_loop3A_653 : vector<16xf32>
        %parallel_loop3A_661 = arith.maximumf %parallel_loop3A_654, %parallel_loop3A_655 : vector<16xf32>
        %parallel_loop3A_662 = arith.maximumf %parallel_loop3A_656, %parallel_loop3A_657 : vector<16xf32>
        %parallel_loop3A_663 = arith.maximumf %parallel_loop3A_658, %parallel_loop3A_659 : vector<16xf32>
        %parallel_loop3A_664 = arith.maximumf %parallel_loop3A_660, %parallel_loop3A_661 : vector<16xf32>
        %parallel_loop3A_665 = arith.maximumf %parallel_loop3A_662, %parallel_loop3A_663 : vector<16xf32>
        %parallel_loop3A_666 = arith.maximumf %parallel_loop3A_664, %parallel_loop3A_665 : vector<16xf32>
        %parallel_loop3A_667 = arith.constant 8 : i32
        %parallel_loop3A_668 = arith.muli %add3A_66, %parallel_loop3A_667 : i32
        %parallel_loop3A_669 = arith.addi %parallel_loop3A_668, %parallel_loop3A_70 : i32
        %parallel_loop3A_670 = arith.index_cast %parallel_loop3A_669 : i32 to index
        %parallel_loop3A_671 = arith.constant 48 : index
        %parallel_loop3A_672 = tpu.vector_load %arg8[%parallel_loop3A_670, %parallel_loop3A_671] {strides = array<i32>} : memref<512x64xf32, #tpu.memory_space<vmem>>, vector<1x16xf32>,
        %parallel_loop3A_673 = vector.shape_cast %parallel_loop3A_672 : vector<1x16xf32> to vector<16xf32>
        %parallel_loop3A_674 = vector.shape_cast %parallel_loop3A_666 : vector<16xf32> to vector<1x16xf32>
        tpu.vector_store %arg8[%parallel_loop3A_670, %parallel_loop3A_671], %parallel_loop3A_674 {strides = array<i32>} : memref<512x64xf32, #tpu.memory_space<vmem>>, vector<1x16xf32>,
      } {sc.loop_unroll_factor = 4 : i64, sc.parallel_access}
    }
    %scan3A_13 = arith.constant 31 : i32
    %dma_start3A_14 = arith.constant 8064 : i32
    %dma_start3A_15 = tpu.memref_slice %arg5[%dma_start3A_14] : memref<8192xi32, #tpu.memory_space<vmem>> -> memref<128xi32, #tpu.memory_space<vmem>>
    %dma_start3A_16 = arith.constant 0 : i32
    %dma_start3A_17 = arith.constant 0 : i32
    %dma_start3A_18 = tpu.memref_slice %arg2[%dma_start3A_16, %dma_start3A_17] : memref<16384x64xf32, #tpu.memory_space<hbm>> -> memref<16384x64xf32, #tpu.memory_space<hbm>>
    tpu.enqueue_indirect_dma source(%dma_start3A_18 : memref<16384x64xf32, #tpu.memory_space<hbm>>) target(%arg7 : memref<128x64xf32, #tpu.memory_space<vmem>>) offsets(%dma_start3A_15 : memref<128xi32, #tpu.memory_space<vmem>>) semaphore(%arg10 : memref<!tpu.dma_semaphore, #tpu.memory_space<semaphore_mem>>)
    %dma_wait3A = arith.constant 0 : i32
    %dma_wait3A_19 = tpu.memref_slice %arg5[%dma_wait3A] : memref<8192xi32, #tpu.memory_space<vmem>> -> memref<128xi32, #tpu.memory_space<vmem>>
    %dma_wait3A_20 = arith.constant 0 : i32
    %dma_wait3A_21 = arith.constant 0 : i32
    %dma_wait3A_22 = tpu.memref_slice %arg2[%dma_wait3A_20, %dma_wait3A_21] : memref<16384x64xf32, #tpu.memory_space<hbm>> -> memref<16384x64xf32, #tpu.memory_space<hbm>>
    tpu.wait_indirect_dma semaphore(%arg9 : memref<!tpu.dma_semaphore, #tpu.memory_space<semaphore_mem>>) src(%dma_wait3A_22 : memref<16384x64xf32, #tpu.memory_space<hbm>>) dst(%arg6 : memref<128x64xf32, #tpu.memory_space<vmem>>)
    %parallel_loop3A = arith.constant 0 : i32
    %parallel_loop3A_23 = arith.constant 8 : i32
    %parallel_loop3A_24 = arith.constant 1 : i32
    scf.for %parallel_loop3A_33 = %parallel_loop3A to %parallel_loop3A_23 step %parallel_loop3A_24  : i32 {
      %parallel_loop3A_34 = arith.constant 16 : i32
      %parallel_loop3A_35 = arith.muli %parallel_loop3A_33, %parallel_loop3A_34 : i32
      %parallel_loop3A_36 = arith.constant 0 : i32
      %parallel_loop3A_37 = arith.addi %parallel_loop3A_35, %parallel_loop3A_36 : i32
      %parallel_loop3A_38 = arith.index_cast %parallel_loop3A_37 : i32 to index
      %parallel_loop3A_39 = arith.constant 0 : index
      %parallel_loop3A_40 = tpu.vector_load %arg6[%parallel_loop3A_38, %parallel_loop3A_39] {strides = array<i32>} : memref<128x64xf32, #tpu.memory_space<vmem>>, vector<1x16xf32>,
      %parallel_loop3A_41 = vector.shape_cast %parallel_loop3A_40 : vector<1x16xf32> to vector<16xf32>
      %parallel_loop3A_42 = arith.constant 16 : i32
      %parallel_loop3A_43 = arith.muli %parallel_loop3A_33, %parallel_loop3A_42 : i32
      %parallel_loop3A_44 = arith.constant 1 : i32
      %parallel_loop3A_45 = arith.addi %parallel_loop3A_43, %parallel_loop3A_44 : i32
      %parallel_loop3A_46 = arith.index_cast %parallel_loop3A_45 : i32 to index
      %parallel_loop3A_47 = arith.constant 0 : index
      %parallel_loop3A_48 = tpu.vector_load %arg6[%parallel_loop3A_46, %parallel_loop3A_47] {strides = array<i32>} : memref<128x64xf32, #tpu.memory_space<vmem>>, vector<1x16xf32>,
      %parallel_loop3A_49 = vector.shape_cast %parallel_loop3A_48 : vector<1x16xf32> to vector<16xf32>
      %parallel_loop3A_50 = arith.constant 16 : i32
      %parallel_loop3A_51 = arith.muli %parallel_loop3A_33, %parallel_loop3A_50 : i32
      %parallel_loop3A_52 = arith.constant 2 : i32
      %parallel_loop3A_53 = arith.addi %parallel_loop3A_51, %parallel_loop3A_52 : i32
      %parallel_loop3A_54 = arith.index_cast %parallel_loop3A_53 : i32 to index
      %parallel_loop3A_55 = arith.constant 0 : index
      %parallel_loop3A_56 = tpu.vector_load %arg6[%parallel_loop3A_54, %parallel_loop3A_55] {strides = array<i32>} : memref<128x64xf32, #tpu.memory_space<vmem>>, vector<1x16xf32>,
      %parallel_loop3A_57 = vector.shape_cast %parallel_loop3A_56 : vector<1x16xf32> to vector<16xf32>
      %parallel_loop3A_58 = arith.constant 16 : i32
      %parallel_loop3A_59 = arith.muli %parallel_loop3A_33, %parallel_loop3A_58 : i32
      %parallel_loop3A_60 = arith.constant 3 : i32
      %parallel_loop3A_61 = arith.addi %parallel_loop3A_59, %parallel_loop3A_60 : i32
      %parallel_loop3A_62 = arith.index_cast %parallel_loop3A_61 : i32 to index
      %parallel_loop3A_63 = arith.constant 0 : index
      %parallel_loop3A_64 = tpu.vector_load %arg6[%parallel_loop3A_62, %parallel_loop3A_63] {strides = array<i32>} : memref<128x64xf32, #tpu.memory_space<vmem>>, vector<1x16xf32>,
      %parallel_loop3A_65 = vector.shape_cast %parallel_loop3A_64 : vector<1x16xf32> to vector<16xf32>
      %parallel_loop3A_66 = arith.constant 16 : i32
      %parallel_loop3A_67 = arith.muli %parallel_loop3A_33, %parallel_loop3A_66 : i32
      %parallel_loop3A_68 = arith.constant 4 : i32
      %parallel_loop3A_69 = arith.addi %parallel_loop3A_67, %parallel_loop3A_68 : i32
      %parallel_loop3A_70 = arith.index_cast %parallel_loop3A_69 : i32 to index
      %parallel_loop3A_71 = arith.constant 0 : index
      %parallel_loop3A_72 = tpu.vector_load %arg6[%parallel_loop3A_70, %parallel_loop3A_71] {strides = array<i32>} : memref<128x64xf32, #tpu.memory_space<vmem>>, vector<1x16xf32>,
      %parallel_loop3A_73 = vector.shape_cast %parallel_loop3A_72 : vector<1x16xf32> to vector<16xf32>
      %parallel_loop3A_74 = arith.constant 16 : i32
      %parallel_loop3A_75 = arith.muli %parallel_loop3A_33, %parallel_loop3A_74 : i32
      %parallel_loop3A_76 = arith.constant 5 : i32
      %parallel_loop3A_77 = arith.addi %parallel_loop3A_75, %parallel_loop3A_76 : i32
      %parallel_loop3A_78 = arith.index_cast %parallel_loop3A_77 : i32 to index
      %parallel_loop3A_79 = arith.constant 0 : index
      %parallel_loop3A_80 = tpu.vector_load %arg6[%parallel_loop3A_78, %parallel_loop3A_79] {strides = array<i32>} : memref<128x64xf32, #tpu.memory_space<vmem>>, vector<1x16xf32>,
      %parallel_loop3A_81 = vector.shape_cast %parallel_loop3A_80 : vector<1x16xf32> to vector<16xf32>
      %parallel_loop3A_82 = arith.constant 16 : i32
      %parallel_loop3A_83 = arith.muli %parallel_loop3A_33, %parallel_loop3A_82 : i32
      %parallel_loop3A_84 = arith.constant 6 : i32
      %parallel_loop3A_85 = arith.addi %parallel_loop3A_83, %parallel_loop3A_84 : i32
      %parallel_loop3A_86 = arith.index_cast %parallel_loop3A_85 : i32 to index
      %parallel_loop3A_87 = arith.constant 0 : index
      %parallel_loop3A_88 = tpu.vector_load %arg6[%parallel_loop3A_86, %parallel_loop3A_87] {strides = array<i32>} : memref<128x64xf32, #tpu.memory_space<vmem>>, vector<1x16xf32>,
      %parallel_loop3A_89 = vector.shape_cast %parallel_loop3A_88 : vector<1x16xf32> to vector<16xf32>
      %parallel_loop3A_90 = arith.constant 16 : i32
      %parallel_loop3A_91 = arith.muli %parallel_loop3A_33, %parallel_loop3A_90 : i32
      %parallel_loop3A_92 = arith.constant 7 : i32
      %parallel_loop3A_93 = arith.addi %parallel_loop3A_91, %parallel_loop3A_92 : i32
      %parallel_loop3A_94 = arith.index_cast %parallel_loop3A_93 : i32 to index
      %parallel_loop3A_95 = arith.constant 0 : index
      %parallel_loop3A_96 = tpu.vector_load %arg6[%parallel_loop3A_94, %parallel_loop3A_95] {strides = array<i32>} : memref<128x64xf32, #tpu.memory_space<vmem>>, vector<1x16xf32>,
      %parallel_loop3A_97 = vector.shape_cast %parallel_loop3A_96 : vector<1x16xf32> to vector<16xf32>
      %parallel_loop3A_98 = arith.constant 16 : i32
      %parallel_loop3A_99 = arith.muli %parallel_loop3A_33, %parallel_loop3A_98 : i32
      %parallel_loop3A_100 = arith.constant 8 : i32
      %parallel_loop3A_101 = arith.addi %parallel_loop3A_99, %parallel_loop3A_100 : i32
      %parallel_loop3A_102 = arith.index_cast %parallel_loop3A_101 : i32 to index
      %parallel_loop3A_103 = arith.constant 0 : index
      %parallel_loop3A_104 = tpu.vector_load %arg6[%parallel_loop3A_102, %parallel_loop3A_103] {strides = array<i32>} : memref<128x64xf32, #tpu.memory_space<vmem>>, vector<1x16xf32>,
      %parallel_loop3A_105 = vector.shape_cast %parallel_loop3A_104 : vector<1x16xf32> to vector<16xf32>
      %parallel_loop3A_106 = arith.constant 16 : i32
      %parallel_loop3A_107 = arith.muli %parallel_loop3A_33, %parallel_loop3A_106 : i32
      %parallel_loop3A_108 = arith.constant 9 : i32
      %parallel_loop3A_109 = arith.addi %parallel_loop3A_107, %parallel_loop3A_108 : i32
      %parallel_loop3A_110 = arith.index_cast %parallel_loop3A_109 : i32 to index
      %parallel_loop3A_111 = arith.constant 0 : index
      %parallel_loop3A_112 = tpu.vector_load %arg6[%parallel_loop3A_110, %parallel_loop3A_111] {strides = array<i32>} : memref<128x64xf32, #tpu.memory_space<vmem>>, vector<1x16xf32>,
      %parallel_loop3A_113 = vector.shape_cast %parallel_loop3A_112 : vector<1x16xf32> to vector<16xf32>
      %parallel_loop3A_114 = arith.constant 16 : i32
      %parallel_loop3A_115 = arith.muli %parallel_loop3A_33, %parallel_loop3A_114 : i32
      %parallel_loop3A_116 = arith.constant 10 : i32
      %parallel_loop3A_117 = arith.addi %parallel_loop3A_115, %parallel_loop3A_116 : i32
      %parallel_loop3A_118 = arith.index_cast %parallel_loop3A_117 : i32 to index
      %parallel_loop3A_119 = arith.constant 0 : index
      %parallel_loop3A_120 = tpu.vector_load %arg6[%parallel_loop3A_118, %parallel_loop3A_119] {strides = array<i32>} : memref<128x64xf32, #tpu.memory_space<vmem>>, vector<1x16xf32>,
      %parallel_loop3A_121 = vector.shape_cast %parallel_loop3A_120 : vector<1x16xf32> to vector<16xf32>
      %parallel_loop3A_122 = arith.constant 16 : i32
      %parallel_loop3A_123 = arith.muli %parallel_loop3A_33, %parallel_loop3A_122 : i32
      %parallel_loop3A_124 = arith.constant 11 : i32
      %parallel_loop3A_125 = arith.addi %parallel_loop3A_123, %parallel_loop3A_124 : i32
      %parallel_loop3A_126 = arith.index_cast %parallel_loop3A_125 : i32 to index
      %parallel_loop3A_127 = arith.constant 0 : index
      %parallel_loop3A_128 = tpu.vector_load %arg6[%parallel_loop3A_126, %parallel_loop3A_127] {strides = array<i32>} : memref<128x64xf32, #tpu.memory_space<vmem>>, vector<1x16xf32>,
      %parallel_loop3A_129 = vector.shape_cast %parallel_loop3A_128 : vector<1x16xf32> to vector<16xf32>
      %parallel_loop3A_130 = arith.constant 16 : i32
      %parallel_loop3A_131 = arith.muli %parallel_loop3A_33, %parallel_loop3A_130 : i32
      %parallel_loop3A_132 = arith.constant 12 : i32
      %parallel_loop3A_133 = arith.addi %parallel_loop3A_131, %parallel_loop3A_132 : i32
      %parallel_loop3A_134 = arith.index_cast %parallel_loop3A_133 : i32 to index
      %parallel_loop3A_135 = arith.constant 0 : index
      %parallel_loop3A_136 = tpu.vector_load %arg6[%parallel_loop3A_134, %parallel_loop3A_135] {strides = array<i32>} : memref<128x64xf32, #tpu.memory_space<vmem>>, vector<1x16xf32>,
      %parallel_loop3A_137 = vector.shape_cast %parallel_loop3A_136 : vector<1x16xf32> to vector<16xf32>
      %parallel_loop3A_138 = arith.constant 16 : i32
      %parallel_loop3A_139 = arith.muli %parallel_loop3A_33, %parallel_loop3A_138 : i32
      %parallel_loop3A_140 = arith.constant 13 : i32
      %parallel_loop3A_141 = arith.addi %parallel_loop3A_139, %parallel_loop3A_140 : i32
      %parallel_loop3A_142 = arith.index_cast %parallel_loop3A_141 : i32 to index
      %parallel_loop3A_143 = arith.constant 0 : index
      %parallel_loop3A_144 = tpu.vector_load %arg6[%parallel_loop3A_142, %parallel_loop3A_143] {strides = array<i32>} : memref<128x64xf32, #tpu.memory_space<vmem>>, vector<1x16xf32>,
      %parallel_loop3A_145 = vector.shape_cast %parallel_loop3A_144 : vector<1x16xf32> to vector<16xf32>
      %parallel_loop3A_146 = arith.constant 16 : i32
      %parallel_loop3A_147 = arith.muli %parallel_loop3A_33, %parallel_loop3A_146 : i32
      %parallel_loop3A_148 = arith.constant 14 : i32
      %parallel_loop3A_149 = arith.addi %parallel_loop3A_147, %parallel_loop3A_148 : i32
      %parallel_loop3A_150 = arith.index_cast %parallel_loop3A_149 : i32 to index
      %parallel_loop3A_151 = arith.constant 0 : index
      %parallel_loop3A_152 = tpu.vector_load %arg6[%parallel_loop3A_150, %parallel_loop3A_151] {strides = array<i32>} : memref<128x64xf32, #tpu.memory_space<vmem>>, vector<1x16xf32>,
      %parallel_loop3A_153 = vector.shape_cast %parallel_loop3A_152 : vector<1x16xf32> to vector<16xf32>
      %parallel_loop3A_154 = arith.constant 16 : i32
      %parallel_loop3A_155 = arith.muli %parallel_loop3A_33, %parallel_loop3A_154 : i32
      %parallel_loop3A_156 = arith.constant 15 : i32
      %parallel_loop3A_157 = arith.addi %parallel_loop3A_155, %parallel_loop3A_156 : i32
      %parallel_loop3A_158 = arith.index_cast %parallel_loop3A_157 : i32 to index
      %parallel_loop3A_159 = arith.constant 0 : index
      %parallel_loop3A_160 = tpu.vector_load %arg6[%parallel_loop3A_158, %parallel_loop3A_159] {strides = array<i32>} : memref<128x64xf32, #tpu.memory_space<vmem>>, vector<1x16xf32>,
      %parallel_loop3A_161 = vector.shape_cast %parallel_loop3A_160 : vector<1x16xf32> to vector<16xf32>
      %parallel_loop3A_162 = arith.maximumf %parallel_loop3A_41, %parallel_loop3A_49 : vector<16xf32>
      %parallel_loop3A_163 = arith.maximumf %parallel_loop3A_57, %parallel_loop3A_65 : vector<16xf32>
      %parallel_loop3A_164 = arith.maximumf %parallel_loop3A_73, %parallel_loop3A_81 : vector<16xf32>
      %parallel_loop3A_165 = arith.maximumf %parallel_loop3A_89, %parallel_loop3A_97 : vector<16xf32>
      %parallel_loop3A_166 = arith.maximumf %parallel_loop3A_105, %parallel_loop3A_113 : vector<16xf32>
      %parallel_loop3A_167 = arith.maximumf %parallel_loop3A_121, %parallel_loop3A_129 : vector<16xf32>
      %parallel_loop3A_168 = arith.maximumf %parallel_loop3A_137, %parallel_loop3A_145 : vector<16xf32>
      %parallel_loop3A_169 = arith.maximumf %parallel_loop3A_153, %parallel_loop3A_161 : vector<16xf32>
      %parallel_loop3A_170 = arith.maximumf %parallel_loop3A_162, %parallel_loop3A_163 : vector<16xf32>
      %parallel_loop3A_171 = arith.maximumf %parallel_loop3A_164, %parallel_loop3A_165 : vector<16xf32>
      %parallel_loop3A_172 = arith.maximumf %parallel_loop3A_166, %parallel_loop3A_167 : vector<16xf32>
      %parallel_loop3A_173 = arith.maximumf %parallel_loop3A_168, %parallel_loop3A_169 : vector<16xf32>
      %parallel_loop3A_174 = arith.maximumf %parallel_loop3A_170, %parallel_loop3A_171 : vector<16xf32>
      %parallel_loop3A_175 = arith.maximumf %parallel_loop3A_172, %parallel_loop3A_173 : vector<16xf32>
      %parallel_loop3A_176 = arith.maximumf %parallel_loop3A_174, %parallel_loop3A_175 : vector<16xf32>
      %parallel_loop3A_177 = arith.constant 496 : i32
      %parallel_loop3A_178 = arith.addi %parallel_loop3A_177, %parallel_loop3A_33 : i32
      %parallel_loop3A_179 = arith.index_cast %parallel_loop3A_178 : i32 to index
      %parallel_loop3A_180 = arith.constant 0 : index
      %parallel_loop3A_181 = tpu.vector_load %arg8[%parallel_loop3A_179, %parallel_loop3A_180] {strides = array<i32>} : memref<512x64xf32, #tpu.memory_space<vmem>>, vector<1x16xf32>,
      %parallel_loop3A_182 = vector.shape_cast %parallel_loop3A_181 : vector<1x16xf32> to vector<16xf32>
      %parallel_loop3A_183 = vector.shape_cast %parallel_loop3A_176 : vector<16xf32> to vector<1x16xf32>
      tpu.vector_store %arg8[%parallel_loop3A_179, %parallel_loop3A_180], %parallel_loop3A_183 {strides = array<i32>} : memref<512x64xf32, #tpu.memory_space<vmem>>, vector<1x16xf32>,
      %parallel_loop3A_184 = arith.constant 16 : i32
      %parallel_loop3A_185 = arith.muli %parallel_loop3A_33, %parallel_loop3A_184 : i32
      %parallel_loop3A_186 = arith.constant 0 : i32
      %parallel_loop3A_187 = arith.addi %parallel_loop3A_185, %parallel_loop3A_186 : i32
      %parallel_loop3A_188 = arith.index_cast %parallel_loop3A_187 : i32 to index
      %parallel_loop3A_189 = arith.constant 16 : index
      %parallel_loop3A_190 = tpu.vector_load %arg6[%parallel_loop3A_188, %parallel_loop3A_189] {strides = array<i32>} : memref<128x64xf32, #tpu.memory_space<vmem>>, vector<1x16xf32>,
      %parallel_loop3A_191 = vector.shape_cast %parallel_loop3A_190 : vector<1x16xf32> to vector<16xf32>
      %parallel_loop3A_192 = arith.constant 16 : i32
      %parallel_loop3A_193 = arith.muli %parallel_loop3A_33, %parallel_loop3A_192 : i32
      %parallel_loop3A_194 = arith.constant 1 : i32
      %parallel_loop3A_195 = arith.addi %parallel_loop3A_193, %parallel_loop3A_194 : i32
      %parallel_loop3A_196 = arith.index_cast %parallel_loop3A_195 : i32 to index
      %parallel_loop3A_197 = arith.constant 16 : index
      %parallel_loop3A_198 = tpu.vector_load %arg6[%parallel_loop3A_196, %parallel_loop3A_197] {strides = array<i32>} : memref<128x64xf32, #tpu.memory_space<vmem>>, vector<1x16xf32>,
      %parallel_loop3A_199 = vector.shape_cast %parallel_loop3A_198 : vector<1x16xf32> to vector<16xf32>
      %parallel_loop3A_200 = arith.constant 16 : i32
      %parallel_loop3A_201 = arith.muli %parallel_loop3A_33, %parallel_loop3A_200 : i32
      %parallel_loop3A_202 = arith.constant 2 : i32
      %parallel_loop3A_203 = arith.addi %parallel_loop3A_201, %parallel_loop3A_202 : i32
      %parallel_loop3A_204 = arith.index_cast %parallel_loop3A_203 : i32 to index
      %parallel_loop3A_205 = arith.constant 16 : index
      %parallel_loop3A_206 = tpu.vector_load %arg6[%parallel_loop3A_204, %parallel_loop3A_205] {strides = array<i32>} : memref<128x64xf32, #tpu.memory_space<vmem>>, vector<1x16xf32>,
      %parallel_loop3A_207 = vector.shape_cast %parallel_loop3A_206 : vector<1x16xf32> to vector<16xf32>
      %parallel_loop3A_208 = arith.constant 16 : i32
      %parallel_loop3A_209 = arith.muli %parallel_loop3A_33, %parallel_loop3A_208 : i32
      %parallel_loop3A_210 = arith.constant 3 : i32
      %parallel_loop3A_211 = arith.addi %parallel_loop3A_209, %parallel_loop3A_210 : i32
      %parallel_loop3A_212 = arith.index_cast %parallel_loop3A_211 : i32 to index
      %parallel_loop3A_213 = arith.constant 16 : index
      %parallel_loop3A_214 = tpu.vector_load %arg6[%parallel_loop3A_212, %parallel_loop3A_213] {strides = array<i32>} : memref<128x64xf32, #tpu.memory_space<vmem>>, vector<1x16xf32>,
      %parallel_loop3A_215 = vector.shape_cast %parallel_loop3A_214 : vector<1x16xf32> to vector<16xf32>
      %parallel_loop3A_216 = arith.constant 16 : i32
      %parallel_loop3A_217 = arith.muli %parallel_loop3A_33, %parallel_loop3A_216 : i32
      %parallel_loop3A_218 = arith.constant 4 : i32
      %parallel_loop3A_219 = arith.addi %parallel_loop3A_217, %parallel_loop3A_218 : i32
      %parallel_loop3A_220 = arith.index_cast %parallel_loop3A_219 : i32 to index
      %parallel_loop3A_221 = arith.constant 16 : index
      %parallel_loop3A_222 = tpu.vector_load %arg6[%parallel_loop3A_220, %parallel_loop3A_221] {strides = array<i32>} : memref<128x64xf32, #tpu.memory_space<vmem>>, vector<1x16xf32>,
      %parallel_loop3A_223 = vector.shape_cast %parallel_loop3A_222 : vector<1x16xf32> to vector<16xf32>
      %parallel_loop3A_224 = arith.constant 16 : i32
      %parallel_loop3A_225 = arith.muli %parallel_loop3A_33, %parallel_loop3A_224 : i32
      %parallel_loop3A_226 = arith.constant 5 : i32
      %parallel_loop3A_227 = arith.addi %parallel_loop3A_225, %parallel_loop3A_226 : i32
      %parallel_loop3A_228 = arith.index_cast %parallel_loop3A_227 : i32 to index
      %parallel_loop3A_229 = arith.constant 16 : index
      %parallel_loop3A_230 = tpu.vector_load %arg6[%parallel_loop3A_228, %parallel_loop3A_229] {strides = array<i32>} : memref<128x64xf32, #tpu.memory_space<vmem>>, vector<1x16xf32>,
      %parallel_loop3A_231 = vector.shape_cast %parallel_loop3A_230 : vector<1x16xf32> to vector<16xf32>
      %parallel_loop3A_232 = arith.constant 16 : i32
      %parallel_loop3A_233 = arith.muli %parallel_loop3A_33, %parallel_loop3A_232 : i32
      %parallel_loop3A_234 = arith.constant 6 : i32
      %parallel_loop3A_235 = arith.addi %parallel_loop3A_233, %parallel_loop3A_234 : i32
      %parallel_loop3A_236 = arith.index_cast %parallel_loop3A_235 : i32 to index
      %parallel_loop3A_237 = arith.constant 16 : index
      %parallel_loop3A_238 = tpu.vector_load %arg6[%parallel_loop3A_236, %parallel_loop3A_237] {strides = array<i32>} : memref<128x64xf32, #tpu.memory_space<vmem>>, vector<1x16xf32>,
      %parallel_loop3A_239 = vector.shape_cast %parallel_loop3A_238 : vector<1x16xf32> to vector<16xf32>
      %parallel_loop3A_240 = arith.constant 16 : i32
      %parallel_loop3A_241 = arith.muli %parallel_loop3A_33, %parallel_loop3A_240 : i32
      %parallel_loop3A_242 = arith.constant 7 : i32
      %parallel_loop3A_243 = arith.addi %parallel_loop3A_241, %parallel_loop3A_242 : i32
      %parallel_loop3A_244 = arith.index_cast %parallel_loop3A_243 : i32 to index
      %parallel_loop3A_245 = arith.constant 16 : index
      %parallel_loop3A_246 = tpu.vector_load %arg6[%parallel_loop3A_244, %parallel_loop3A_245] {strides = array<i32>} : memref<128x64xf32, #tpu.memory_space<vmem>>, vector<1x16xf32>,
      %parallel_loop3A_247 = vector.shape_cast %parallel_loop3A_246 : vector<1x16xf32> to vector<16xf32>
      %parallel_loop3A_248 = arith.constant 16 : i32
      %parallel_loop3A_249 = arith.muli %parallel_loop3A_33, %parallel_loop3A_248 : i32
      %parallel_loop3A_250 = arith.constant 8 : i32
      %parallel_loop3A_251 = arith.addi %parallel_loop3A_249, %parallel_loop3A_250 : i32
      %parallel_loop3A_252 = arith.index_cast %parallel_loop3A_251 : i32 to index
      %parallel_loop3A_253 = arith.constant 16 : index
      %parallel_loop3A_254 = tpu.vector_load %arg6[%parallel_loop3A_252, %parallel_loop3A_253] {strides = array<i32>} : memref<128x64xf32, #tpu.memory_space<vmem>>, vector<1x16xf32>,
      %parallel_loop3A_255 = vector.shape_cast %parallel_loop3A_254 : vector<1x16xf32> to vector<16xf32>
      %parallel_loop3A_256 = arith.constant 16 : i32
      %parallel_loop3A_257 = arith.muli %parallel_loop3A_33, %parallel_loop3A_256 : i32
      %parallel_loop3A_258 = arith.constant 9 : i32
      %parallel_loop3A_259 = arith.addi %parallel_loop3A_257, %parallel_loop3A_258 : i32
      %parallel_loop3A_260 = arith.index_cast %parallel_loop3A_259 : i32 to index
      %parallel_loop3A_261 = arith.constant 16 : index
      %parallel_loop3A_262 = tpu.vector_load %arg6[%parallel_loop3A_260, %parallel_loop3A_261] {strides = array<i32>} : memref<128x64xf32, #tpu.memory_space<vmem>>, vector<1x16xf32>,
      %parallel_loop3A_263 = vector.shape_cast %parallel_loop3A_262 : vector<1x16xf32> to vector<16xf32>
      %parallel_loop3A_264 = arith.constant 16 : i32
      %parallel_loop3A_265 = arith.muli %parallel_loop3A_33, %parallel_loop3A_264 : i32
      %parallel_loop3A_266 = arith.constant 10 : i32
      %parallel_loop3A_267 = arith.addi %parallel_loop3A_265, %parallel_loop3A_266 : i32
      %parallel_loop3A_268 = arith.index_cast %parallel_loop3A_267 : i32 to index
      %parallel_loop3A_269 = arith.constant 16 : index
      %parallel_loop3A_270 = tpu.vector_load %arg6[%parallel_loop3A_268, %parallel_loop3A_269] {strides = array<i32>} : memref<128x64xf32, #tpu.memory_space<vmem>>, vector<1x16xf32>,
      %parallel_loop3A_271 = vector.shape_cast %parallel_loop3A_270 : vector<1x16xf32> to vector<16xf32>
      %parallel_loop3A_272 = arith.constant 16 : i32
      %parallel_loop3A_273 = arith.muli %parallel_loop3A_33, %parallel_loop3A_272 : i32
      %parallel_loop3A_274 = arith.constant 11 : i32
      %parallel_loop3A_275 = arith.addi %parallel_loop3A_273, %parallel_loop3A_274 : i32
      %parallel_loop3A_276 = arith.index_cast %parallel_loop3A_275 : i32 to index
      %parallel_loop3A_277 = arith.constant 16 : index
      %parallel_loop3A_278 = tpu.vector_load %arg6[%parallel_loop3A_276, %parallel_loop3A_277] {strides = array<i32>} : memref<128x64xf32, #tpu.memory_space<vmem>>, vector<1x16xf32>,
      %parallel_loop3A_279 = vector.shape_cast %parallel_loop3A_278 : vector<1x16xf32> to vector<16xf32>
      %parallel_loop3A_280 = arith.constant 16 : i32
      %parallel_loop3A_281 = arith.muli %parallel_loop3A_33, %parallel_loop3A_280 : i32
      %parallel_loop3A_282 = arith.constant 12 : i32
      %parallel_loop3A_283 = arith.addi %parallel_loop3A_281, %parallel_loop3A_282 : i32
      %parallel_loop3A_284 = arith.index_cast %parallel_loop3A_283 : i32 to index
      %parallel_loop3A_285 = arith.constant 16 : index
      %parallel_loop3A_286 = tpu.vector_load %arg6[%parallel_loop3A_284, %parallel_loop3A_285] {strides = array<i32>} : memref<128x64xf32, #tpu.memory_space<vmem>>, vector<1x16xf32>,
      %parallel_loop3A_287 = vector.shape_cast %parallel_loop3A_286 : vector<1x16xf32> to vector<16xf32>
      %parallel_loop3A_288 = arith.constant 16 : i32
      %parallel_loop3A_289 = arith.muli %parallel_loop3A_33, %parallel_loop3A_288 : i32
      %parallel_loop3A_290 = arith.constant 13 : i32
      %parallel_loop3A_291 = arith.addi %parallel_loop3A_289, %parallel_loop3A_290 : i32
      %parallel_loop3A_292 = arith.index_cast %parallel_loop3A_291 : i32 to index
      %parallel_loop3A_293 = arith.constant 16 : index
      %parallel_loop3A_294 = tpu.vector_load %arg6[%parallel_loop3A_292, %parallel_loop3A_293] {strides = array<i32>} : memref<128x64xf32, #tpu.memory_space<vmem>>, vector<1x16xf32>,
      %parallel_loop3A_295 = vector.shape_cast %parallel_loop3A_294 : vector<1x16xf32> to vector<16xf32>
      %parallel_loop3A_296 = arith.constant 16 : i32
      %parallel_loop3A_297 = arith.muli %parallel_loop3A_33, %parallel_loop3A_296 : i32
      %parallel_loop3A_298 = arith.constant 14 : i32
      %parallel_loop3A_299 = arith.addi %parallel_loop3A_297, %parallel_loop3A_298 : i32
      %parallel_loop3A_300 = arith.index_cast %parallel_loop3A_299 : i32 to index
      %parallel_loop3A_301 = arith.constant 16 : index
      %parallel_loop3A_302 = tpu.vector_load %arg6[%parallel_loop3A_300, %parallel_loop3A_301] {strides = array<i32>} : memref<128x64xf32, #tpu.memory_space<vmem>>, vector<1x16xf32>,
      %parallel_loop3A_303 = vector.shape_cast %parallel_loop3A_302 : vector<1x16xf32> to vector<16xf32>
      %parallel_loop3A_304 = arith.constant 16 : i32
      %parallel_loop3A_305 = arith.muli %parallel_loop3A_33, %parallel_loop3A_304 : i32
      %parallel_loop3A_306 = arith.constant 15 : i32
      %parallel_loop3A_307 = arith.addi %parallel_loop3A_305, %parallel_loop3A_306 : i32
      %parallel_loop3A_308 = arith.index_cast %parallel_loop3A_307 : i32 to index
      %parallel_loop3A_309 = arith.constant 16 : index
      %parallel_loop3A_310 = tpu.vector_load %arg6[%parallel_loop3A_308, %parallel_loop3A_309] {strides = array<i32>} : memref<128x64xf32, #tpu.memory_space<vmem>>, vector<1x16xf32>,
      %parallel_loop3A_311 = vector.shape_cast %parallel_loop3A_310 : vector<1x16xf32> to vector<16xf32>
      %parallel_loop3A_312 = arith.maximumf %parallel_loop3A_191, %parallel_loop3A_199 : vector<16xf32>
      %parallel_loop3A_313 = arith.maximumf %parallel_loop3A_207, %parallel_loop3A_215 : vector<16xf32>
      %parallel_loop3A_314 = arith.maximumf %parallel_loop3A_223, %parallel_loop3A_231 : vector<16xf32>
      %parallel_loop3A_315 = arith.maximumf %parallel_loop3A_239, %parallel_loop3A_247 : vector<16xf32>
      %parallel_loop3A_316 = arith.maximumf %parallel_loop3A_255, %parallel_loop3A_263 : vector<16xf32>
      %parallel_loop3A_317 = arith.maximumf %parallel_loop3A_271, %parallel_loop3A_279 : vector<16xf32>
      %parallel_loop3A_318 = arith.maximumf %parallel_loop3A_287, %parallel_loop3A_295 : vector<16xf32>
      %parallel_loop3A_319 = arith.maximumf %parallel_loop3A_303, %parallel_loop3A_311 : vector<16xf32>
      %parallel_loop3A_320 = arith.maximumf %parallel_loop3A_312, %parallel_loop3A_313 : vector<16xf32>
      %parallel_loop3A_321 = arith.maximumf %parallel_loop3A_314, %parallel_loop3A_315 : vector<16xf32>
      %parallel_loop3A_322 = arith.maximumf %parallel_loop3A_316, %parallel_loop3A_317 : vector<16xf32>
      %parallel_loop3A_323 = arith.maximumf %parallel_loop3A_318, %parallel_loop3A_319 : vector<16xf32>
      %parallel_loop3A_324 = arith.maximumf %parallel_loop3A_320, %parallel_loop3A_321 : vector<16xf32>
      %parallel_loop3A_325 = arith.maximumf %parallel_loop3A_322, %parallel_loop3A_323 : vector<16xf32>
      %parallel_loop3A_326 = arith.maximumf %parallel_loop3A_324, %parallel_loop3A_325 : vector<16xf32>
      %parallel_loop3A_327 = arith.constant 496 : i32
      %parallel_loop3A_328 = arith.addi %parallel_loop3A_327, %parallel_loop3A_33 : i32
      %parallel_loop3A_329 = arith.index_cast %parallel_loop3A_328 : i32 to index
      %parallel_loop3A_330 = arith.constant 16 : index
      %parallel_loop3A_331 = tpu.vector_load %arg8[%parallel_loop3A_329, %parallel_loop3A_330] {strides = array<i32>} : memref<512x64xf32, #tpu.memory_space<vmem>>, vector<1x16xf32>,
      %parallel_loop3A_332 = vector.shape_cast %parallel_loop3A_331 : vector<1x16xf32> to vector<16xf32>
      %parallel_loop3A_333 = vector.shape_cast %parallel_loop3A_326 : vector<16xf32> to vector<1x16xf32>
      tpu.vector_store %arg8[%parallel_loop3A_329, %parallel_loop3A_330], %parallel_loop3A_333 {strides = array<i32>} : memref<512x64xf32, #tpu.memory_space<vmem>>, vector<1x16xf32>,
      %parallel_loop3A_334 = arith.constant 16 : i32
      %parallel_loop3A_335 = arith.muli %parallel_loop3A_33, %parallel_loop3A_334 : i32
      %parallel_loop3A_336 = arith.constant 0 : i32
      %parallel_loop3A_337 = arith.addi %parallel_loop3A_335, %parallel_loop3A_336 : i32
      %parallel_loop3A_338 = arith.index_cast %parallel_loop3A_337 : i32 to index
      %parallel_loop3A_339 = arith.constant 32 : index
      %parallel_loop3A_340 = tpu.vector_load %arg6[%parallel_loop3A_338, %parallel_loop3A_339] {strides = array<i32>} : memref<128x64xf32, #tpu.memory_space<vmem>>, vector<1x16xf32>,
      %parallel_loop3A_341 = vector.shape_cast %parallel_loop3A_340 : vector<1x16xf32> to vector<16xf32>
      %parallel_loop3A_342 = arith.constant 16 : i32
      %parallel_loop3A_343 = arith.muli %parallel_loop3A_33, %parallel_loop3A_342 : i32
      %parallel_loop3A_344 = arith.constant 1 : i32
      %parallel_loop3A_345 = arith.addi %parallel_loop3A_343, %parallel_loop3A_344 : i32
      %parallel_loop3A_346 = arith.index_cast %parallel_loop3A_345 : i32 to index
      %parallel_loop3A_347 = arith.constant 32 : index
      %parallel_loop3A_348 = tpu.vector_load %arg6[%parallel_loop3A_346, %parallel_loop3A_347] {strides = array<i32>} : memref<128x64xf32, #tpu.memory_space<vmem>>, vector<1x16xf32>,
      %parallel_loop3A_349 = vector.shape_cast %parallel_loop3A_348 : vector<1x16xf32> to vector<16xf32>
      %parallel_loop3A_350 = arith.constant 16 : i32
      %parallel_loop3A_351 = arith.muli %parallel_loop3A_33, %parallel_loop3A_350 : i32
      %parallel_loop3A_352 = arith.constant 2 : i32
      %parallel_loop3A_353 = arith.addi %parallel_loop3A_351, %parallel_loop3A_352 : i32
      %parallel_loop3A_354 = arith.index_cast %parallel_loop3A_353 : i32 to index
      %parallel_loop3A_355 = arith.constant 32 : index
      %parallel_loop3A_356 = tpu.vector_load %arg6[%parallel_loop3A_354, %parallel_loop3A_355] {strides = array<i32>} : memref<128x64xf32, #tpu.memory_space<vmem>>, vector<1x16xf32>,
      %parallel_loop3A_357 = vector.shape_cast %parallel_loop3A_356 : vector<1x16xf32> to vector<16xf32>
      %parallel_loop3A_358 = arith.constant 16 : i32
      %parallel_loop3A_359 = arith.muli %parallel_loop3A_33, %parallel_loop3A_358 : i32
      %parallel_loop3A_360 = arith.constant 3 : i32
      %parallel_loop3A_361 = arith.addi %parallel_loop3A_359, %parallel_loop3A_360 : i32
      %parallel_loop3A_362 = arith.index_cast %parallel_loop3A_361 : i32 to index
      %parallel_loop3A_363 = arith.constant 32 : index
      %parallel_loop3A_364 = tpu.vector_load %arg6[%parallel_loop3A_362, %parallel_loop3A_363] {strides = array<i32>} : memref<128x64xf32, #tpu.memory_space<vmem>>, vector<1x16xf32>,
      %parallel_loop3A_365 = vector.shape_cast %parallel_loop3A_364 : vector<1x16xf32> to vector<16xf32>
      %parallel_loop3A_366 = arith.constant 16 : i32
      %parallel_loop3A_367 = arith.muli %parallel_loop3A_33, %parallel_loop3A_366 : i32
      %parallel_loop3A_368 = arith.constant 4 : i32
      %parallel_loop3A_369 = arith.addi %parallel_loop3A_367, %parallel_loop3A_368 : i32
      %parallel_loop3A_370 = arith.index_cast %parallel_loop3A_369 : i32 to index
      %parallel_loop3A_371 = arith.constant 32 : index
      %parallel_loop3A_372 = tpu.vector_load %arg6[%parallel_loop3A_370, %parallel_loop3A_371] {strides = array<i32>} : memref<128x64xf32, #tpu.memory_space<vmem>>, vector<1x16xf32>,
      %parallel_loop3A_373 = vector.shape_cast %parallel_loop3A_372 : vector<1x16xf32> to vector<16xf32>
      %parallel_loop3A_374 = arith.constant 16 : i32
      %parallel_loop3A_375 = arith.muli %parallel_loop3A_33, %parallel_loop3A_374 : i32
      %parallel_loop3A_376 = arith.constant 5 : i32
      %parallel_loop3A_377 = arith.addi %parallel_loop3A_375, %parallel_loop3A_376 : i32
      %parallel_loop3A_378 = arith.index_cast %parallel_loop3A_377 : i32 to index
      %parallel_loop3A_379 = arith.constant 32 : index
      %parallel_loop3A_380 = tpu.vector_load %arg6[%parallel_loop3A_378, %parallel_loop3A_379] {strides = array<i32>} : memref<128x64xf32, #tpu.memory_space<vmem>>, vector<1x16xf32>,
      %parallel_loop3A_381 = vector.shape_cast %parallel_loop3A_380 : vector<1x16xf32> to vector<16xf32>
      %parallel_loop3A_382 = arith.constant 16 : i32
      %parallel_loop3A_383 = arith.muli %parallel_loop3A_33, %parallel_loop3A_382 : i32
      %parallel_loop3A_384 = arith.constant 6 : i32
      %parallel_loop3A_385 = arith.addi %parallel_loop3A_383, %parallel_loop3A_384 : i32
      %parallel_loop3A_386 = arith.index_cast %parallel_loop3A_385 : i32 to index
      %parallel_loop3A_387 = arith.constant 32 : index
      %parallel_loop3A_388 = tpu.vector_load %arg6[%parallel_loop3A_386, %parallel_loop3A_387] {strides = array<i32>} : memref<128x64xf32, #tpu.memory_space<vmem>>, vector<1x16xf32>,
      %parallel_loop3A_389 = vector.shape_cast %parallel_loop3A_388 : vector<1x16xf32> to vector<16xf32>
      %parallel_loop3A_390 = arith.constant 16 : i32
      %parallel_loop3A_391 = arith.muli %parallel_loop3A_33, %parallel_loop3A_390 : i32
      %parallel_loop3A_392 = arith.constant 7 : i32
      %parallel_loop3A_393 = arith.addi %parallel_loop3A_391, %parallel_loop3A_392 : i32
      %parallel_loop3A_394 = arith.index_cast %parallel_loop3A_393 : i32 to index
      %parallel_loop3A_395 = arith.constant 32 : index
      %parallel_loop3A_396 = tpu.vector_load %arg6[%parallel_loop3A_394, %parallel_loop3A_395] {strides = array<i32>} : memref<128x64xf32, #tpu.memory_space<vmem>>, vector<1x16xf32>,
      %parallel_loop3A_397 = vector.shape_cast %parallel_loop3A_396 : vector<1x16xf32> to vector<16xf32>
      %parallel_loop3A_398 = arith.constant 16 : i32
      %parallel_loop3A_399 = arith.muli %parallel_loop3A_33, %parallel_loop3A_398 : i32
      %parallel_loop3A_400 = arith.constant 8 : i32
      %parallel_loop3A_401 = arith.addi %parallel_loop3A_399, %parallel_loop3A_400 : i32
      %parallel_loop3A_402 = arith.index_cast %parallel_loop3A_401 : i32 to index
      %parallel_loop3A_403 = arith.constant 32 : index
      %parallel_loop3A_404 = tpu.vector_load %arg6[%parallel_loop3A_402, %parallel_loop3A_403] {strides = array<i32>} : memref<128x64xf32, #tpu.memory_space<vmem>>, vector<1x16xf32>,
      %parallel_loop3A_405 = vector.shape_cast %parallel_loop3A_404 : vector<1x16xf32> to vector<16xf32>
      %parallel_loop3A_406 = arith.constant 16 : i32
      %parallel_loop3A_407 = arith.muli %parallel_loop3A_33, %parallel_loop3A_406 : i32
      %parallel_loop3A_408 = arith.constant 9 : i32
      %parallel_loop3A_409 = arith.addi %parallel_loop3A_407, %parallel_loop3A_408 : i32
      %parallel_loop3A_410 = arith.index_cast %parallel_loop3A_409 : i32 to index
      %parallel_loop3A_411 = arith.constant 32 : index
      %parallel_loop3A_412 = tpu.vector_load %arg6[%parallel_loop3A_410, %parallel_loop3A_411] {strides = array<i32>} : memref<128x64xf32, #tpu.memory_space<vmem>>, vector<1x16xf32>,
      %parallel_loop3A_413 = vector.shape_cast %parallel_loop3A_412 : vector<1x16xf32> to vector<16xf32>
      %parallel_loop3A_414 = arith.constant 16 : i32
      %parallel_loop3A_415 = arith.muli %parallel_loop3A_33, %parallel_loop3A_414 : i32
      %parallel_loop3A_416 = arith.constant 10 : i32
      %parallel_loop3A_417 = arith.addi %parallel_loop3A_415, %parallel_loop3A_416 : i32
      %parallel_loop3A_418 = arith.index_cast %parallel_loop3A_417 : i32 to index
      %parallel_loop3A_419 = arith.constant 32 : index
      %parallel_loop3A_420 = tpu.vector_load %arg6[%parallel_loop3A_418, %parallel_loop3A_419] {strides = array<i32>} : memref<128x64xf32, #tpu.memory_space<vmem>>, vector<1x16xf32>,
      %parallel_loop3A_421 = vector.shape_cast %parallel_loop3A_420 : vector<1x16xf32> to vector<16xf32>
      %parallel_loop3A_422 = arith.constant 16 : i32
      %parallel_loop3A_423 = arith.muli %parallel_loop3A_33, %parallel_loop3A_422 : i32
      %parallel_loop3A_424 = arith.constant 11 : i32
      %parallel_loop3A_425 = arith.addi %parallel_loop3A_423, %parallel_loop3A_424 : i32
      %parallel_loop3A_426 = arith.index_cast %parallel_loop3A_425 : i32 to index
      %parallel_loop3A_427 = arith.constant 32 : index
      %parallel_loop3A_428 = tpu.vector_load %arg6[%parallel_loop3A_426, %parallel_loop3A_427] {strides = array<i32>} : memref<128x64xf32, #tpu.memory_space<vmem>>, vector<1x16xf32>,
      %parallel_loop3A_429 = vector.shape_cast %parallel_loop3A_428 : vector<1x16xf32> to vector<16xf32>
      %parallel_loop3A_430 = arith.constant 16 : i32
      %parallel_loop3A_431 = arith.muli %parallel_loop3A_33, %parallel_loop3A_430 : i32
      %parallel_loop3A_432 = arith.constant 12 : i32
      %parallel_loop3A_433 = arith.addi %parallel_loop3A_431, %parallel_loop3A_432 : i32
      %parallel_loop3A_434 = arith.index_cast %parallel_loop3A_433 : i32 to index
      %parallel_loop3A_435 = arith.constant 32 : index
      %parallel_loop3A_436 = tpu.vector_load %arg6[%parallel_loop3A_434, %parallel_loop3A_435] {strides = array<i32>} : memref<128x64xf32, #tpu.memory_space<vmem>>, vector<1x16xf32>,
      %parallel_loop3A_437 = vector.shape_cast %parallel_loop3A_436 : vector<1x16xf32> to vector<16xf32>
      %parallel_loop3A_438 = arith.constant 16 : i32
      %parallel_loop3A_439 = arith.muli %parallel_loop3A_33, %parallel_loop3A_438 : i32
      %parallel_loop3A_440 = arith.constant 13 : i32
      %parallel_loop3A_441 = arith.addi %parallel_loop3A_439, %parallel_loop3A_440 : i32
      %parallel_loop3A_442 = arith.index_cast %parallel_loop3A_441 : i32 to index
      %parallel_loop3A_443 = arith.constant 32 : index
      %parallel_loop3A_444 = tpu.vector_load %arg6[%parallel_loop3A_442, %parallel_loop3A_443] {strides = array<i32>} : memref<128x64xf32, #tpu.memory_space<vmem>>, vector<1x16xf32>,
      %parallel_loop3A_445 = vector.shape_cast %parallel_loop3A_444 : vector<1x16xf32> to vector<16xf32>
      %parallel_loop3A_446 = arith.constant 16 : i32
      %parallel_loop3A_447 = arith.muli %parallel_loop3A_33, %parallel_loop3A_446 : i32
      %parallel_loop3A_448 = arith.constant 14 : i32
      %parallel_loop3A_449 = arith.addi %parallel_loop3A_447, %parallel_loop3A_448 : i32
      %parallel_loop3A_450 = arith.index_cast %parallel_loop3A_449 : i32 to index
      %parallel_loop3A_451 = arith.constant 32 : index
      %parallel_loop3A_452 = tpu.vector_load %arg6[%parallel_loop3A_450, %parallel_loop3A_451] {strides = array<i32>} : memref<128x64xf32, #tpu.memory_space<vmem>>, vector<1x16xf32>,
      %parallel_loop3A_453 = vector.shape_cast %parallel_loop3A_452 : vector<1x16xf32> to vector<16xf32>
      %parallel_loop3A_454 = arith.constant 16 : i32
      %parallel_loop3A_455 = arith.muli %parallel_loop3A_33, %parallel_loop3A_454 : i32
      %parallel_loop3A_456 = arith.constant 15 : i32
      %parallel_loop3A_457 = arith.addi %parallel_loop3A_455, %parallel_loop3A_456 : i32
      %parallel_loop3A_458 = arith.index_cast %parallel_loop3A_457 : i32 to index
      %parallel_loop3A_459 = arith.constant 32 : index
      %parallel_loop3A_460 = tpu.vector_load %arg6[%parallel_loop3A_458, %parallel_loop3A_459] {strides = array<i32>} : memref<128x64xf32, #tpu.memory_space<vmem>>, vector<1x16xf32>,
      %parallel_loop3A_461 = vector.shape_cast %parallel_loop3A_460 : vector<1x16xf32> to vector<16xf32>
      %parallel_loop3A_462 = arith.maximumf %parallel_loop3A_341, %parallel_loop3A_349 : vector<16xf32>
      %parallel_loop3A_463 = arith.maximumf %parallel_loop3A_357, %parallel_loop3A_365 : vector<16xf32>
      %parallel_loop3A_464 = arith.maximumf %parallel_loop3A_373, %parallel_loop3A_381 : vector<16xf32>
      %parallel_loop3A_465 = arith.maximumf %parallel_loop3A_389, %parallel_loop3A_397 : vector<16xf32>
      %parallel_loop3A_466 = arith.maximumf %parallel_loop3A_405, %parallel_loop3A_413 : vector<16xf32>
      %parallel_loop3A_467 = arith.maximumf %parallel_loop3A_421, %parallel_loop3A_429 : vector<16xf32>
      %parallel_loop3A_468 = arith.maximumf %parallel_loop3A_437, %parallel_loop3A_445 : vector<16xf32>
      %parallel_loop3A_469 = arith.maximumf %parallel_loop3A_453, %parallel_loop3A_461 : vector<16xf32>
      %parallel_loop3A_470 = arith.maximumf %parallel_loop3A_462, %parallel_loop3A_463 : vector<16xf32>
      %parallel_loop3A_471 = arith.maximumf %parallel_loop3A_464, %parallel_loop3A_465 : vector<16xf32>
      %parallel_loop3A_472 = arith.maximumf %parallel_loop3A_466, %parallel_loop3A_467 : vector<16xf32>
      %parallel_loop3A_473 = arith.maximumf %parallel_loop3A_468, %parallel_loop3A_469 : vector<16xf32>
      %parallel_loop3A_474 = arith.maximumf %parallel_loop3A_470, %parallel_loop3A_471 : vector<16xf32>
      %parallel_loop3A_475 = arith.maximumf %parallel_loop3A_472, %parallel_loop3A_473 : vector<16xf32>
      %parallel_loop3A_476 = arith.maximumf %parallel_loop3A_474, %parallel_loop3A_475 : vector<16xf32>
      %parallel_loop3A_477 = arith.constant 496 : i32
      %parallel_loop3A_478 = arith.addi %parallel_loop3A_477, %parallel_loop3A_33 : i32
      %parallel_loop3A_479 = arith.index_cast %parallel_loop3A_478 : i32 to index
      %parallel_loop3A_480 = arith.constant 32 : index
      %parallel_loop3A_481 = tpu.vector_load %arg8[%parallel_loop3A_479, %parallel_loop3A_480] {strides = array<i32>} : memref<512x64xf32, #tpu.memory_space<vmem>>, vector<1x16xf32>,
      %parallel_loop3A_482 = vector.shape_cast %parallel_loop3A_481 : vector<1x16xf32> to vector<16xf32>
      %parallel_loop3A_483 = vector.shape_cast %parallel_loop3A_476 : vector<16xf32> to vector<1x16xf32>
      tpu.vector_store %arg8[%parallel_loop3A_479, %parallel_loop3A_480], %parallel_loop3A_483 {strides = array<i32>} : memref<512x64xf32, #tpu.memory_space<vmem>>, vector<1x16xf32>,
      %parallel_loop3A_484 = arith.constant 16 : i32
      %parallel_loop3A_485 = arith.muli %parallel_loop3A_33, %parallel_loop3A_484 : i32
      %parallel_loop3A_486 = arith.constant 0 : i32
      %parallel_loop3A_487 = arith.addi %parallel_loop3A_485, %parallel_loop3A_486 : i32
      %parallel_loop3A_488 = arith.index_cast %parallel_loop3A_487 : i32 to index
      %parallel_loop3A_489 = arith.constant 48 : index
      %parallel_loop3A_490 = tpu.vector_load %arg6[%parallel_loop3A_488, %parallel_loop3A_489] {strides = array<i32>} : memref<128x64xf32, #tpu.memory_space<vmem>>, vector<1x16xf32>,
      %parallel_loop3A_491 = vector.shape_cast %parallel_loop3A_490 : vector<1x16xf32> to vector<16xf32>
      %parallel_loop3A_492 = arith.constant 16 : i32
      %parallel_loop3A_493 = arith.muli %parallel_loop3A_33, %parallel_loop3A_492 : i32
      %parallel_loop3A_494 = arith.constant 1 : i32
      %parallel_loop3A_495 = arith.addi %parallel_loop3A_493, %parallel_loop3A_494 : i32
      %parallel_loop3A_496 = arith.index_cast %parallel_loop3A_495 : i32 to index
      %parallel_loop3A_497 = arith.constant 48 : index
      %parallel_loop3A_498 = tpu.vector_load %arg6[%parallel_loop3A_496, %parallel_loop3A_497] {strides = array<i32>} : memref<128x64xf32, #tpu.memory_space<vmem>>, vector<1x16xf32>,
      %parallel_loop3A_499 = vector.shape_cast %parallel_loop3A_498 : vector<1x16xf32> to vector<16xf32>
      %parallel_loop3A_500 = arith.constant 16 : i32
      %parallel_loop3A_501 = arith.muli %parallel_loop3A_33, %parallel_loop3A_500 : i32
      %parallel_loop3A_502 = arith.constant 2 : i32
      %parallel_loop3A_503 = arith.addi %parallel_loop3A_501, %parallel_loop3A_502 : i32
      %parallel_loop3A_504 = arith.index_cast %parallel_loop3A_503 : i32 to index
      %parallel_loop3A_505 = arith.constant 48 : index
      %parallel_loop3A_506 = tpu.vector_load %arg6[%parallel_loop3A_504, %parallel_loop3A_505] {strides = array<i32>} : memref<128x64xf32, #tpu.memory_space<vmem>>, vector<1x16xf32>,
      %parallel_loop3A_507 = vector.shape_cast %parallel_loop3A_506 : vector<1x16xf32> to vector<16xf32>
      %parallel_loop3A_508 = arith.constant 16 : i32
      %parallel_loop3A_509 = arith.muli %parallel_loop3A_33, %parallel_loop3A_508 : i32
      %parallel_loop3A_510 = arith.constant 3 : i32
      %parallel_loop3A_511 = arith.addi %parallel_loop3A_509, %parallel_loop3A_510 : i32
      %parallel_loop3A_512 = arith.index_cast %parallel_loop3A_511 : i32 to index
      %parallel_loop3A_513 = arith.constant 48 : index
      %parallel_loop3A_514 = tpu.vector_load %arg6[%parallel_loop3A_512, %parallel_loop3A_513] {strides = array<i32>} : memref<128x64xf32, #tpu.memory_space<vmem>>, vector<1x16xf32>,
      %parallel_loop3A_515 = vector.shape_cast %parallel_loop3A_514 : vector<1x16xf32> to vector<16xf32>
      %parallel_loop3A_516 = arith.constant 16 : i32
      %parallel_loop3A_517 = arith.muli %parallel_loop3A_33, %parallel_loop3A_516 : i32
      %parallel_loop3A_518 = arith.constant 4 : i32
      %parallel_loop3A_519 = arith.addi %parallel_loop3A_517, %parallel_loop3A_518 : i32
      %parallel_loop3A_520 = arith.index_cast %parallel_loop3A_519 : i32 to index
      %parallel_loop3A_521 = arith.constant 48 : index
      %parallel_loop3A_522 = tpu.vector_load %arg6[%parallel_loop3A_520, %parallel_loop3A_521] {strides = array<i32>} : memref<128x64xf32, #tpu.memory_space<vmem>>, vector<1x16xf32>,
      %parallel_loop3A_523 = vector.shape_cast %parallel_loop3A_522 : vector<1x16xf32> to vector<16xf32>
      %parallel_loop3A_524 = arith.constant 16 : i32
      %parallel_loop3A_525 = arith.muli %parallel_loop3A_33, %parallel_loop3A_524 : i32
      %parallel_loop3A_526 = arith.constant 5 : i32
      %parallel_loop3A_527 = arith.addi %parallel_loop3A_525, %parallel_loop3A_526 : i32
      %parallel_loop3A_528 = arith.index_cast %parallel_loop3A_527 : i32 to index
      %parallel_loop3A_529 = arith.constant 48 : index
      %parallel_loop3A_530 = tpu.vector_load %arg6[%parallel_loop3A_528, %parallel_loop3A_529] {strides = array<i32>} : memref<128x64xf32, #tpu.memory_space<vmem>>, vector<1x16xf32>,
      %parallel_loop3A_531 = vector.shape_cast %parallel_loop3A_530 : vector<1x16xf32> to vector<16xf32>
      %parallel_loop3A_532 = arith.constant 16 : i32
      %parallel_loop3A_533 = arith.muli %parallel_loop3A_33, %parallel_loop3A_532 : i32
      %parallel_loop3A_534 = arith.constant 6 : i32
      %parallel_loop3A_535 = arith.addi %parallel_loop3A_533, %parallel_loop3A_534 : i32
      %parallel_loop3A_536 = arith.index_cast %parallel_loop3A_535 : i32 to index
      %parallel_loop3A_537 = arith.constant 48 : index
      %parallel_loop3A_538 = tpu.vector_load %arg6[%parallel_loop3A_536, %parallel_loop3A_537] {strides = array<i32>} : memref<128x64xf32, #tpu.memory_space<vmem>>, vector<1x16xf32>,
      %parallel_loop3A_539 = vector.shape_cast %parallel_loop3A_538 : vector<1x16xf32> to vector<16xf32>
      %parallel_loop3A_540 = arith.constant 16 : i32
      %parallel_loop3A_541 = arith.muli %parallel_loop3A_33, %parallel_loop3A_540 : i32
      %parallel_loop3A_542 = arith.constant 7 : i32
      %parallel_loop3A_543 = arith.addi %parallel_loop3A_541, %parallel_loop3A_542 : i32
      %parallel_loop3A_544 = arith.index_cast %parallel_loop3A_543 : i32 to index
      %parallel_loop3A_545 = arith.constant 48 : index
      %parallel_loop3A_546 = tpu.vector_load %arg6[%parallel_loop3A_544, %parallel_loop3A_545] {strides = array<i32>} : memref<128x64xf32, #tpu.memory_space<vmem>>, vector<1x16xf32>,
      %parallel_loop3A_547 = vector.shape_cast %parallel_loop3A_546 : vector<1x16xf32> to vector<16xf32>
      %parallel_loop3A_548 = arith.constant 16 : i32
      %parallel_loop3A_549 = arith.muli %parallel_loop3A_33, %parallel_loop3A_548 : i32
      %parallel_loop3A_550 = arith.constant 8 : i32
      %parallel_loop3A_551 = arith.addi %parallel_loop3A_549, %parallel_loop3A_550 : i32
      %parallel_loop3A_552 = arith.index_cast %parallel_loop3A_551 : i32 to index
      %parallel_loop3A_553 = arith.constant 48 : index
      %parallel_loop3A_554 = tpu.vector_load %arg6[%parallel_loop3A_552, %parallel_loop3A_553] {strides = array<i32>} : memref<128x64xf32, #tpu.memory_space<vmem>>, vector<1x16xf32>,
      %parallel_loop3A_555 = vector.shape_cast %parallel_loop3A_554 : vector<1x16xf32> to vector<16xf32>
      %parallel_loop3A_556 = arith.constant 16 : i32
      %parallel_loop3A_557 = arith.muli %parallel_loop3A_33, %parallel_loop3A_556 : i32
      %parallel_loop3A_558 = arith.constant 9 : i32
      %parallel_loop3A_559 = arith.addi %parallel_loop3A_557, %parallel_loop3A_558 : i32
      %parallel_loop3A_560 = arith.index_cast %parallel_loop3A_559 : i32 to index
      %parallel_loop3A_561 = arith.constant 48 : index
      %parallel_loop3A_562 = tpu.vector_load %arg6[%parallel_loop3A_560, %parallel_loop3A_561] {strides = array<i32>} : memref<128x64xf32, #tpu.memory_space<vmem>>, vector<1x16xf32>,
      %parallel_loop3A_563 = vector.shape_cast %parallel_loop3A_562 : vector<1x16xf32> to vector<16xf32>
      %parallel_loop3A_564 = arith.constant 16 : i32
      %parallel_loop3A_565 = arith.muli %parallel_loop3A_33, %parallel_loop3A_564 : i32
      %parallel_loop3A_566 = arith.constant 10 : i32
      %parallel_loop3A_567 = arith.addi %parallel_loop3A_565, %parallel_loop3A_566 : i32
      %parallel_loop3A_568 = arith.index_cast %parallel_loop3A_567 : i32 to index
      %parallel_loop3A_569 = arith.constant 48 : index
      %parallel_loop3A_570 = tpu.vector_load %arg6[%parallel_loop3A_568, %parallel_loop3A_569] {strides = array<i32>} : memref<128x64xf32, #tpu.memory_space<vmem>>, vector<1x16xf32>,
      %parallel_loop3A_571 = vector.shape_cast %parallel_loop3A_570 : vector<1x16xf32> to vector<16xf32>
      %parallel_loop3A_572 = arith.constant 16 : i32
      %parallel_loop3A_573 = arith.muli %parallel_loop3A_33, %parallel_loop3A_572 : i32
      %parallel_loop3A_574 = arith.constant 11 : i32
      %parallel_loop3A_575 = arith.addi %parallel_loop3A_573, %parallel_loop3A_574 : i32
      %parallel_loop3A_576 = arith.index_cast %parallel_loop3A_575 : i32 to index
      %parallel_loop3A_577 = arith.constant 48 : index
      %parallel_loop3A_578 = tpu.vector_load %arg6[%parallel_loop3A_576, %parallel_loop3A_577] {strides = array<i32>} : memref<128x64xf32, #tpu.memory_space<vmem>>, vector<1x16xf32>,
      %parallel_loop3A_579 = vector.shape_cast %parallel_loop3A_578 : vector<1x16xf32> to vector<16xf32>
      %parallel_loop3A_580 = arith.constant 16 : i32
      %parallel_loop3A_581 = arith.muli %parallel_loop3A_33, %parallel_loop3A_580 : i32
      %parallel_loop3A_582 = arith.constant 12 : i32
      %parallel_loop3A_583 = arith.addi %parallel_loop3A_581, %parallel_loop3A_582 : i32
      %parallel_loop3A_584 = arith.index_cast %parallel_loop3A_583 : i32 to index
      %parallel_loop3A_585 = arith.constant 48 : index
      %parallel_loop3A_586 = tpu.vector_load %arg6[%parallel_loop3A_584, %parallel_loop3A_585] {strides = array<i32>} : memref<128x64xf32, #tpu.memory_space<vmem>>, vector<1x16xf32>,
      %parallel_loop3A_587 = vector.shape_cast %parallel_loop3A_586 : vector<1x16xf32> to vector<16xf32>
      %parallel_loop3A_588 = arith.constant 16 : i32
      %parallel_loop3A_589 = arith.muli %parallel_loop3A_33, %parallel_loop3A_588 : i32
      %parallel_loop3A_590 = arith.constant 13 : i32
      %parallel_loop3A_591 = arith.addi %parallel_loop3A_589, %parallel_loop3A_590 : i32
      %parallel_loop3A_592 = arith.index_cast %parallel_loop3A_591 : i32 to index
      %parallel_loop3A_593 = arith.constant 48 : index
      %parallel_loop3A_594 = tpu.vector_load %arg6[%parallel_loop3A_592, %parallel_loop3A_593] {strides = array<i32>} : memref<128x64xf32, #tpu.memory_space<vmem>>, vector<1x16xf32>,
      %parallel_loop3A_595 = vector.shape_cast %parallel_loop3A_594 : vector<1x16xf32> to vector<16xf32>
      %parallel_loop3A_596 = arith.constant 16 : i32
      %parallel_loop3A_597 = arith.muli %parallel_loop3A_33, %parallel_loop3A_596 : i32
      %parallel_loop3A_598 = arith.constant 14 : i32
      %parallel_loop3A_599 = arith.addi %parallel_loop3A_597, %parallel_loop3A_598 : i32
      %parallel_loop3A_600 = arith.index_cast %parallel_loop3A_599 : i32 to index
      %parallel_loop3A_601 = arith.constant 48 : index
      %parallel_loop3A_602 = tpu.vector_load %arg6[%parallel_loop3A_600, %parallel_loop3A_601] {strides = array<i32>} : memref<128x64xf32, #tpu.memory_space<vmem>>, vector<1x16xf32>,
      %parallel_loop3A_603 = vector.shape_cast %parallel_loop3A_602 : vector<1x16xf32> to vector<16xf32>
      %parallel_loop3A_604 = arith.constant 16 : i32
      %parallel_loop3A_605 = arith.muli %parallel_loop3A_33, %parallel_loop3A_604 : i32
      %parallel_loop3A_606 = arith.constant 15 : i32
      %parallel_loop3A_607 = arith.addi %parallel_loop3A_605, %parallel_loop3A_606 : i32
      %parallel_loop3A_608 = arith.index_cast %parallel_loop3A_607 : i32 to index
      %parallel_loop3A_609 = arith.constant 48 : index
      %parallel_loop3A_610 = tpu.vector_load %arg6[%parallel_loop3A_608, %parallel_loop3A_609] {strides = array<i32>} : memref<128x64xf32, #tpu.memory_space<vmem>>, vector<1x16xf32>,
      %parallel_loop3A_611 = vector.shape_cast %parallel_loop3A_610 : vector<1x16xf32> to vector<16xf32>
      %parallel_loop3A_612 = arith.maximumf %parallel_loop3A_491, %parallel_loop3A_499 : vector<16xf32>
      %parallel_loop3A_613 = arith.maximumf %parallel_loop3A_507, %parallel_loop3A_515 : vector<16xf32>
      %parallel_loop3A_614 = arith.maximumf %parallel_loop3A_523, %parallel_loop3A_531 : vector<16xf32>
      %parallel_loop3A_615 = arith.maximumf %parallel_loop3A_539, %parallel_loop3A_547 : vector<16xf32>
      %parallel_loop3A_616 = arith.maximumf %parallel_loop3A_555, %parallel_loop3A_563 : vector<16xf32>
      %parallel_loop3A_617 = arith.maximumf %parallel_loop3A_571, %parallel_loop3A_579 : vector<16xf32>
      %parallel_loop3A_618 = arith.maximumf %parallel_loop3A_587, %parallel_loop3A_595 : vector<16xf32>
      %parallel_loop3A_619 = arith.maximumf %parallel_loop3A_603, %parallel_loop3A_611 : vector<16xf32>
      %parallel_loop3A_620 = arith.maximumf %parallel_loop3A_612, %parallel_loop3A_613 : vector<16xf32>
      %parallel_loop3A_621 = arith.maximumf %parallel_loop3A_614, %parallel_loop3A_615 : vector<16xf32>
      %parallel_loop3A_622 = arith.maximumf %parallel_loop3A_616, %parallel_loop3A_617 : vector<16xf32>
      %parallel_loop3A_623 = arith.maximumf %parallel_loop3A_618, %parallel_loop3A_619 : vector<16xf32>
      %parallel_loop3A_624 = arith.maximumf %parallel_loop3A_620, %parallel_loop3A_621 : vector<16xf32>
      %parallel_loop3A_625 = arith.maximumf %parallel_loop3A_622, %parallel_loop3A_623 : vector<16xf32>
      %parallel_loop3A_626 = arith.maximumf %parallel_loop3A_624, %parallel_loop3A_625 : vector<16xf32>
      %parallel_loop3A_627 = arith.constant 496 : i32
      %parallel_loop3A_628 = arith.addi %parallel_loop3A_627, %parallel_loop3A_33 : i32
      %parallel_loop3A_629 = arith.index_cast %parallel_loop3A_628 : i32 to index
      %parallel_loop3A_630 = arith.constant 48 : index
      %parallel_loop3A_631 = tpu.vector_load %arg8[%parallel_loop3A_629, %parallel_loop3A_630] {strides = array<i32>} : memref<512x64xf32, #tpu.memory_space<vmem>>, vector<1x16xf32>,
      %parallel_loop3A_632 = vector.shape_cast %parallel_loop3A_631 : vector<1x16xf32> to vector<16xf32>
      %parallel_loop3A_633 = vector.shape_cast %parallel_loop3A_626 : vector<16xf32> to vector<1x16xf32>
      tpu.vector_store %arg8[%parallel_loop3A_629, %parallel_loop3A_630], %parallel_loop3A_633 {strides = array<i32>} : memref<512x64xf32, #tpu.memory_space<vmem>>, vector<1x16xf32>,
    } {sc.loop_unroll_factor = 4 : i64, sc.parallel_access}
    %dma_wait3A_25 = arith.constant 0 : i32
    %dma_wait3A_26 = tpu.memref_slice %arg5[%dma_wait3A_25] : memref<8192xi32, #tpu.memory_space<vmem>> -> memref<128xi32, #tpu.memory_space<vmem>>
    %dma_wait3A_27 = arith.constant 0 : i32
    %dma_wait3A_28 = arith.constant 0 : i32
    %dma_wait3A_29 = tpu.memref_slice %arg2[%dma_wait3A_27, %dma_wait3A_28] : memref<16384x64xf32, #tpu.memory_space<hbm>> -> memref<16384x64xf32, #tpu.memory_space<hbm>>
    tpu.wait_indirect_dma semaphore(%arg10 : memref<!tpu.dma_semaphore, #tpu.memory_space<semaphore_mem>>) src(%dma_wait3A_29 : memref<16384x64xf32, #tpu.memory_space<hbm>>) dst(%arg7 : memref<128x64xf32, #tpu.memory_space<vmem>>)
    %parallel_loop3A_30 = arith.constant 0 : i32
    %parallel_loop3A_31 = arith.constant 8 : i32
    %parallel_loop3A_32 = arith.constant 1 : i32
    scf.for %parallel_loop3A_33 = %parallel_loop3A_30 to %parallel_loop3A_31 step %parallel_loop3A_32  : i32 {
      %parallel_loop3A_34 = arith.constant 16 : i32
      %parallel_loop3A_35 = arith.muli %parallel_loop3A_33, %parallel_loop3A_34 : i32
      %parallel_loop3A_36 = arith.constant 0 : i32
      %parallel_loop3A_37 = arith.addi %parallel_loop3A_35, %parallel_loop3A_36 : i32
      %parallel_loop3A_38 = arith.index_cast %parallel_loop3A_37 : i32 to index
      %parallel_loop3A_39 = arith.constant 0 : index
      %parallel_loop3A_40 = tpu.vector_load %arg7[%parallel_loop3A_38, %parallel_loop3A_39] {strides = array<i32>} : memref<128x64xf32, #tpu.memory_space<vmem>>, vector<1x16xf32>,
      %parallel_loop3A_41 = vector.shape_cast %parallel_loop3A_40 : vector<1x16xf32> to vector<16xf32>
      %parallel_loop3A_42 = arith.constant 16 : i32
      %parallel_loop3A_43 = arith.muli %parallel_loop3A_33, %parallel_loop3A_42 : i32
      %parallel_loop3A_44 = arith.constant 1 : i32
      %parallel_loop3A_45 = arith.addi %parallel_loop3A_43, %parallel_loop3A_44 : i32
      %parallel_loop3A_46 = arith.index_cast %parallel_loop3A_45 : i32 to index
      %parallel_loop3A_47 = arith.constant 0 : index
      %parallel_loop3A_48 = tpu.vector_load %arg7[%parallel_loop3A_46, %parallel_loop3A_47] {strides = array<i32>} : memref<128x64xf32, #tpu.memory_space<vmem>>, vector<1x16xf32>,
      %parallel_loop3A_49 = vector.shape_cast %parallel_loop3A_48 : vector<1x16xf32> to vector<16xf32>
      %parallel_loop3A_50 = arith.constant 16 : i32
      %parallel_loop3A_51 = arith.muli %parallel_loop3A_33, %parallel_loop3A_50 : i32
      %parallel_loop3A_52 = arith.constant 2 : i32
      %parallel_loop3A_53 = arith.addi %parallel_loop3A_51, %parallel_loop3A_52 : i32
      %parallel_loop3A_54 = arith.index_cast %parallel_loop3A_53 : i32 to index
      %parallel_loop3A_55 = arith.constant 0 : index
      %parallel_loop3A_56 = tpu.vector_load %arg7[%parallel_loop3A_54, %parallel_loop3A_55] {strides = array<i32>} : memref<128x64xf32, #tpu.memory_space<vmem>>, vector<1x16xf32>,
      %parallel_loop3A_57 = vector.shape_cast %parallel_loop3A_56 : vector<1x16xf32> to vector<16xf32>
      %parallel_loop3A_58 = arith.constant 16 : i32
      %parallel_loop3A_59 = arith.muli %parallel_loop3A_33, %parallel_loop3A_58 : i32
      %parallel_loop3A_60 = arith.constant 3 : i32
      %parallel_loop3A_61 = arith.addi %parallel_loop3A_59, %parallel_loop3A_60 : i32
      %parallel_loop3A_62 = arith.index_cast %parallel_loop3A_61 : i32 to index
      %parallel_loop3A_63 = arith.constant 0 : index
      %parallel_loop3A_64 = tpu.vector_load %arg7[%parallel_loop3A_62, %parallel_loop3A_63] {strides = array<i32>} : memref<128x64xf32, #tpu.memory_space<vmem>>, vector<1x16xf32>,
      %parallel_loop3A_65 = vector.shape_cast %parallel_loop3A_64 : vector<1x16xf32> to vector<16xf32>
      %parallel_loop3A_66 = arith.constant 16 : i32
      %parallel_loop3A_67 = arith.muli %parallel_loop3A_33, %parallel_loop3A_66 : i32
      %parallel_loop3A_68 = arith.constant 4 : i32
      %parallel_loop3A_69 = arith.addi %parallel_loop3A_67, %parallel_loop3A_68 : i32
      %parallel_loop3A_70 = arith.index_cast %parallel_loop3A_69 : i32 to index
      %parallel_loop3A_71 = arith.constant 0 : index
      %parallel_loop3A_72 = tpu.vector_load %arg7[%parallel_loop3A_70, %parallel_loop3A_71] {strides = array<i32>} : memref<128x64xf32, #tpu.memory_space<vmem>>, vector<1x16xf32>,
      %parallel_loop3A_73 = vector.shape_cast %parallel_loop3A_72 : vector<1x16xf32> to vector<16xf32>
      %parallel_loop3A_74 = arith.constant 16 : i32
      %parallel_loop3A_75 = arith.muli %parallel_loop3A_33, %parallel_loop3A_74 : i32
      %parallel_loop3A_76 = arith.constant 5 : i32
      %parallel_loop3A_77 = arith.addi %parallel_loop3A_75, %parallel_loop3A_76 : i32
      %parallel_loop3A_78 = arith.index_cast %parallel_loop3A_77 : i32 to index
      %parallel_loop3A_79 = arith.constant 0 : index
      %parallel_loop3A_80 = tpu.vector_load %arg7[%parallel_loop3A_78, %parallel_loop3A_79] {strides = array<i32>} : memref<128x64xf32, #tpu.memory_space<vmem>>, vector<1x16xf32>,
      %parallel_loop3A_81 = vector.shape_cast %parallel_loop3A_80 : vector<1x16xf32> to vector<16xf32>
      %parallel_loop3A_82 = arith.constant 16 : i32
      %parallel_loop3A_83 = arith.muli %parallel_loop3A_33, %parallel_loop3A_82 : i32
      %parallel_loop3A_84 = arith.constant 6 : i32
      %parallel_loop3A_85 = arith.addi %parallel_loop3A_83, %parallel_loop3A_84 : i32
      %parallel_loop3A_86 = arith.index_cast %parallel_loop3A_85 : i32 to index
      %parallel_loop3A_87 = arith.constant 0 : index
      %parallel_loop3A_88 = tpu.vector_load %arg7[%parallel_loop3A_86, %parallel_loop3A_87] {strides = array<i32>} : memref<128x64xf32, #tpu.memory_space<vmem>>, vector<1x16xf32>,
      %parallel_loop3A_89 = vector.shape_cast %parallel_loop3A_88 : vector<1x16xf32> to vector<16xf32>
      %parallel_loop3A_90 = arith.constant 16 : i32
      %parallel_loop3A_91 = arith.muli %parallel_loop3A_33, %parallel_loop3A_90 : i32
      %parallel_loop3A_92 = arith.constant 7 : i32
      %parallel_loop3A_93 = arith.addi %parallel_loop3A_91, %parallel_loop3A_92 : i32
      %parallel_loop3A_94 = arith.index_cast %parallel_loop3A_93 : i32 to index
      %parallel_loop3A_95 = arith.constant 0 : index
      %parallel_loop3A_96 = tpu.vector_load %arg7[%parallel_loop3A_94, %parallel_loop3A_95] {strides = array<i32>} : memref<128x64xf32, #tpu.memory_space<vmem>>, vector<1x16xf32>,
      %parallel_loop3A_97 = vector.shape_cast %parallel_loop3A_96 : vector<1x16xf32> to vector<16xf32>
      %parallel_loop3A_98 = arith.constant 16 : i32
      %parallel_loop3A_99 = arith.muli %parallel_loop3A_33, %parallel_loop3A_98 : i32
      %parallel_loop3A_100 = arith.constant 8 : i32
      %parallel_loop3A_101 = arith.addi %parallel_loop3A_99, %parallel_loop3A_100 : i32
      %parallel_loop3A_102 = arith.index_cast %parallel_loop3A_101 : i32 to index
      %parallel_loop3A_103 = arith.constant 0 : index
      %parallel_loop3A_104 = tpu.vector_load %arg7[%parallel_loop3A_102, %parallel_loop3A_103] {strides = array<i32>} : memref<128x64xf32, #tpu.memory_space<vmem>>, vector<1x16xf32>,
      %parallel_loop3A_105 = vector.shape_cast %parallel_loop3A_104 : vector<1x16xf32> to vector<16xf32>
      %parallel_loop3A_106 = arith.constant 16 : i32
      %parallel_loop3A_107 = arith.muli %parallel_loop3A_33, %parallel_loop3A_106 : i32
      %parallel_loop3A_108 = arith.constant 9 : i32
      %parallel_loop3A_109 = arith.addi %parallel_loop3A_107, %parallel_loop3A_108 : i32
      %parallel_loop3A_110 = arith.index_cast %parallel_loop3A_109 : i32 to index
      %parallel_loop3A_111 = arith.constant 0 : index
      %parallel_loop3A_112 = tpu.vector_load %arg7[%parallel_loop3A_110, %parallel_loop3A_111] {strides = array<i32>} : memref<128x64xf32, #tpu.memory_space<vmem>>, vector<1x16xf32>,
      %parallel_loop3A_113 = vector.shape_cast %parallel_loop3A_112 : vector<1x16xf32> to vector<16xf32>
      %parallel_loop3A_114 = arith.constant 16 : i32
      %parallel_loop3A_115 = arith.muli %parallel_loop3A_33, %parallel_loop3A_114 : i32
      %parallel_loop3A_116 = arith.constant 10 : i32
      %parallel_loop3A_117 = arith.addi %parallel_loop3A_115, %parallel_loop3A_116 : i32
      %parallel_loop3A_118 = arith.index_cast %parallel_loop3A_117 : i32 to index
      %parallel_loop3A_119 = arith.constant 0 : index
      %parallel_loop3A_120 = tpu.vector_load %arg7[%parallel_loop3A_118, %parallel_loop3A_119] {strides = array<i32>} : memref<128x64xf32, #tpu.memory_space<vmem>>, vector<1x16xf32>,
      %parallel_loop3A_121 = vector.shape_cast %parallel_loop3A_120 : vector<1x16xf32> to vector<16xf32>
      %parallel_loop3A_122 = arith.constant 16 : i32
      %parallel_loop3A_123 = arith.muli %parallel_loop3A_33, %parallel_loop3A_122 : i32
      %parallel_loop3A_124 = arith.constant 11 : i32
      %parallel_loop3A_125 = arith.addi %parallel_loop3A_123, %parallel_loop3A_124 : i32
      %parallel_loop3A_126 = arith.index_cast %parallel_loop3A_125 : i32 to index
      %parallel_loop3A_127 = arith.constant 0 : index
      %parallel_loop3A_128 = tpu.vector_load %arg7[%parallel_loop3A_126, %parallel_loop3A_127] {strides = array<i32>} : memref<128x64xf32, #tpu.memory_space<vmem>>, vector<1x16xf32>,
      %parallel_loop3A_129 = vector.shape_cast %parallel_loop3A_128 : vector<1x16xf32> to vector<16xf32>
      %parallel_loop3A_130 = arith.constant 16 : i32
      %parallel_loop3A_131 = arith.muli %parallel_loop3A_33, %parallel_loop3A_130 : i32
      %parallel_loop3A_132 = arith.constant 12 : i32
      %parallel_loop3A_133 = arith.addi %parallel_loop3A_131, %parallel_loop3A_132 : i32
      %parallel_loop3A_134 = arith.index_cast %parallel_loop3A_133 : i32 to index
      %parallel_loop3A_135 = arith.constant 0 : index
      %parallel_loop3A_136 = tpu.vector_load %arg7[%parallel_loop3A_134, %parallel_loop3A_135] {strides = array<i32>} : memref<128x64xf32, #tpu.memory_space<vmem>>, vector<1x16xf32>,
      %parallel_loop3A_137 = vector.shape_cast %parallel_loop3A_136 : vector<1x16xf32> to vector<16xf32>
      %parallel_loop3A_138 = arith.constant 16 : i32
      %parallel_loop3A_139 = arith.muli %parallel_loop3A_33, %parallel_loop3A_138 : i32
      %parallel_loop3A_140 = arith.constant 13 : i32
      %parallel_loop3A_141 = arith.addi %parallel_loop3A_139, %parallel_loop3A_140 : i32
      %parallel_loop3A_142 = arith.index_cast %parallel_loop3A_141 : i32 to index
      %parallel_loop3A_143 = arith.constant 0 : index
      %parallel_loop3A_144 = tpu.vector_load %arg7[%parallel_loop3A_142, %parallel_loop3A_143] {strides = array<i32>} : memref<128x64xf32, #tpu.memory_space<vmem>>, vector<1x16xf32>,
      %parallel_loop3A_145 = vector.shape_cast %parallel_loop3A_144 : vector<1x16xf32> to vector<16xf32>
      %parallel_loop3A_146 = arith.constant 16 : i32
      %parallel_loop3A_147 = arith.muli %parallel_loop3A_33, %parallel_loop3A_146 : i32
      %parallel_loop3A_148 = arith.constant 14 : i32
      %parallel_loop3A_149 = arith.addi %parallel_loop3A_147, %parallel_loop3A_148 : i32
      %parallel_loop3A_150 = arith.index_cast %parallel_loop3A_149 : i32 to index
      %parallel_loop3A_151 = arith.constant 0 : index
      %parallel_loop3A_152 = tpu.vector_load %arg7[%parallel_loop3A_150, %parallel_loop3A_151] {strides = array<i32>} : memref<128x64xf32, #tpu.memory_space<vmem>>, vector<1x16xf32>,
      %parallel_loop3A_153 = vector.shape_cast %parallel_loop3A_152 : vector<1x16xf32> to vector<16xf32>
      %parallel_loop3A_154 = arith.constant 16 : i32
      %parallel_loop3A_155 = arith.muli %parallel_loop3A_33, %parallel_loop3A_154 : i32
      %parallel_loop3A_156 = arith.constant 15 : i32
      %parallel_loop3A_157 = arith.addi %parallel_loop3A_155, %parallel_loop3A_156 : i32
      %parallel_loop3A_158 = arith.index_cast %parallel_loop3A_157 : i32 to index
      %parallel_loop3A_159 = arith.constant 0 : index
      %parallel_loop3A_160 = tpu.vector_load %arg7[%parallel_loop3A_158, %parallel_loop3A_159] {strides = array<i32>} : memref<128x64xf32, #tpu.memory_space<vmem>>, vector<1x16xf32>,
      %parallel_loop3A_161 = vector.shape_cast %parallel_loop3A_160 : vector<1x16xf32> to vector<16xf32>
      %parallel_loop3A_162 = arith.maximumf %parallel_loop3A_41, %parallel_loop3A_49 : vector<16xf32>
      %parallel_loop3A_163 = arith.maximumf %parallel_loop3A_57, %parallel_loop3A_65 : vector<16xf32>
      %parallel_loop3A_164 = arith.maximumf %parallel_loop3A_73, %parallel_loop3A_81 : vector<16xf32>
      %parallel_loop3A_165 = arith.maximumf %parallel_loop3A_89, %parallel_loop3A_97 : vector<16xf32>
      %parallel_loop3A_166 = arith.maximumf %parallel_loop3A_105, %parallel_loop3A_113 : vector<16xf32>
      %parallel_loop3A_167 = arith.maximumf %parallel_loop3A_121, %parallel_loop3A_129 : vector<16xf32>
      %parallel_loop3A_168 = arith.maximumf %parallel_loop3A_137, %parallel_loop3A_145 : vector<16xf32>
      %parallel_loop3A_169 = arith.maximumf %parallel_loop3A_153, %parallel_loop3A_161 : vector<16xf32>
      %parallel_loop3A_170 = arith.maximumf %parallel_loop3A_162, %parallel_loop3A_163 : vector<16xf32>
      %parallel_loop3A_171 = arith.maximumf %parallel_loop3A_164, %parallel_loop3A_165 : vector<16xf32>
      %parallel_loop3A_172 = arith.maximumf %parallel_loop3A_166, %parallel_loop3A_167 : vector<16xf32>
      %parallel_loop3A_173 = arith.maximumf %parallel_loop3A_168, %parallel_loop3A_169 : vector<16xf32>
      %parallel_loop3A_174 = arith.maximumf %parallel_loop3A_170, %parallel_loop3A_171 : vector<16xf32>
      %parallel_loop3A_175 = arith.maximumf %parallel_loop3A_172, %parallel_loop3A_173 : vector<16xf32>
      %parallel_loop3A_176 = arith.maximumf %parallel_loop3A_174, %parallel_loop3A_175 : vector<16xf32>
      %parallel_loop3A_177 = arith.constant 504 : i32
      %parallel_loop3A_178 = arith.addi %parallel_loop3A_177, %parallel_loop3A_33 : i32
      %parallel_loop3A_179 = arith.index_cast %parallel_loop3A_178 : i32 to index
      %parallel_loop3A_180 = arith.constant 0 : index
      %parallel_loop3A_181 = tpu.vector_load %arg8[%parallel_loop3A_179, %parallel_loop3A_180] {strides = array<i32>} : memref<512x64xf32, #tpu.memory_space<vmem>>, vector<1x16xf32>,
      %parallel_loop3A_182 = vector.shape_cast %parallel_loop3A_181 : vector<1x16xf32> to vector<16xf32>
      %parallel_loop3A_183 = vector.shape_cast %parallel_loop3A_176 : vector<16xf32> to vector<1x16xf32>
      tpu.vector_store %arg8[%parallel_loop3A_179, %parallel_loop3A_180], %parallel_loop3A_183 {strides = array<i32>} : memref<512x64xf32, #tpu.memory_space<vmem>>, vector<1x16xf32>,
      %parallel_loop3A_184 = arith.constant 16 : i32
      %parallel_loop3A_185 = arith.muli %parallel_loop3A_33, %parallel_loop3A_184 : i32
      %parallel_loop3A_186 = arith.constant 0 : i32
      %parallel_loop3A_187 = arith.addi %parallel_loop3A_185, %parallel_loop3A_186 : i32
      %parallel_loop3A_188 = arith.index_cast %parallel_loop3A_187 : i32 to index
      %parallel_loop3A_189 = arith.constant 16 : index
      %parallel_loop3A_190 = tpu.vector_load %arg7[%parallel_loop3A_188, %parallel_loop3A_189] {strides = array<i32>} : memref<128x64xf32, #tpu.memory_space<vmem>>, vector<1x16xf32>,
      %parallel_loop3A_191 = vector.shape_cast %parallel_loop3A_190 : vector<1x16xf32> to vector<16xf32>
      %parallel_loop3A_192 = arith.constant 16 : i32
      %parallel_loop3A_193 = arith.muli %parallel_loop3A_33, %parallel_loop3A_192 : i32
      %parallel_loop3A_194 = arith.constant 1 : i32
      %parallel_loop3A_195 = arith.addi %parallel_loop3A_193, %parallel_loop3A_194 : i32
      %parallel_loop3A_196 = arith.index_cast %parallel_loop3A_195 : i32 to index
      %parallel_loop3A_197 = arith.constant 16 : index
      %parallel_loop3A_198 = tpu.vector_load %arg7[%parallel_loop3A_196, %parallel_loop3A_197] {strides = array<i32>} : memref<128x64xf32, #tpu.memory_space<vmem>>, vector<1x16xf32>,
      %parallel_loop3A_199 = vector.shape_cast %parallel_loop3A_198 : vector<1x16xf32> to vector<16xf32>
      %parallel_loop3A_200 = arith.constant 16 : i32
      %parallel_loop3A_201 = arith.muli %parallel_loop3A_33, %parallel_loop3A_200 : i32
      %parallel_loop3A_202 = arith.constant 2 : i32
      %parallel_loop3A_203 = arith.addi %parallel_loop3A_201, %parallel_loop3A_202 : i32
      %parallel_loop3A_204 = arith.index_cast %parallel_loop3A_203 : i32 to index
      %parallel_loop3A_205 = arith.constant 16 : index
      %parallel_loop3A_206 = tpu.vector_load %arg7[%parallel_loop3A_204, %parallel_loop3A_205] {strides = array<i32>} : memref<128x64xf32, #tpu.memory_space<vmem>>, vector<1x16xf32>,
      %parallel_loop3A_207 = vector.shape_cast %parallel_loop3A_206 : vector<1x16xf32> to vector<16xf32>
      %parallel_loop3A_208 = arith.constant 16 : i32
      %parallel_loop3A_209 = arith.muli %parallel_loop3A_33, %parallel_loop3A_208 : i32
      %parallel_loop3A_210 = arith.constant 3 : i32
      %parallel_loop3A_211 = arith.addi %parallel_loop3A_209, %parallel_loop3A_210 : i32
      %parallel_loop3A_212 = arith.index_cast %parallel_loop3A_211 : i32 to index
      %parallel_loop3A_213 = arith.constant 16 : index
      %parallel_loop3A_214 = tpu.vector_load %arg7[%parallel_loop3A_212, %parallel_loop3A_213] {strides = array<i32>} : memref<128x64xf32, #tpu.memory_space<vmem>>, vector<1x16xf32>,
      %parallel_loop3A_215 = vector.shape_cast %parallel_loop3A_214 : vector<1x16xf32> to vector<16xf32>
      %parallel_loop3A_216 = arith.constant 16 : i32
      %parallel_loop3A_217 = arith.muli %parallel_loop3A_33, %parallel_loop3A_216 : i32
      %parallel_loop3A_218 = arith.constant 4 : i32
      %parallel_loop3A_219 = arith.addi %parallel_loop3A_217, %parallel_loop3A_218 : i32
      %parallel_loop3A_220 = arith.index_cast %parallel_loop3A_219 : i32 to index
      %parallel_loop3A_221 = arith.constant 16 : index
      %parallel_loop3A_222 = tpu.vector_load %arg7[%parallel_loop3A_220, %parallel_loop3A_221] {strides = array<i32>} : memref<128x64xf32, #tpu.memory_space<vmem>>, vector<1x16xf32>,
      %parallel_loop3A_223 = vector.shape_cast %parallel_loop3A_222 : vector<1x16xf32> to vector<16xf32>
      %parallel_loop3A_224 = arith.constant 16 : i32
      %parallel_loop3A_225 = arith.muli %parallel_loop3A_33, %parallel_loop3A_224 : i32
      %parallel_loop3A_226 = arith.constant 5 : i32
      %parallel_loop3A_227 = arith.addi %parallel_loop3A_225, %parallel_loop3A_226 : i32
      %parallel_loop3A_228 = arith.index_cast %parallel_loop3A_227 : i32 to index
      %parallel_loop3A_229 = arith.constant 16 : index
      %parallel_loop3A_230 = tpu.vector_load %arg7[%parallel_loop3A_228, %parallel_loop3A_229] {strides = array<i32>} : memref<128x64xf32, #tpu.memory_space<vmem>>, vector<1x16xf32>,
      %parallel_loop3A_231 = vector.shape_cast %parallel_loop3A_230 : vector<1x16xf32> to vector<16xf32>
      %parallel_loop3A_232 = arith.constant 16 : i32
      %parallel_loop3A_233 = arith.muli %parallel_loop3A_33, %parallel_loop3A_232 : i32
      %parallel_loop3A_234 = arith.constant 6 : i32
      %parallel_loop3A_235 = arith.addi %parallel_loop3A_233, %parallel_loop3A_234 : i32
      %parallel_loop3A_236 = arith.index_cast %parallel_loop3A_235 : i32 to index
      %parallel_loop3A_237 = arith.constant 16 : index
      %parallel_loop3A_238 = tpu.vector_load %arg7[%parallel_loop3A_236, %parallel_loop3A_237] {strides = array<i32>} : memref<128x64xf32, #tpu.memory_space<vmem>>, vector<1x16xf32>,
      %parallel_loop3A_239 = vector.shape_cast %parallel_loop3A_238 : vector<1x16xf32> to vector<16xf32>
      %parallel_loop3A_240 = arith.constant 16 : i32
      %parallel_loop3A_241 = arith.muli %parallel_loop3A_33, %parallel_loop3A_240 : i32
      %parallel_loop3A_242 = arith.constant 7 : i32
      %parallel_loop3A_243 = arith.addi %parallel_loop3A_241, %parallel_loop3A_242 : i32
      %parallel_loop3A_244 = arith.index_cast %parallel_loop3A_243 : i32 to index
      %parallel_loop3A_245 = arith.constant 16 : index
      %parallel_loop3A_246 = tpu.vector_load %arg7[%parallel_loop3A_244, %parallel_loop3A_245] {strides = array<i32>} : memref<128x64xf32, #tpu.memory_space<vmem>>, vector<1x16xf32>,
      %parallel_loop3A_247 = vector.shape_cast %parallel_loop3A_246 : vector<1x16xf32> to vector<16xf32>
      %parallel_loop3A_248 = arith.constant 16 : i32
      %parallel_loop3A_249 = arith.muli %parallel_loop3A_33, %parallel_loop3A_248 : i32
      %parallel_loop3A_250 = arith.constant 8 : i32
      %parallel_loop3A_251 = arith.addi %parallel_loop3A_249, %parallel_loop3A_250 : i32
      %parallel_loop3A_252 = arith.index_cast %parallel_loop3A_251 : i32 to index
      %parallel_loop3A_253 = arith.constant 16 : index
      %parallel_loop3A_254 = tpu.vector_load %arg7[%parallel_loop3A_252, %parallel_loop3A_253] {strides = array<i32>} : memref<128x64xf32, #tpu.memory_space<vmem>>, vector<1x16xf32>,
      %parallel_loop3A_255 = vector.shape_cast %parallel_loop3A_254 : vector<1x16xf32> to vector<16xf32>
      %parallel_loop3A_256 = arith.constant 16 : i32
      %parallel_loop3A_257 = arith.muli %parallel_loop3A_33, %parallel_loop3A_256 : i32
      %parallel_loop3A_258 = arith.constant 9 : i32
      %parallel_loop3A_259 = arith.addi %parallel_loop3A_257, %parallel_loop3A_258 : i32
      %parallel_loop3A_260 = arith.index_cast %parallel_loop3A_259 : i32 to index
      %parallel_loop3A_261 = arith.constant 16 : index
      %parallel_loop3A_262 = tpu.vector_load %arg7[%parallel_loop3A_260, %parallel_loop3A_261] {strides = array<i32>} : memref<128x64xf32, #tpu.memory_space<vmem>>, vector<1x16xf32>,
      %parallel_loop3A_263 = vector.shape_cast %parallel_loop3A_262 : vector<1x16xf32> to vector<16xf32>
      %parallel_loop3A_264 = arith.constant 16 : i32
      %parallel_loop3A_265 = arith.muli %parallel_loop3A_33, %parallel_loop3A_264 : i32
      %parallel_loop3A_266 = arith.constant 10 : i32
      %parallel_loop3A_267 = arith.addi %parallel_loop3A_265, %parallel_loop3A_266 : i32
      %parallel_loop3A_268 = arith.index_cast %parallel_loop3A_267 : i32 to index
      %parallel_loop3A_269 = arith.constant 16 : index
      %parallel_loop3A_270 = tpu.vector_load %arg7[%parallel_loop3A_268, %parallel_loop3A_269] {strides = array<i32>} : memref<128x64xf32, #tpu.memory_space<vmem>>, vector<1x16xf32>,
      %parallel_loop3A_271 = vector.shape_cast %parallel_loop3A_270 : vector<1x16xf32> to vector<16xf32>
      %parallel_loop3A_272 = arith.constant 16 : i32
      %parallel_loop3A_273 = arith.muli %parallel_loop3A_33, %parallel_loop3A_272 : i32
      %parallel_loop3A_274 = arith.constant 11 : i32
      %parallel_loop3A_275 = arith.addi %parallel_loop3A_273, %parallel_loop3A_274 : i32
      %parallel_loop3A_276 = arith.index_cast %parallel_loop3A_275 : i32 to index
      %parallel_loop3A_277 = arith.constant 16 : index
      %parallel_loop3A_278 = tpu.vector_load %arg7[%parallel_loop3A_276, %parallel_loop3A_277] {strides = array<i32>} : memref<128x64xf32, #tpu.memory_space<vmem>>, vector<1x16xf32>,
      %parallel_loop3A_279 = vector.shape_cast %parallel_loop3A_278 : vector<1x16xf32> to vector<16xf32>
      %parallel_loop3A_280 = arith.constant 16 : i32
      %parallel_loop3A_281 = arith.muli %parallel_loop3A_33, %parallel_loop3A_280 : i32
      %parallel_loop3A_282 = arith.constant 12 : i32
      %parallel_loop3A_283 = arith.addi %parallel_loop3A_281, %parallel_loop3A_282 : i32
      %parallel_loop3A_284 = arith.index_cast %parallel_loop3A_283 : i32 to index
      %parallel_loop3A_285 = arith.constant 16 : index
      %parallel_loop3A_286 = tpu.vector_load %arg7[%parallel_loop3A_284, %parallel_loop3A_285] {strides = array<i32>} : memref<128x64xf32, #tpu.memory_space<vmem>>, vector<1x16xf32>,
      %parallel_loop3A_287 = vector.shape_cast %parallel_loop3A_286 : vector<1x16xf32> to vector<16xf32>
      %parallel_loop3A_288 = arith.constant 16 : i32
      %parallel_loop3A_289 = arith.muli %parallel_loop3A_33, %parallel_loop3A_288 : i32
      %parallel_loop3A_290 = arith.constant 13 : i32
      %parallel_loop3A_291 = arith.addi %parallel_loop3A_289, %parallel_loop3A_290 : i32
      %parallel_loop3A_292 = arith.index_cast %parallel_loop3A_291 : i32 to index
      %parallel_loop3A_293 = arith.constant 16 : index
      %parallel_loop3A_294 = tpu.vector_load %arg7[%parallel_loop3A_292, %parallel_loop3A_293] {strides = array<i32>} : memref<128x64xf32, #tpu.memory_space<vmem>>, vector<1x16xf32>,
      %parallel_loop3A_295 = vector.shape_cast %parallel_loop3A_294 : vector<1x16xf32> to vector<16xf32>
      %parallel_loop3A_296 = arith.constant 16 : i32
      %parallel_loop3A_297 = arith.muli %parallel_loop3A_33, %parallel_loop3A_296 : i32
      %parallel_loop3A_298 = arith.constant 14 : i32
      %parallel_loop3A_299 = arith.addi %parallel_loop3A_297, %parallel_loop3A_298 : i32
      %parallel_loop3A_300 = arith.index_cast %parallel_loop3A_299 : i32 to index
      %parallel_loop3A_301 = arith.constant 16 : index
      %parallel_loop3A_302 = tpu.vector_load %arg7[%parallel_loop3A_300, %parallel_loop3A_301] {strides = array<i32>} : memref<128x64xf32, #tpu.memory_space<vmem>>, vector<1x16xf32>,
      %parallel_loop3A_303 = vector.shape_cast %parallel_loop3A_302 : vector<1x16xf32> to vector<16xf32>
      %parallel_loop3A_304 = arith.constant 16 : i32
      %parallel_loop3A_305 = arith.muli %parallel_loop3A_33, %parallel_loop3A_304 : i32
      %parallel_loop3A_306 = arith.constant 15 : i32
      %parallel_loop3A_307 = arith.addi %parallel_loop3A_305, %parallel_loop3A_306 : i32
      %parallel_loop3A_308 = arith.index_cast %parallel_loop3A_307 : i32 to index
      %parallel_loop3A_309 = arith.constant 16 : index
      %parallel_loop3A_310 = tpu.vector_load %arg7[%parallel_loop3A_308, %parallel_loop3A_309] {strides = array<i32>} : memref<128x64xf32, #tpu.memory_space<vmem>>, vector<1x16xf32>,
      %parallel_loop3A_311 = vector.shape_cast %parallel_loop3A_310 : vector<1x16xf32> to vector<16xf32>
      %parallel_loop3A_312 = arith.maximumf %parallel_loop3A_191, %parallel_loop3A_199 : vector<16xf32>
      %parallel_loop3A_313 = arith.maximumf %parallel_loop3A_207, %parallel_loop3A_215 : vector<16xf32>
      %parallel_loop3A_314 = arith.maximumf %parallel_loop3A_223, %parallel_loop3A_231 : vector<16xf32>
      %parallel_loop3A_315 = arith.maximumf %parallel_loop3A_239, %parallel_loop3A_247 : vector<16xf32>
      %parallel_loop3A_316 = arith.maximumf %parallel_loop3A_255, %parallel_loop3A_263 : vector<16xf32>
      %parallel_loop3A_317 = arith.maximumf %parallel_loop3A_271, %parallel_loop3A_279 : vector<16xf32>
      %parallel_loop3A_318 = arith.maximumf %parallel_loop3A_287, %parallel_loop3A_295 : vector<16xf32>
      %parallel_loop3A_319 = arith.maximumf %parallel_loop3A_303, %parallel_loop3A_311 : vector<16xf32>
      %parallel_loop3A_320 = arith.maximumf %parallel_loop3A_312, %parallel_loop3A_313 : vector<16xf32>
      %parallel_loop3A_321 = arith.maximumf %parallel_loop3A_314, %parallel_loop3A_315 : vector<16xf32>
      %parallel_loop3A_322 = arith.maximumf %parallel_loop3A_316, %parallel_loop3A_317 : vector<16xf32>
      %parallel_loop3A_323 = arith.maximumf %parallel_loop3A_318, %parallel_loop3A_319 : vector<16xf32>
      %parallel_loop3A_324 = arith.maximumf %parallel_loop3A_320, %parallel_loop3A_321 : vector<16xf32>
      %parallel_loop3A_325 = arith.maximumf %parallel_loop3A_322, %parallel_loop3A_323 : vector<16xf32>
      %parallel_loop3A_326 = arith.maximumf %parallel_loop3A_324, %parallel_loop3A_325 : vector<16xf32>
      %parallel_loop3A_327 = arith.constant 504 : i32
      %parallel_loop3A_328 = arith.addi %parallel_loop3A_327, %parallel_loop3A_33 : i32
      %parallel_loop3A_329 = arith.index_cast %parallel_loop3A_328 : i32 to index
      %parallel_loop3A_330 = arith.constant 16 : index
      %parallel_loop3A_331 = tpu.vector_load %arg8[%parallel_loop3A_329, %parallel_loop3A_330] {strides = array<i32>} : memref<512x64xf32, #tpu.memory_space<vmem>>, vector<1x16xf32>,
      %parallel_loop3A_332 = vector.shape_cast %parallel_loop3A_331 : vector<1x16xf32> to vector<16xf32>
      %parallel_loop3A_333 = vector.shape_cast %parallel_loop3A_326 : vector<16xf32> to vector<1x16xf32>
      tpu.vector_store %arg8[%parallel_loop3A_329, %parallel_loop3A_330], %parallel_loop3A_333 {strides = array<i32>} : memref<512x64xf32, #tpu.memory_space<vmem>>, vector<1x16xf32>,
      %parallel_loop3A_334 = arith.constant 16 : i32
      %parallel_loop3A_335 = arith.muli %parallel_loop3A_33, %parallel_loop3A_334 : i32
      %parallel_loop3A_336 = arith.constant 0 : i32
      %parallel_loop3A_337 = arith.addi %parallel_loop3A_335, %parallel_loop3A_336 : i32
      %parallel_loop3A_338 = arith.index_cast %parallel_loop3A_337 : i32 to index
      %parallel_loop3A_339 = arith.constant 32 : index
      %parallel_loop3A_340 = tpu.vector_load %arg7[%parallel_loop3A_338, %parallel_loop3A_339] {strides = array<i32>} : memref<128x64xf32, #tpu.memory_space<vmem>>, vector<1x16xf32>,
      %parallel_loop3A_341 = vector.shape_cast %parallel_loop3A_340 : vector<1x16xf32> to vector<16xf32>
      %parallel_loop3A_342 = arith.constant 16 : i32
      %parallel_loop3A_343 = arith.muli %parallel_loop3A_33, %parallel_loop3A_342 : i32
      %parallel_loop3A_344 = arith.constant 1 : i32
      %parallel_loop3A_345 = arith.addi %parallel_loop3A_343, %parallel_loop3A_344 : i32
      %parallel_loop3A_346 = arith.index_cast %parallel_loop3A_345 : i32 to index
      %parallel_loop3A_347 = arith.constant 32 : index
      %parallel_loop3A_348 = tpu.vector_load %arg7[%parallel_loop3A_346, %parallel_loop3A_347] {strides = array<i32>} : memref<128x64xf32, #tpu.memory_space<vmem>>, vector<1x16xf32>,
      %parallel_loop3A_349 = vector.shape_cast %parallel_loop3A_348 : vector<1x16xf32> to vector<16xf32>
      %parallel_loop3A_350 = arith.constant 16 : i32
      %parallel_loop3A_351 = arith.muli %parallel_loop3A_33, %parallel_loop3A_350 : i32
      %parallel_loop3A_352 = arith.constant 2 : i32
      %parallel_loop3A_353 = arith.addi %parallel_loop3A_351, %parallel_loop3A_352 : i32
      %parallel_loop3A_354 = arith.index_cast %parallel_loop3A_353 : i32 to index
      %parallel_loop3A_355 = arith.constant 32 : index
      %parallel_loop3A_356 = tpu.vector_load %arg7[%parallel_loop3A_354, %parallel_loop3A_355] {strides = array<i32>} : memref<128x64xf32, #tpu.memory_space<vmem>>, vector<1x16xf32>,
      %parallel_loop3A_357 = vector.shape_cast %parallel_loop3A_356 : vector<1x16xf32> to vector<16xf32>
      %parallel_loop3A_358 = arith.constant 16 : i32
      %parallel_loop3A_359 = arith.muli %parallel_loop3A_33, %parallel_loop3A_358 : i32
      %parallel_loop3A_360 = arith.constant 3 : i32
      %parallel_loop3A_361 = arith.addi %parallel_loop3A_359, %parallel_loop3A_360 : i32
      %parallel_loop3A_362 = arith.index_cast %parallel_loop3A_361 : i32 to index
      %parallel_loop3A_363 = arith.constant 32 : index
      %parallel_loop3A_364 = tpu.vector_load %arg7[%parallel_loop3A_362, %parallel_loop3A_363] {strides = array<i32>} : memref<128x64xf32, #tpu.memory_space<vmem>>, vector<1x16xf32>,
      %parallel_loop3A_365 = vector.shape_cast %parallel_loop3A_364 : vector<1x16xf32> to vector<16xf32>
      %parallel_loop3A_366 = arith.constant 16 : i32
      %parallel_loop3A_367 = arith.muli %parallel_loop3A_33, %parallel_loop3A_366 : i32
      %parallel_loop3A_368 = arith.constant 4 : i32
      %parallel_loop3A_369 = arith.addi %parallel_loop3A_367, %parallel_loop3A_368 : i32
      %parallel_loop3A_370 = arith.index_cast %parallel_loop3A_369 : i32 to index
      %parallel_loop3A_371 = arith.constant 32 : index
      %parallel_loop3A_372 = tpu.vector_load %arg7[%parallel_loop3A_370, %parallel_loop3A_371] {strides = array<i32>} : memref<128x64xf32, #tpu.memory_space<vmem>>, vector<1x16xf32>,
      %parallel_loop3A_373 = vector.shape_cast %parallel_loop3A_372 : vector<1x16xf32> to vector<16xf32>
      %parallel_loop3A_374 = arith.constant 16 : i32
      %parallel_loop3A_375 = arith.muli %parallel_loop3A_33, %parallel_loop3A_374 : i32
      %parallel_loop3A_376 = arith.constant 5 : i32
      %parallel_loop3A_377 = arith.addi %parallel_loop3A_375, %parallel_loop3A_376 : i32
      %parallel_loop3A_378 = arith.index_cast %parallel_loop3A_377 : i32 to index
      %parallel_loop3A_379 = arith.constant 32 : index
      %parallel_loop3A_380 = tpu.vector_load %arg7[%parallel_loop3A_378, %parallel_loop3A_379] {strides = array<i32>} : memref<128x64xf32, #tpu.memory_space<vmem>>, vector<1x16xf32>,
      %parallel_loop3A_381 = vector.shape_cast %parallel_loop3A_380 : vector<1x16xf32> to vector<16xf32>
      %parallel_loop3A_382 = arith.constant 16 : i32
      %parallel_loop3A_383 = arith.muli %parallel_loop3A_33, %parallel_loop3A_382 : i32
      %parallel_loop3A_384 = arith.constant 6 : i32
      %parallel_loop3A_385 = arith.addi %parallel_loop3A_383, %parallel_loop3A_384 : i32
      %parallel_loop3A_386 = arith.index_cast %parallel_loop3A_385 : i32 to index
      %parallel_loop3A_387 = arith.constant 32 : index
      %parallel_loop3A_388 = tpu.vector_load %arg7[%parallel_loop3A_386, %parallel_loop3A_387] {strides = array<i32>} : memref<128x64xf32, #tpu.memory_space<vmem>>, vector<1x16xf32>,
      %parallel_loop3A_389 = vector.shape_cast %parallel_loop3A_388 : vector<1x16xf32> to vector<16xf32>
      %parallel_loop3A_390 = arith.constant 16 : i32
      %parallel_loop3A_391 = arith.muli %parallel_loop3A_33, %parallel_loop3A_390 : i32
      %parallel_loop3A_392 = arith.constant 7 : i32
      %parallel_loop3A_393 = arith.addi %parallel_loop3A_391, %parallel_loop3A_392 : i32
      %parallel_loop3A_394 = arith.index_cast %parallel_loop3A_393 : i32 to index
      %parallel_loop3A_395 = arith.constant 32 : index
      %parallel_loop3A_396 = tpu.vector_load %arg7[%parallel_loop3A_394, %parallel_loop3A_395] {strides = array<i32>} : memref<128x64xf32, #tpu.memory_space<vmem>>, vector<1x16xf32>,
      %parallel_loop3A_397 = vector.shape_cast %parallel_loop3A_396 : vector<1x16xf32> to vector<16xf32>
      %parallel_loop3A_398 = arith.constant 16 : i32
      %parallel_loop3A_399 = arith.muli %parallel_loop3A_33, %parallel_loop3A_398 : i32
      %parallel_loop3A_400 = arith.constant 8 : i32
      %parallel_loop3A_401 = arith.addi %parallel_loop3A_399, %parallel_loop3A_400 : i32
      %parallel_loop3A_402 = arith.index_cast %parallel_loop3A_401 : i32 to index
      %parallel_loop3A_403 = arith.constant 32 : index
      %parallel_loop3A_404 = tpu.vector_load %arg7[%parallel_loop3A_402, %parallel_loop3A_403] {strides = array<i32>} : memref<128x64xf32, #tpu.memory_space<vmem>>, vector<1x16xf32>,
      %parallel_loop3A_405 = vector.shape_cast %parallel_loop3A_404 : vector<1x16xf32> to vector<16xf32>
      %parallel_loop3A_406 = arith.constant 16 : i32
      %parallel_loop3A_407 = arith.muli %parallel_loop3A_33, %parallel_loop3A_406 : i32
      %parallel_loop3A_408 = arith.constant 9 : i32
      %parallel_loop3A_409 = arith.addi %parallel_loop3A_407, %parallel_loop3A_408 : i32
      %parallel_loop3A_410 = arith.index_cast %parallel_loop3A_409 : i32 to index
      %parallel_loop3A_411 = arith.constant 32 : index
      %parallel_loop3A_412 = tpu.vector_load %arg7[%parallel_loop3A_410, %parallel_loop3A_411] {strides = array<i32>} : memref<128x64xf32, #tpu.memory_space<vmem>>, vector<1x16xf32>,
      %parallel_loop3A_413 = vector.shape_cast %parallel_loop3A_412 : vector<1x16xf32> to vector<16xf32>
      %parallel_loop3A_414 = arith.constant 16 : i32
      %parallel_loop3A_415 = arith.muli %parallel_loop3A_33, %parallel_loop3A_414 : i32
      %parallel_loop3A_416 = arith.constant 10 : i32
      %parallel_loop3A_417 = arith.addi %parallel_loop3A_415, %parallel_loop3A_416 : i32
      %parallel_loop3A_418 = arith.index_cast %parallel_loop3A_417 : i32 to index
      %parallel_loop3A_419 = arith.constant 32 : index
      %parallel_loop3A_420 = tpu.vector_load %arg7[%parallel_loop3A_418, %parallel_loop3A_419] {strides = array<i32>} : memref<128x64xf32, #tpu.memory_space<vmem>>, vector<1x16xf32>,
      %parallel_loop3A_421 = vector.shape_cast %parallel_loop3A_420 : vector<1x16xf32> to vector<16xf32>
      %parallel_loop3A_422 = arith.constant 16 : i32
      %parallel_loop3A_423 = arith.muli %parallel_loop3A_33, %parallel_loop3A_422 : i32
      %parallel_loop3A_424 = arith.constant 11 : i32
      %parallel_loop3A_425 = arith.addi %parallel_loop3A_423, %parallel_loop3A_424 : i32
      %parallel_loop3A_426 = arith.index_cast %parallel_loop3A_425 : i32 to index
      %parallel_loop3A_427 = arith.constant 32 : index
      %parallel_loop3A_428 = tpu.vector_load %arg7[%parallel_loop3A_426, %parallel_loop3A_427] {strides = array<i32>} : memref<128x64xf32, #tpu.memory_space<vmem>>, vector<1x16xf32>,
      %parallel_loop3A_429 = vector.shape_cast %parallel_loop3A_428 : vector<1x16xf32> to vector<16xf32>
      %parallel_loop3A_430 = arith.constant 16 : i32
      %parallel_loop3A_431 = arith.muli %parallel_loop3A_33, %parallel_loop3A_430 : i32
      %parallel_loop3A_432 = arith.constant 12 : i32
      %parallel_loop3A_433 = arith.addi %parallel_loop3A_431, %parallel_loop3A_432 : i32
      %parallel_loop3A_434 = arith.index_cast %parallel_loop3A_433 : i32 to index
      %parallel_loop3A_435 = arith.constant 32 : index
      %parallel_loop3A_436 = tpu.vector_load %arg7[%parallel_loop3A_434, %parallel_loop3A_435] {strides = array<i32>} : memref<128x64xf32, #tpu.memory_space<vmem>>, vector<1x16xf32>,
      %parallel_loop3A_437 = vector.shape_cast %parallel_loop3A_436 : vector<1x16xf32> to vector<16xf32>
      %parallel_loop3A_438 = arith.constant 16 : i32
      %parallel_loop3A_439 = arith.muli %parallel_loop3A_33, %parallel_loop3A_438 : i32
      %parallel_loop3A_440 = arith.constant 13 : i32
      %parallel_loop3A_441 = arith.addi %parallel_loop3A_439, %parallel_loop3A_440 : i32
      %parallel_loop3A_442 = arith.index_cast %parallel_loop3A_441 : i32 to index
      %parallel_loop3A_443 = arith.constant 32 : index
      %parallel_loop3A_444 = tpu.vector_load %arg7[%parallel_loop3A_442, %parallel_loop3A_443] {strides = array<i32>} : memref<128x64xf32, #tpu.memory_space<vmem>>, vector<1x16xf32>,
      %parallel_loop3A_445 = vector.shape_cast %parallel_loop3A_444 : vector<1x16xf32> to vector<16xf32>
      %parallel_loop3A_446 = arith.constant 16 : i32
      %parallel_loop3A_447 = arith.muli %parallel_loop3A_33, %parallel_loop3A_446 : i32
      %parallel_loop3A_448 = arith.constant 14 : i32
      %parallel_loop3A_449 = arith.addi %parallel_loop3A_447, %parallel_loop3A_448 : i32
      %parallel_loop3A_450 = arith.index_cast %parallel_loop3A_449 : i32 to index
      %parallel_loop3A_451 = arith.constant 32 : index
      %parallel_loop3A_452 = tpu.vector_load %arg7[%parallel_loop3A_450, %parallel_loop3A_451] {strides = array<i32>} : memref<128x64xf32, #tpu.memory_space<vmem>>, vector<1x16xf32>,
      %parallel_loop3A_453 = vector.shape_cast %parallel_loop3A_452 : vector<1x16xf32> to vector<16xf32>
      %parallel_loop3A_454 = arith.constant 16 : i32
      %parallel_loop3A_455 = arith.muli %parallel_loop3A_33, %parallel_loop3A_454 : i32
      %parallel_loop3A_456 = arith.constant 15 : i32
      %parallel_loop3A_457 = arith.addi %parallel_loop3A_455, %parallel_loop3A_456 : i32
      %parallel_loop3A_458 = arith.index_cast %parallel_loop3A_457 : i32 to index
      %parallel_loop3A_459 = arith.constant 32 : index
      %parallel_loop3A_460 = tpu.vector_load %arg7[%parallel_loop3A_458, %parallel_loop3A_459] {strides = array<i32>} : memref<128x64xf32, #tpu.memory_space<vmem>>, vector<1x16xf32>,
      %parallel_loop3A_461 = vector.shape_cast %parallel_loop3A_460 : vector<1x16xf32> to vector<16xf32>
      %parallel_loop3A_462 = arith.maximumf %parallel_loop3A_341, %parallel_loop3A_349 : vector<16xf32>
      %parallel_loop3A_463 = arith.maximumf %parallel_loop3A_357, %parallel_loop3A_365 : vector<16xf32>
      %parallel_loop3A_464 = arith.maximumf %parallel_loop3A_373, %parallel_loop3A_381 : vector<16xf32>
      %parallel_loop3A_465 = arith.maximumf %parallel_loop3A_389, %parallel_loop3A_397 : vector<16xf32>
      %parallel_loop3A_466 = arith.maximumf %parallel_loop3A_405, %parallel_loop3A_413 : vector<16xf32>
      %parallel_loop3A_467 = arith.maximumf %parallel_loop3A_421, %parallel_loop3A_429 : vector<16xf32>
      %parallel_loop3A_468 = arith.maximumf %parallel_loop3A_437, %parallel_loop3A_445 : vector<16xf32>
      %parallel_loop3A_469 = arith.maximumf %parallel_loop3A_453, %parallel_loop3A_461 : vector<16xf32>
      %parallel_loop3A_470 = arith.maximumf %parallel_loop3A_462, %parallel_loop3A_463 : vector<16xf32>
      %parallel_loop3A_471 = arith.maximumf %parallel_loop3A_464, %parallel_loop3A_465 : vector<16xf32>
      %parallel_loop3A_472 = arith.maximumf %parallel_loop3A_466, %parallel_loop3A_467 : vector<16xf32>
      %parallel_loop3A_473 = arith.maximumf %parallel_loop3A_468, %parallel_loop3A_469 : vector<16xf32>
      %parallel_loop3A_474 = arith.maximumf %parallel_loop3A_470, %parallel_loop3A_471 : vector<16xf32>
      %parallel_loop3A_475 = arith.maximumf %parallel_loop3A_472, %parallel_loop3A_473 : vector<16xf32>
      %parallel_loop3A_476 = arith.maximumf %parallel_loop3A_474, %parallel_loop3A_475 : vector<16xf32>
      %parallel_loop3A_477 = arith.constant 504 : i32
      %parallel_loop3A_478 = arith.addi %parallel_loop3A_477, %parallel_loop3A_33 : i32
      %parallel_loop3A_479 = arith.index_cast %parallel_loop3A_478 : i32 to index
      %parallel_loop3A_480 = arith.constant 32 : index
      %parallel_loop3A_481 = tpu.vector_load %arg8[%parallel_loop3A_479, %parallel_loop3A_480] {strides = array<i32>} : memref<512x64xf32, #tpu.memory_space<vmem>>, vector<1x16xf32>,
      %parallel_loop3A_482 = vector.shape_cast %parallel_loop3A_481 : vector<1x16xf32> to vector<16xf32>
      %parallel_loop3A_483 = vector.shape_cast %parallel_loop3A_476 : vector<16xf32> to vector<1x16xf32>
      tpu.vector_store %arg8[%parallel_loop3A_479, %parallel_loop3A_480], %parallel_loop3A_483 {strides = array<i32>} : memref<512x64xf32, #tpu.memory_space<vmem>>, vector<1x16xf32>,
      %parallel_loop3A_484 = arith.constant 16 : i32
      %parallel_loop3A_485 = arith.muli %parallel_loop3A_33, %parallel_loop3A_484 : i32
      %parallel_loop3A_486 = arith.constant 0 : i32
      %parallel_loop3A_487 = arith.addi %parallel_loop3A_485, %parallel_loop3A_486 : i32
      %parallel_loop3A_488 = arith.index_cast %parallel_loop3A_487 : i32 to index
      %parallel_loop3A_489 = arith.constant 48 : index
      %parallel_loop3A_490 = tpu.vector_load %arg7[%parallel_loop3A_488, %parallel_loop3A_489] {strides = array<i32>} : memref<128x64xf32, #tpu.memory_space<vmem>>, vector<1x16xf32>,
      %parallel_loop3A_491 = vector.shape_cast %parallel_loop3A_490 : vector<1x16xf32> to vector<16xf32>
      %parallel_loop3A_492 = arith.constant 16 : i32
      %parallel_loop3A_493 = arith.muli %parallel_loop3A_33, %parallel_loop3A_492 : i32
      %parallel_loop3A_494 = arith.constant 1 : i32
      %parallel_loop3A_495 = arith.addi %parallel_loop3A_493, %parallel_loop3A_494 : i32
      %parallel_loop3A_496 = arith.index_cast %parallel_loop3A_495 : i32 to index
      %parallel_loop3A_497 = arith.constant 48 : index
      %parallel_loop3A_498 = tpu.vector_load %arg7[%parallel_loop3A_496, %parallel_loop3A_497] {strides = array<i32>} : memref<128x64xf32, #tpu.memory_space<vmem>>, vector<1x16xf32>,
      %parallel_loop3A_499 = vector.shape_cast %parallel_loop3A_498 : vector<1x16xf32> to vector<16xf32>
      %parallel_loop3A_500 = arith.constant 16 : i32
      %parallel_loop3A_501 = arith.muli %parallel_loop3A_33, %parallel_loop3A_500 : i32
      %parallel_loop3A_502 = arith.constant 2 : i32
      %parallel_loop3A_503 = arith.addi %parallel_loop3A_501, %parallel_loop3A_502 : i32
      %parallel_loop3A_504 = arith.index_cast %parallel_loop3A_503 : i32 to index
      %parallel_loop3A_505 = arith.constant 48 : index
      %parallel_loop3A_506 = tpu.vector_load %arg7[%parallel_loop3A_504, %parallel_loop3A_505] {strides = array<i32>} : memref<128x64xf32, #tpu.memory_space<vmem>>, vector<1x16xf32>,
      %parallel_loop3A_507 = vector.shape_cast %parallel_loop3A_506 : vector<1x16xf32> to vector<16xf32>
      %parallel_loop3A_508 = arith.constant 16 : i32
      %parallel_loop3A_509 = arith.muli %parallel_loop3A_33, %parallel_loop3A_508 : i32
      %parallel_loop3A_510 = arith.constant 3 : i32
      %parallel_loop3A_511 = arith.addi %parallel_loop3A_509, %parallel_loop3A_510 : i32
      %parallel_loop3A_512 = arith.index_cast %parallel_loop3A_511 : i32 to index
      %parallel_loop3A_513 = arith.constant 48 : index
      %parallel_loop3A_514 = tpu.vector_load %arg7[%parallel_loop3A_512, %parallel_loop3A_513] {strides = array<i32>} : memref<128x64xf32, #tpu.memory_space<vmem>>, vector<1x16xf32>,
      %parallel_loop3A_515 = vector.shape_cast %parallel_loop3A_514 : vector<1x16xf32> to vector<16xf32>
      %parallel_loop3A_516 = arith.constant 16 : i32
      %parallel_loop3A_517 = arith.muli %parallel_loop3A_33, %parallel_loop3A_516 : i32
      %parallel_loop3A_518 = arith.constant 4 : i32
      %parallel_loop3A_519 = arith.addi %parallel_loop3A_517, %parallel_loop3A_518 : i32
      %parallel_loop3A_520 = arith.index_cast %parallel_loop3A_519 : i32 to index
      %parallel_loop3A_521 = arith.constant 48 : index
      %parallel_loop3A_522 = tpu.vector_load %arg7[%parallel_loop3A_520, %parallel_loop3A_521] {strides = array<i32>} : memref<128x64xf32, #tpu.memory_space<vmem>>, vector<1x16xf32>,
      %parallel_loop3A_523 = vector.shape_cast %parallel_loop3A_522 : vector<1x16xf32> to vector<16xf32>
      %parallel_loop3A_524 = arith.constant 16 : i32
      %parallel_loop3A_525 = arith.muli %parallel_loop3A_33, %parallel_loop3A_524 : i32
      %parallel_loop3A_526 = arith.constant 5 : i32
      %parallel_loop3A_527 = arith.addi %parallel_loop3A_525, %parallel_loop3A_526 : i32
      %parallel_loop3A_528 = arith.index_cast %parallel_loop3A_527 : i32 to index
      %parallel_loop3A_529 = arith.constant 48 : index
      %parallel_loop3A_530 = tpu.vector_load %arg7[%parallel_loop3A_528, %parallel_loop3A_529] {strides = array<i32>} : memref<128x64xf32, #tpu.memory_space<vmem>>, vector<1x16xf32>,
      %parallel_loop3A_531 = vector.shape_cast %parallel_loop3A_530 : vector<1x16xf32> to vector<16xf32>
      %parallel_loop3A_532 = arith.constant 16 : i32
      %parallel_loop3A_533 = arith.muli %parallel_loop3A_33, %parallel_loop3A_532 : i32
      %parallel_loop3A_534 = arith.constant 6 : i32
      %parallel_loop3A_535 = arith.addi %parallel_loop3A_533, %parallel_loop3A_534 : i32
      %parallel_loop3A_536 = arith.index_cast %parallel_loop3A_535 : i32 to index
      %parallel_loop3A_537 = arith.constant 48 : index
      %parallel_loop3A_538 = tpu.vector_load %arg7[%parallel_loop3A_536, %parallel_loop3A_537] {strides = array<i32>} : memref<128x64xf32, #tpu.memory_space<vmem>>, vector<1x16xf32>,
      %parallel_loop3A_539 = vector.shape_cast %parallel_loop3A_538 : vector<1x16xf32> to vector<16xf32>
      %parallel_loop3A_540 = arith.constant 16 : i32
      %parallel_loop3A_541 = arith.muli %parallel_loop3A_33, %parallel_loop3A_540 : i32
      %parallel_loop3A_542 = arith.constant 7 : i32
      %parallel_loop3A_543 = arith.addi %parallel_loop3A_541, %parallel_loop3A_542 : i32
      %parallel_loop3A_544 = arith.index_cast %parallel_loop3A_543 : i32 to index
      %parallel_loop3A_545 = arith.constant 48 : index
      %parallel_loop3A_546 = tpu.vector_load %arg7[%parallel_loop3A_544, %parallel_loop3A_545] {strides = array<i32>} : memref<128x64xf32, #tpu.memory_space<vmem>>, vector<1x16xf32>,
      %parallel_loop3A_547 = vector.shape_cast %parallel_loop3A_546 : vector<1x16xf32> to vector<16xf32>
      %parallel_loop3A_548 = arith.constant 16 : i32
      %parallel_loop3A_549 = arith.muli %parallel_loop3A_33, %parallel_loop3A_548 : i32
      %parallel_loop3A_550 = arith.constant 8 : i32
      %parallel_loop3A_551 = arith.addi %parallel_loop3A_549, %parallel_loop3A_550 : i32
      %parallel_loop3A_552 = arith.index_cast %parallel_loop3A_551 : i32 to index
      %parallel_loop3A_553 = arith.constant 48 : index
      %parallel_loop3A_554 = tpu.vector_load %arg7[%parallel_loop3A_552, %parallel_loop3A_553] {strides = array<i32>} : memref<128x64xf32, #tpu.memory_space<vmem>>, vector<1x16xf32>,
      %parallel_loop3A_555 = vector.shape_cast %parallel_loop3A_554 : vector<1x16xf32> to vector<16xf32>
      %parallel_loop3A_556 = arith.constant 16 : i32
      %parallel_loop3A_557 = arith.muli %parallel_loop3A_33, %parallel_loop3A_556 : i32
      %parallel_loop3A_558 = arith.constant 9 : i32
      %parallel_loop3A_559 = arith.addi %parallel_loop3A_557, %parallel_loop3A_558 : i32
      %parallel_loop3A_560 = arith.index_cast %parallel_loop3A_559 : i32 to index
      %parallel_loop3A_561 = arith.constant 48 : index
      %parallel_loop3A_562 = tpu.vector_load %arg7[%parallel_loop3A_560, %parallel_loop3A_561] {strides = array<i32>} : memref<128x64xf32, #tpu.memory_space<vmem>>, vector<1x16xf32>,
      %parallel_loop3A_563 = vector.shape_cast %parallel_loop3A_562 : vector<1x16xf32> to vector<16xf32>
      %parallel_loop3A_564 = arith.constant 16 : i32
      %parallel_loop3A_565 = arith.muli %parallel_loop3A_33, %parallel_loop3A_564 : i32
      %parallel_loop3A_566 = arith.constant 10 : i32
      %parallel_loop3A_567 = arith.addi %parallel_loop3A_565, %parallel_loop3A_566 : i32
      %parallel_loop3A_568 = arith.index_cast %parallel_loop3A_567 : i32 to index
      %parallel_loop3A_569 = arith.constant 48 : index
      %parallel_loop3A_570 = tpu.vector_load %arg7[%parallel_loop3A_568, %parallel_loop3A_569] {strides = array<i32>} : memref<128x64xf32, #tpu.memory_space<vmem>>, vector<1x16xf32>,
      %parallel_loop3A_571 = vector.shape_cast %parallel_loop3A_570 : vector<1x16xf32> to vector<16xf32>
      %parallel_loop3A_572 = arith.constant 16 : i32
      %parallel_loop3A_573 = arith.muli %parallel_loop3A_33, %parallel_loop3A_572 : i32
      %parallel_loop3A_574 = arith.constant 11 : i32
      %parallel_loop3A_575 = arith.addi %parallel_loop3A_573, %parallel_loop3A_574 : i32
      %parallel_loop3A_576 = arith.index_cast %parallel_loop3A_575 : i32 to index
      %parallel_loop3A_577 = arith.constant 48 : index
      %parallel_loop3A_578 = tpu.vector_load %arg7[%parallel_loop3A_576, %parallel_loop3A_577] {strides = array<i32>} : memref<128x64xf32, #tpu.memory_space<vmem>>, vector<1x16xf32>,
      %parallel_loop3A_579 = vector.shape_cast %parallel_loop3A_578 : vector<1x16xf32> to vector<16xf32>
      %parallel_loop3A_580 = arith.constant 16 : i32
      %parallel_loop3A_581 = arith.muli %parallel_loop3A_33, %parallel_loop3A_580 : i32
      %parallel_loop3A_582 = arith.constant 12 : i32
      %parallel_loop3A_583 = arith.addi %parallel_loop3A_581, %parallel_loop3A_582 : i32
      %parallel_loop3A_584 = arith.index_cast %parallel_loop3A_583 : i32 to index
      %parallel_loop3A_585 = arith.constant 48 : index
      %parallel_loop3A_586 = tpu.vector_load %arg7[%parallel_loop3A_584, %parallel_loop3A_585] {strides = array<i32>} : memref<128x64xf32, #tpu.memory_space<vmem>>, vector<1x16xf32>,
      %parallel_loop3A_587 = vector.shape_cast %parallel_loop3A_586 : vector<1x16xf32> to vector<16xf32>
      %parallel_loop3A_588 = arith.constant 16 : i32
      %parallel_loop3A_589 = arith.muli %parallel_loop3A_33, %parallel_loop3A_588 : i32
      %parallel_loop3A_590 = arith.constant 13 : i32
      %parallel_loop3A_591 = arith.addi %parallel_loop3A_589, %parallel_loop3A_590 : i32
      %parallel_loop3A_592 = arith.index_cast %parallel_loop3A_591 : i32 to index
      %parallel_loop3A_593 = arith.constant 48 : index
      %parallel_loop3A_594 = tpu.vector_load %arg7[%parallel_loop3A_592, %parallel_loop3A_593] {strides = array<i32>} : memref<128x64xf32, #tpu.memory_space<vmem>>, vector<1x16xf32>,
      %parallel_loop3A_595 = vector.shape_cast %parallel_loop3A_594 : vector<1x16xf32> to vector<16xf32>
      %parallel_loop3A_596 = arith.constant 16 : i32
      %parallel_loop3A_597 = arith.muli %parallel_loop3A_33, %parallel_loop3A_596 : i32
      %parallel_loop3A_598 = arith.constant 14 : i32
      %parallel_loop3A_599 = arith.addi %parallel_loop3A_597, %parallel_loop3A_598 : i32
      %parallel_loop3A_600 = arith.index_cast %parallel_loop3A_599 : i32 to index
      %parallel_loop3A_601 = arith.constant 48 : index
      %parallel_loop3A_602 = tpu.vector_load %arg7[%parallel_loop3A_600, %parallel_loop3A_601] {strides = array<i32>} : memref<128x64xf32, #tpu.memory_space<vmem>>, vector<1x16xf32>,
      %parallel_loop3A_603 = vector.shape_cast %parallel_loop3A_602 : vector<1x16xf32> to vector<16xf32>
      %parallel_loop3A_604 = arith.constant 16 : i32
      %parallel_loop3A_605 = arith.muli %parallel_loop3A_33, %parallel_loop3A_604 : i32
      %parallel_loop3A_606 = arith.constant 15 : i32
      %parallel_loop3A_607 = arith.addi %parallel_loop3A_605, %parallel_loop3A_606 : i32
      %parallel_loop3A_608 = arith.index_cast %parallel_loop3A_607 : i32 to index
      %parallel_loop3A_609 = arith.constant 48 : index
      %parallel_loop3A_610 = tpu.vector_load %arg7[%parallel_loop3A_608, %parallel_loop3A_609] {strides = array<i32>} : memref<128x64xf32, #tpu.memory_space<vmem>>, vector<1x16xf32>,
      %parallel_loop3A_611 = vector.shape_cast %parallel_loop3A_610 : vector<1x16xf32> to vector<16xf32>
      %parallel_loop3A_612 = arith.maximumf %parallel_loop3A_491, %parallel_loop3A_499 : vector<16xf32>
      %parallel_loop3A_613 = arith.maximumf %parallel_loop3A_507, %parallel_loop3A_515 : vector<16xf32>
      %parallel_loop3A_614 = arith.maximumf %parallel_loop3A_523, %parallel_loop3A_531 : vector<16xf32>
      %parallel_loop3A_615 = arith.maximumf %parallel_loop3A_539, %parallel_loop3A_547 : vector<16xf32>
      %parallel_loop3A_616 = arith.maximumf %parallel_loop3A_555, %parallel_loop3A_563 : vector<16xf32>
      %parallel_loop3A_617 = arith.maximumf %parallel_loop3A_571, %parallel_loop3A_579 : vector<16xf32>
      %parallel_loop3A_618 = arith.maximumf %parallel_loop3A_587, %parallel_loop3A_595 : vector<16xf32>
      %parallel_loop3A_619 = arith.maximumf %parallel_loop3A_603, %parallel_loop3A_611 : vector<16xf32>
      %parallel_loop3A_620 = arith.maximumf %parallel_loop3A_612, %parallel_loop3A_613 : vector<16xf32>
      %parallel_loop3A_621 = arith.maximumf %parallel_loop3A_614, %parallel_loop3A_615 : vector<16xf32>
      %parallel_loop3A_622 = arith.maximumf %parallel_loop3A_616, %parallel_loop3A_617 : vector<16xf32>
      %parallel_loop3A_623 = arith.maximumf %parallel_loop3A_618, %parallel_loop3A_619 : vector<16xf32>
      %parallel_loop3A_624 = arith.maximumf %parallel_loop3A_620, %parallel_loop3A_621 : vector<16xf32>
      %parallel_loop3A_625 = arith.maximumf %parallel_loop3A_622, %parallel_loop3A_623 : vector<16xf32>
      %parallel_loop3A_626 = arith.maximumf %parallel_loop3A_624, %parallel_loop3A_625 : vector<16xf32>
      %parallel_loop3A_627 = arith.constant 504 : i32
      %parallel_loop3A_628 = arith.addi %parallel_loop3A_627, %parallel_loop3A_33 : i32
      %parallel_loop3A_629 = arith.index_cast %parallel_loop3A_628 : i32 to index
      %parallel_loop3A_630 = arith.constant 48 : index
      %parallel_loop3A_631 = tpu.vector_load %arg8[%parallel_loop3A_629, %parallel_loop3A_630] {strides = array<i32>} : memref<512x64xf32, #tpu.memory_space<vmem>>, vector<1x16xf32>,
      %parallel_loop3A_632 = vector.shape_cast %parallel_loop3A_631 : vector<1x16xf32> to vector<16xf32>
      %parallel_loop3A_633 = vector.shape_cast %parallel_loop3A_626 : vector<16xf32> to vector<1x16xf32>
      tpu.vector_store %arg8[%parallel_loop3A_629, %parallel_loop3A_630], %parallel_loop3A_633 {strides = array<i32>} : memref<512x64xf32, #tpu.memory_space<vmem>>, vector<1x16xf32>,
    } {sc.loop_unroll_factor = 4 : i64, sc.parallel_access}
    "tpu.region"() ({
      %run_scoped3A = tpu.sem_alloc : memref<!tpu.dma_semaphore, #tpu.memory_space<semaphore_mem>>
      %dma_start3A_33 = arith.constant 0 : i32
      %dma_start3A_34 = tpu.memref_slice %arg4[%mul3A_2, %dma_start3A_33] : memref<16384x64xf32, #tpu.memory_space<hbm>> -> memref<512x64xf32, #tpu.memory_space<hbm>>
      %dma_start3A_35 = arith.constant 0 : i32
      %dma_start3A_36 = tpu.memref_slice %arg4[%mul3A_2, %dma_start3A_35] : memref<16384x64xf32, #tpu.memory_space<hbm>> -> memref<512x64xf32, #tpu.memory_space<hbm>>
      tpu.enqueue_dma source(%arg8 : memref<512x64xf32, #tpu.memory_space<vmem>>) target(%dma_start3A_36 : memref<512x64xf32, #tpu.memory_space<hbm>>) target_semaphore(%run_scoped3A : memref<!tpu.dma_semaphore, #tpu.memory_space<semaphore_mem>>)
      %dma_wait3A_37 = arith.constant 0 : i32
      %dma_wait3A_38 = tpu.memref_slice %arg4[%mul3A_2, %dma_wait3A_37] : memref<16384x64xf32, #tpu.memory_space<hbm>> -> memref<512x64xf32, #tpu.memory_space<hbm>>
      %dma_wait3A_39 = arith.constant 0 : i32
      %dma_wait3A_40 = tpu.memref_slice %arg4[%mul3A_2, %dma_wait3A_39] : memref<16384x64xf32, #tpu.memory_space<hbm>> -> memref<512x64xf32, #tpu.memory_space<hbm>>
      tpu.wait_dma2 semaphore(%run_scoped3A : memref<!tpu.dma_semaphore, #tpu.memory_space<semaphore_mem>>) src(%arg8 : memref<512x64xf32, #tpu.memory_space<vmem>>) dst(%dma_wait3A_40 : memref<512x64xf32, #tpu.memory_space<hbm>>)
      tpu.yield
    }) : () -> ()
    return
  }
}

</mosaic_0001>

<sc_bundles>
// kernel: _gather_max.3.cloned.1.call-start
scs
__scs_entry_jumppad:
0x0: {  	(pc) =	sbr.rel $0x88, $3  }
0x1: {  	(tag) =	ssettag $0x0;
	lr =	simm.s32 $0x1  }
0x2: {  	[smem:$0x3F9F] =	sst lr;
	_ =	strace $0xD0000000  }
0x3: {  	_ = 	snop  }
0x4: {  	_ = 	snop  }
0x5: {  	_ = 	snop  }
0x6: {  	_ = 	snop  }
0x7: {  	_ = 	snop  }
__scs_overlays_trampoline_lowered:
0x8: {  	[smem:$0x3FAE] =	sst s0  }
0x9: {  	[smem:$0x3FAF] =	sst s1  }
0xa: {  	[smem:$0x3FB0] =	sst s2  }
0xb: {  	[smem:$0x3FB1] =	sst s3  }
0xc: {  	[smem:$0x3FB2] =	sst s4  }
0xd: {  	[smem:$0x3FB3] =	sst s5  }
0xe: {  	[smem:$0x3FB4] =	sst s6  }
0xf: {  	[smem:$0x3FB5] =	sst s7  }
0x10: {  	[smem:$0x3FB6] =	sst s8  }
0x11: {  	[smem:$0x3FB7] =	sst s9;
	s0 =	simm.s32 @!p0 $0x0  }
0x12: {  	s1 =	sld [smem:$0x3F9D];
	s0 =	simm.s32 @p0 $0x1  }
0x13: {  	[smem:$0x3FB8] =	sst s0;
	s0 =	simm.s32 @!p1 $0x0  }
0x14: {  	s2 =	sld [smem:$0x3F9C];
	s0 =	simm.s32 @p1 $0x1  }
0x15: {  	[smem:$0x3FB9] =	sst s0;
	s0 =	simm.s32 @!p2 $0x0  }
0x16: {  	s3 =	sld [smem:$0x3FDB];
	s0 =	simm.s32 @p2 $0x1  }
0x17: {  	s4 =	simm.s32 $0x1BF5;
	[smem:$0x3FBB] =	sst s0  }
0x18: {  	s0 =	sld [smem:$0x3F9E];
	_ =	swait.ge [sflag:s4], $0x0  }
0x19: {  	s7 =	sld [smem:$0x3F9F]  }
0x1a: {  	s8 =	sadd.s32 $0xFFFFE003, lr  }
0x1b: {  	s9 =	sadd.s32 $0xFFFFFEF7, lr;
	s5 =	simm.s32 $0xFFFFFFFF;
	p2 =	slt.u32 s8, $0xFFFFF086  }
0x1c: {  	p1 =	slt.u32 s9, $0xF7A;
	s5 =	simm.s32 @!p2 $0x0  }
0x1d: {  	s5 =	simm.s32 @p1 $0x1;
	p0 =	seq.s32 s7, s2  }
0x1e: {  	s7 =	smul.u32 @!p0 $0xF7A, s2;
	p2 =	seq.s32 @!p0 s5, $0x0  }
0x1f: {  	s9 =	smul.u32 $0xF7A, s1;
	s8 =	simm.s32 @!p0 $0x1BF5;
	p2 =	por !p2, p0  }
0x20: {  	[sflag:s8] =	ssyncset.s32 @!p0 $0xFFFFF086;
	s6 =	sadd.s32 @!p0 s3, s7;
	s7 =	simm.s32 @!p0 $0x108  }
0x21: {  	s3 =	sadd.s32 s3, s9;
	s6 =	sadd.s32 @!p0 $0x88, s6;
	s7 =	simm.s32 @p2 $0x1082  }
0x22: {  	[simem:s7], [sflag:s8] =	dma.local @!p0 [hbm:s6], $0xF7A  }
0x23: {  	s9 =	sor.u32 $0xD0000000, s2;
	s6 =	simm.s32 $0x108;
	_ =	swait.ge @!p0 [sflag:s8], $0x0  }
0x24: {  	s3 =	sadd.s32 $0x88, s3;
	s6 =	simm.s32 @!p1 $0x1082;
	[sflag:s4] =	ssyncset.s32 $0xFFFFF086  }
0x25: {  	[simem:s6], [sflag:s4] =	dma.local [hbm:s3], $0xF7A  }
0x26: {  	[smem:$0x3F9F] =	sst s1;
	(tag) =	ssettag s2;
	_ =	strace s9  }
0x27: {  	s1 =	sld [smem:$0x3FAF]  }
0x28: {  	s2 =	sld [smem:$0x3FB0]  }
0x29: {  	s4 =	sld [smem:$0x3FB2]  }
0x2a: {  	p0 =	seq.s32 s5, $0x0;
	s5 =	sld [smem:$0x3FB3]  }
0x2b: {  	s6 =	sld [smem:$0x3FB4]  }
0x2c: {  	s7 =	sld [smem:$0x3FB5]  }
0x2d: {  	s3 =	simm.s32 $0x108;
	s8 =	sld [smem:$0x3FB6]  }
0x2e: {  	s3 =	simm.s32 @!p0 $0x1082;
	s9 =	sld [smem:$0x3FB7]  }
0x2f: {  	lr =	sadd.s32 s0, s3;
	s0 =	sld [smem:$0x3FAE]  }
0x30: {  	s3 =	sld [smem:$0x3FB1]  }
0x31: {  	[smem:$0x3FBA] =	sst s10  }
0x32: {  	s10 =	sld [smem:$0x3FB8];
	_ =	sdelay $0x3  }
0x33: {  	p0 =	seq.s32 s10, $0x1;
	s10 =	sld [smem:$0x3FBA];
	_ =	sdelay $0x3  }
0x34: {  	[smem:$0x3FBA] =	sst s10  }
0x35: {  	s10 =	sld [smem:$0x3FB9];
	_ =	sdelay $0x3  }
0x36: {  	p1 =	seq.s32 s10, $0x1;
	s10 =	sld [smem:$0x3FBA];
	_ =	sdelay $0x3  }
0x37: {  	[smem:$0x3FBA] =	sst s10  }
0x38: {  	s10 =	sld [smem:$0x3FBB]  }
0x39: {  	_ = 	snop;
	(pc) =	sbr.ind lr, $3  }
0x3a: {  	_ = 	snop  }
0x3b: {  	_ = 	snop  }
0x3c: {  	p2 =	seq.s32 s10, $0x1;
	s10 =	sld [smem:$0x3FBA]  }
0x3d: {  	_ =	shalt  }
0x3e: {  	_ =	shalt  }
0x3f: {  	_ =	shalt  }
0x40: {  	_ =	shalt  }
0x41: {  	_ =	shalt  }
0x42: {  	_ =	shalt  }
0x43: {  	_ =	shalt  }
0x44: {  	_ =	shalt  }
0x45: {  	_ =	shalt  }
0x46: {  	_ =	shalt  }
0x47: {  	_ =	shalt  }
0x48: {  	_ =	shalt  }
0x49: {  	_ =	shalt  }
0x4a: {  	_ =	shalt  }
0x4b: {  	_ =	shalt  }
0x4c: {  	_ =	shalt  }
0x4d: {  	_ =	shalt  }
0x4e: {  	_ =	shalt  }
0x4f: {  	_ =	shalt  }
0x50: {  	_ =	shalt  }
0x51: {  	_ =	shalt  }
0x52: {  	_ =	shalt  }
0x53: {  	_ =	shalt  }
0x54: {  	_ =	shalt  }
0x55: {  	_ =	shalt  }
0x56: {  	_ =	shalt  }
0x57: {  	_ =	shalt  }
0x58: {  	_ =	shalt  }
0x59: {  	_ =	shalt  }
0x5a: {  	_ =	shalt  }
0x5b: {  	_ =	shalt  }
0x5c: {  	_ =	shalt  }
0x5d: {  	_ =	shalt  }
0x5e: {  	_ =	shalt  }
0x5f: {  	_ =	shalt  }
0x60: {  	_ =	shalt  }
0x61: {  	_ =	shalt  }
0x62: {  	_ =	shalt  }
0x63: {  	_ =	shalt  }
0x64: {  	_ =	shalt  }
0x65: {  	_ =	shalt  }
0x66: {  	_ =	shalt  }
0x67: {  	_ =	shalt  }
0x68: {  	_ =	shalt  }
0x69: {  	_ =	shalt  }
0x6a: {  	_ =	shalt  }
0x6b: {  	_ =	shalt  }
0x6c: {  	_ =	shalt  }
0x6d: {  	_ =	shalt  }
0x6e: {  	_ =	shalt  }
0x6f: {  	_ =	shalt  }
0x70: {  	_ =	shalt  }
0x71: {  	_ =	shalt  }
0x72: {  	_ =	shalt  }
0x73: {  	_ =	shalt  }
0x74: {  	_ =	shalt  }
0x75: {  	_ =	shalt  }
0x76: {  	_ =	shalt  }
0x77: {  	_ =	shalt  }
0x78: {  	_ =	shalt  }
0x79: {  	_ =	shalt  }
0x7a: {  	_ =	shalt  }
0x7b: {  	_ =	shalt  }
0x7c: {  	_ =	shalt  }
0x7d: {  	_ =	shalt  }
0x7e: {  	_ =	shalt  }
0x7f: {  	_ =	shalt  }
0x80: {  	_ =	shalt  }
0x81: {  	_ =	shalt  }
0x82: {  	_ =	shalt  }
0x83: {  	_ =	shalt  }
0x84: {  	_ =	shalt  }
0x85: {  	_ =	shalt  }
0x86: {  	_ =	shalt  }
0x87: {  	_ =	shalt  }
.Lfunc_end0:
.L_simem_size_0:
called_computation_lowered:
.L_overlay_start_0:
0x88: {  	s2 =	sld [smem:$0x3FD9]  }
0x89: {  	s3 =	sld [smem:$0x3FFE];
	_ =	sdelay $0x1  }
0x8a: {  	s1 =	srdreg.scid  }
0x8b: {  	s0 =	sand.u32 $0x1, s1  }
0x8c: {  	s17 =	sshll.u32 s0, $0xA;
	s2 =	sadd.s32 s3, s2  }
0x8d: {  	s2 =	sadd.s32 s2, s17  }
0x8e: {  	[smem:$0x3FC6] =	sst s2  }
0x8f: {  	_ = 	snop  }
0x90: {  	s2 =	sld [smem:$0x3FD0];
	(tm) =	ssettm $0x1  }
0x91: {  	s18 =	sld [smem:$0x3FFB];
	_ =	sdelay $0x3  }
0x92: {  	_ =	strace s18  }
0x93: {  	s3 =	sld [smem:$0x3FFC];
	_ =	sdelay $0x3  }
0x94: {  	_ =	strace s3  }
0x95: {  	s3 =	sld [smem:$0x3FFD];
	_ =	sdelay $0x3  }
0x96: {  	_ =	strace s3  }
0x97: {  	_ =	strace $0x8FFFFFFF  }
0x98: {  	s19 =	sld [smem:$0x3FDB];
	_ =	sdelay $0x1  }
0x99: {  	s4 =	simm.s32 $_scs_section_size  }
0x9a: {  	s5 =	simm.s32 $_size__tile_overlayer_lowered;
	s6 =	simm.s32 $_tile_overlayer_lowered  }
0x9b: {  	s22 =	simm.s32 $0x1BFF;
	s21 =	sshll.u32 s6, $0x1;
	s3 =	sadd.s32 s4, s19  }
0x9c: {  	s7 =	simm.s32 $0x0;
	s20 =	sshll.u32 s5, $0x1;
	s5 =	sadd.s32 s21, s3  }
0x9d: {  	[timem:s7], [sflag:s22] =	dma.local [hbm:s5], s20  }
0x9e: {  	_ =	swait.ge [sflag:s22], s20  }
0x9f: {  	s4 =	ssub.s32 $0x0, s20;
	[sflag:s22] =	ssyncset.done $0x0  }
0xa0: {  	[sflag:s22] =	ssyncadd.s32 s4;
	_ =	sdelay $0x1  }
0xa1: {  	s23 =	simm.s32 $0x1B8B  }
0xa2: {  	_ =	swait.ge [sflag:s23], $0x1  }
0xa3: {  	[sflag:s23] =	ssyncset.done $0x0  }
0xa4: {  	s25 =	simm.s32 $0x1B8E;
	s24 =	sld [smem:$0x3FFE];
	[sflag:s23] =	ssyncadd.s32 $0xFFFFFFFF  }
0xa5: {  	s26 =	simm.s32 $execute0_lowered;
	[smem:$0x3FD2] =	sst s25  }
0xa6: {  	s5 =	sshll.u32 s26, $0x1;
	_ =	strace $0x80000046;
	[dreg:$0x1] =	wrdreg $0xFFFFFFFF  }
0xa7: {  	s28 =	simm.s32 $_size_execute0_lowered;
	s3 =	sadd.s32 s3, s5;
	[dreg:$0x0] =	wrdreg $0x0  }
0xa8: {  	s5 =	sshll.u32 s28, $0x1;
	[dreg:$0x2] =	wrdreg s3  }
0xa9: {  	[dreg:$0x3] =	wrdreg s5  }
0xaa: {  	[dreg:$0x4] =	wrdreg $0xC0  }
0xab: {  	_ =	task [dreg:s7], $0x5FFFF  }
0xac: {  	[dreg:$0x1] =	wrdreg $0xFFFFFFFF  }
0xad: {  	[dreg:$0x0] =	wrdreg $0x60  }
0xae: {  	[dreg:$0x2] =	wrdreg s2  }
0xaf: {  	[dreg:$0x3] =	wrdreg s24  }
0xb0: {  	[dreg:$0x4] =	wrdreg $0x9  }
0xb1: {  	_ =	task.clear_ibuf [dreg:s7], $0x5FFFF;
	_ =	strace $0x90000046  }
0xb2: {  	s29 =	simm.s32 $0x9;
	_ =	strace $0x80000048  }
0xb3: {  	_ =	swait.ge [sflag:s29], $0x1  }
0xb4: {  	[sflag:s29] =	ssyncadd.s32 $0xFFFFFFFF  }
0xb5: {  	_ =	strace $0x90000048  }
0xb6: {  	_ =	sfence  }
0xb7: {  	s30 =	sld [smem:$0x0];
	_ =	sdelay $0x2  }
0xb8: {  	s31 =	sshll.u32 s1, $0xD;
	s1 =	sshrl.u32 s1, $0x2  }
0xb9: {  	s3 =	sand.u32 $0x4000, s31;
	s1 =	sadd.s32 s1, s30  }
0xba: {  	s0 =	sor.u32 s3, s0;
	s1 =	sshll.u32 s1, $0x11  }
0xbb: {  	s0 =	sor.u32 s1, s0  }
0xbc: {  	s0 =	sadd.s32 $0x8F2B, s0  }
0xbd: {  	[sflag:s0] =	ssyncadd.remote.s32 $0x1  }
0xbe: {  	_ =	sfence.sel $0xFFFF  }
0xbf: {  	[dreg:$0x0] =	wrdreg $0xFFFFFFFF;
	(pc) =	sbr.abs _section_cstart, $3  }
0xc0: {  	[dreg:$0x1] =	wrdreg $0xFFFFFFFF  }
0xc1: {  	_ =	task.clear_ibuf [dreg:s7], $0x2FFFF;
	_ =	strace $0x9FFFFFFF  }
0xc2: {  	(tm) =	ssettm $0x7FFFFFFF  }
0xc3: {  	_ =	shalt  }
tec
execute0_lowered:
.L_overlay_start_1:
0x0: {  	(tag) =	ssettag $0x1  }
0x1: {  	s1 =	rddreg [dreg:$0x0]  }
0x2: {  	s4 =	rddreg [dreg:$0x1]  }
0x3: {  	s0 =	rddreg [dreg:$0x2]  }
0x4: {  	s3 =	simm.s32 $0x0;
	s5 =	srdreg.scid;
	s2 =	stileid.u32  }
0x5: {  	s9 =	simm.s32 $0x2000;
	s10 =	simm.s32 $0x4000;
	s11 =	simm.s32 $0x1  }
0x6: {  	s12 =	simm.s32 $0x2;
	s13 =	simm.s32 $0x1F80;
	s14 =	simm.s32 $0x6000  }
0x7: {  	[smem:$0x7FF] =	sst s3;
	s5 =	sand.u32 $0x1, s5;
	s6 =	sshll.u32 s2, $0x1  }
0x8: {  	s15 =	simm.s32 $0x0;
	_ =	strace $0x80000047;
	s6 =	sor.u32 s5, s6  }
0x9: {  	s5 =	ssub.s32 $0x2, s5;
	s7 =	sshll.u32 s6, $0xA;
	s6 =	sshll.u32 s6, $0xC  }
0xa: {  	s8 =	sshrl.u32 s5, $0x1;
	s7 =	sadd.s32 s7, s4;
	s6 =	sadd.s32 s6, s4  }
0xb: {  	s8 =	ssub.s32 s5, s8;
	s4 =	sadd.s32 $0x600, s7;
	s5 =	sadd.s32 $0x8600, s6  }
0xc: {  	s6 =	smax.u32 s8, $0x1;
	s7 =	simm.s32 $0x3;
	s8 =	simm.s32 $0x80  }
.LBB2_1:
0xd: {  	[tilespmem:s3], [sflag:$0x3] =	stream.linear.gather [hbm4b:s4+s3], $0x2000, $0x38;
	[tilespmem:$0xE000] =	vst v63  }
0xe: {  	_ =	swait.ge [sflag:s7], $0x2000  }
0xf: {  	[sflag:s7] =	ssyncset.done $0x0  }
0x10: {  	s16 =	simm.s32 $0x0;
	[sflag:s7] =	ssyncadd.s32 $0xFFFFE000  }
0x11: {  	[tilespmem:s9], [sflag:$0x1] =	stream.indirect.gather [hbm4b:s1+s8], $0x40, s3, s8, $0xb8;
	[tilespmem:$0xE000] =	vst v63  }
.LBB2_2:
0x12: {  	s17 =	sshllo.u32 s16, $0x1  }
0x13: {  	s18 =	sshll.u32 s17, $0x7  }
0x14: {  	s18 =	sand.u32 $0x3FFFFF80, s18  }
0x15: {  	[tilespmem:s10], [sflag:$0x2] =	stream.indirect.gather [hbm4b:s1+s8], $0x40, s18, s8, $0xb8;
	[tilespmem:$0xE000] =	vst v63  }
0x16: {  	_ =	swait.ge [sflag:s11], $0x2000  }
0x17: {  	s21 =	simm.s32 $0x0;
	[sflag:s11] =	ssyncset.done $0x0  }
0x18: {  	p0 =	por $0x1, $0x1;
	s18 =	sshll.u32 s16, $0x4;
	[sflag:s11] =	ssyncadd.s32 $0xFFFFE000  }
.LBB2_3:
0x19: {  	s19 =	sshll.u32 s21, $0xA  }
0x1a: {  	s23 =	sand.u32 $0x3FFFFC00, s19  }
0x1b: {  	v0 =	vld [tilespmem:s23+$0x2000]  }
0x1c: {  	v1 =	vld [tilespmem:s23+$0x2040]  }
0x1d: {  	v2 =	vld [tilespmem:s23+$0x2080]  }
0x1e: {  	v3 =	vld [tilespmem:s23+$0x20C0]  }
0x1f: {  	v4 =	vld [tilespmem:s23+$0x2100]  }
0x20: {  	v5 =	vld [tilespmem:s23+$0x2140]  }
0x21: {  	v6 =	vld [tilespmem:s23+$0x2180]  }
0x22: {  	v7 =	vld [tilespmem:s23+$0x21C0]  }
0x23: {  	v8 =	vld [tilespmem:s23+$0x2200]  }
0x24: {  	v9 =	vld [tilespmem:s23+$0x2240]  }
0x25: {  	v10 =	vld [tilespmem:s23+$0x2280]  }
0x26: {  	v11 =	vld [tilespmem:s23+$0x22C0]  }
0x27: {  	v12 =	vld [tilespmem:s23+$0x2300]  }
0x28: {  	v13 =	vld [tilespmem:s23+$0x2340]  }
0x29: {  	v14 =	vld [tilespmem:s23+$0x2380]  }
0x2a: {  	v15 =	vld [tilespmem:s23+$0x23C0];
	_ =	sdelay $0x2  }
0x2b: {  	v0 =	vmax.f32 v0, v1;
	v19 =	vmax.f32 v2, v3;
	v20 =	vmax.f32 v4, v5  }
0x2c: {  	s20 =	sor.u32 $0x1, s21;
	v21 =	vmax.f32 v6, v7;
	v22 =	vmax.f32 v8, v9;
	v23 =	vmax.f32 v10, v11  }
0x2d: {  	s22 =	sshll.u32 s20, $0xA;
	v24 =	vmax.f32 v12, v13;
	v25 =	vmax.f32 v14, v15;
	v0 =	vmax.f32 v0, v19  }
0x2e: {  	s29 =	sor.u32 s18, s21;
	s22 =	sand.u32 $0x3FFFFC00, s22;
	v26 =	vmax.f32 v20, v21;
	v27 =	vmax.f32 v22, v23;
	v28 =	vmax.f32 v24, v25  }
0x2f: {  	s19 =	sshll.u32 s29, $0x6;
	v16 =	vld [tilespmem:s22+$0x2000];
	v0 =	vmax.f32 v0, v26;
	v29 =	vmax.f32 v27, v28  }
0x30: {  	s19 =	sand.u32 $0x3FFFFFC0, s19;
	v17 =	vld [tilespmem:s22+$0x2040];
	v0 =	vmax.f32 v0, v29  }
0x31: {  	v18 =	vld [tilespmem:s22+$0x2080];
	[tilespmem:s19+$0x6000] =	vst v0  }
0x32: {  	v0 =	vld [tilespmem:s23+$0x2010]  }
0x33: {  	v30 =	vld [tilespmem:s23+$0x2050]  }
0x34: {  	v31 =	vld [tilespmem:s23+$0x2090]  }
0x35: {  	v32 =	vld [tilespmem:s23+$0x20D0]  }
0x36: {  	v33 =	vld [tilespmem:s23+$0x2110]  }
0x37: {  	v34 =	vld [tilespmem:s23+$0x2150]  }
0x38: {  	v35 =	vld [tilespmem:s23+$0x2190]  }
0x39: {  	v36 =	vld [tilespmem:s23+$0x21D0]  }
0x3a: {  	v37 =	vld [tilespmem:s23+$0x2210]  }
0x3b: {  	v38 =	vld [tilespmem:s23+$0x2250]  }
0x3c: {  	v39 =	vld [tilespmem:s23+$0x2290]  }
0x3d: {  	v40 =	vld [tilespmem:s23+$0x22D0]  }
0x3e: {  	v41 =	vld [tilespmem:s23+$0x2310]  }
0x3f: {  	v42 =	vld [tilespmem:s23+$0x2350]  }
0x40: {  	v43 =	vld [tilespmem:s23+$0x2390]  }
0x41: {  	v44 =	vld [tilespmem:s23+$0x23D0]  }
0x42: {  	v19 =	vld [tilespmem:s22+$0x20C0]  }
0x43: {  	v20 =	vld [tilespmem:s22+$0x2100]  }
0x44: {  	v21 =	vld [tilespmem:s22+$0x2140];
	v0 =	vmax.f32 v0, v30;
	v45 =	vmax.f32 v31, v32;
	v46 =	vmax.f32 v33, v34  }
0x45: {  	v22 =	vld [tilespmem:s22+$0x2180];
	v47 =	vmax.f32 v35, v36;
	v48 =	vmax.f32 v37, v38;
	v49 =	vmax.f32 v39, v40  }
0x46: {  	v23 =	vld [tilespmem:s22+$0x21C0];
	v50 =	vmax.f32 v41, v42;
	v51 =	vmax.f32 v43, v44;
	v0 =	vmax.f32 v0, v45  }
0x47: {  	v24 =	vld [tilespmem:s22+$0x2200];
	v52 =	vmax.f32 v46, v47;
	v53 =	vmax.f32 v48, v49;
	v54 =	vmax.f32 v50, v51  }
0x48: {  	v25 =	vld [tilespmem:s22+$0x2240];
	v0 =	vmax.f32 v0, v52;
	v55 =	vmax.f32 v53, v54  }
0x49: {  	v26 =	vld [tilespmem:s22+$0x2280];
	v0 =	vmax.f32 v0, v55  }
0x4a: {  	v39 =	vld [tilespmem:s22+$0x2300];
	[tilespmem:s19+$0x6010] =	vst v0  }
0x4b: {  	v0 =	vld [tilespmem:s23+$0x2020]  }
0x4c: {  	v56 =	vld [tilespmem:s23+$0x2060]  }
0x4d: {  	v57 =	vld [tilespmem:s23+$0x20A0]  }
0x4e: {  	v58 =	vld [tilespmem:s23+$0x20E0]  }
0x4f: {  	v59 =	vld [tilespmem:s23+$0x2120]  }
0x50: {  	v60 =	vld [tilespmem:s23+$0x2160]  }
0x51: {  	v61 =	vld [tilespmem:s23+$0x21A0]  }
0x52: {  	v62 =	vld [tilespmem:s23+$0x21E0]  }
0x53: {  	v63 =	vld [tilespmem:s23+$0x2220]  }
0x54: {  	v30 =	vld [tilespmem:s23+$0x2260]  }
0x55: {  	v31 =	vld [tilespmem:s23+$0x22A0]  }
0x56: {  	v32 =	vld [tilespmem:s23+$0x22E0]  }
0x57: {  	v33 =	vld [tilespmem:s23+$0x2320]  }
0x58: {  	v34 =	vld [tilespmem:s23+$0x2360]  }
0x59: {  	v35 =	vld [tilespmem:s23+$0x23A0]  }
0x5a: {  	v36 =	vld [tilespmem:s23+$0x23E0]  }
0x5b: {  	v43 =	vld [tilespmem:s22+$0x2340]  }
0x5c: {  	v46 =	vld [tilespmem:s22+$0x2380];
	v51 =	vmax.f32 v16, v17;
	v52 =	vmax.f32 v18, v19;
	v53 =	vmax.f32 v20, v21  }
0x5d: {  	v49 =	vld [tilespmem:s22+$0x23C0];
	v0 =	vmax.f32 v0, v56;
	v37 =	vmax.f32 v57, v58;
	v38 =	vmax.f32 v59, v60  }
0x5e: {  	v27 =	vld [tilespmem:s22+$0x22C0];
	v40 =	vmax.f32 v61, v62;
	v41 =	vmax.f32 v63, v30;
	v42 =	vmax.f32 v31, v32  }
0x5f: {  	v44 =	vmax.f32 v33, v34;
	v45 =	vmax.f32 v35, v36;
	v0 =	vmax.f32 v0, v37  }
0x60: {  	v2 =	vmax.f32 v38, v40;
	v47 =	vmax.f32 v41, v42;
	v48 =	vmax.f32 v44, v45  }
0x61: {  	v54 =	vmax.f32 v22, v23;
	v0 =	vmax.f32 v0, v2;
	v50 =	vmax.f32 v47, v48  }
0x62: {  	v3 =	vmax.f32 v39, v43;
	v1 =	vmax.f32 v46, v49;
	v0 =	vmax.f32 v0, v50  }
0x63: {  	v55 =	vmax.f32 v24, v25;
	v1 =	vmax.f32 v3, v1;
	v56 =	vmax.f32 v26, v27;
	[tilespmem:s19+$0x6020] =	vst v0  }
0x64: {  	s20 =	sor.u32 s18, s20;
	v57 =	vmax.f32 v53, v54;
	v58 =	vmax.f32 v55, v56;
	v2 =	vmax.f32 v51, v52;
	v0 =	vld [tilespmem:s23+$0x2030]  }
0x65: {  	s20 =	sshll.u32 s20, $0x6;
	v3 =	vmax.f32 v58, v1;
	v2 =	vmax.f32 v2, v57;
	v1 =	vld [tilespmem:s23+$0x2070]  }
0x66: {  	s20 =	sand.u32 $0x3FFFFFC0, s20;
	v3 =	vmax.f32 v2, v3;
	v2 =	vld [tilespmem:s23+$0x20B0]  }
0x67: {  	[tilespmem:s20+$0x6000] =	vst v3;
	v3 =	vld [tilespmem:s23+$0x20F0]  }
0x68: {  	v4 =	vld [tilespmem:s23+$0x2130]  }
0x69: {  	v5 =	vld [tilespmem:s23+$0x2170]  }
0x6a: {  	v6 =	vld [tilespmem:s23+$0x21B0]  }
0x6b: {  	v7 =	vld [tilespmem:s23+$0x21F0]  }
0x6c: {  	v9 =	vld [tilespmem:s23+$0x2270]  }
0x6d: {  	v17 =	vld [tilespmem:s23+$0x23F0]  }
0x6e: {  	v59 =	vld [tilespmem:s22+$0x2010]  }
0x6f: {  	v60 =	vld [tilespmem:s22+$0x2050]  }
0x70: {  	v61 =	vld [tilespmem:s22+$0x2090]  }
0x71: {  	v62 =	vld [tilespmem:s22+$0x20D0]  }
0x72: {  	v63 =	vld [tilespmem:s22+$0x2110]  }
0x73: {  	v24 =	vld [tilespmem:s22+$0x2150]  }
0x74: {  	v25 =	vld [tilespmem:s22+$0x2190]  }
0x75: {  	v26 =	vld [tilespmem:s22+$0x21D0]  }
0x76: {  	v27 =	vld [tilespmem:s22+$0x2210]  }
0x77: {  	v28 =	vld [tilespmem:s22+$0x2250]  }
0x78: {  	v29 =	vld [tilespmem:s22+$0x2290]  }
0x79: {  	v30 =	vld [tilespmem:s22+$0x22D0]  }
0x7a: {  	v31 =	vld [tilespmem:s22+$0x2310]  }
0x7b: {  	s25 =	sor.u32 $0x2, s21;
	v32 =	vld [tilespmem:s22+$0x2350]  }
0x7c: {  	s24 =	sshll.u32 s25, $0xA;
	v33 =	vld [tilespmem:s22+$0x2390]  }
0x7d: {  	s24 =	sand.u32 $0x3FFFFC00, s24;
	v34 =	vld [tilespmem:s22+$0x23D0]  }
0x7e: {  	v38 =	vmax.f32 v27, v28;
	v28 =	vld [tilespmem:s24+$0x2000]  }
0x7f: {  	v39 =	vmax.f32 v29, v30;
	v29 =	vld [tilespmem:s24+$0x2040]  }
0x80: {  	v30 =	vld [tilespmem:s24+$0x2080]  }
0x81: {  	v40 =	vmax.f32 v31, v32;
	v31 =	vld [tilespmem:s24+$0x20C0]  }
0x82: {  	v32 =	vld [tilespmem:s24+$0x2100]  }
0x83: {  	v41 =	vmax.f32 v33, v34;
	v33 =	vld [tilespmem:s24+$0x2140]  }
0x84: {  	v34 =	vld [tilespmem:s24+$0x2180]  }
0x85: {  	v35 =	vmax.f32 v59, v60;
	v8 =	vmax.f32 v61, v62;
	v62 =	vld [tilespmem:s24+$0x2300]  }
0x86: {  	v42 =	vmax.f32 v35, v8;
	v8 =	vld [tilespmem:s23+$0x2230]  }
0x87: {  	v36 =	vmax.f32 v63, v24;
	v37 =	vmax.f32 v25, v26;
	v35 =	vld [tilespmem:s24+$0x21C0]  }
0x88: {  	v10 =	vmax.f32 v36, v37;
	v36 =	vld [tilespmem:s24+$0x2200]  }
0x89: {  	v37 =	vld [tilespmem:s24+$0x2240]  }
0x8a: {  	v11 =	vmax.f32 v38, v39;
	v43 =	vmax.f32 v40, v41;
	v38 =	vld [tilespmem:s24+$0x2280]  }
0x8b: {  	v39 =	vld [tilespmem:s24+$0x22C0];
	v44 =	vmax.f32 v42, v10;
	v11 =	vmax.f32 v11, v43  }
0x8c: {  	v10 =	vld [tilespmem:s23+$0x22B0];
	v12 =	vmax.f32 v44, v11  }
0x8d: {  	v42 =	vld [tilespmem:s24+$0x2340];
	[tilespmem:s20+$0x6010] =	vst v12  }
0x8e: {  	v12 =	vld [tilespmem:s22+$0x2020]  }
0x8f: {  	v45 =	vld [tilespmem:s22+$0x2060]  }
0x90: {  	v46 =	vld [tilespmem:s22+$0x20A0]  }
0x91: {  	v47 =	vld [tilespmem:s22+$0x20E0]  }
0x92: {  	v48 =	vld [tilespmem:s22+$0x2120]  }
0x93: {  	v49 =	vld [tilespmem:s22+$0x2160]  }
0x94: {  	v50 =	vld [tilespmem:s22+$0x21A0]  }
0x95: {  	v51 =	vld [tilespmem:s22+$0x21E0]  }
0x96: {  	v52 =	vld [tilespmem:s22+$0x2220]  }
0x97: {  	v53 =	vld [tilespmem:s22+$0x2260]  }
0x98: {  	v54 =	vld [tilespmem:s22+$0x22A0]  }
0x99: {  	v55 =	vld [tilespmem:s22+$0x22E0]  }
0x9a: {  	v56 =	vld [tilespmem:s22+$0x2320]  }
0x9b: {  	v57 =	vld [tilespmem:s22+$0x2360]  }
0x9c: {  	s31 =	sor.u32 $0x3, s21;
	v58 =	vld [tilespmem:s22+$0x23A0]  }
0x9d: {  	s21 =	sshll.u32 s31, $0xA;
	v59 =	vld [tilespmem:s22+$0x23E0]  }
0x9e: {  	s21 =	sand.u32 $0x3FFFFC00, s21;
	v11 =	vld [tilespmem:s23+$0x22F0]  }
0x9f: {  	v19 =	vmax.f32 v62, v42;
	v42 =	vld [tilespmem:s21+$0x2140]  }
0xa0: {  	v12 =	vmax.f32 v12, v45;
	v60 =	vmax.f32 v46, v47;
	v61 =	vmax.f32 v48, v49;
	v45 =	vld [tilespmem:s24+$0x2380]  }
0xa1: {  	v63 =	vmax.f32 v50, v51;
	v40 =	vmax.f32 v52, v53;
	v41 =	vmax.f32 v54, v55;
	v48 =	vld [tilespmem:s24+$0x23C0]  }
0xa2: {  	v43 =	vmax.f32 v56, v57;
	v44 =	vmax.f32 v58, v59;
	v13 =	vmax.f32 v12, v60;
	v12 =	vld [tilespmem:s23+$0x2330]  }
0xa3: {  	v14 =	vmax.f32 v61, v63;
	v46 =	vmax.f32 v40, v41;
	v47 =	vmax.f32 v43, v44;
	v41 =	vld [tilespmem:s21+$0x2100]  }
0xa4: {  	v43 =	vld [tilespmem:s21+$0x2180];
	v14 =	vmax.f32 v13, v14;
	v15 =	vmax.f32 v46, v47  }
0xa5: {  	v13 =	vld [tilespmem:s23+$0x2370];
	v14 =	vmax.f32 v14, v15  }
0xa6: {  	v15 =	vld [tilespmem:s23+$0x23B0];
	[tilespmem:s20+$0x6020] =	vst v14  }
0xa7: {  	v14 =	vld [tilespmem:s22+$0x2030]  }
0xa8: {  	v16 =	vld [tilespmem:s22+$0x2070]  }
0xa9: {  	v22 =	vld [tilespmem:s22+$0x2170]  }
0xaa: {  	v23 =	vld [tilespmem:s22+$0x21F0]  }
0xab: {  	v49 =	vmax.f32 v28, v29;
	v50 =	vmax.f32 v30, v31;
	v24 =	vld [tilespmem:s22+$0x2230]  }
0xac: {  	v51 =	vmax.f32 v32, v33;
	v52 =	vmax.f32 v34, v35;
	v53 =	vmax.f32 v36, v37;
	v25 =	vld [tilespmem:s22+$0x2270]  }
0xad: {  	v54 =	vmax.f32 v38, v39;
	v20 =	vmax.f32 v49, v50;
	v18 =	vmax.f32 v45, v48;
	v27 =	vld [tilespmem:s22+$0x22F0]  }
0xae: {  	s30 =	sor.u32 s18, s25;
	v55 =	vmax.f32 v51, v52;
	v56 =	vmax.f32 v53, v54;
	v19 =	vmax.f32 v19, v18;
	v18 =	vld [tilespmem:s22+$0x20B0]  }
0xaf: {  	v20 =	vmax.f32 v20, v55;
	s23 =	sshll.u32 s30, $0x6;
	v57 =	vmax.f32 v56, v19;
	v19 =	vld [tilespmem:s22+$0x20F0]  }
0xb0: {  	s23 =	sand.u32 $0x3FFFFFC0, s23;
	v21 =	vmax.f32 v20, v57;
	v20 =	vld [tilespmem:s22+$0x2130]  }
0xb1: {  	[tilespmem:s23+$0x6000] =	vst v21;
	v21 =	vld [tilespmem:s22+$0x21B0]  }
0xb2: {  	v58 =	vld [tilespmem:s24+$0x2010]  }
0xb3: {  	v59 =	vld [tilespmem:s24+$0x2050]  }
0xb4: {  	v60 =	vld [tilespmem:s24+$0x2090]  }
0xb5: {  	v61 =	vld [tilespmem:s24+$0x20D0]  }
0xb6: {  	v62 =	vld [tilespmem:s24+$0x2110]  }
0xb7: {  	v63 =	vld [tilespmem:s24+$0x2150]  }
0xb8: {  	v44 =	vld [tilespmem:s24+$0x2190]  }
0xb9: {  	v45 =	vld [tilespmem:s24+$0x21D0]  }
0xba: {  	v46 =	vld [tilespmem:s24+$0x2210]  }
0xbb: {  	v47 =	vld [tilespmem:s24+$0x2250]  }
0xbc: {  	v48 =	vld [tilespmem:s24+$0x2290]  }
0xbd: {  	v49 =	vld [tilespmem:s24+$0x22D0]  }
0xbe: {  	v50 =	vld [tilespmem:s24+$0x2310]  }
0xbf: {  	v51 =	vld [tilespmem:s24+$0x2350]  }
0xc0: {  	v52 =	vld [tilespmem:s24+$0x2390]  }
0xc1: {  	v53 =	vld [tilespmem:s24+$0x23D0]  }
0xc2: {  	v54 =	vmax.f32 v62, v63;
	v63 =	vld [tilespmem:s21+$0x2000]  }
0xc3: {  	v55 =	vmax.f32 v44, v45;
	v44 =	vld [tilespmem:s21+$0x21C0]  }
0xc4: {  	v45 =	vld [tilespmem:s21+$0x2200]  }
0xc5: {  	v56 =	vmax.f32 v46, v47;
	v46 =	vld [tilespmem:s21+$0x2240]  }
0xc6: {  	v47 =	vld [tilespmem:s21+$0x2280]  }
0xc7: {  	v57 =	vmax.f32 v48, v49;
	v48 =	vld [tilespmem:s21+$0x22C0]  }
0xc8: {  	v49 =	vld [tilespmem:s21+$0x2300]  }
0xc9: {  	v40 =	vmax.f32 v58, v59;
	v58 =	vmax.f32 v50, v51;
	v50 =	vld [tilespmem:s21+$0x2340]  }
0xca: {  	v51 =	vld [tilespmem:s21+$0x2380]  }
0xcb: {  	v26 =	vmax.f32 v60, v61;
	v59 =	vmax.f32 v52, v53;
	v52 =	vld [tilespmem:s21+$0x23C0]  }
0xcc: {  	v60 =	vmax.f32 v40, v26;
	v26 =	vld [tilespmem:s22+$0x22B0]  }
0xcd: {  	v29 =	vmax.f32 v56, v57;
	v57 =	vld [tilespmem:s21+$0x2040]  }
0xce: {  	v28 =	vmax.f32 v54, v55;
	v61 =	vmax.f32 v58, v59;
	v58 =	vld [tilespmem:s21+$0x2080]  }
0xcf: {  	v59 =	vld [tilespmem:s21+$0x20C0];
	v62 =	vmax.f32 v60, v28;
	v29 =	vmax.f32 v29, v61  }
0xd0: {  	v28 =	vld [tilespmem:s22+$0x2330];
	v30 =	vmax.f32 v62, v29  }
0xd1: {  	v29 =	vld [tilespmem:s22+$0x2370];
	[tilespmem:s23+$0x6010] =	vst v30  }
0xd2: {  	v30 =	vld [tilespmem:s24+$0x2020]  }
0xd3: {  	v31 =	vld [tilespmem:s24+$0x2060]  }
0xd4: {  	v32 =	vld [tilespmem:s24+$0x20A0]  }
0xd5: {  	v33 =	vld [tilespmem:s24+$0x20E0]  }
0xd6: {  	v34 =	vld [tilespmem:s24+$0x2120]  }
0xd7: {  	v35 =	vld [tilespmem:s24+$0x2160]  }
0xd8: {  	v36 =	vld [tilespmem:s24+$0x21A0]  }
0xd9: {  	v53 =	vld [tilespmem:s24+$0x21E0]  }
0xda: {  	v54 =	vld [tilespmem:s24+$0x2220]  }
0xdb: {  	v61 =	vmax.f32 v41, v42;
	v55 =	vld [tilespmem:s24+$0x2260];
	v62 =	vmax.f32 v43, v44;
	v48 =	vmax.f32 v47, v48  }
0xdc: {  	v40 =	vld [tilespmem:s24+$0x22A0];
	v50 =	vmax.f32 v49, v50;
	v56 =	vmax.f32 v51, v52;
	v37 =	vmax.f32 v63, v57  }
0xdd: {  	v44 =	vld [tilespmem:s24+$0x22E0];
	v60 =	vmax.f32 v58, v59;
	v63 =	vmax.f32 v45, v46;
	v39 =	vmax.f32 v61, v62  }
0xde: {  	s25 =	sor.u32 s18, s31;
	v38 =	vld [tilespmem:s24+$0x2320];
	v58 =	vmax.f32 v50, v56;
	v37 =	vmax.f32 v37, v60;
	v57 =	vmax.f32 v63, v48  }
0xdf: {  	s25 =	sshll.u32 s25, $0x6;
	v43 =	vld [tilespmem:s24+$0x2360];
	v37 =	vmax.f32 v37, v39;
	v59 =	vmax.f32 v57, v58  }
0xe0: {  	s25 =	sand.u32 $0x3FFFFFC0, s25;
	v61 =	vld [tilespmem:s24+$0x23E0];
	v37 =	vmax.f32 v37, v59  }
0xe1: {  	v60 =	vld [tilespmem:s24+$0x23A0];
	[tilespmem:s25+$0x6000] =	vst v37  }
0xe2: {  	v37 =	vld [tilespmem:s21+$0x2010]  }
0xe3: {  	v42 =	vld [tilespmem:s21+$0x2050]  }
0xe4: {  	v45 =	vld [tilespmem:s21+$0x2090]  }
0xe5: {  	v46 =	vld [tilespmem:s21+$0x20D0]  }
0xe6: {  	v47 =	vld [tilespmem:s21+$0x2110]  }
0xe7: {  	v48 =	vld [tilespmem:s21+$0x2150]  }
0xe8: {  	v49 =	vld [tilespmem:s21+$0x2190]  }
0xe9: {  	v50 =	vld [tilespmem:s21+$0x21D0]  }
0xea: {  	v51 =	vld [tilespmem:s21+$0x2210]  }
0xeb: {  	v52 =	vld [tilespmem:s21+$0x2250]  }
0xec: {  	v56 =	vld [tilespmem:s21+$0x2290]  }
0xed: {  	v30 =	vmax.f32 v30, v31;
	v62 =	vmax.f32 v32, v33;
	v63 =	vmax.f32 v34, v35;
	v33 =	vld [tilespmem:s21+$0x22D0]  }
0xee: {  	v53 =	vmax.f32 v36, v53;
	v55 =	vmax.f32 v54, v55;
	v57 =	vmax.f32 v40, v44;
	v40 =	vld [tilespmem:s21+$0x2310]  }
0xef: {  	v38 =	vmax.f32 v38, v43;
	v30 =	vmax.f32 v30, v62;
	v58 =	vld [tilespmem:s21+$0x2350];
	v39 =	vmax.f32 v60, v61  }
0xf0: {  	v32 =	vmax.f32 v63, v53;
	v59 =	vmax.f32 v55, v57;
	v63 =	vld [tilespmem:s21+$0x23D0];
	v60 =	vmax.f32 v38, v39  }
0xf1: {  	v61 =	vld [tilespmem:s21+$0x2390];
	v30 =	vmax.f32 v30, v32;
	v62 =	vmax.f32 v59, v60  }
0xf2: {  	v35 =	vld [tilespmem:s22+$0x23B0];
	v30 =	vmax.f32 v30, v62  }
0xf3: {  	v32 =	vld [tilespmem:s22+$0x23F0];
	[tilespmem:s23+$0x6020] =	vst v30  }
0xf4: {  	v37 =	vmax.f32 v37, v42;
	v53 =	vmax.f32 v45, v46;
	v54 =	vmax.f32 v47, v48;
	v30 =	vld [tilespmem:s24+$0x2030]  }
0xf5: {  	v55 =	vmax.f32 v49, v50;
	v57 =	vmax.f32 v51, v52;
	v33 =	vmax.f32 v56, v33;
	v41 =	vld [tilespmem:s24+$0x2070]  }
0xf6: {  	v31 =	vmax.f32 v40, v58;
	v44 =	vld [tilespmem:s24+$0x20B0];
	v34 =	vmax.f32 v61, v63;
	v58 =	vmax.f32 v37, v53  }
0xf7: {  	v37 =	vld [tilespmem:s24+$0x20F0];
	v59 =	vmax.f32 v54, v55;
	v33 =	vmax.f32 v57, v33;
	v31 =	vmax.f32 v31, v34  }
0xf8: {  	v55 =	vld [tilespmem:s24+$0x21F0];
	v36 =	vmax.f32 v58, v59;
	v31 =	vmax.f32 v33, v31  }
0xf9: {  	v56 =	vld [tilespmem:s24+$0x2230];
	v31 =	vmax.f32 v36, v31  }
0xfa: {  	v46 =	vld [tilespmem:s24+$0x22B0];
	[tilespmem:s25+$0x6010] =	vst v31  }
0xfb: {  	v31 =	vld [tilespmem:s21+$0x2020]  }
0xfc: {  	v38 =	vld [tilespmem:s21+$0x2060]  }
0xfd: {  	v39 =	vld [tilespmem:s21+$0x20A0]  }
0xfe: {  	v40 =	vld [tilespmem:s21+$0x20E0]  }
0xff: {  	v42 =	vld [tilespmem:s21+$0x2120]  }
0x100: {  	v60 =	vld [tilespmem:s21+$0x2160]  }
0x101: {  	v45 =	vld [tilespmem:s21+$0x21A0]  }
0x102: {  	v61 =	vld [tilespmem:s21+$0x21E0]  }
0x103: {  	v47 =	vld [tilespmem:s21+$0x2220]  }
0x104: {  	v62 =	vld [tilespmem:s21+$0x2260]  }
0x105: {  	v49 =	vld [tilespmem:s21+$0x22A0]  }
0x106: {  	v63 =	vld [tilespmem:s21+$0x22E0]  }
0x107: {  	v51 =	vld [tilespmem:s21+$0x2320]  }
0x108: {  	v52 =	vld [tilespmem:s21+$0x2360]  }
0x109: {  	v53 =	vld [tilespmem:s21+$0x23A0]  }
0x10a: {  	v54 =	vld [tilespmem:s21+$0x23E0]  }
0x10b: {  	v34 =	vld [tilespmem:s24+$0x2130]  }
0x10c: {  	v33 =	vld [tilespmem:s24+$0x2170]  }
0x10d: {  	v36 =	vld [tilespmem:s24+$0x21B0];
	v31 =	vmax.f32 v31, v38;
	v59 =	vmax.f32 v39, v40;
	v60 =	vmax.f32 v42, v60  }
0x10e: {  	v40 =	vld [tilespmem:s24+$0x2270];
	v61 =	vmax.f32 v45, v61;
	v62 =	vmax.f32 v47, v62;
	v63 =	vmax.f32 v49, v63  }
0x10f: {  	v52 =	vmax.f32 v51, v52;
	v54 =	vmax.f32 v53, v54;
	v38 =	vld [tilespmem:s24+$0x22F0];
	v31 =	vmax.f32 v31, v59  }
0x110: {  	v42 =	vld [tilespmem:s24+$0x2330];
	v39 =	vmax.f32 v60, v61;
	v43 =	vmax.f32 v62, v63;
	v57 =	vmax.f32 v52, v54  }
0x111: {  	v47 =	vld [tilespmem:s24+$0x2370];
	v31 =	vmax.f32 v31, v39;
	v58 =	vmax.f32 v43, v57  }
0x112: {  	v43 =	vld [tilespmem:s24+$0x23B0];
	v31 =	vmax.f32 v31, v58  }
0x113: {  	v39 =	vld [tilespmem:s24+$0x23F0];
	[tilespmem:s25+$0x6020] =	vst v31  }
0x114: {  	v31 =	vld [tilespmem:s21+$0x2030]  }
0x115: {  	v45 =	vld [tilespmem:s21+$0x2070]  }
0x116: {  	v48 =	vld [tilespmem:s21+$0x20B0]  }
0x117: {  	v0 =	vmax.f32 v0, v1;
	v59 =	vmax.f32 v2, v3;
	v3 =	vld [tilespmem:s21+$0x20F0]  }
0x118: {  	v13 =	vmax.f32 v12, v13;
	v17 =	vmax.f32 v15, v17;
	v61 =	vmax.f32 v6, v7;
	v7 =	vld [tilespmem:s21+$0x2130]  }
0x119: {  	v50 =	vmax.f32 v13, v17;
	v30 =	vmax.f32 v30, v41;
	v34 =	vmax.f32 v34, v33;
	v1 =	vld [tilespmem:s21+$0x2170]  }
0x11a: {  	v53 =	vmax.f32 v18, v19;
	v60 =	vmax.f32 v4, v5;
	v62 =	vmax.f32 v8, v9;
	v6 =	vld [tilespmem:s21+$0x21B0]  }
0x11b: {  	v63 =	vmax.f32 v10, v11;
	v52 =	vmax.f32 v14, v16;
	v54 =	vmax.f32 v20, v22;
	v4 =	vld [tilespmem:s21+$0x21F0]  }
0x11c: {  	v0 =	vmax.f32 v0, v59;
	v2 =	vmax.f32 v60, v61;
	v49 =	vmax.f32 v62, v63;
	v10 =	vld [tilespmem:s21+$0x2230]  }
0x11d: {  	v57 =	vmax.f32 v21, v23;
	v59 =	vmax.f32 v26, v27;
	v61 =	vmax.f32 v28, v29;
	v60 =	vld [tilespmem:s21+$0x2270]  }
0x11e: {  	v62 =	vmax.f32 v35, v32;
	v5 =	vmax.f32 v52, v53;
	v32 =	vmax.f32 v44, v37;
	v63 =	vld [tilespmem:s21+$0x22B0]  }
0x11f: {  	v37 =	vmax.f32 v36, v55;
	v0 =	vmax.f32 v0, v2;
	v51 =	vmax.f32 v49, v50;
	v26 =	vld [tilespmem:s21+$0x22F0]  }
0x120: {  	v58 =	vmax.f32 v24, v25;
	v9 =	vmax.f32 v54, v57;
	v25 =	vmax.f32 v61, v62;
	v29 =	vld [tilespmem:s21+$0x2330]  }
0x121: {  	v11 =	vmax.f32 v30, v32;
	v50 =	vmax.f32 v34, v37;
	v24 =	vmax.f32 v58, v59;
	v35 =	vld [tilespmem:s21+$0x2370]  }
0x122: {  	v0 =	vmax.f32 v0, v51;
	v27 =	vmax.f32 v5, v9;
	v40 =	vmax.f32 v56, v40;
	v44 =	vld [tilespmem:s21+$0x23B0]  }
0x123: {  	v41 =	vmax.f32 v46, v38;
	v46 =	vld [tilespmem:s21+$0x23F0];
	v47 =	vmax.f32 v42, v47;
	v49 =	vmax.f32 v43, v39  }
0x124: {  	v28 =	vmax.f32 v24, v25;
	v51 =	vmax.f32 v40, v41;
	v52 =	vmax.f32 v47, v49  }
0x125: {  	v53 =	vmax.f32 v11, v50;
	v2 =	vmax.f32 v27, v28;
	v54 =	vmax.f32 v51, v52  }
0x126: {  	v55 =	vmax.f32 v31, v45;
	v3 =	vmax.f32 v48, v3;
	v1 =	vmax.f32 v7, v1  }
0x127: {  	p1 =	por p0, p0;
	v4 =	vmax.f32 v6, v4;
	v56 =	vmax.f32 v10, v60;
	v57 =	vmax.f32 v63, v26  }
.Ltmp0:
0x128: {  	v58 =	vmax.f32 v29, v35;
	v59 =	vmax.f32 v44, v46;
	v3 =	vmax.f32 v55, v3;
	(pc) =	sbr.rel @p1 .LBB2_3-.Ltmp0, $4  }
0x129: {  	[tilespmem:s19+$0x6030] =	vst v0;
	v60 =	vmax.f32 v1, v4;
	v61 =	vmax.f32 v56, v57;
	v62 =	vmax.f32 v58, v59  }
0x12a: {  	[tilespmem:s20+$0x6030] =	vst v2;
	v63 =	vmax.f32 v53, v54;
	v0 =	vmax.f32 v3, v60;
	v1 =	vmax.f32 v61, v62  }
0x12b: {  	[tilespmem:s23+$0x6030] =	vst v63;
	v0 =	vmax.f32 v0, v1  }
0x12c: {  	p0 =	por $0x0, $0x0;
	s21 =	simm.s32 $0x4;
	[tilespmem:s25+$0x6030] =	vst v0  }
0x12d: {  	s18 =	sshll.u32 s16, $0x8  }
0x12e: {  	s18 =	sand.u32 $0x3FFFFF00, s18  }
0x12f: {  	s18 =	sadd.s32 $0x100, s18  }
0x130: {  	[tilespmem:s9], [sflag:$0x1] =	stream.indirect.gather [hbm4b:s1+s8], $0x40, s18, s8, $0xb8;
	[tilespmem:$0xE000] =	vst v63  }
0x131: {  	_ =	swait.ge [sflag:s12], $0x2000  }
0x132: {  	s17 =	sshll.u32 s17, $0x3;
	[sflag:s12] =	ssyncset.done $0x0  }
0x133: {  	s20 =	simm.s32 $0x0;
	p0 =	por $0x1, $0x1;
	[sflag:s12] =	ssyncadd.s32 $0xFFFFE000  }
.LBB2_5:
0x134: {  	s18 =	sshll.u32 s20, $0xA  }
0x135: {  	s22 =	sand.u32 $0x3FFFFC00, s18  }
0x136: {  	v0 =	vld [tilespmem:s22+$0x4000]  }
0x137: {  	v1 =	vld [tilespmem:s22+$0x4040]  }
0x138: {  	v2 =	vld [tilespmem:s22+$0x4080]  }
0x139: {  	v3 =	vld [tilespmem:s22+$0x40C0]  }
0x13a: {  	v4 =	vld [tilespmem:s22+$0x4100]  }
0x13b: {  	v5 =	vld [tilespmem:s22+$0x4140]  }
0x13c: {  	v6 =	vld [tilespmem:s22+$0x4180]  }
0x13d: {  	v7 =	vld [tilespmem:s22+$0x41C0]  }
0x13e: {  	v8 =	vld [tilespmem:s22+$0x4200]  }
0x13f: {  	v9 =	vld [tilespmem:s22+$0x4240]  }
0x140: {  	v10 =	vld [tilespmem:s22+$0x4280]  }
0x141: {  	v11 =	vld [tilespmem:s22+$0x42C0]  }
0x142: {  	v12 =	vld [tilespmem:s22+$0x4300]  }
0x143: {  	v13 =	vld [tilespmem:s22+$0x4340]  }
0x144: {  	v14 =	vld [tilespmem:s22+$0x4380]  }
0x145: {  	v15 =	vld [tilespmem:s22+$0x43C0];
	_ =	sdelay $0x2  }
0x146: {  	v0 =	vmax.f32 v0, v1;
	v19 =	vmax.f32 v2, v3;
	v20 =	vmax.f32 v4, v5  }
0x147: {  	s19 =	sor.u32 $0x1, s20;
	v21 =	vmax.f32 v6, v7;
	v22 =	vmax.f32 v8, v9;
	v23 =	vmax.f32 v10, v11  }
0x148: {  	s21 =	sshll.u32 s19, $0xA;
	v24 =	vmax.f32 v12, v13;
	v25 =	vmax.f32 v14, v15;
	v0 =	vmax.f32 v0, v19  }
0x149: {  	s29 =	sor.u32 s17, s20;
	s21 =	sand.u32 $0x3FFFFC00, s21;
	v26 =	vmax.f32 v20, v21;
	v27 =	vmax.f32 v22, v23;
	v28 =	vmax.f32 v24, v25  }
0x14a: {  	s18 =	sshll.u32 s29, $0x6;
	v16 =	vld [tilespmem:s21+$0x4000];
	v0 =	vmax.f32 v0, v26;
	v29 =	vmax.f32 v27, v28  }
0x14b: {  	s18 =	sand.u32 $0x3FFFFFC0, s18;
	v17 =	vld [tilespmem:s21+$0x4040];
	v0 =	vmax.f32 v0, v29  }
0x14c: {  	v18 =	vld [tilespmem:s21+$0x4080];
	[tilespmem:s18+$0x6000] =	vst v0  }
0x14d: {  	v0 =	vld [tilespmem:s22+$0x4010]  }
0x14e: {  	v30 =	vld [tilespmem:s22+$0x4050]  }
0x14f: {  	v31 =	vld [tilespmem:s22+$0x4090]  }
0x150: {  	v32 =	vld [tilespmem:s22+$0x40D0]  }
0x151: {  	v33 =	vld [tilespmem:s22+$0x4110]  }
0x152: {  	v34 =	vld [tilespmem:s22+$0x4150]  }
0x153: {  	v35 =	vld [tilespmem:s22+$0x4190]  }
0x154: {  	v36 =	vld [tilespmem:s22+$0x41D0]  }
0x155: {  	v37 =	vld [tilespmem:s22+$0x4210]  }
0x156: {  	v38 =	vld [tilespmem:s22+$0x4250]  }
0x157: {  	v39 =	vld [tilespmem:s22+$0x4290]  }
0x158: {  	v40 =	vld [tilespmem:s22+$0x42D0]  }
0x159: {  	v41 =	vld [tilespmem:s22+$0x4310]  }
0x15a: {  	v42 =	vld [tilespmem:s22+$0x4350]  }
0x15b: {  	v43 =	vld [tilespmem:s22+$0x4390]  }
0x15c: {  	v44 =	vld [tilespmem:s22+$0x43D0]  }
0x15d: {  	v19 =	vld [tilespmem:s21+$0x40C0]  }
0x15e: {  	v20 =	vld [tilespmem:s21+$0x4100]  }
0x15f: {  	v21 =	vld [tilespmem:s21+$0x4140];
	v0 =	vmax.f32 v0, v30;
	v45 =	vmax.f32 v31, v32;
	v46 =	vmax.f32 v33, v34  }
0x160: {  	v22 =	vld [tilespmem:s21+$0x4180];
	v47 =	vmax.f32 v35, v36;
	v48 =	vmax.f32 v37, v38;
	v49 =	vmax.f32 v39, v40  }
0x161: {  	v23 =	vld [tilespmem:s21+$0x41C0];
	v50 =	vmax.f32 v41, v42;
	v51 =	vmax.f32 v43, v44;
	v0 =	vmax.f32 v0, v45  }
0x162: {  	v24 =	vld [tilespmem:s21+$0x4200];
	v52 =	vmax.f32 v46, v47;
	v53 =	vmax.f32 v48, v49;
	v54 =	vmax.f32 v50, v51  }
0x163: {  	v25 =	vld [tilespmem:s21+$0x4240];
	v0 =	vmax.f32 v0, v52;
	v55 =	vmax.f32 v53, v54  }
0x164: {  	v26 =	vld [tilespmem:s21+$0x4280];
	v0 =	vmax.f32 v0, v55  }
0x165: {  	v39 =	vld [tilespmem:s21+$0x4300];
	[tilespmem:s18+$0x6010] =	vst v0  }
0x166: {  	v0 =	vld [tilespmem:s22+$0x4020]  }
0x167: {  	v56 =	vld [tilespmem:s22+$0x4060]  }
0x168: {  	v57 =	vld [tilespmem:s22+$0x40A0]  }
0x169: {  	v58 =	vld [tilespmem:s22+$0x40E0]  }
0x16a: {  	v59 =	vld [tilespmem:s22+$0x4120]  }
0x16b: {  	v60 =	vld [tilespmem:s22+$0x4160]  }
0x16c: {  	v61 =	vld [tilespmem:s22+$0x41A0]  }
0x16d: {  	v62 =	vld [tilespmem:s22+$0x41E0]  }
0x16e: {  	v63 =	vld [tilespmem:s22+$0x4220]  }
0x16f: {  	v30 =	vld [tilespmem:s22+$0x4260]  }
0x170: {  	v31 =	vld [tilespmem:s22+$0x42A0]  }
0x171: {  	v32 =	vld [tilespmem:s22+$0x42E0]  }
0x172: {  	v33 =	vld [tilespmem:s22+$0x4320]  }
0x173: {  	v34 =	vld [tilespmem:s22+$0x4360]  }
0x174: {  	v35 =	vld [tilespmem:s22+$0x43A0]  }
0x175: {  	v36 =	vld [tilespmem:s22+$0x43E0]  }
0x176: {  	v43 =	vld [tilespmem:s21+$0x4340]  }
0x177: {  	v46 =	vld [tilespmem:s21+$0x4380];
	v51 =	vmax.f32 v16, v17;
	v52 =	vmax.f32 v18, v19;
	v53 =	vmax.f32 v20, v21  }
0x178: {  	v49 =	vld [tilespmem:s21+$0x43C0];
	v0 =	vmax.f32 v0, v56;
	v37 =	vmax.f32 v57, v58;
	v38 =	vmax.f32 v59, v60  }
0x179: {  	v27 =	vld [tilespmem:s21+$0x42C0];
	v40 =	vmax.f32 v61, v62;
	v41 =	vmax.f32 v63, v30;
	v42 =	vmax.f32 v31, v32  }
0x17a: {  	v44 =	vmax.f32 v33, v34;
	v45 =	vmax.f32 v35, v36;
	v0 =	vmax.f32 v0, v37  }
0x17b: {  	v2 =	vmax.f32 v38, v40;
	v47 =	vmax.f32 v41, v42;
	v48 =	vmax.f32 v44, v45  }
0x17c: {  	v54 =	vmax.f32 v22, v23;
	v0 =	vmax.f32 v0, v2;
	v50 =	vmax.f32 v47, v48  }
0x17d: {  	v3 =	vmax.f32 v39, v43;
	v1 =	vmax.f32 v46, v49;
	v0 =	vmax.f32 v0, v50  }
0x17e: {  	v55 =	vmax.f32 v24, v25;
	v1 =	vmax.f32 v3, v1;
	v56 =	vmax.f32 v26, v27;
	[tilespmem:s18+$0x6020] =	vst v0  }
0x17f: {  	s19 =	sor.u32 s17, s19;
	v57 =	vmax.f32 v53, v54;
	v58 =	vmax.f32 v55, v56;
	v2 =	vmax.f32 v51, v52;
	v0 =	vld [tilespmem:s22+$0x4030]  }
0x180: {  	s19 =	sshll.u32 s19, $0x6;
	v3 =	vmax.f32 v58, v1;
	v2 =	vmax.f32 v2, v57;
	v1 =	vld [tilespmem:s22+$0x4070]  }
0x181: {  	s19 =	sand.u32 $0x3FFFFFC0, s19;
	v3 =	vmax.f32 v2, v3;
	v2 =	vld [tilespmem:s22+$0x40B0]  }
0x182: {  	[tilespmem:s19+$0x6000] =	vst v3;
	v3 =	vld [tilespmem:s22+$0x40F0]  }
0x183: {  	v4 =	vld [tilespmem:s22+$0x4130]  }
0x184: {  	v5 =	vld [tilespmem:s22+$0x4170]  }
0x185: {  	v6 =	vld [tilespmem:s22+$0x41B0]  }
0x186: {  	v7 =	vld [tilespmem:s22+$0x41F0]  }
0x187: {  	v9 =	vld [tilespmem:s22+$0x4270]  }
0x188: {  	v17 =	vld [tilespmem:s22+$0x43F0]  }
0x189: {  	v59 =	vld [tilespmem:s21+$0x4010]  }
0x18a: {  	v60 =	vld [tilespmem:s21+$0x4050]  }
0x18b: {  	v61 =	vld [tilespmem:s21+$0x4090]  }
0x18c: {  	v62 =	vld [tilespmem:s21+$0x40D0]  }
0x18d: {  	v63 =	vld [tilespmem:s21+$0x4110]  }
0x18e: {  	v24 =	vld [tilespmem:s21+$0x4150]  }
0x18f: {  	v25 =	vld [tilespmem:s21+$0x4190]  }
0x190: {  	v26 =	vld [tilespmem:s21+$0x41D0]  }
0x191: {  	v27 =	vld [tilespmem:s21+$0x4210]  }
0x192: {  	v28 =	vld [tilespmem:s21+$0x4250]  }
0x193: {  	v29 =	vld [tilespmem:s21+$0x4290]  }
0x194: {  	v30 =	vld [tilespmem:s21+$0x42D0]  }
0x195: {  	v31 =	vld [tilespmem:s21+$0x4310]  }
0x196: {  	s24 =	sor.u32 $0x2, s20;
	v32 =	vld [tilespmem:s21+$0x4350]  }
0x197: {  	s23 =	sshll.u32 s24, $0xA;
	v33 =	vld [tilespmem:s21+$0x4390]  }
0x198: {  	s23 =	sand.u32 $0x3FFFFC00, s23;
	v34 =	vld [tilespmem:s21+$0x43D0]  }
0x199: {  	v38 =	vmax.f32 v27, v28;
	v28 =	vld [tilespmem:s23+$0x4000]  }
0x19a: {  	v39 =	vmax.f32 v29, v30;
	v29 =	vld [tilespmem:s23+$0x4040]  }
0x19b: {  	v30 =	vld [tilespmem:s23+$0x4080]  }
0x19c: {  	v40 =	vmax.f32 v31, v32;
	v31 =	vld [tilespmem:s23+$0x40C0]  }
0x19d: {  	v32 =	vld [tilespmem:s23+$0x4100]  }
0x19e: {  	v41 =	vmax.f32 v33, v34;
	v33 =	vld [tilespmem:s23+$0x4140]  }
0x19f: {  	v34 =	vld [tilespmem:s23+$0x4180]  }
0x1a0: {  	v35 =	vmax.f32 v59, v60;
	v8 =	vmax.f32 v61, v62;
	v62 =	vld [tilespmem:s23+$0x4300]  }
0x1a1: {  	v42 =	vmax.f32 v35, v8;
	v8 =	vld [tilespmem:s22+$0x4230]  }
0x1a2: {  	v36 =	vmax.f32 v63, v24;
	v37 =	vmax.f32 v25, v26;
	v35 =	vld [tilespmem:s23+$0x41C0]  }
0x1a3: {  	v10 =	vmax.f32 v36, v37;
	v36 =	vld [tilespmem:s23+$0x4200]  }
0x1a4: {  	v37 =	vld [tilespmem:s23+$0x4240]  }
0x1a5: {  	v11 =	vmax.f32 v38, v39;
	v43 =	vmax.f32 v40, v41;
	v38 =	vld [tilespmem:s23+$0x4280]  }
0x1a6: {  	v39 =	vld [tilespmem:s23+$0x42C0];
	v44 =	vmax.f32 v42, v10;
	v11 =	vmax.f32 v11, v43  }
0x1a7: {  	v10 =	vld [tilespmem:s22+$0x42B0];
	v12 =	vmax.f32 v44, v11  }
0x1a8: {  	v42 =	vld [tilespmem:s23+$0x4340];
	[tilespmem:s19+$0x6010] =	vst v12  }
0x1a9: {  	v12 =	vld [tilespmem:s21+$0x4020]  }
0x1aa: {  	v45 =	vld [tilespmem:s21+$0x4060]  }
0x1ab: {  	v46 =	vld [tilespmem:s21+$0x40A0]  }
0x1ac: {  	v47 =	vld [tilespmem:s21+$0x40E0]  }
0x1ad: {  	v48 =	vld [tilespmem:s21+$0x4120]  }
0x1ae: {  	v49 =	vld [tilespmem:s21+$0x4160]  }
0x1af: {  	v50 =	vld [tilespmem:s21+$0x41A0]  }
0x1b0: {  	v51 =	vld [tilespmem:s21+$0x41E0]  }
0x1b1: {  	v52 =	vld [tilespmem:s21+$0x4220]  }
0x1b2: {  	v53 =	vld [tilespmem:s21+$0x4260]  }
0x1b3: {  	v54 =	vld [tilespmem:s21+$0x42A0]  }
0x1b4: {  	v55 =	vld [tilespmem:s21+$0x42E0]  }
0x1b5: {  	v56 =	vld [tilespmem:s21+$0x4320]  }
0x1b6: {  	v57 =	vld [tilespmem:s21+$0x4360]  }
0x1b7: {  	s31 =	sor.u32 $0x3, s20;
	v58 =	vld [tilespmem:s21+$0x43A0]  }
0x1b8: {  	s20 =	sshll.u32 s31, $0xA;
	v59 =	vld [tilespmem:s21+$0x43E0]  }
0x1b9: {  	s20 =	sand.u32 $0x3FFFFC00, s20;
	v11 =	vld [tilespmem:s22+$0x42F0]  }
0x1ba: {  	v19 =	vmax.f32 v62, v42;
	v42 =	vld [tilespmem:s20+$0x4140]  }
0x1bb: {  	v12 =	vmax.f32 v12, v45;
	v60 =	vmax.f32 v46, v47;
	v61 =	vmax.f32 v48, v49;
	v45 =	vld [tilespmem:s23+$0x4380]  }
0x1bc: {  	v63 =	vmax.f32 v50, v51;
	v40 =	vmax.f32 v52, v53;
	v41 =	vmax.f32 v54, v55;
	v48 =	vld [tilespmem:s23+$0x43C0]  }
0x1bd: {  	v43 =	vmax.f32 v56, v57;
	v44 =	vmax.f32 v58, v59;
	v13 =	vmax.f32 v12, v60;
	v12 =	vld [tilespmem:s22+$0x4330]  }
0x1be: {  	v14 =	vmax.f32 v61, v63;
	v46 =	vmax.f32 v40, v41;
	v47 =	vmax.f32 v43, v44;
	v41 =	vld [tilespmem:s20+$0x4100]  }
0x1bf: {  	v43 =	vld [tilespmem:s20+$0x4180];
	v14 =	vmax.f32 v13, v14;
	v15 =	vmax.f32 v46, v47  }
0x1c0: {  	v13 =	vld [tilespmem:s22+$0x4370];
	v14 =	vmax.f32 v14, v15  }
0x1c1: {  	v15 =	vld [tilespmem:s22+$0x43B0];
	[tilespmem:s19+$0x6020] =	vst v14  }
0x1c2: {  	v14 =	vld [tilespmem:s21+$0x4030]  }
0x1c3: {  	v16 =	vld [tilespmem:s21+$0x4070]  }
0x1c4: {  	v22 =	vld [tilespmem:s21+$0x4170]  }
0x1c5: {  	v23 =	vld [tilespmem:s21+$0x41F0]  }
0x1c6: {  	v49 =	vmax.f32 v28, v29;
	v50 =	vmax.f32 v30, v31;
	v24 =	vld [tilespmem:s21+$0x4230]  }
0x1c7: {  	v51 =	vmax.f32 v32, v33;
	v52 =	vmax.f32 v34, v35;
	v53 =	vmax.f32 v36, v37;
	v25 =	vld [tilespmem:s21+$0x4270]  }
0x1c8: {  	v54 =	vmax.f32 v38, v39;
	v20 =	vmax.f32 v49, v50;
	v18 =	vmax.f32 v45, v48;
	v27 =	vld [tilespmem:s21+$0x42F0]  }
0x1c9: {  	s30 =	sor.u32 s17, s24;
	v55 =	vmax.f32 v51, v52;
	v56 =	vmax.f32 v53, v54;
	v19 =	vmax.f32 v19, v18;
	v18 =	vld [tilespmem:s21+$0x40B0]  }
0x1ca: {  	v20 =	vmax.f32 v20, v55;
	s22 =	sshll.u32 s30, $0x6;
	v57 =	vmax.f32 v56, v19;
	v19 =	vld [tilespmem:s21+$0x40F0]  }
0x1cb: {  	s22 =	sand.u32 $0x3FFFFFC0, s22;
	v21 =	vmax.f32 v20, v57;
	v20 =	vld [tilespmem:s21+$0x4130]  }
0x1cc: {  	[tilespmem:s22+$0x6000] =	vst v21;
	v21 =	vld [tilespmem:s21+$0x41B0]  }
0x1cd: {  	v58 =	vld [tilespmem:s23+$0x4010]  }
0x1ce: {  	v59 =	vld [tilespmem:s23+$0x4050]  }
0x1cf: {  	v60 =	vld [tilespmem:s23+$0x4090]  }
0x1d0: {  	v61 =	vld [tilespmem:s23+$0x40D0]  }
0x1d1: {  	v62 =	vld [tilespmem:s23+$0x4110]  }
0x1d2: {  	v63 =	vld [tilespmem:s23+$0x4150]  }
0x1d3: {  	v44 =	vld [tilespmem:s23+$0x4190]  }
0x1d4: {  	v45 =	vld [tilespmem:s23+$0x41D0]  }
0x1d5: {  	v46 =	vld [tilespmem:s23+$0x4210]  }
0x1d6: {  	v47 =	vld [tilespmem:s23+$0x4250]  }
0x1d7: {  	v48 =	vld [tilespmem:s23+$0x4290]  }
0x1d8: {  	v49 =	vld [tilespmem:s23+$0x42D0]  }
0x1d9: {  	v50 =	vld [tilespmem:s23+$0x4310]  }
0x1da: {  	v51 =	vld [tilespmem:s23+$0x4350]  }
0x1db: {  	v52 =	vld [tilespmem:s23+$0x4390]  }
0x1dc: {  	v53 =	vld [tilespmem:s23+$0x43D0]  }
0x1dd: {  	v54 =	vmax.f32 v62, v63;
	v63 =	vld [tilespmem:s20+$0x4000]  }
0x1de: {  	v55 =	vmax.f32 v44, v45;
	v44 =	vld [tilespmem:s20+$0x41C0]  }
0x1df: {  	v45 =	vld [tilespmem:s20+$0x4200]  }
0x1e0: {  	v56 =	vmax.f32 v46, v47;
	v46 =	vld [tilespmem:s20+$0x4240]  }
0x1e1: {  	v47 =	vld [tilespmem:s20+$0x4280]  }
0x1e2: {  	v57 =	vmax.f32 v48, v49;
	v48 =	vld [tilespmem:s20+$0x42C0]  }
0x1e3: {  	v49 =	vld [tilespmem:s20+$0x4300]  }
0x1e4: {  	v40 =	vmax.f32 v58, v59;
	v58 =	vmax.f32 v50, v51;
	v50 =	vld [tilespmem:s20+$0x4340]  }
0x1e5: {  	v51 =	vld [tilespmem:s20+$0x4380]  }
0x1e6: {  	v26 =	vmax.f32 v60, v61;
	v59 =	vmax.f32 v52, v53;
	v52 =	vld [tilespmem:s20+$0x43C0]  }
0x1e7: {  	v60 =	vmax.f32 v40, v26;
	v26 =	vld [tilespmem:s21+$0x42B0]  }
0x1e8: {  	v29 =	vmax.f32 v56, v57;
	v57 =	vld [tilespmem:s20+$0x4040]  }
0x1e9: {  	v28 =	vmax.f32 v54, v55;
	v61 =	vmax.f32 v58, v59;
	v58 =	vld [tilespmem:s20+$0x4080]  }
0x1ea: {  	v59 =	vld [tilespmem:s20+$0x40C0];
	v62 =	vmax.f32 v60, v28;
	v29 =	vmax.f32 v29, v61  }
0x1eb: {  	v28 =	vld [tilespmem:s21+$0x4330];
	v30 =	vmax.f32 v62, v29  }
0x1ec: {  	v29 =	vld [tilespmem:s21+$0x4370];
	[tilespmem:s22+$0x6010] =	vst v30  }
0x1ed: {  	v30 =	vld [tilespmem:s23+$0x4020]  }
0x1ee: {  	v31 =	vld [tilespmem:s23+$0x4060]  }
0x1ef: {  	v32 =	vld [tilespmem:s23+$0x40A0]  }
0x1f0: {  	v33 =	vld [tilespmem:s23+$0x40E0]  }
0x1f1: {  	v34 =	vld [tilespmem:s23+$0x4120]  }
0x1f2: {  	v35 =	vld [tilespmem:s23+$0x4160]  }
0x1f3: {  	v36 =	vld [tilespmem:s23+$0x41A0]  }
0x1f4: {  	v53 =	vld [tilespmem:s23+$0x41E0]  }
0x1f5: {  	v54 =	vld [tilespmem:s23+$0x4220]  }
0x1f6: {  	v61 =	vmax.f32 v41, v42;
	v55 =	vld [tilespmem:s23+$0x4260];
	v62 =	vmax.f32 v43, v44;
	v48 =	vmax.f32 v47, v48  }
0x1f7: {  	v40 =	vld [tilespmem:s23+$0x42A0];
	v50 =	vmax.f32 v49, v50;
	v56 =	vmax.f32 v51, v52;
	v37 =	vmax.f32 v63, v57  }
0x1f8: {  	v44 =	vld [tilespmem:s23+$0x42E0];
	v60 =	vmax.f32 v58, v59;
	v63 =	vmax.f32 v45, v46;
	v39 =	vmax.f32 v61, v62  }
0x1f9: {  	s24 =	sor.u32 s17, s31;
	v38 =	vld [tilespmem:s23+$0x4320];
	v58 =	vmax.f32 v50, v56;
	v37 =	vmax.f32 v37, v60;
	v57 =	vmax.f32 v63, v48  }
0x1fa: {  	s24 =	sshll.u32 s24, $0x6;
	v43 =	vld [tilespmem:s23+$0x4360];
	v37 =	vmax.f32 v37, v39;
	v59 =	vmax.f32 v57, v58  }
0x1fb: {  	s24 =	sand.u32 $0x3FFFFFC0, s24;
	v61 =	vld [tilespmem:s23+$0x43E0];
	v37 =	vmax.f32 v37, v59  }
0x1fc: {  	v60 =	vld [tilespmem:s23+$0x43A0];
	[tilespmem:s24+$0x6000] =	vst v37  }
0x1fd: {  	v37 =	vld [tilespmem:s20+$0x4010]  }
0x1fe: {  	v42 =	vld [tilespmem:s20+$0x4050]  }
0x1ff: {  	v45 =	vld [tilespmem:s20+$0x4090]  }
0x200: {  	v46 =	vld [tilespmem:s20+$0x40D0]  }
0x201: {  	v47 =	vld [tilespmem:s20+$0x4110]  }
0x202: {  	v48 =	vld [tilespmem:s20+$0x4150]  }
0x203: {  	v49 =	vld [tilespmem:s20+$0x4190]  }
0x204: {  	v50 =	vld [tilespmem:s20+$0x41D0]  }
0x205: {  	v51 =	vld [tilespmem:s20+$0x4210]  }
0x206: {  	v52 =	vld [tilespmem:s20+$0x4250]  }
0x207: {  	v56 =	vld [tilespmem:s20+$0x4290]  }
0x208: {  	v30 =	vmax.f32 v30, v31;
	v62 =	vmax.f32 v32, v33;
	v63 =	vmax.f32 v34, v35;
	v33 =	vld [tilespmem:s20+$0x42D0]  }
0x209: {  	v53 =	vmax.f32 v36, v53;
	v55 =	vmax.f32 v54, v55;
	v57 =	vmax.f32 v40, v44;
	v40 =	vld [tilespmem:s20+$0x4310]  }
0x20a: {  	v38 =	vmax.f32 v38, v43;
	v30 =	vmax.f32 v30, v62;
	v58 =	vld [tilespmem:s20+$0x4350];
	v39 =	vmax.f32 v60, v61  }
0x20b: {  	v32 =	vmax.f32 v63, v53;
	v59 =	vmax.f32 v55, v57;
	v63 =	vld [tilespmem:s20+$0x43D0];
	v60 =	vmax.f32 v38, v39  }
0x20c: {  	v61 =	vld [tilespmem:s20+$0x4390];
	v30 =	vmax.f32 v30, v32;
	v62 =	vmax.f32 v59, v60  }
0x20d: {  	v35 =	vld [tilespmem:s21+$0x43B0];
	v30 =	vmax.f32 v30, v62  }
0x20e: {  	v32 =	vld [tilespmem:s21+$0x43F0];
	[tilespmem:s22+$0x6020] =	vst v30  }
0x20f: {  	v37 =	vmax.f32 v37, v42;
	v53 =	vmax.f32 v45, v46;
	v54 =	vmax.f32 v47, v48;
	v30 =	vld [tilespmem:s23+$0x4030]  }
0x210: {  	v55 =	vmax.f32 v49, v50;
	v57 =	vmax.f32 v51, v52;
	v33 =	vmax.f32 v56, v33;
	v41 =	vld [tilespmem:s23+$0x4070]  }
0x211: {  	v31 =	vmax.f32 v40, v58;
	v44 =	vld [tilespmem:s23+$0x40B0];
	v34 =	vmax.f32 v61, v63;
	v58 =	vmax.f32 v37, v53  }
0x212: {  	v37 =	vld [tilespmem:s23+$0x40F0];
	v59 =	vmax.f32 v54, v55;
	v33 =	vmax.f32 v57, v33;
	v31 =	vmax.f32 v31, v34  }
0x213: {  	v55 =	vld [tilespmem:s23+$0x41F0];
	v36 =	vmax.f32 v58, v59;
	v31 =	vmax.f32 v33, v31  }
0x214: {  	v56 =	vld [tilespmem:s23+$0x4230];
	v31 =	vmax.f32 v36, v31  }
0x215: {  	v46 =	vld [tilespmem:s23+$0x42B0];
	[tilespmem:s24+$0x6010] =	vst v31  }
0x216: {  	v31 =	vld [tilespmem:s20+$0x4020]  }
0x217: {  	v38 =	vld [tilespmem:s20+$0x4060]  }
0x218: {  	v39 =	vld [tilespmem:s20+$0x40A0]  }
0x219: {  	v40 =	vld [tilespmem:s20+$0x40E0]  }
0x21a: {  	v42 =	vld [tilespmem:s20+$0x4120]  }
0x21b: {  	v60 =	vld [tilespmem:s20+$0x4160]  }
0x21c: {  	v45 =	vld [tilespmem:s20+$0x41A0]  }
0x21d: {  	v61 =	vld [tilespmem:s20+$0x41E0]  }
0x21e: {  	v47 =	vld [tilespmem:s20+$0x4220]  }
0x21f: {  	v62 =	vld [tilespmem:s20+$0x4260]  }
0x220: {  	v49 =	vld [tilespmem:s20+$0x42A0]  }
0x221: {  	v63 =	vld [tilespmem:s20+$0x42E0]  }
0x222: {  	v51 =	vld [tilespmem:s20+$0x4320]  }
0x223: {  	v52 =	vld [tilespmem:s20+$0x4360]  }
0x224: {  	v53 =	vld [tilespmem:s20+$0x43A0]  }
0x225: {  	v54 =	vld [tilespmem:s20+$0x43E0]  }
0x226: {  	v34 =	vld [tilespmem:s23+$0x4130]  }
0x227: {  	v33 =	vld [tilespmem:s23+$0x4170]  }
0x228: {  	v36 =	vld [tilespmem:s23+$0x41B0];
	v31 =	vmax.f32 v31, v38;
	v59 =	vmax.f32 v39, v40;
	v60 =	vmax.f32 v42, v60  }
0x229: {  	v40 =	vld [tilespmem:s23+$0x4270];
	v61 =	vmax.f32 v45, v61;
	v62 =	vmax.f32 v47, v62;
	v63 =	vmax.f32 v49, v63  }
0x22a: {  	v52 =	vmax.f32 v51, v52;
	v54 =	vmax.f32 v53, v54;
	v38 =	vld [tilespmem:s23+$0x42F0];
	v31 =	vmax.f32 v31, v59  }
0x22b: {  	v42 =	vld [tilespmem:s23+$0x4330];
	v39 =	vmax.f32 v60, v61;
	v43 =	vmax.f32 v62, v63;
	v57 =	vmax.f32 v52, v54  }
0x22c: {  	v47 =	vld [tilespmem:s23+$0x4370];
	v31 =	vmax.f32 v31, v39;
	v58 =	vmax.f32 v43, v57  }
0x22d: {  	v43 =	vld [tilespmem:s23+$0x43B0];
	v31 =	vmax.f32 v31, v58  }
0x22e: {  	v39 =	vld [tilespmem:s23+$0x43F0];
	[tilespmem:s24+$0x6020] =	vst v31  }
0x22f: {  	v31 =	vld [tilespmem:s20+$0x4030]  }
0x230: {  	v45 =	vld [tilespmem:s20+$0x4070]  }
0x231: {  	v48 =	vld [tilespmem:s20+$0x40B0]  }
0x232: {  	v0 =	vmax.f32 v0, v1;
	v59 =	vmax.f32 v2, v3;
	v3 =	vld [tilespmem:s20+$0x40F0]  }
0x233: {  	v13 =	vmax.f32 v12, v13;
	v17 =	vmax.f32 v15, v17;
	v61 =	vmax.f32 v6, v7;
	v7 =	vld [tilespmem:s20+$0x4130]  }
0x234: {  	v50 =	vmax.f32 v13, v17;
	v30 =	vmax.f32 v30, v41;
	v34 =	vmax.f32 v34, v33;
	v1 =	vld [tilespmem:s20+$0x4170]  }
0x235: {  	v53 =	vmax.f32 v18, v19;
	v60 =	vmax.f32 v4, v5;
	v62 =	vmax.f32 v8, v9;
	v6 =	vld [tilespmem:s20+$0x41B0]  }
0x236: {  	v63 =	vmax.f32 v10, v11;
	v52 =	vmax.f32 v14, v16;
	v54 =	vmax.f32 v20, v22;
	v4 =	vld [tilespmem:s20+$0x41F0]  }
0x237: {  	v0 =	vmax.f32 v0, v59;
	v2 =	vmax.f32 v60, v61;
	v49 =	vmax.f32 v62, v63;
	v10 =	vld [tilespmem:s20+$0x4230]  }
0x238: {  	v57 =	vmax.f32 v21, v23;
	v59 =	vmax.f32 v26, v27;
	v61 =	vmax.f32 v28, v29;
	v60 =	vld [tilespmem:s20+$0x4270]  }
0x239: {  	v62 =	vmax.f32 v35, v32;
	v5 =	vmax.f32 v52, v53;
	v32 =	vmax.f32 v44, v37;
	v63 =	vld [tilespmem:s20+$0x42B0]  }
0x23a: {  	v37 =	vmax.f32 v36, v55;
	v0 =	vmax.f32 v0, v2;
	v51 =	vmax.f32 v49, v50;
	v26 =	vld [tilespmem:s20+$0x42F0]  }
0x23b: {  	v58 =	vmax.f32 v24, v25;
	v9 =	vmax.f32 v54, v57;
	v25 =	vmax.f32 v61, v62;
	v29 =	vld [tilespmem:s20+$0x4330]  }
0x23c: {  	v11 =	vmax.f32 v30, v32;
	v50 =	vmax.f32 v34, v37;
	v24 =	vmax.f32 v58, v59;
	v35 =	vld [tilespmem:s20+$0x4370]  }
0x23d: {  	v0 =	vmax.f32 v0, v51;
	v27 =	vmax.f32 v5, v9;
	v40 =	vmax.f32 v56, v40;
	v44 =	vld [tilespmem:s20+$0x43B0]  }
0x23e: {  	v41 =	vmax.f32 v46, v38;
	v46 =	vld [tilespmem:s20+$0x43F0];
	v47 =	vmax.f32 v42, v47;
	v49 =	vmax.f32 v43, v39  }
0x23f: {  	v28 =	vmax.f32 v24, v25;
	v51 =	vmax.f32 v40, v41;
	v52 =	vmax.f32 v47, v49  }
0x240: {  	v53 =	vmax.f32 v11, v50;
	v2 =	vmax.f32 v27, v28;
	v54 =	vmax.f32 v51, v52  }
0x241: {  	v55 =	vmax.f32 v31, v45;
	v3 =	vmax.f32 v48, v3;
	v1 =	vmax.f32 v7, v1  }
0x242: {  	p1 =	por p0, p0;
	v4 =	vmax.f32 v6, v4;
	v56 =	vmax.f32 v10, v60;
	v57 =	vmax.f32 v63, v26  }
.Ltmp1:
0x243: {  	v58 =	vmax.f32 v29, v35;
	v59 =	vmax.f32 v44, v46;
	v3 =	vmax.f32 v55, v3;
	(pc) =	sbr.rel @p1 .LBB2_5-.Ltmp1, $4  }
0x244: {  	[tilespmem:s18+$0x6030] =	vst v0;
	v60 =	vmax.f32 v1, v4;
	v61 =	vmax.f32 v56, v57;
	v62 =	vmax.f32 v58, v59  }
0x245: {  	[tilespmem:s19+$0x6030] =	vst v2;
	v63 =	vmax.f32 v53, v54;
	v0 =	vmax.f32 v3, v60;
	v1 =	vmax.f32 v61, v62  }
0x246: {  	[tilespmem:s22+$0x6030] =	vst v63;
	v0 =	vmax.f32 v0, v1  }
0x247: {  	p0 =	por $0x0, $0x0;
	s20 =	simm.s32 $0x4;
	[tilespmem:s24+$0x6030] =	vst v0  }
0x248: {  	s16 =	sadd.s32 $0x1, s16  }
0x249: {  	p0 =	sne.s32 s16, $0x1F  }
.Ltmp2:
0x24a: {  	_ = 	snop;
	(pc) =	sbr.rel @p0 .LBB2_2-.Ltmp2, $1  }
0x24b: {  	_ =	sdelay $0x3  }
0x24c: {  	[tilespmem:s10], [sflag:$0x2] =	stream.indirect.gather [hbm4b:s1+s8], $0x40, s13, s8, $0xb8;
	[tilespmem:$0xE000] =	vst v63  }
0x24d: {  	_ =	swait.ge [sflag:s11], $0x2000  }
0x24e: {  	[sflag:s11] =	ssyncset.done $0x0  }
0x24f: {  	s17 =	simm.s32 $0x0;
	p0 =	por $0x1, $0x1;
	[sflag:s11] =	ssyncadd.s32 $0xFFFFE000  }
.LBB2_8:
0x250: {  	s16 =	sshll.u32 s17, $0xA  }
0x251: {  	s16 =	sand.u32 $0x3FFFFC00, s16  }
0x252: {  	v0 =	vld [tilespmem:s16+$0x2000]  }
0x253: {  	v1 =	vld [tilespmem:s16+$0x2040]  }
0x254: {  	v2 =	vld [tilespmem:s16+$0x2080]  }
0x255: {  	v3 =	vld [tilespmem:s16+$0x20C0]  }
0x256: {  	v4 =	vld [tilespmem:s16+$0x2100]  }
0x257: {  	v5 =	vld [tilespmem:s16+$0x2140]  }
0x258: {  	v6 =	vld [tilespmem:s16+$0x2180]  }
0x259: {  	v7 =	vld [tilespmem:s16+$0x21C0]  }
0x25a: {  	v8 =	vld [tilespmem:s16+$0x2200]  }
0x25b: {  	v9 =	vld [tilespmem:s16+$0x2240]  }
0x25c: {  	v10 =	vld [tilespmem:s16+$0x2280]  }
0x25d: {  	v11 =	vld [tilespmem:s16+$0x22C0]  }
0x25e: {  	v12 =	vld [tilespmem:s16+$0x2300]  }
0x25f: {  	v13 =	vld [tilespmem:s16+$0x2340]  }
0x260: {  	v14 =	vld [tilespmem:s16+$0x2380]  }
0x261: {  	v15 =	vld [tilespmem:s16+$0x23C0];
	_ =	sdelay $0x2  }
0x262: {  	v0 =	vmax.f32 v0, v1;
	v19 =	vmax.f32 v2, v3;
	v20 =	vmax.f32 v4, v5  }
0x263: {  	v21 =	vmax.f32 v6, v7;
	v22 =	vmax.f32 v8, v9;
	v23 =	vmax.f32 v10, v11  }
0x264: {  	v24 =	vmax.f32 v12, v13;
	v25 =	vmax.f32 v14, v15;
	v0 =	vmax.f32 v0, v19  }
0x265: {  	v26 =	vmax.f32 v20, v21;
	v27 =	vmax.f32 v22, v23;
	v28 =	vmax.f32 v24, v25  }
0x266: {  	s31 =	sshll.u32 s17, $0x6;
	v16 =	vld [tilespmem:s16+$0x2400];
	v0 =	vmax.f32 v0, v26;
	v29 =	vmax.f32 v27, v28  }
0x267: {  	s17 =	sand.u32 $0x3FFFFFC0, s31;
	v17 =	vld [tilespmem:s16+$0x2440];
	v0 =	vmax.f32 v0, v29  }
0x268: {  	v18 =	vld [tilespmem:s16+$0x2480];
	[tilespmem:s17+$0xDC00] =	vst v0  }
0x269: {  	v0 =	vld [tilespmem:s16+$0x2010]  }
0x26a: {  	v30 =	vld [tilespmem:s16+$0x2050]  }
0x26b: {  	v31 =	vld [tilespmem:s16+$0x2090]  }
0x26c: {  	v32 =	vld [tilespmem:s16+$0x20D0]  }
0x26d: {  	v33 =	vld [tilespmem:s16+$0x2110]  }
0x26e: {  	v34 =	vld [tilespmem:s16+$0x2150]  }
0x26f: {  	v35 =	vld [tilespmem:s16+$0x2190]  }
0x270: {  	v36 =	vld [tilespmem:s16+$0x21D0]  }
0x271: {  	v37 =	vld [tilespmem:s16+$0x2210]  }
0x272: {  	v38 =	vld [tilespmem:s16+$0x2250]  }
0x273: {  	v39 =	vld [tilespmem:s16+$0x2290]  }
0x274: {  	v40 =	vld [tilespmem:s16+$0x22D0]  }
0x275: {  	v41 =	vld [tilespmem:s16+$0x2310]  }
0x276: {  	v42 =	vld [tilespmem:s16+$0x2350]  }
0x277: {  	v43 =	vld [tilespmem:s16+$0x2390]  }
0x278: {  	v44 =	vld [tilespmem:s16+$0x23D0]  }
0x279: {  	v19 =	vld [tilespmem:s16+$0x24C0]  }
0x27a: {  	v20 =	vld [tilespmem:s16+$0x2500]  }
0x27b: {  	v21 =	vld [tilespmem:s16+$0x2540];
	v0 =	vmax.f32 v0, v30;
	v45 =	vmax.f32 v31, v32;
	v46 =	vmax.f32 v33, v34  }
0x27c: {  	v22 =	vld [tilespmem:s16+$0x2580];
	v47 =	vmax.f32 v35, v36;
	v48 =	vmax.f32 v37, v38;
	v49 =	vmax.f32 v39, v40  }
0x27d: {  	v23 =	vld [tilespmem:s16+$0x25C0];
	v50 =	vmax.f32 v41, v42;
	v51 =	vmax.f32 v43, v44;
	v0 =	vmax.f32 v0, v45  }
0x27e: {  	v24 =	vld [tilespmem:s16+$0x2600];
	v52 =	vmax.f32 v46, v47;
	v53 =	vmax.f32 v48, v49;
	v54 =	vmax.f32 v50, v51  }
0x27f: {  	v25 =	vld [tilespmem:s16+$0x2640];
	v0 =	vmax.f32 v0, v52;
	v55 =	vmax.f32 v53, v54  }
0x280: {  	v26 =	vld [tilespmem:s16+$0x2680];
	v0 =	vmax.f32 v0, v55  }
0x281: {  	v39 =	vld [tilespmem:s16+$0x2700];
	[tilespmem:s17+$0xDC10] =	vst v0  }
0x282: {  	v0 =	vld [tilespmem:s16+$0x2020]  }
0x283: {  	v56 =	vld [tilespmem:s16+$0x2060]  }
0x284: {  	v57 =	vld [tilespmem:s16+$0x20A0]  }
0x285: {  	v58 =	vld [tilespmem:s16+$0x20E0]  }
0x286: {  	v59 =	vld [tilespmem:s16+$0x2120]  }
0x287: {  	v60 =	vld [tilespmem:s16+$0x2160]  }
0x288: {  	v61 =	vld [tilespmem:s16+$0x21A0]  }
0x289: {  	v62 =	vld [tilespmem:s16+$0x21E0]  }
0x28a: {  	v63 =	vld [tilespmem:s16+$0x2220]  }
0x28b: {  	v30 =	vld [tilespmem:s16+$0x2260]  }
0x28c: {  	v31 =	vld [tilespmem:s16+$0x22A0]  }
0x28d: {  	v32 =	vld [tilespmem:s16+$0x22E0]  }
0x28e: {  	v33 =	vld [tilespmem:s16+$0x2320]  }
0x28f: {  	v34 =	vld [tilespmem:s16+$0x2360]  }
0x290: {  	v35 =	vld [tilespmem:s16+$0x23A0]  }
0x291: {  	v36 =	vld [tilespmem:s16+$0x23E0]  }
0x292: {  	v43 =	vld [tilespmem:s16+$0x2740]  }
0x293: {  	v46 =	vld [tilespmem:s16+$0x2780];
	v51 =	vmax.f32 v16, v17;
	v52 =	vmax.f32 v18, v19;
	v53 =	vmax.f32 v20, v21  }
0x294: {  	v49 =	vld [tilespmem:s16+$0x27C0];
	v0 =	vmax.f32 v0, v56;
	v37 =	vmax.f32 v57, v58;
	v38 =	vmax.f32 v59, v60  }
0x295: {  	v27 =	vld [tilespmem:s16+$0x26C0];
	v40 =	vmax.f32 v61, v62;
	v41 =	vmax.f32 v63, v30;
	v42 =	vmax.f32 v31, v32  }
0x296: {  	v44 =	vmax.f32 v33, v34;
	v45 =	vmax.f32 v35, v36;
	v0 =	vmax.f32 v0, v37  }
0x297: {  	v2 =	vmax.f32 v38, v40;
	v47 =	vmax.f32 v41, v42;
	v48 =	vmax.f32 v44, v45  }
0x298: {  	v54 =	vmax.f32 v22, v23;
	v0 =	vmax.f32 v0, v2;
	v50 =	vmax.f32 v47, v48  }
0x299: {  	v3 =	vmax.f32 v39, v43;
	v1 =	vmax.f32 v46, v49;
	v0 =	vmax.f32 v0, v50  }
0x29a: {  	v55 =	vmax.f32 v24, v25;
	v1 =	vmax.f32 v3, v1;
	v56 =	vmax.f32 v26, v27;
	[tilespmem:s17+$0xDC20] =	vst v0  }
0x29b: {  	v57 =	vmax.f32 v53, v54;
	v58 =	vmax.f32 v55, v56;
	v2 =	vmax.f32 v51, v52;
	v0 =	vld [tilespmem:s16+$0x2030]  }
0x29c: {  	v3 =	vmax.f32 v58, v1;
	v2 =	vmax.f32 v2, v57;
	v1 =	vld [tilespmem:s16+$0x2070]  }
0x29d: {  	v3 =	vmax.f32 v2, v3;
	v2 =	vld [tilespmem:s16+$0x20B0]  }
0x29e: {  	[tilespmem:s17+$0xDC40] =	vst v3;
	v3 =	vld [tilespmem:s16+$0x20F0]  }
0x29f: {  	v4 =	vld [tilespmem:s16+$0x2130]  }
0x2a0: {  	v5 =	vld [tilespmem:s16+$0x2170]  }
0x2a1: {  	v6 =	vld [tilespmem:s16+$0x21B0]  }
0x2a2: {  	v7 =	vld [tilespmem:s16+$0x21F0]  }
0x2a3: {  	v9 =	vld [tilespmem:s16+$0x2270]  }
0x2a4: {  	v17 =	vld [tilespmem:s16+$0x23F0]  }
0x2a5: {  	v59 =	vld [tilespmem:s16+$0x2410]  }
0x2a6: {  	v60 =	vld [tilespmem:s16+$0x2450]  }
0x2a7: {  	v61 =	vld [tilespmem:s16+$0x2490]  }
0x2a8: {  	v62 =	vld [tilespmem:s16+$0x24D0]  }
0x2a9: {  	v63 =	vld [tilespmem:s16+$0x2510]  }
0x2aa: {  	v24 =	vld [tilespmem:s16+$0x2550]  }
0x2ab: {  	v25 =	vld [tilespmem:s16+$0x2590]  }
0x2ac: {  	v26 =	vld [tilespmem:s16+$0x25D0]  }
0x2ad: {  	v27 =	vld [tilespmem:s16+$0x2610]  }
0x2ae: {  	v28 =	vld [tilespmem:s16+$0x2650]  }
0x2af: {  	v29 =	vld [tilespmem:s16+$0x2690]  }
0x2b0: {  	v30 =	vld [tilespmem:s16+$0x26D0]  }
0x2b1: {  	v31 =	vld [tilespmem:s16+$0x2710]  }
0x2b2: {  	v32 =	vld [tilespmem:s16+$0x2750]  }
0x2b3: {  	v33 =	vld [tilespmem:s16+$0x2790]  }
0x2b4: {  	v34 =	vld [tilespmem:s16+$0x27D0]  }
0x2b5: {  	v38 =	vmax.f32 v27, v28;
	v28 =	vld [tilespmem:s16+$0x2800]  }
0x2b6: {  	v39 =	vmax.f32 v29, v30;
	v29 =	vld [tilespmem:s16+$0x2840]  }
0x2b7: {  	v30 =	vld [tilespmem:s16+$0x2880]  }
0x2b8: {  	v40 =	vmax.f32 v31, v32;
	v31 =	vld [tilespmem:s16+$0x28C0]  }
0x2b9: {  	v32 =	vld [tilespmem:s16+$0x2900]  }
0x2ba: {  	v41 =	vmax.f32 v33, v34;
	v33 =	vld [tilespmem:s16+$0x2940]  }
0x2bb: {  	v34 =	vld [tilespmem:s16+$0x2980]  }
0x2bc: {  	v35 =	vmax.f32 v59, v60;
	v8 =	vmax.f32 v61, v62;
	v62 =	vld [tilespmem:s16+$0x2B00]  }
0x2bd: {  	v42 =	vmax.f32 v35, v8;
	v8 =	vld [tilespmem:s16+$0x2230]  }
0x2be: {  	v36 =	vmax.f32 v63, v24;
	v37 =	vmax.f32 v25, v26;
	v35 =	vld [tilespmem:s16+$0x29C0]  }
0x2bf: {  	v10 =	vmax.f32 v36, v37;
	v36 =	vld [tilespmem:s16+$0x2A00]  }
0x2c0: {  	v37 =	vld [tilespmem:s16+$0x2A40]  }
0x2c1: {  	v11 =	vmax.f32 v38, v39;
	v43 =	vmax.f32 v40, v41;
	v38 =	vld [tilespmem:s16+$0x2A80]  }
0x2c2: {  	v39 =	vld [tilespmem:s16+$0x2AC0];
	v44 =	vmax.f32 v42, v10;
	v11 =	vmax.f32 v11, v43  }
0x2c3: {  	v10 =	vld [tilespmem:s16+$0x22B0];
	v12 =	vmax.f32 v44, v11  }
0x2c4: {  	v42 =	vld [tilespmem:s16+$0x2B40];
	[tilespmem:s17+$0xDC50] =	vst v12  }
0x2c5: {  	v12 =	vld [tilespmem:s16+$0x2420]  }
0x2c6: {  	v45 =	vld [tilespmem:s16+$0x2460]  }
0x2c7: {  	v46 =	vld [tilespmem:s16+$0x24A0]  }
0x2c8: {  	v47 =	vld [tilespmem:s16+$0x24E0]  }
0x2c9: {  	v48 =	vld [tilespmem:s16+$0x2520]  }
0x2ca: {  	v49 =	vld [tilespmem:s16+$0x2560]  }
0x2cb: {  	v50 =	vld [tilespmem:s16+$0x25A0]  }
0x2cc: {  	v51 =	vld [tilespmem:s16+$0x25E0]  }
0x2cd: {  	v52 =	vld [tilespmem:s16+$0x2620]  }
0x2ce: {  	v53 =	vld [tilespmem:s16+$0x2660]  }
0x2cf: {  	v54 =	vld [tilespmem:s16+$0x26A0]  }
0x2d0: {  	v55 =	vld [tilespmem:s16+$0x26E0]  }
0x2d1: {  	v56 =	vld [tilespmem:s16+$0x2720]  }
0x2d2: {  	v57 =	vld [tilespmem:s16+$0x2760]  }
0x2d3: {  	v58 =	vld [tilespmem:s16+$0x27A0]  }
0x2d4: {  	v59 =	vld [tilespmem:s16+$0x27E0]  }
0x2d5: {  	v11 =	vld [tilespmem:s16+$0x22F0]  }
0x2d6: {  	v19 =	vmax.f32 v62, v42;
	v42 =	vld [tilespmem:s16+$0x2D40]  }
0x2d7: {  	v12 =	vmax.f32 v12, v45;
	v60 =	vmax.f32 v46, v47;
	v61 =	vmax.f32 v48, v49;
	v45 =	vld [tilespmem:s16+$0x2B80]  }
0x2d8: {  	v63 =	vmax.f32 v50, v51;
	v40 =	vmax.f32 v52, v53;
	v41 =	vmax.f32 v54, v55;
	v48 =	vld [tilespmem:s16+$0x2BC0]  }
0x2d9: {  	v43 =	vmax.f32 v56, v57;
	v44 =	vmax.f32 v58, v59;
	v13 =	vmax.f32 v12, v60;
	v12 =	vld [tilespmem:s16+$0x2330]  }
0x2da: {  	v14 =	vmax.f32 v61, v63;
	v46 =	vmax.f32 v40, v41;
	v47 =	vmax.f32 v43, v44;
	v41 =	vld [tilespmem:s16+$0x2D00]  }
0x2db: {  	v43 =	vld [tilespmem:s16+$0x2D80];
	v14 =	vmax.f32 v13, v14;
	v15 =	vmax.f32 v46, v47  }
0x2dc: {  	v13 =	vld [tilespmem:s16+$0x2370];
	v14 =	vmax.f32 v14, v15  }
0x2dd: {  	v15 =	vld [tilespmem:s16+$0x23B0];
	[tilespmem:s17+$0xDC60] =	vst v14  }
0x2de: {  	v14 =	vld [tilespmem:s16+$0x2430]  }
0x2df: {  	v16 =	vld [tilespmem:s16+$0x2470]  }
0x2e0: {  	v22 =	vld [tilespmem:s16+$0x2570]  }
0x2e1: {  	v23 =	vld [tilespmem:s16+$0x25F0]  }
0x2e2: {  	v49 =	vmax.f32 v28, v29;
	v50 =	vmax.f32 v30, v31;
	v24 =	vld [tilespmem:s16+$0x2630]  }
0x2e3: {  	v51 =	vmax.f32 v32, v33;
	v52 =	vmax.f32 v34, v35;
	v53 =	vmax.f32 v36, v37;
	v25 =	vld [tilespmem:s16+$0x2670]  }
0x2e4: {  	v54 =	vmax.f32 v38, v39;
	v20 =	vmax.f32 v49, v50;
	v18 =	vmax.f32 v45, v48;
	v27 =	vld [tilespmem:s16+$0x26F0]  }
0x2e5: {  	v55 =	vmax.f32 v51, v52;
	v56 =	vmax.f32 v53, v54;
	v19 =	vmax.f32 v19, v18;
	v18 =	vld [tilespmem:s16+$0x24B0]  }
0x2e6: {  	v20 =	vmax.f32 v20, v55;
	v57 =	vmax.f32 v56, v19;
	v19 =	vld [tilespmem:s16+$0x24F0]  }
0x2e7: {  	v21 =	vmax.f32 v20, v57;
	v20 =	vld [tilespmem:s16+$0x2530]  }
0x2e8: {  	[tilespmem:s17+$0xDC80] =	vst v21;
	v21 =	vld [tilespmem:s16+$0x25B0]  }
0x2e9: {  	v58 =	vld [tilespmem:s16+$0x2810]  }
0x2ea: {  	v59 =	vld [tilespmem:s16+$0x2850]  }
0x2eb: {  	v60 =	vld [tilespmem:s16+$0x2890]  }
0x2ec: {  	v61 =	vld [tilespmem:s16+$0x28D0]  }
0x2ed: {  	v62 =	vld [tilespmem:s16+$0x2910]  }
0x2ee: {  	v63 =	vld [tilespmem:s16+$0x2950]  }
0x2ef: {  	v44 =	vld [tilespmem:s16+$0x2990]  }
0x2f0: {  	v45 =	vld [tilespmem:s16+$0x29D0]  }
0x2f1: {  	v46 =	vld [tilespmem:s16+$0x2A10]  }
0x2f2: {  	v47 =	vld [tilespmem:s16+$0x2A50]  }
0x2f3: {  	v48 =	vld [tilespmem:s16+$0x2A90]  }
0x2f4: {  	v49 =	vld [tilespmem:s16+$0x2AD0]  }
0x2f5: {  	v50 =	vld [tilespmem:s16+$0x2B10]  }
0x2f6: {  	v51 =	vld [tilespmem:s16+$0x2B50]  }
0x2f7: {  	v52 =	vld [tilespmem:s16+$0x2B90]  }
0x2f8: {  	v53 =	vld [tilespmem:s16+$0x2BD0]  }
0x2f9: {  	v54 =	vmax.f32 v62, v63;
	v63 =	vld [tilespmem:s16+$0x2C00]  }
0x2fa: {  	v55 =	vmax.f32 v44, v45;
	v44 =	vld [tilespmem:s16+$0x2DC0]  }
0x2fb: {  	v45 =	vld [tilespmem:s16+$0x2E00]  }
0x2fc: {  	v56 =	vmax.f32 v46, v47;
	v46 =	vld [tilespmem:s16+$0x2E40]  }
0x2fd: {  	v47 =	vld [tilespmem:s16+$0x2E80]  }
0x2fe: {  	v57 =	vmax.f32 v48, v49;
	v48 =	vld [tilespmem:s16+$0x2EC0]  }
0x2ff: {  	v49 =	vld [tilespmem:s16+$0x2F00]  }
0x300: {  	v40 =	vmax.f32 v58, v59;
	v58 =	vmax.f32 v50, v51;
	v50 =	vld [tilespmem:s16+$0x2F40]  }
0x301: {  	v51 =	vld [tilespmem:s16+$0x2F80]  }
0x302: {  	v26 =	vmax.f32 v60, v61;
	v59 =	vmax.f32 v52, v53;
	v52 =	vld [tilespmem:s16+$0x2FC0]  }
0x303: {  	v60 =	vmax.f32 v40, v26;
	v26 =	vld [tilespmem:s16+$0x26B0]  }
0x304: {  	v29 =	vmax.f32 v56, v57;
	v57 =	vld [tilespmem:s16+$0x2C40]  }
0x305: {  	v28 =	vmax.f32 v54, v55;
	v61 =	vmax.f32 v58, v59;
	v58 =	vld [tilespmem:s16+$0x2C80]  }
0x306: {  	v59 =	vld [tilespmem:s16+$0x2CC0];
	v62 =	vmax.f32 v60, v28;
	v29 =	vmax.f32 v29, v61  }
0x307: {  	v28 =	vld [tilespmem:s16+$0x2730];
	v30 =	vmax.f32 v62, v29  }
0x308: {  	v29 =	vld [tilespmem:s16+$0x2770];
	[tilespmem:s17+$0xDC90] =	vst v30  }
0x309: {  	v30 =	vld [tilespmem:s16+$0x2820]  }
0x30a: {  	v31 =	vld [tilespmem:s16+$0x2860]  }
0x30b: {  	v32 =	vld [tilespmem:s16+$0x28A0]  }
0x30c: {  	v33 =	vld [tilespmem:s16+$0x28E0]  }
0x30d: {  	v34 =	vld [tilespmem:s16+$0x2920]  }
0x30e: {  	v35 =	vld [tilespmem:s16+$0x2960]  }
0x30f: {  	v36 =	vld [tilespmem:s16+$0x29A0]  }
0x310: {  	v53 =	vld [tilespmem:s16+$0x29E0]  }
0x311: {  	v54 =	vld [tilespmem:s16+$0x2A20]  }
0x312: {  	v61 =	vmax.f32 v41, v42;
	v55 =	vld [tilespmem:s16+$0x2A60];
	v62 =	vmax.f32 v43, v44;
	v48 =	vmax.f32 v47, v48  }
0x313: {  	v40 =	vld [tilespmem:s16+$0x2AA0];
	v50 =	vmax.f32 v49, v50;
	v56 =	vmax.f32 v51, v52;
	v37 =	vmax.f32 v63, v57  }
0x314: {  	v44 =	vld [tilespmem:s16+$0x2AE0];
	v60 =	vmax.f32 v58, v59;
	v63 =	vmax.f32 v45, v46;
	v39 =	vmax.f32 v61, v62  }
0x315: {  	v38 =	vld [tilespmem:s16+$0x2B20];
	v58 =	vmax.f32 v50, v56;
	v37 =	vmax.f32 v37, v60;
	v57 =	vmax.f32 v63, v48  }
0x316: {  	v43 =	vld [tilespmem:s16+$0x2B60];
	v37 =	vmax.f32 v37, v39;
	v59 =	vmax.f32 v57, v58  }
0x317: {  	v61 =	vld [tilespmem:s16+$0x2BE0];
	v37 =	vmax.f32 v37, v59  }
0x318: {  	v60 =	vld [tilespmem:s16+$0x2BA0];
	[tilespmem:s17+$0xDCC0] =	vst v37  }
0x319: {  	v37 =	vld [tilespmem:s16+$0x2C10]  }
0x31a: {  	v42 =	vld [tilespmem:s16+$0x2C50]  }
0x31b: {  	v45 =	vld [tilespmem:s16+$0x2C90]  }
0x31c: {  	v46 =	vld [tilespmem:s16+$0x2CD0]  }
0x31d: {  	v47 =	vld [tilespmem:s16+$0x2D10]  }
0x31e: {  	v48 =	vld [tilespmem:s16+$0x2D50]  }
0x31f: {  	v49 =	vld [tilespmem:s16+$0x2D90]  }
0x320: {  	v50 =	vld [tilespmem:s16+$0x2DD0]  }
0x321: {  	v51 =	vld [tilespmem:s16+$0x2E10]  }
0x322: {  	v52 =	vld [tilespmem:s16+$0x2E50]  }
0x323: {  	v56 =	vld [tilespmem:s16+$0x2E90]  }
0x324: {  	v30 =	vmax.f32 v30, v31;
	v62 =	vmax.f32 v32, v33;
	v63 =	vmax.f32 v34, v35;
	v33 =	vld [tilespmem:s16+$0x2ED0]  }
0x325: {  	v53 =	vmax.f32 v36, v53;
	v55 =	vmax.f32 v54, v55;
	v57 =	vmax.f32 v40, v44;
	v40 =	vld [tilespmem:s16+$0x2F10]  }
0x326: {  	v38 =	vmax.f32 v38, v43;
	v30 =	vmax.f32 v30, v62;
	v58 =	vld [tilespmem:s16+$0x2F50];
	v39 =	vmax.f32 v60, v61  }
0x327: {  	v32 =	vmax.f32 v63, v53;
	v59 =	vmax.f32 v55, v57;
	v63 =	vld [tilespmem:s16+$0x2FD0];
	v60 =	vmax.f32 v38, v39  }
0x328: {  	v61 =	vld [tilespmem:s16+$0x2F90];
	v30 =	vmax.f32 v30, v32;
	v62 =	vmax.f32 v59, v60  }
0x329: {  	v35 =	vld [tilespmem:s16+$0x27B0];
	v30 =	vmax.f32 v30, v62  }
0x32a: {  	v32 =	vld [tilespmem:s16+$0x27F0];
	[tilespmem:s17+$0xDCA0] =	vst v30  }
0x32b: {  	v37 =	vmax.f32 v37, v42;
	v53 =	vmax.f32 v45, v46;
	v54 =	vmax.f32 v47, v48;
	v30 =	vld [tilespmem:s16+$0x2830]  }
0x32c: {  	v55 =	vmax.f32 v49, v50;
	v57 =	vmax.f32 v51, v52;
	v33 =	vmax.f32 v56, v33;
	v41 =	vld [tilespmem:s16+$0x2870]  }
0x32d: {  	v31 =	vmax.f32 v40, v58;
	v44 =	vld [tilespmem:s16+$0x28B0];
	v34 =	vmax.f32 v61, v63;
	v58 =	vmax.f32 v37, v53  }
0x32e: {  	v37 =	vld [tilespmem:s16+$0x28F0];
	v59 =	vmax.f32 v54, v55;
	v33 =	vmax.f32 v57, v33;
	v31 =	vmax.f32 v31, v34  }
0x32f: {  	v55 =	vld [tilespmem:s16+$0x29F0];
	v36 =	vmax.f32 v58, v59;
	v31 =	vmax.f32 v33, v31  }
0x330: {  	v56 =	vld [tilespmem:s16+$0x2A30];
	v31 =	vmax.f32 v36, v31  }
0x331: {  	v46 =	vld [tilespmem:s16+$0x2AB0];
	[tilespmem:s17+$0xDCD0] =	vst v31  }
0x332: {  	v31 =	vld [tilespmem:s16+$0x2C20]  }
0x333: {  	v38 =	vld [tilespmem:s16+$0x2C60]  }
0x334: {  	v39 =	vld [tilespmem:s16+$0x2CA0]  }
0x335: {  	v40 =	vld [tilespmem:s16+$0x2CE0]  }
0x336: {  	v42 =	vld [tilespmem:s16+$0x2D20]  }
0x337: {  	v60 =	vld [tilespmem:s16+$0x2D60]  }
0x338: {  	v45 =	vld [tilespmem:s16+$0x2DA0]  }
0x339: {  	v61 =	vld [tilespmem:s16+$0x2DE0]  }
0x33a: {  	v47 =	vld [tilespmem:s16+$0x2E20]  }
0x33b: {  	v62 =	vld [tilespmem:s16+$0x2E60]  }
0x33c: {  	v49 =	vld [tilespmem:s16+$0x2EA0]  }
0x33d: {  	v63 =	vld [tilespmem:s16+$0x2EE0]  }
0x33e: {  	v51 =	vld [tilespmem:s16+$0x2F20]  }
0x33f: {  	v52 =	vld [tilespmem:s16+$0x2F60]  }
0x340: {  	v53 =	vld [tilespmem:s16+$0x2FA0]  }
0x341: {  	v54 =	vld [tilespmem:s16+$0x2FE0]  }
0x342: {  	v34 =	vld [tilespmem:s16+$0x2930]  }
0x343: {  	v33 =	vld [tilespmem:s16+$0x2970]  }
0x344: {  	v36 =	vld [tilespmem:s16+$0x29B0];
	v31 =	vmax.f32 v31, v38;
	v59 =	vmax.f32 v39, v40;
	v60 =	vmax.f32 v42, v60  }
0x345: {  	v40 =	vld [tilespmem:s16+$0x2A70];
	v61 =	vmax.f32 v45, v61;
	v62 =	vmax.f32 v47, v62;
	v63 =	vmax.f32 v49, v63  }
0x346: {  	v52 =	vmax.f32 v51, v52;
	v54 =	vmax.f32 v53, v54;
	v38 =	vld [tilespmem:s16+$0x2AF0];
	v31 =	vmax.f32 v31, v59  }
0x347: {  	v42 =	vld [tilespmem:s16+$0x2B30];
	v39 =	vmax.f32 v60, v61;
	v43 =	vmax.f32 v62, v63;
	v57 =	vmax.f32 v52, v54  }
0x348: {  	v47 =	vld [tilespmem:s16+$0x2B70];
	v31 =	vmax.f32 v31, v39;
	v58 =	vmax.f32 v43, v57  }
0x349: {  	v43 =	vld [tilespmem:s16+$0x2BB0];
	v31 =	vmax.f32 v31, v58  }
0x34a: {  	v39 =	vld [tilespmem:s16+$0x2BF0];
	[tilespmem:s17+$0xDCE0] =	vst v31  }
0x34b: {  	v31 =	vld [tilespmem:s16+$0x2C30]  }
0x34c: {  	v45 =	vld [tilespmem:s16+$0x2C70]  }
0x34d: {  	v48 =	vld [tilespmem:s16+$0x2CB0]  }
0x34e: {  	v0 =	vmax.f32 v0, v1;
	v59 =	vmax.f32 v2, v3;
	v3 =	vld [tilespmem:s16+$0x2CF0]  }
0x34f: {  	v13 =	vmax.f32 v12, v13;
	v17 =	vmax.f32 v15, v17;
	v61 =	vmax.f32 v6, v7;
	v7 =	vld [tilespmem:s16+$0x2D30]  }
0x350: {  	v50 =	vmax.f32 v13, v17;
	v30 =	vmax.f32 v30, v41;
	v34 =	vmax.f32 v34, v33;
	v1 =	vld [tilespmem:s16+$0x2D70]  }
0x351: {  	v53 =	vmax.f32 v18, v19;
	v60 =	vmax.f32 v4, v5;
	v62 =	vmax.f32 v8, v9;
	v6 =	vld [tilespmem:s16+$0x2DB0]  }
0x352: {  	v63 =	vmax.f32 v10, v11;
	v52 =	vmax.f32 v14, v16;
	v54 =	vmax.f32 v20, v22;
	v4 =	vld [tilespmem:s16+$0x2DF0]  }
0x353: {  	v0 =	vmax.f32 v0, v59;
	v2 =	vmax.f32 v60, v61;
	v49 =	vmax.f32 v62, v63;
	v10 =	vld [tilespmem:s16+$0x2E30]  }
0x354: {  	v57 =	vmax.f32 v21, v23;
	v59 =	vmax.f32 v26, v27;
	v61 =	vmax.f32 v28, v29;
	v60 =	vld [tilespmem:s16+$0x2E70]  }
0x355: {  	v62 =	vmax.f32 v35, v32;
	v5 =	vmax.f32 v52, v53;
	v32 =	vmax.f32 v44, v37;
	v63 =	vld [tilespmem:s16+$0x2EB0]  }
0x356: {  	v37 =	vmax.f32 v36, v55;
	v0 =	vmax.f32 v0, v2;
	v51 =	vmax.f32 v49, v50;
	v26 =	vld [tilespmem:s16+$0x2EF0]  }
0x357: {  	v58 =	vmax.f32 v24, v25;
	v9 =	vmax.f32 v54, v57;
	v25 =	vmax.f32 v61, v62;
	v29 =	vld [tilespmem:s16+$0x2F30]  }
0x358: {  	v11 =	vmax.f32 v30, v32;
	v15 =	vmax.f32 v34, v37;
	v24 =	vmax.f32 v58, v59;
	v35 =	vld [tilespmem:s16+$0x2F70]  }
0x359: {  	v0 =	vmax.f32 v0, v51;
	v27 =	vmax.f32 v5, v9;
	v44 =	vmax.f32 v46, v38;
	v46 =	vld [tilespmem:s16+$0x2FB0]  }
0x35a: {  	v41 =	vmax.f32 v56, v40;
	v47 =	vmax.f32 v42, v47;
	v50 =	vld [tilespmem:s16+$0x2FF0];
	v49 =	vmax.f32 v43, v39  }
0x35b: {  	v28 =	vmax.f32 v24, v25;
	v51 =	vmax.f32 v41, v44;
	v52 =	vmax.f32 v47, v49  }
0x35c: {  	v53 =	vmax.f32 v11, v15;
	v2 =	vmax.f32 v27, v28;
	v54 =	vmax.f32 v51, v52  }
0x35d: {  	v55 =	vmax.f32 v31, v45;
	v3 =	vmax.f32 v48, v3;
	v1 =	vmax.f32 v7, v1  }
0x35e: {  	p1 =	por p0, p0;
	v4 =	vmax.f32 v6, v4;
	v56 =	vmax.f32 v10, v60;
	v57 =	vmax.f32 v63, v26  }
.Ltmp3:
0x35f: {  	v58 =	vmax.f32 v29, v35;
	v59 =	vmax.f32 v46, v50;
	v3 =	vmax.f32 v55, v3;
	(pc) =	sbr.rel @p1 .LBB2_8-.Ltmp3, $4  }
0x360: {  	[tilespmem:s17+$0xDC30] =	vst v0;
	v60 =	vmax.f32 v1, v4;
	v61 =	vmax.f32 v56, v57;
	v62 =	vmax.f32 v58, v59  }
0x361: {  	[tilespmem:s17+$0xDC70] =	vst v2;
	v63 =	vmax.f32 v53, v54;
	v0 =	vmax.f32 v3, v60;
	v1 =	vmax.f32 v61, v62  }
0x362: {  	[tilespmem:s17+$0xDCB0] =	vst v63;
	v0 =	vmax.f32 v0, v1  }
0x363: {  	p0 =	por $0x0, $0x0;
	[tilespmem:s17+$0xDCF0] =	vst v0;
	s17 =	simm.s32 $0x4  }
0x364: {  	_ =	swait.ge [sflag:s12], $0x2000  }
0x365: {  	[sflag:s12] =	ssyncset.done $0x0  }
0x366: {  	s17 =	simm.s32 $0x0;
	p0 =	por $0x1, $0x1;
	[sflag:s12] =	ssyncadd.s32 $0xFFFFE000  }
.LBB2_10:
0x367: {  	s16 =	sshll.u32 s17, $0xA  }
0x368: {  	s16 =	sand.u32 $0x3FFFFC00, s16  }
0x369: {  	v0 =	vld [tilespmem:s16+$0x4000]  }
0x36a: {  	v1 =	vld [tilespmem:s16+$0x4040]  }
0x36b: {  	v2 =	vld [tilespmem:s16+$0x4080]  }
0x36c: {  	v3 =	vld [tilespmem:s16+$0x40C0]  }
0x36d: {  	v4 =	vld [tilespmem:s16+$0x4100]  }
0x36e: {  	v5 =	vld [tilespmem:s16+$0x4140]  }
0x36f: {  	v6 =	vld [tilespmem:s16+$0x4180]  }
0x370: {  	v7 =	vld [tilespmem:s16+$0x41C0]  }
0x371: {  	v8 =	vld [tilespmem:s16+$0x4200]  }
0x372: {  	v9 =	vld [tilespmem:s16+$0x4240]  }
0x373: {  	v10 =	vld [tilespmem:s16+$0x4280]  }
0x374: {  	v11 =	vld [tilespmem:s16+$0x42C0]  }
0x375: {  	v12 =	vld [tilespmem:s16+$0x4300]  }
0x376: {  	v13 =	vld [tilespmem:s16+$0x4340]  }
0x377: {  	v14 =	vld [tilespmem:s16+$0x4380]  }
0x378: {  	v15 =	vld [tilespmem:s16+$0x43C0];
	_ =	sdelay $0x2  }
0x379: {  	v0 =	vmax.f32 v0, v1;
	v19 =	vmax.f32 v2, v3;
	v20 =	vmax.f32 v4, v5  }
0x37a: {  	v21 =	vmax.f32 v6, v7;
	v22 =	vmax.f32 v8, v9;
	v23 =	vmax.f32 v10, v11  }
0x37b: {  	v24 =	vmax.f32 v12, v13;
	v25 =	vmax.f32 v14, v15;
	v0 =	vmax.f32 v0, v19  }
0x37c: {  	v26 =	vmax.f32 v20, v21;
	v27 =	vmax.f32 v22, v23;
	v28 =	vmax.f32 v24, v25  }
0x37d: {  	s31 =	sshll.u32 s17, $0x6;
	v16 =	vld [tilespmem:s16+$0x4400];
	v0 =	vmax.f32 v0, v26;
	v29 =	vmax.f32 v27, v28  }
0x37e: {  	s17 =	sand.u32 $0x3FFFFFC0, s31;
	v17 =	vld [tilespmem:s16+$0x4440];
	v0 =	vmax.f32 v0, v29  }
0x37f: {  	v18 =	vld [tilespmem:s16+$0x4480];
	[tilespmem:s17+$0xDE00] =	vst v0  }
0x380: {  	v0 =	vld [tilespmem:s16+$0x4010]  }
0x381: {  	v30 =	vld [tilespmem:s16+$0x4050]  }
0x382: {  	v31 =	vld [tilespmem:s16+$0x4090]  }
0x383: {  	v32 =	vld [tilespmem:s16+$0x40D0]  }
0x384: {  	v33 =	vld [tilespmem:s16+$0x4110]  }
0x385: {  	v34 =	vld [tilespmem:s16+$0x4150]  }
0x386: {  	v35 =	vld [tilespmem:s16+$0x4190]  }
0x387: {  	v36 =	vld [tilespmem:s16+$0x41D0]  }
0x388: {  	v37 =	vld [tilespmem:s16+$0x4210]  }
0x389: {  	v38 =	vld [tilespmem:s16+$0x4250]  }
0x38a: {  	v39 =	vld [tilespmem:s16+$0x4290]  }
0x38b: {  	v40 =	vld [tilespmem:s16+$0x42D0]  }
0x38c: {  	v41 =	vld [tilespmem:s16+$0x4310]  }
0x38d: {  	v42 =	vld [tilespmem:s16+$0x4350]  }
0x38e: {  	v43 =	vld [tilespmem:s16+$0x4390]  }
0x38f: {  	v44 =	vld [tilespmem:s16+$0x43D0]  }
0x390: {  	v19 =	vld [tilespmem:s16+$0x44C0]  }
0x391: {  	v20 =	vld [tilespmem:s16+$0x4500]  }
0x392: {  	v21 =	vld [tilespmem:s16+$0x4540];
	v0 =	vmax.f32 v0, v30;
	v45 =	vmax.f32 v31, v32;
	v46 =	vmax.f32 v33, v34  }
0x393: {  	v22 =	vld [tilespmem:s16+$0x4580];
	v47 =	vmax.f32 v35, v36;
	v48 =	vmax.f32 v37, v38;
	v49 =	vmax.f32 v39, v40  }
0x394: {  	v23 =	vld [tilespmem:s16+$0x45C0];
	v50 =	vmax.f32 v41, v42;
	v51 =	vmax.f32 v43, v44;
	v0 =	vmax.f32 v0, v45  }
0x395: {  	v24 =	vld [tilespmem:s16+$0x4600];
	v52 =	vmax.f32 v46, v47;
	v53 =	vmax.f32 v48, v49;
	v54 =	vmax.f32 v50, v51  }
0x396: {  	v25 =	vld [tilespmem:s16+$0x4640];
	v0 =	vmax.f32 v0, v52;
	v55 =	vmax.f32 v53, v54  }
0x397: {  	v26 =	vld [tilespmem:s16+$0x4680];
	v0 =	vmax.f32 v0, v55  }
0x398: {  	v39 =	vld [tilespmem:s16+$0x4700];
	[tilespmem:s17+$0xDE10] =	vst v0  }
0x399: {  	v0 =	vld [tilespmem:s16+$0x4020]  }
0x39a: {  	v56 =	vld [tilespmem:s16+$0x4060]  }
0x39b: {  	v57 =	vld [tilespmem:s16+$0x40A0]  }
0x39c: {  	v58 =	vld [tilespmem:s16+$0x40E0]  }
0x39d: {  	v59 =	vld [tilespmem:s16+$0x4120]  }
0x39e: {  	v60 =	vld [tilespmem:s16+$0x4160]  }
0x39f: {  	v61 =	vld [tilespmem:s16+$0x41A0]  }
0x3a0: {  	v62 =	vld [tilespmem:s16+$0x41E0]  }
0x3a1: {  	v63 =	vld [tilespmem:s16+$0x4220]  }
0x3a2: {  	v30 =	vld [tilespmem:s16+$0x4260]  }
0x3a3: {  	v31 =	vld [tilespmem:s16+$0x42A0]  }
0x3a4: {  	v32 =	vld [tilespmem:s16+$0x42E0]  }
0x3a5: {  	v33 =	vld [tilespmem:s16+$0x4320]  }
0x3a6: {  	v34 =	vld [tilespmem:s16+$0x4360]  }
0x3a7: {  	v35 =	vld [tilespmem:s16+$0x43A0]  }
0x3a8: {  	v36 =	vld [tilespmem:s16+$0x43E0]  }
0x3a9: {  	v43 =	vld [tilespmem:s16+$0x4740]  }
0x3aa: {  	v46 =	vld [tilespmem:s16+$0x4780];
	v51 =	vmax.f32 v16, v17;
	v52 =	vmax.f32 v18, v19;
	v53 =	vmax.f32 v20, v21  }
0x3ab: {  	v49 =	vld [tilespmem:s16+$0x47C0];
	v0 =	vmax.f32 v0, v56;
	v37 =	vmax.f32 v57, v58;
	v38 =	vmax.f32 v59, v60  }
0x3ac: {  	v27 =	vld [tilespmem:s16+$0x46C0];
	v40 =	vmax.f32 v61, v62;
	v41 =	vmax.f32 v63, v30;
	v42 =	vmax.f32 v31, v32  }
0x3ad: {  	v44 =	vmax.f32 v33, v34;
	v45 =	vmax.f32 v35, v36;
	v0 =	vmax.f32 v0, v37  }
0x3ae: {  	v2 =	vmax.f32 v38, v40;
	v47 =	vmax.f32 v41, v42;
	v48 =	vmax.f32 v44, v45  }
0x3af: {  	v54 =	vmax.f32 v22, v23;
	v0 =	vmax.f32 v0, v2;
	v50 =	vmax.f32 v47, v48  }
0x3b0: {  	v3 =	vmax.f32 v39, v43;
	v1 =	vmax.f32 v46, v49;
	v0 =	vmax.f32 v0, v50  }
0x3b1: {  	v55 =	vmax.f32 v24, v25;
	v1 =	vmax.f32 v3, v1;
	v56 =	vmax.f32 v26, v27;
	[tilespmem:s17+$0xDE20] =	vst v0  }
0x3b2: {  	v57 =	vmax.f32 v53, v54;
	v58 =	vmax.f32 v55, v56;
	v2 =	vmax.f32 v51, v52;
	v0 =	vld [tilespmem:s16+$0x4030]  }
0x3b3: {  	v3 =	vmax.f32 v58, v1;
	v2 =	vmax.f32 v2, v57;
	v1 =	vld [tilespmem:s16+$0x4070]  }
0x3b4: {  	v3 =	vmax.f32 v2, v3;
	v2 =	vld [tilespmem:s16+$0x40B0]  }
0x3b5: {  	[tilespmem:s17+$0xDE40] =	vst v3;
	v3 =	vld [tilespmem:s16+$0x40F0]  }
0x3b6: {  	v4 =	vld [tilespmem:s16+$0x4130]  }
0x3b7: {  	v5 =	vld [tilespmem:s16+$0x4170]  }
0x3b8: {  	v6 =	vld [tilespmem:s16+$0x41B0]  }
0x3b9: {  	v7 =	vld [tilespmem:s16+$0x41F0]  }
0x3ba: {  	v9 =	vld [tilespmem:s16+$0x4270]  }
0x3bb: {  	v17 =	vld [tilespmem:s16+$0x43F0]  }
0x3bc: {  	v59 =	vld [tilespmem:s16+$0x4410]  }
0x3bd: {  	v60 =	vld [tilespmem:s16+$0x4450]  }
0x3be: {  	v61 =	vld [tilespmem:s16+$0x4490]  }
0x3bf: {  	v62 =	vld [tilespmem:s16+$0x44D0]  }
0x3c0: {  	v63 =	vld [tilespmem:s16+$0x4510]  }
0x3c1: {  	v24 =	vld [tilespmem:s16+$0x4550]  }
0x3c2: {  	v25 =	vld [tilespmem:s16+$0x4590]  }
0x3c3: {  	v26 =	vld [tilespmem:s16+$0x45D0]  }
0x3c4: {  	v27 =	vld [tilespmem:s16+$0x4610]  }
0x3c5: {  	v28 =	vld [tilespmem:s16+$0x4650]  }
0x3c6: {  	v29 =	vld [tilespmem:s16+$0x4690]  }
0x3c7: {  	v30 =	vld [tilespmem:s16+$0x46D0]  }
0x3c8: {  	v31 =	vld [tilespmem:s16+$0x4710]  }
0x3c9: {  	v32 =	vld [tilespmem:s16+$0x4750]  }
0x3ca: {  	v33 =	vld [tilespmem:s16+$0x4790]  }
0x3cb: {  	v34 =	vld [tilespmem:s16+$0x47D0]  }
0x3cc: {  	v38 =	vmax.f32 v27, v28;
	v28 =	vld [tilespmem:s16+$0x4800]  }
0x3cd: {  	v39 =	vmax.f32 v29, v30;
	v29 =	vld [tilespmem:s16+$0x4840]  }
0x3ce: {  	v30 =	vld [tilespmem:s16+$0x4880]  }
0x3cf: {  	v40 =	vmax.f32 v31, v32;
	v31 =	vld [tilespmem:s16+$0x48C0]  }
0x3d0: {  	v32 =	vld [tilespmem:s16+$0x4900]  }
0x3d1: {  	v41 =	vmax.f32 v33, v34;
	v33 =	vld [tilespmem:s16+$0x4940]  }
0x3d2: {  	v34 =	vld [tilespmem:s16+$0x4980]  }
0x3d3: {  	v35 =	vmax.f32 v59, v60;
	v8 =	vmax.f32 v61, v62;
	v62 =	vld [tilespmem:s16+$0x4B00]  }
0x3d4: {  	v42 =	vmax.f32 v35, v8;
	v8 =	vld [tilespmem:s16+$0x4230]  }
0x3d5: {  	v36 =	vmax.f32 v63, v24;
	v37 =	vmax.f32 v25, v26;
	v35 =	vld [tilespmem:s16+$0x49C0]  }
0x3d6: {  	v10 =	vmax.f32 v36, v37;
	v36 =	vld [tilespmem:s16+$0x4A00]  }
0x3d7: {  	v37 =	vld [tilespmem:s16+$0x4A40]  }
0x3d8: {  	v11 =	vmax.f32 v38, v39;
	v43 =	vmax.f32 v40, v41;
	v38 =	vld [tilespmem:s16+$0x4A80]  }
0x3d9: {  	v39 =	vld [tilespmem:s16+$0x4AC0];
	v44 =	vmax.f32 v42, v10;
	v11 =	vmax.f32 v11, v43  }
0x3da: {  	v10 =	vld [tilespmem:s16+$0x42B0];
	v12 =	vmax.f32 v44, v11  }
0x3db: {  	v42 =	vld [tilespmem:s16+$0x4B40];
	[tilespmem:s17+$0xDE50] =	vst v12  }
0x3dc: {  	v12 =	vld [tilespmem:s16+$0x4420]  }
0x3dd: {  	v45 =	vld [tilespmem:s16+$0x4460]  }
0x3de: {  	v46 =	vld [tilespmem:s16+$0x44A0]  }
0x3df: {  	v47 =	vld [tilespmem:s16+$0x44E0]  }
0x3e0: {  	v48 =	vld [tilespmem:s16+$0x4520]  }
0x3e1: {  	v49 =	vld [tilespmem:s16+$0x4560]  }
0x3e2: {  	v50 =	vld [tilespmem:s16+$0x45A0]  }
0x3e3: {  	v51 =	vld [tilespmem:s16+$0x45E0]  }
0x3e4: {  	v52 =	vld [tilespmem:s16+$0x4620]  }
0x3e5: {  	v53 =	vld [tilespmem:s16+$0x4660]  }
0x3e6: {  	v54 =	vld [tilespmem:s16+$0x46A0]  }
0x3e7: {  	v55 =	vld [tilespmem:s16+$0x46E0]  }
0x3e8: {  	v56 =	vld [tilespmem:s16+$0x4720]  }
0x3e9: {  	v57 =	vld [tilespmem:s16+$0x4760]  }
0x3ea: {  	v58 =	vld [tilespmem:s16+$0x47A0]  }
0x3eb: {  	v59 =	vld [tilespmem:s16+$0x47E0]  }
0x3ec: {  	v11 =	vld [tilespmem:s16+$0x42F0]  }
0x3ed: {  	v19 =	vmax.f32 v62, v42;
	v42 =	vld [tilespmem:s16+$0x4D40]  }
0x3ee: {  	v12 =	vmax.f32 v12, v45;
	v60 =	vmax.f32 v46, v47;
	v61 =	vmax.f32 v48, v49;
	v45 =	vld [tilespmem:s16+$0x4B80]  }
0x3ef: {  	v63 =	vmax.f32 v50, v51;
	v40 =	vmax.f32 v52, v53;
	v41 =	vmax.f32 v54, v55;
	v48 =	vld [tilespmem:s16+$0x4BC0]  }
0x3f0: {  	v43 =	vmax.f32 v56, v57;
	v44 =	vmax.f32 v58, v59;
	v13 =	vmax.f32 v12, v60;
	v12 =	vld [tilespmem:s16+$0x4330]  }
0x3f1: {  	v14 =	vmax.f32 v61, v63;
	v46 =	vmax.f32 v40, v41;
	v47 =	vmax.f32 v43, v44;
	v41 =	vld [tilespmem:s16+$0x4D00]  }
0x3f2: {  	v43 =	vld [tilespmem:s16+$0x4D80];
	v14 =	vmax.f32 v13, v14;
	v15 =	vmax.f32 v46, v47  }
0x3f3: {  	v13 =	vld [tilespmem:s16+$0x4370];
	v14 =	vmax.f32 v14, v15  }
0x3f4: {  	v15 =	vld [tilespmem:s16+$0x43B0];
	[tilespmem:s17+$0xDE60] =	vst v14  }
0x3f5: {  	v14 =	vld [tilespmem:s16+$0x4430]  }
0x3f6: {  	v16 =	vld [tilespmem:s16+$0x4470]  }
0x3f7: {  	v22 =	vld [tilespmem:s16+$0x4570]  }
0x3f8: {  	v23 =	vld [tilespmem:s16+$0x45F0]  }
0x3f9: {  	v49 =	vmax.f32 v28, v29;
	v50 =	vmax.f32 v30, v31;
	v24 =	vld [tilespmem:s16+$0x4630]  }
0x3fa: {  	v51 =	vmax.f32 v32, v33;
	v52 =	vmax.f32 v34, v35;
	v53 =	vmax.f32 v36, v37;
	v25 =	vld [tilespmem:s16+$0x4670]  }
0x3fb: {  	v54 =	vmax.f32 v38, v39;
	v20 =	vmax.f32 v49, v50;
	v18 =	vmax.f32 v45, v48;
	v27 =	vld [tilespmem:s16+$0x46F0]  }
0x3fc: {  	v55 =	vmax.f32 v51, v52;
	v56 =	vmax.f32 v53, v54;
	v19 =	vmax.f32 v19, v18;
	v18 =	vld [tilespmem:s16+$0x44B0]  }
0x3fd: {  	v20 =	vmax.f32 v20, v55;
	v57 =	vmax.f32 v56, v19;
	v19 =	vld [tilespmem:s16+$0x44F0]  }
0x3fe: {  	v21 =	vmax.f32 v20, v57;
	v20 =	vld [tilespmem:s16+$0x4530]  }
0x3ff: {  	[tilespmem:s17+$0xDE80] =	vst v21;
	v21 =	vld [tilespmem:s16+$0x45B0]  }
0x400: {  	v58 =	vld [tilespmem:s16+$0x4810]  }
0x401: {  	v59 =	vld [tilespmem:s16+$0x4850]  }
0x402: {  	v60 =	vld [tilespmem:s16+$0x4890]  }
0x403: {  	v61 =	vld [tilespmem:s16+$0x48D0]  }
0x404: {  	v62 =	vld [tilespmem:s16+$0x4910]  }
0x405: {  	v63 =	vld [tilespmem:s16+$0x4950]  }
0x406: {  	v44 =	vld [tilespmem:s16+$0x4990]  }
0x407: {  	v45 =	vld [tilespmem:s16+$0x49D0]  }
0x408: {  	v46 =	vld [tilespmem:s16+$0x4A10]  }
0x409: {  	v47 =	vld [tilespmem:s16+$0x4A50]  }
0x40a: {  	v48 =	vld [tilespmem:s16+$0x4A90]  }
0x40b: {  	v49 =	vld [tilespmem:s16+$0x4AD0]  }
0x40c: {  	v50 =	vld [tilespmem:s16+$0x4B10]  }
0x40d: {  	v51 =	vld [tilespmem:s16+$0x4B50]  }
0x40e: {  	v52 =	vld [tilespmem:s16+$0x4B90]  }
0x40f: {  	v53 =	vld [tilespmem:s16+$0x4BD0]  }
0x410: {  	v54 =	vmax.f32 v62, v63;
	v63 =	vld [tilespmem:s16+$0x4C00]  }
0x411: {  	v55 =	vmax.f32 v44, v45;
	v44 =	vld [tilespmem:s16+$0x4DC0]  }
0x412: {  	v45 =	vld [tilespmem:s16+$0x4E00]  }
0x413: {  	v56 =	vmax.f32 v46, v47;
	v46 =	vld [tilespmem:s16+$0x4E40]  }
0x414: {  	v47 =	vld [tilespmem:s16+$0x4E80]  }
0x415: {  	v57 =	vmax.f32 v48, v49;
	v48 =	vld [tilespmem:s16+$0x4EC0]  }
0x416: {  	v49 =	vld [tilespmem:s16+$0x4F00]  }
0x417: {  	v40 =	vmax.f32 v58, v59;
	v58 =	vmax.f32 v50, v51;
	v50 =	vld [tilespmem:s16+$0x4F40]  }
0x418: {  	v51 =	vld [tilespmem:s16+$0x4F80]  }
0x419: {  	v26 =	vmax.f32 v60, v61;
	v59 =	vmax.f32 v52, v53;
	v52 =	vld [tilespmem:s16+$0x4FC0]  }
0x41a: {  	v60 =	vmax.f32 v40, v26;
	v26 =	vld [tilespmem:s16+$0x46B0]  }
0x41b: {  	v29 =	vmax.f32 v56, v57;
	v57 =	vld [tilespmem:s16+$0x4C40]  }
0x41c: {  	v28 =	vmax.f32 v54, v55;
	v61 =	vmax.f32 v58, v59;
	v58 =	vld [tilespmem:s16+$0x4C80]  }
0x41d: {  	v59 =	vld [tilespmem:s16+$0x4CC0];
	v62 =	vmax.f32 v60, v28;
	v29 =	vmax.f32 v29, v61  }
0x41e: {  	v28 =	vld [tilespmem:s16+$0x4730];
	v30 =	vmax.f32 v62, v29  }
0x41f: {  	v29 =	vld [tilespmem:s16+$0x4770];
	[tilespmem:s17+$0xDE90] =	vst v30  }
0x420: {  	v30 =	vld [tilespmem:s16+$0x4820]  }
0x421: {  	v31 =	vld [tilespmem:s16+$0x4860]  }
0x422: {  	v32 =	vld [tilespmem:s16+$0x48A0]  }
0x423: {  	v33 =	vld [tilespmem:s16+$0x48E0]  }
0x424: {  	v34 =	vld [tilespmem:s16+$0x4920]  }
0x425: {  	v35 =	vld [tilespmem:s16+$0x4960]  }
0x426: {  	v36 =	vld [tilespmem:s16+$0x49A0]  }
0x427: {  	v53 =	vld [tilespmem:s16+$0x49E0]  }
0x428: {  	v54 =	vld [tilespmem:s16+$0x4A20]  }
0x429: {  	v61 =	vmax.f32 v41, v42;
	v55 =	vld [tilespmem:s16+$0x4A60];
	v62 =	vmax.f32 v43, v44;
	v48 =	vmax.f32 v47, v48  }
0x42a: {  	v40 =	vld [tilespmem:s16+$0x4AA0];
	v50 =	vmax.f32 v49, v50;
	v56 =	vmax.f32 v51, v52;
	v37 =	vmax.f32 v63, v57  }
0x42b: {  	v44 =	vld [tilespmem:s16+$0x4AE0];
	v60 =	vmax.f32 v58, v59;
	v63 =	vmax.f32 v45, v46;
	v39 =	vmax.f32 v61, v62  }
0x42c: {  	v38 =	vld [tilespmem:s16+$0x4B20];
	v58 =	vmax.f32 v50, v56;
	v37 =	vmax.f32 v37, v60;
	v57 =	vmax.f32 v63, v48  }
0x42d: {  	v43 =	vld [tilespmem:s16+$0x4B60];
	v37 =	vmax.f32 v37, v39;
	v59 =	vmax.f32 v57, v58  }
0x42e: {  	v61 =	vld [tilespmem:s16+$0x4BE0];
	v37 =	vmax.f32 v37, v59  }
0x42f: {  	v60 =	vld [tilespmem:s16+$0x4BA0];
	[tilespmem:s17+$0xDEC0] =	vst v37  }
0x430: {  	v37 =	vld [tilespmem:s16+$0x4C10]  }
0x431: {  	v42 =	vld [tilespmem:s16+$0x4C50]  }
0x432: {  	v45 =	vld [tilespmem:s16+$0x4C90]  }
0x433: {  	v46 =	vld [tilespmem:s16+$0x4CD0]  }
0x434: {  	v47 =	vld [tilespmem:s16+$0x4D10]  }
0x435: {  	v48 =	vld [tilespmem:s16+$0x4D50]  }
0x436: {  	v49 =	vld [tilespmem:s16+$0x4D90]  }
0x437: {  	v50 =	vld [tilespmem:s16+$0x4DD0]  }
0x438: {  	v51 =	vld [tilespmem:s16+$0x4E10]  }
0x439: {  	v52 =	vld [tilespmem:s16+$0x4E50]  }
0x43a: {  	v56 =	vld [tilespmem:s16+$0x4E90]  }
0x43b: {  	v30 =	vmax.f32 v30, v31;
	v62 =	vmax.f32 v32, v33;
	v63 =	vmax.f32 v34, v35;
	v33 =	vld [tilespmem:s16+$0x4ED0]  }
0x43c: {  	v53 =	vmax.f32 v36, v53;
	v55 =	vmax.f32 v54, v55;
	v57 =	vmax.f32 v40, v44;
	v40 =	vld [tilespmem:s16+$0x4F10]  }
0x43d: {  	v38 =	vmax.f32 v38, v43;
	v30 =	vmax.f32 v30, v62;
	v58 =	vld [tilespmem:s16+$0x4F50];
	v39 =	vmax.f32 v60, v61  }
0x43e: {  	v32 =	vmax.f32 v63, v53;
	v59 =	vmax.f32 v55, v57;
	v63 =	vld [tilespmem:s16+$0x4FD0];
	v60 =	vmax.f32 v38, v39  }
0x43f: {  	v61 =	vld [tilespmem:s16+$0x4F90];
	v30 =	vmax.f32 v30, v32;
	v62 =	vmax.f32 v59, v60  }
0x440: {  	v35 =	vld [tilespmem:s16+$0x47B0];
	v30 =	vmax.f32 v30, v62  }
0x441: {  	v32 =	vld [tilespmem:s16+$0x47F0];
	[tilespmem:s17+$0xDEA0] =	vst v30  }
0x442: {  	v37 =	vmax.f32 v37, v42;
	v53 =	vmax.f32 v45, v46;
	v54 =	vmax.f32 v47, v48;
	v30 =	vld [tilespmem:s16+$0x4830]  }
0x443: {  	v55 =	vmax.f32 v49, v50;
	v57 =	vmax.f32 v51, v52;
	v33 =	vmax.f32 v56, v33;
	v41 =	vld [tilespmem:s16+$0x4870]  }
0x444: {  	v31 =	vmax.f32 v40, v58;
	v44 =	vld [tilespmem:s16+$0x48B0];
	v34 =	vmax.f32 v61, v63;
	v58 =	vmax.f32 v37, v53  }
0x445: {  	v37 =	vld [tilespmem:s16+$0x48F0];
	v59 =	vmax.f32 v54, v55;
	v33 =	vmax.f32 v57, v33;
	v31 =	vmax.f32 v31, v34  }
0x446: {  	v55 =	vld [tilespmem:s16+$0x49F0];
	v36 =	vmax.f32 v58, v59;
	v31 =	vmax.f32 v33, v31  }
0x447: {  	v56 =	vld [tilespmem:s16+$0x4A30];
	v31 =	vmax.f32 v36, v31  }
0x448: {  	v46 =	vld [tilespmem:s16+$0x4AB0];
	[tilespmem:s17+$0xDED0] =	vst v31  }
0x449: {  	v31 =	vld [tilespmem:s16+$0x4C20]  }
0x44a: {  	v38 =	vld [tilespmem:s16+$0x4C60]  }
0x44b: {  	v39 =	vld [tilespmem:s16+$0x4CA0]  }
0x44c: {  	v40 =	vld [tilespmem:s16+$0x4CE0]  }
0x44d: {  	v42 =	vld [tilespmem:s16+$0x4D20]  }
0x44e: {  	v60 =	vld [tilespmem:s16+$0x4D60]  }
0x44f: {  	v45 =	vld [tilespmem:s16+$0x4DA0]  }
0x450: {  	v61 =	vld [tilespmem:s16+$0x4DE0]  }
0x451: {  	v47 =	vld [tilespmem:s16+$0x4E20]  }
0x452: {  	v62 =	vld [tilespmem:s16+$0x4E60]  }
0x453: {  	v49 =	vld [tilespmem:s16+$0x4EA0]  }
0x454: {  	v63 =	vld [tilespmem:s16+$0x4EE0]  }
0x455: {  	v51 =	vld [tilespmem:s16+$0x4F20]  }
0x456: {  	v52 =	vld [tilespmem:s16+$0x4F60]  }
0x457: {  	v53 =	vld [tilespmem:s16+$0x4FA0]  }
0x458: {  	v54 =	vld [tilespmem:s16+$0x4FE0]  }
0x459: {  	v34 =	vld [tilespmem:s16+$0x4930]  }
0x45a: {  	v33 =	vld [tilespmem:s16+$0x4970]  }
0x45b: {  	v36 =	vld [tilespmem:s16+$0x49B0];
	v31 =	vmax.f32 v31, v38;
	v59 =	vmax.f32 v39, v40;
	v60 =	vmax.f32 v42, v60  }
0x45c: {  	v40 =	vld [tilespmem:s16+$0x4A70];
	v61 =	vmax.f32 v45, v61;
	v62 =	vmax.f32 v47, v62;
	v63 =	vmax.f32 v49, v63  }
0x45d: {  	v52 =	vmax.f32 v51, v52;
	v54 =	vmax.f32 v53, v54;
	v38 =	vld [tilespmem:s16+$0x4AF0];
	v31 =	vmax.f32 v31, v59  }
0x45e: {  	v42 =	vld [tilespmem:s16+$0x4B30];
	v39 =	vmax.f32 v60, v61;
	v43 =	vmax.f32 v62, v63;
	v57 =	vmax.f32 v52, v54  }
0x45f: {  	v47 =	vld [tilespmem:s16+$0x4B70];
	v31 =	vmax.f32 v31, v39;
	v58 =	vmax.f32 v43, v57  }
0x460: {  	v43 =	vld [tilespmem:s16+$0x4BB0];
	v31 =	vmax.f32 v31, v58  }
0x461: {  	v39 =	vld [tilespmem:s16+$0x4BF0];
	[tilespmem:s17+$0xDEE0] =	vst v31  }
0x462: {  	v31 =	vld [tilespmem:s16+$0x4C30]  }
0x463: {  	v45 =	vld [tilespmem:s16+$0x4C70]  }
0x464: {  	v48 =	vld [tilespmem:s16+$0x4CB0]  }
0x465: {  	v0 =	vmax.f32 v0, v1;
	v59 =	vmax.f32 v2, v3;
	v3 =	vld [tilespmem:s16+$0x4CF0]  }
0x466: {  	v13 =	vmax.f32 v12, v13;
	v17 =	vmax.f32 v15, v17;
	v61 =	vmax.f32 v6, v7;
	v7 =	vld [tilespmem:s16+$0x4D30]  }
0x467: {  	v50 =	vmax.f32 v13, v17;
	v30 =	vmax.f32 v30, v41;
	v34 =	vmax.f32 v34, v33;
	v1 =	vld [tilespmem:s16+$0x4D70]  }
0x468: {  	v53 =	vmax.f32 v18, v19;
	v60 =	vmax.f32 v4, v5;
	v62 =	vmax.f32 v8, v9;
	v6 =	vld [tilespmem:s16+$0x4DB0]  }
0x469: {  	v63 =	vmax.f32 v10, v11;
	v52 =	vmax.f32 v14, v16;
	v54 =	vmax.f32 v20, v22;
	v4 =	vld [tilespmem:s16+$0x4DF0]  }
0x46a: {  	v0 =	vmax.f32 v0, v59;
	v2 =	vmax.f32 v60, v61;
	v49 =	vmax.f32 v62, v63;
	v10 =	vld [tilespmem:s16+$0x4E30]  }
0x46b: {  	v57 =	vmax.f32 v21, v23;
	v59 =	vmax.f32 v26, v27;
	v61 =	vmax.f32 v28, v29;
	v60 =	vld [tilespmem:s16+$0x4E70]  }
0x46c: {  	v62 =	vmax.f32 v35, v32;
	v5 =	vmax.f32 v52, v53;
	v32 =	vmax.f32 v44, v37;
	v63 =	vld [tilespmem:s16+$0x4EB0]  }
0x46d: {  	v37 =	vmax.f32 v36, v55;
	v0 =	vmax.f32 v0, v2;
	v51 =	vmax.f32 v49, v50;
	v26 =	vld [tilespmem:s16+$0x4EF0]  }
0x46e: {  	v58 =	vmax.f32 v24, v25;
	v9 =	vmax.f32 v54, v57;
	v25 =	vmax.f32 v61, v62;
	v29 =	vld [tilespmem:s16+$0x4F30]  }
0x46f: {  	v11 =	vmax.f32 v30, v32;
	v15 =	vmax.f32 v34, v37;
	v24 =	vmax.f32 v58, v59;
	v35 =	vld [tilespmem:s16+$0x4F70]  }
0x470: {  	v0 =	vmax.f32 v0, v51;
	v27 =	vmax.f32 v5, v9;
	v44 =	vmax.f32 v46, v38;
	v46 =	vld [tilespmem:s16+$0x4FB0]  }
0x471: {  	v41 =	vmax.f32 v56, v40;
	v47 =	vmax.f32 v42, v47;
	v50 =	vld [tilespmem:s16+$0x4FF0];
	v49 =	vmax.f32 v43, v39  }
0x472: {  	v28 =	vmax.f32 v24, v25;
	v51 =	vmax.f32 v41, v44;
	v52 =	vmax.f32 v47, v49  }
0x473: {  	v53 =	vmax.f32 v11, v15;
	v2 =	vmax.f32 v27, v28;
	v54 =	vmax.f32 v51, v52  }
0x474: {  	v55 =	vmax.f32 v31, v45;
	v3 =	vmax.f32 v48, v3;
	v1 =	vmax.f32 v7, v1  }
0x475: {  	p1 =	por p0, p0;
	v4 =	vmax.f32 v6, v4;
	v56 =	vmax.f32 v10, v60;
	v57 =	vmax.f32 v63, v26  }
.Ltmp4:
0x476: {  	v58 =	vmax.f32 v29, v35;
	v59 =	vmax.f32 v46, v50;
	v3 =	vmax.f32 v55, v3;
	(pc) =	sbr.rel @p1 .LBB2_10-.Ltmp4, $4  }
0x477: {  	[tilespmem:s17+$0xDE30] =	vst v0;
	v60 =	vmax.f32 v1, v4;
	v61 =	vmax.f32 v56, v57;
	v62 =	vmax.f32 v58, v59  }
0x478: {  	[tilespmem:s17+$0xDE70] =	vst v2;
	v63 =	vmax.f32 v53, v54;
	v0 =	vmax.f32 v3, v60;
	v1 =	vmax.f32 v61, v62  }
0x479: {  	[tilespmem:s17+$0xDEB0] =	vst v63;
	v0 =	vmax.f32 v0, v1  }
0x47a: {  	p0 =	por $0x0, $0x0;
	[tilespmem:s17+$0xDEF0] =	vst v0;
	s17 =	simm.s32 $0x4  }
0x47b: {  	s15 =	sadd.s32 $0x1, s15  }
0x47c: {  	p0 =	sne.s32 s15, s6  }
.Ltmp5:
0x47d: {  	_ = 	snop;
	(pc) =	sbr.rel @p0 .LBB2_1-.Ltmp5, $4  }
0x47e: {  	[hbm4b:s5+s3] =	stream.linear.scatter [tilespmem:s14], [sflag:$0x3], $0x8000, $0x38;
	[tilespmem:$0xE000] =	vst v63  }
0x47f: {  	_ =	swait.ge [sflag:s7], $0x8000  }
0x480: {  	[sflag:s7] =	ssyncset.done $0x0  }
0x481: {  	[sflag:s7] =	ssyncadd.s32 $0xFFFF8000  }
0x482: {  	_ =	sfence.sel $0x180000  }
0x483: {  	[bflag:$0x0] =	sbarrier.arrive $0xFFFF  }
0x484: {  	p0 =	sne.s32 s2, $0x0;
	_ =	strace $0x90000047  }
0x485: {  	s0 =	sadd.s32 @!p0 $0x100000, s0;
	[bflag:$0x2] =	sbarrier.arrive $0xFFFF  }
0x486: {  	[sflag:s0] =	ssyncadd.tile.s32 @!p0 $0x1;
	_ =	shalt  }
.Lfunc_end2:
_tile_overlayer_lowered:
.L_overlay_start_2:
0x487: {  	(tag) =	ssettag $0x2  }
0x488: {  	s0 =	rddreg [dreg:$0x0];
	s2 =	stileid.u32  }
0x489: {  	s1 =	rddreg [dreg:$0x1];
	p0 =	sne.s32 s2, $0x0  }
0x48a: {  	s3 =	rddreg [dreg:$0x2];
	[bflag:$0x3] =	sbarrier.arrive $0xFFFF;
	s2 =	simm.s32 @!p0 $0x1C03  }
0x48b: {  	[timem:s3], [sflag:s2] =	dma.local @!p0 [hbm:s0], s1  }
0x48c: {  	s0 =	simm.s32 @!p0 $0x3  }
0x48d: {  	_ =	swait.ge @!p0 [sflag:s0], s1  }
0x48e: {  	s1 =	ssub.s32 @!p0 $0x0, s1;
	[sflag:s0] =	ssyncset.done @!p0 $0x0  }
0x48f: {  	[sflag:s0] =	ssyncadd.s32 @!p0 s1  }
0x490: {  	[bflag:$0x3] =	sbarrier.arrive $0xFFFF  }
0x491: {  	_ =	shalt  }

</sc_bundles>
